<compile_context>
chip_gen: v7x
topology: tpu7x:2x2x1
jax: 0.10.2.dev20260603
libtpu: 0.0.44.dev20260713+nightly
codegen_flags: <defaults>
</compile_context>

<pallas_src>
import functools
import jax
import jax.numpy as jnp
import numpy as np
from jax import lax
from jax.experimental import pallas as pl
from jax.experimental.pallas import tpu as pltpu
from jax.experimental.pallas import tpu_sc as plsc

_NS = 16
_NC = 2
_NP = 10240
_EB = 64


def _edge_sc_body(n_rounds, src_h, dst_h, ax_h, pd_h,
                  st_out,
                  ids0, ids1, idd0, idd1, dst0, dst1,
                  ax0, ax1, pd0, pd1, st0, st_sh, sem0, sem1):
    c = lax.axis_index("c")
    sid = lax.axis_index("s")
    ep_pad = src_h.shape[0]
    per_tile = ep_pad // _NS
    n_chunks = per_tile // _EB
    rows_per = _NP // _NS
    rows0 = sid * rows_per
    banks = ((ids0, idd0, dst0, ax0, pd0, st0, sem0),
             (ids1, idd1, dst1, ax1, pd1, st0, sem1))

    def _load_idx(chunk, g, bk):
        ids, idd, dstv = bk[0], bk[1], bk[2]
        base = sid * per_tile + chunk * _EB
        pltpu.sync_copy(src_h.at[pl.ds(base, _EB)], ids)
        pltpu.sync_copy(dst_h.at[pl.ds(base, _EB)], dstv)
        for j in range(_EB // 16):
            sl = pl.ds(j * 16, 16)
            ids[sl] = ids[sl] + g * _NP
            idd[sl] = dstv[sl] + g * _NP

    def _issue(bk):
        pltpu.async_copy(ax_h.at[bk[0]], bk[3], bk[6])
        pltpu.async_copy(pd_h.at[bk[1]], bk[4], bk[6])

    def _wait(bk):
        pltpu.make_async_copy(ax_h.at[bk[0]], bk[3], bk[6]).wait()
        pltpu.make_async_copy(pd_h.at[bk[1]], bk[4], bk[6]).wait()

    for r in range(n_rounds):
        g = c * n_rounds + r
        def _z_row(i, _):
            for j in range(8):
                st0[i, pl.ds(j * 16, 16)] = jnp.zeros((16,), jnp.float32)
            return 0
        lax.fori_loop(0, _EB, _z_row, 0)
        for z in range(rows_per // _EB):
            pltpu.sync_copy(st0, st_sh.at[pl.ds(rows0 + z * _EB, _EB)])
        plsc.subcore_barrier()

        _load_idx(0, g, banks[0])
        _issue(banks[0])

        def _pair(ci, _):
            for b in range(2):
                bk = banks[b]
                nb = banks[1 - b]
                chunk = 2 * ci + b

                @pl.when(chunk + 1 < n_chunks)
                def _():
                    _load_idx(chunk + 1, g, nb)
                    _issue(nb)
                _wait(bk)
                ax_v, pd_v, st_v = bk[3], bk[4], bk[5]

                def _row(q, _):
                    for j in range(4):
                        sl = pl.ds(j * 16, 16)
                        sl2 = pl.ds(64 + j * 16, 16)
                        ee = jnp.exp(ax_v[q, sl] + pd_v[q, sl])
                        st_v[q, sl] = ee
                        st_v[q, sl2] = ee * (ax_v[q, sl2] + pd_v[q, sl2])
                    return 0
                lax.fori_loop(0, _EB, _row, 0)
                pltpu.sync_copy(st_v, st_sh.at[bk[2]], add=True)
            return 0
        lax.fori_loop(0, n_chunks // 2, _pair, 0)
        plsc.subcore_barrier()

        out0 = g * _NP + rows0
        pltpu.sync_copy(st_sh.at[pl.ds(rows0, rows_per)], st_out.at[pl.ds(out0, rows_per)])


def _edge_sc(src_p, dst_p, ax_flat, pd_flat, n_rounds):
    n_g = _NC * n_rounds
    mesh = plsc.VectorSubcoreMesh(core_axis_name="c", subcore_axis_name="s")
    f = pl.kernel(
        functools.partial(_edge_sc_body, n_rounds),
        out_type=jax.ShapeDtypeStruct((n_g * _NP, 128), jnp.float32),
        mesh=mesh,
        compiler_params=pltpu.CompilerParams(needs_layout_passes=False),
        scratch_types=(
            [pltpu.VMEM((_EB,), jnp.int32) for _ in range(6)]
            + [pltpu.VMEM((_EB, 128), jnp.float32) for _ in range(5)]
            + [pltpu.VMEM_SHARED((_NP, 128), jnp.float32),
               pltpu.SemaphoreType.DMA, pltpu.SemaphoreType.DMA]
        ),
    )
    return f(src_p, dst_p, ax_flat, pd_flat)



_BN = 512
_NBLK = _NP // _BN


def _dot(a, b):
    return jax.lax.dot_general(a, b, (((1,), (0,)), ((), ())),
                               preferred_element_type=jnp.float32)


def _ln(x, g, b, eps=1e-5):
    mu = jnp.mean(x, axis=-1, keepdims=True)
    var = jnp.mean((x - mu) ** 2, axis=-1, keepdims=True)
    return (x - mu) / jnp.sqrt(var + eps) * g + b


def _conv_max_body(x_r, p_r, wsrc_r, wpos_r, bpos_r, m_o, rm):
    i = pl.program_id(1)
    P = _dot(p_r[...], wpos_r[0])
    A = -_dot(x_r[...], wsrc_r[0]) - P
    PB = P + bpos_r[0]
    ca = jnp.max(A, axis=0, keepdims=True)
    cp = jnp.max(PB, axis=0, keepdims=True)

    @pl.when(i == 0)
    def _():
        rm[0:1] = ca
        rm[1:2] = cp

    @pl.when(i > 0)
    def _():
        rm[0:1] = jnp.maximum(rm[0:1], ca)
        rm[1:2] = jnp.maximum(rm[1:2], cp)

    @pl.when(i == _NBLK - 1)
    def _():
        m_o[0] = rm[0:1] + rm[1:2]


def _conv_pre_body(x_r, p_r, wsrc_r, wlin_r, blin_r, wpos_r, bpos_r, m_r,
                   ax_o, pd_o):
    x = x_r[...]
    p3 = p_r[...]
    P = _dot(p3, wpos_r[0])
    A = -_dot(x, wsrc_r[0]) - P - m_r[0]
    XV = _dot(x, wlin_r[0]) + blin_r[0] - P
    PB = P + bpos_r[0]
    ax_o[0] = jnp.concatenate([A, XV], axis=-1)
    pd_o[0] = jnp.concatenate([PB, PB], axis=-1)


def _conv_pre(xp, posp, wsrc_g, wlin_g, blin_g, wpos_g, bpos_g):
    F = xp.shape[1]
    n_g = wsrc_g.shape[0]
    m = pl.pallas_call(
        _conv_max_body,
        grid=(n_g, _NBLK),
        in_specs=[
            pl.BlockSpec((_BN, F), lambda g, i: (i, 0)),
            pl.BlockSpec((_BN, 8), lambda g, i: (i, 0)),
            pl.BlockSpec((1, F, 64), lambda g, i: (g, 0, 0)),
            pl.BlockSpec((1, 8, 64), lambda g, i: (g, 0, 0)),
            pl.BlockSpec((1, 1, 64), lambda g, i: (g, 0, 0)),
        ],
        out_specs=pl.BlockSpec((1, 1, 64), lambda g, i: (g, 0, 0)),
        out_shape=jax.ShapeDtypeStruct((n_g, 1, 64), jnp.float32),
        scratch_shapes=[pltpu.VMEM((2, 64), jnp.float32)],
    )(xp, posp, wsrc_g, wpos_g, bpos_g)
    ax, pd = pl.pallas_call(
        _conv_pre_body,
        grid=(n_g, _NBLK),
        in_specs=[
            pl.BlockSpec((_BN, F), lambda g, i: (i, 0)),
            pl.BlockSpec((_BN, 8), lambda g, i: (i, 0)),
            pl.BlockSpec((1, F, 64), lambda g, i: (g, 0, 0)),
            pl.BlockSpec((1, F, 64), lambda g, i: (g, 0, 0)),
            pl.BlockSpec((1, 1, 64), lambda g, i: (g, 0, 0)),
            pl.BlockSpec((1, 8, 64), lambda g, i: (g, 0, 0)),
            pl.BlockSpec((1, 1, 64), lambda g, i: (g, 0, 0)),
            pl.BlockSpec((1, 1, 64), lambda g, i: (g, 0, 0)),
        ],
        out_specs=[
            pl.BlockSpec((1, _BN, 128), lambda g, i: (g, i, 0)),
            pl.BlockSpec((1, _BN, 128), lambda g, i: (g, i, 0)),
        ],
        out_shape=[
            jax.ShapeDtypeStruct((n_g, _NP, 128), jnp.float32),
            jax.ShapeDtypeStruct((n_g, _NP, 128), jnp.float32),
        ],
    )(xp, posp, wsrc_g, wlin_g, blin_g, wpos_g, bpos_g, m)
    return ax, pd


def _conv_post_body(st_r, w1_r, b1_r, w2_r, b2_r, y_o, *, n_g):
    st = st_r[...]
    acc = None
    for g in range(n_g):
        S = st[g, :, :64]
        T = st[g, :, 64:]
        R = T / (S + 1e-16)
        pa = _dot(R, w1_r[pl.ds(g * 64, 64), :])
        acc = pa if acc is None else acc + pa
    h = jax.nn.relu(acc + b1_r[...])
    y_o[...] = _dot(h, w2_r[...]) + b2_r[...]


def _conv_post(st, w1, b1, w2, b2):
    n_g, _, _ = st.shape
    Hc, Ho = w2.shape
    return pl.pallas_call(
        functools.partial(_conv_post_body, n_g=n_g),
        grid=(_NBLK,),
        in_specs=[
            pl.BlockSpec((n_g, _BN, 128), lambda i: (0, i, 0)),
            pl.BlockSpec((Hc, Hc), lambda i: (0, 0)),
            pl.BlockSpec((1, Hc), lambda i: (0, 0)),
            pl.BlockSpec((Hc, Ho), lambda i: (0, 0)),
            pl.BlockSpec((1, Ho), lambda i: (0, 0)),
        ],
        out_specs=pl.BlockSpec((_BN, Ho), lambda i: (i, 0)),
        out_shape=jax.ShapeDtypeStruct((_NP, Ho), jnp.float32),
    )(st, w1, b1, w2, b2)


def _attn_pre_body(x_r, p_r, g1_r, b1_r, pe1w_r, pe1b_r, pe2w_r, pe2b_r,
                   wct_r, wcb_r, bc_r, wq_r, bq_r, wk_r, bk_r, wv_r, bv_r,
                   q_o, k_o, v_o):
    x = x_r[...]
    xn = _ln(x, g1_r[...], b1_r[...])
    pe = jax.nn.relu(_dot(p_r[...], pe1w_r[...]) + pe1b_r[...])
    pe = _dot(pe, pe2w_r[...]) + pe2b_r[...]
    xc = _dot(xn, wct_r[...]) + _dot(pe, wcb_r[...]) + bc_r[...]
    q_o[...] = _dot(xc, wq_r[...]) + bq_r[...]
    k_o[...] = _dot(xc, wk_r[...]) + bk_r[...]
    v_o[...] = _dot(xc, wv_r[...]) + bv_r[...]


def _attn_pre(xp, posp, p):
    dim = xp.shape[1]
    pe_d = p['pe2']['W'].shape[1]
    wct = p['comb']['W'][:dim]
    wcb = p['comb']['W'][dim:]
    args = (xp, posp, p['g1'][None], p['b1'][None],
            jnp.pad(p['pe1']['W'], ((0, 5), (0, 0))), p['pe1']['b'][None],
            p['pe2']['W'], p['pe2']['b'][None],
            wct, wcb, p['comb']['b'][None],
            p['q']['W'], p['q']['b'][None], p['k']['W'], p['k']['b'][None],
            p['v']['W'], p['v']['b'][None])
    specs = [
        pl.BlockSpec((_BN, dim), lambda i: (i, 0)),
        pl.BlockSpec((_BN, 8), lambda i: (i, 0)),
        pl.BlockSpec((1, dim), lambda i: (0, 0)),
        pl.BlockSpec((1, dim), lambda i: (0, 0)),
        pl.BlockSpec((8, pe_d), lambda i: (0, 0)),
        pl.BlockSpec((1, pe_d), lambda i: (0, 0)),
        pl.BlockSpec((pe_d, pe_d), lambda i: (0, 0)),
        pl.BlockSpec((1, pe_d), lambda i: (0, 0)),
        pl.BlockSpec((dim, dim), lambda i: (0, 0)),
        pl.BlockSpec((pe_d, dim), lambda i: (0, 0)),
        pl.BlockSpec((1, dim), lambda i: (0, 0)),
        pl.BlockSpec((dim, dim), lambda i: (0, 0)),
        pl.BlockSpec((1, dim), lambda i: (0, 0)),
        pl.BlockSpec((dim, dim), lambda i: (0, 0)),
        pl.BlockSpec((1, dim), lambda i: (0, 0)),
        pl.BlockSpec((dim, dim), lambda i: (0, 0)),
        pl.BlockSpec((1, dim), lambda i: (0, 0)),
    ]
    out = jax.ShapeDtypeStruct((_NP, dim), jnp.float32)
    return pl.pallas_call(
        _attn_pre_body,
        grid=(_NBLK,),
        in_specs=specs,
        out_specs=[pl.BlockSpec((_BN, dim), lambda i: (i, 0))] * 3,
        out_shape=[out, out, out],
    )(*args)


def _attn_body(q_ref, k_ref, v_ref, o_ref, *, n_valid, scale):
    q = (q_ref[0] * scale).astype(jnp.bfloat16)
    k = k_ref[0].astype(jnp.bfloat16)
    v = v_ref[0].astype(jnp.bfloat16)
    s = jax.lax.dot_general(q, k, (((1,), (1,)), ((), ())),
                            preferred_element_type=jnp.float32)
    col = jax.lax.broadcasted_iota(jnp.int32, s.shape, 1)
    s = jnp.where(col < n_valid, s, -1e30)
    m = jnp.max(s, axis=1, keepdims=True)
    pf = jnp.exp(s - m)
    den = jnp.sum(pf, axis=1, keepdims=True)
    p = pf.astype(jnp.bfloat16)
    o = jax.lax.dot_general(p, v, (((1,), (0,)), ((), ())),
                            preferred_element_type=jnp.float32)
    o_ref[0] = o / den


def _attention(q, k, v, n_valid, num_heads=4, bq=256):
    _, Np, hd = q.shape
    scale = 1.0 / np.sqrt(hd)
    return pl.pallas_call(
        functools.partial(_attn_body, n_valid=n_valid, scale=scale),
        grid=(num_heads, Np // bq),
        in_specs=[
            pl.BlockSpec((1, bq, hd), lambda h, i: (h, i, 0)),
            pl.BlockSpec((1, Np, hd), lambda h, i: (h, 0, 0)),
            pl.BlockSpec((1, Np, hd), lambda h, i: (h, 0, 0)),
        ],
        out_specs=pl.BlockSpec((1, bq, hd), lambda h, i: (h, i, 0)),
        out_shape=jax.ShapeDtypeStruct((num_heads, Np, hd), jnp.float32),
    )(q, k, v)


def _attn_post_body(o_r, x_r, wo_r, bo_r, g2_r, b2_r, y_o):
    out = _dot(o_r[...], wo_r[...]) + bo_r[...] + x_r[...]
    y_o[...] = _ln(out, g2_r[...], b2_r[...])


def _attn_post(o, xp, p):
    dim = xp.shape[1]
    return pl.pallas_call(
        _attn_post_body,
        grid=(_NBLK,),
        in_specs=[
            pl.BlockSpec((_BN, dim), lambda i: (i, 0)),
            pl.BlockSpec((_BN, dim), lambda i: (i, 0)),
            pl.BlockSpec((dim, dim), lambda i: (0, 0)),
            pl.BlockSpec((1, dim), lambda i: (0, 0)),
            pl.BlockSpec((1, dim), lambda i: (0, 0)),
            pl.BlockSpec((1, dim), lambda i: (0, 0)),
        ],
        out_specs=pl.BlockSpec((_BN, dim), lambda i: (i, 0)),
        out_shape=jax.ShapeDtypeStruct((_NP, dim), jnp.float32),
    )(o, xp, p['o']['W'], p['o']['b'][None], p['g2'][None], p['b2'][None])



def _multi_head_conv(xp, posp, src, dst, p, n_valid):
    Wsrc = jnp.concatenate([hp['src']['W'] for hp in p['heads']], axis=1)
    Wlin = jnp.concatenate([hp['lin']['W'] for hp in p['heads']], axis=1)
    blin = jnp.concatenate([hp['lin']['b'] for hp in p['heads']], axis=0)
    Wpos = jnp.concatenate([hp['pos']['W'] for hp in p['heads']], axis=1)
    bpos = jnp.concatenate([hp['pos']['b'] for hp in p['heads']], axis=0)
    F = xp.shape[1]
    Hc = Wsrc.shape[1]
    n_g = Hc // 64
    n_rounds = n_g // _NC
    if Wsrc.shape[0] != F:
        Wsrc = jnp.pad(Wsrc, ((0, F - Wsrc.shape[0]), (0, 0)))
        Wlin = jnp.pad(Wlin, ((0, F - Wlin.shape[0]), (0, 0)))

    def _grp(w):
        return w.reshape(w.shape[0], n_g, 64).transpose(1, 0, 2)
    ax, pd = _conv_pre(xp, posp, _grp(Wsrc), _grp(Wlin),
                       blin.reshape(n_g, 1, 64),
                       _grp(jnp.pad(Wpos, ((0, 5), (0, 0)))),
                       bpos.reshape(n_g, 1, 64))
    ST = _edge_sc(src, dst, ax.reshape(n_g * _NP, 128),
                  pd.reshape(n_g * _NP, 128), n_rounds)
    return _conv_post(ST.reshape(n_g, _NP, 128), p['p1']['W'],
                      p['p1']['b'][None], p['p2']['W'], p['p2']['b'][None])


def _pos_attn(xp, posp, p, n_valid, num_heads=4):
    q, k, v = _attn_pre(xp, posp, p)
    Np, dim = q.shape
    hd = dim // num_heads

    def _heads(t):
        return t.reshape(Np, num_heads, hd).transpose(1, 0, 2)
    o = _attention(_heads(q), _heads(k), _heads(v), n_valid, num_heads)
    o = o.transpose(1, 0, 2).reshape(Np, dim)
    return _attn_post(o, xp, p)



def kernel(pos, attr, edge_index, params):
    N = pos.shape[0]
    loop = jnp.arange(N, dtype=edge_index.dtype)
    E = edge_index.shape[1] + N
    ep_pad = -(-E // (_NS * _EB * 2)) * (_NS * _EB * 2)
    src = jnp.concatenate([edge_index[0], loop,
                           jnp.zeros((ep_pad - E,), edge_index.dtype)])
    dst = jnp.concatenate([edge_index[1], loop,
                           jnp.full((ep_pad - E,), N, edge_index.dtype)])
    posp = jnp.pad(pos, ((0, _NP - N), (0, 5)))
    xp = jnp.pad(attr, ((0, _NP - N), (0, 5)))
    x = _multi_head_conv(xp, posp, src, dst, params['pt1'], N)
    x = _pos_attn(x, posp, params['attn'], N)
    x = _multi_head_conv(x, posp, src, dst, params['pt2'], N)
    return x[:N]

# --- scband reference (transcript-rebuilt; emitter-appended) ---
"""Pipeline reference for scband-feature-extractor-86827058856423 (READ-ONLY COPY).

The authoritative reference and input builder live on the scoring server;
editing this copy changes nothing except your own understanding.
"""

import jax, jax.numpy as jnp
import numpy as np

def lin(x, p):
    y = x @ p['W']
    if 'b' in p:
        y = y + p['b']
    return y

def layer_norm(x, g, b, eps=1e-5):
    mu = jnp.mean(x, axis=-1, keepdims=True)
    var = jnp.mean((x - mu) ** 2, axis=-1, keepdims=True)
    return (x - mu) / jnp.sqrt(var + eps) * g + b

def segment_softmax(alpha, index, num_segments):
    amax = jax.ops.segment_max(alpha, index, num_segments=num_segments)
    amax = jnp.where(jnp.isfinite(amax), amax, 0.0)
    e = jnp.exp(alpha - amax[index])
    s = jax.ops.segment_sum(e, index, num_segments=num_segments)
    return e / (s[index] + 1e-16)

def point_transformer_conv(x, pos, edge_index, p):
    # Faithful PyG PointTransformerConv: add_self_loops=True, pos_nn=Linear(3,out), attn_nn=None
    N = x.shape[0]
    loop = jnp.arange(N, dtype=edge_index.dtype)
    src = jnp.concatenate([edge_index[0], loop])
    dst = jnp.concatenate([edge_index[1], loop])
    alpha_src = lin(x, p['src'])
    alpha_dst = lin(x, p['dst'])
    xv = lin(x, p['lin'])
    delta = lin(pos[dst] - pos[src], p['pos'])
    alpha = alpha_dst[dst] - alpha_src[src] + delta
    a = segment_softmax(alpha, dst, N)
    msg = a * (xv[src] + delta)
    return jax.ops.segment_sum(msg, dst, num_segments=N)

def multi_head_pt(x, pos, edge_index, p):
    outs = [point_transformer_conv(x, pos, edge_index, hp) for hp in p['heads']]
    cat = jnp.concatenate(outs, axis=-1)
    h = jax.nn.relu(lin(cat, p['p1']))
    return lin(h, p['p2'])

def pos_attn(x, pos, p, num_heads=4, chunk=1000):
    residual = x
    xn = layer_norm(x, p['g1'], p['b1'])
    pe = lin(jax.nn.relu(lin(pos, p['pe1'])), p['pe2'])
    xc = lin(jnp.concatenate([xn, pe], axis=-1), p['comb'])
    N, dim = xc.shape
    hd = dim // num_heads
    q = lin(xc, p['q']).reshape(N, num_heads, hd).transpose(1, 0, 2)
    k = lin(xc, p['k']).reshape(N, num_heads, hd).transpose(1, 0, 2)
    v = lin(xc, p['v']).reshape(N, num_heads, hd).transpose(1, 0, 2)
    scale = 1.0 / np.sqrt(hd)
    qs = q.reshape(num_heads, N // chunk, chunk, hd).transpose(1, 0, 2, 3)
    @jax.checkpoint
    def attend(qc):
        s = jnp.einsum('hqd,hkd->hqk', qc, k) * scale
        a = jax.nn.softmax(s, axis=-1)
        return jnp.einsum('hqk,hkd->hqd', a, v)
    o = jax.lax.map(attend, qs)
    o = o.transpose(1, 0, 2, 3).reshape(num_heads, N, hd).transpose(1, 0, 2).reshape(N, dim)
    out = lin(o, p['o'])
    return layer_norm(out + residual, p['g2'], p['b2'])

def mk_lin(key, fin, fout, bias=True):
    k1, k2 = jax.random.split(key)
    lim = 1.0 / np.sqrt(fin)
    d = {'W': jax.random.uniform(k1, (fin, fout), minval=-lim, maxval=lim, dtype=jnp.float32)}
    if bias:
        d['b'] = jax.random.uniform(k2, (fout,), minval=-lim, maxval=lim, dtype=jnp.float32)
    return d

def mk_ptc(key, fin, fout):
    k = jax.random.split(key, 4)
    return {'lin': mk_lin(k[0], fin, fout), 'src': mk_lin(k[1], fin, fout, bias=False),
            'dst': mk_lin(k[2], fin, fout, bias=False), 'pos': mk_lin(k[3], 3, fout)}

def mk_mh(key, fin, fout, heads=4):
    hk = jax.random.split(key, heads + 2)
    ho = fout // heads
    return {'heads': [mk_ptc(hk[i], fin, ho) for i in range(heads)],
            'p1': mk_lin(hk[heads], fout, fout), 'p2': mk_lin(hk[heads + 1], fout, fout)}

def mk_attn(key, dim, pe):
    k = jax.random.split(key, 7)
    return {'pe1': mk_lin(k[0], 3, pe), 'pe2': mk_lin(k[1], pe, pe),
            'comb': mk_lin(k[2], dim + pe, dim),
            'q': mk_lin(k[3], dim, dim), 'k': mk_lin(k[4], dim, dim),
            'v': mk_lin(k[5], dim, dim), 'o': mk_lin(k[6], dim, dim),
            'g1': jnp.ones((dim,), jnp.float32), 'b1': jnp.zeros((dim,), jnp.float32),
            'g2': jnp.ones((dim,), jnp.float32), 'b2': jnp.zeros((dim,), jnp.float32)}

def setup_inputs(seed: int = 0):
    key = jax.random.key(seed)
    ks = jax.random.split(key, 6)
    N, E, feature_dim = 10000, 160000, 256
    pos = jax.random.normal(ks[0], (N, 3), dtype=jnp.float32)
    attr = jax.random.normal(ks[1], (N, 3), dtype=jnp.float32)
    edge_index = jax.random.randint(ks[2], (2, E), 0, N, dtype=jnp.int32)
    params = {'pt1': mk_mh(ks[3], 3, feature_dim // 2),
              'attn': mk_attn(ks[4], feature_dim // 2, 32),
              'pt2': mk_mh(ks[5], feature_dim // 2, feature_dim)}
    return {'pos': pos, 'attr': attr, 'edge_index': edge_index, 'params': params}

def reference(pos, attr, edge_index, params):
    x = multi_head_pt(attr, pos, edge_index, params['pt1'])
    x = pos_attn(x, pos, params['attn'], num_heads=4)
    x = multi_head_pt(x, pos, edge_index, params['pt2'])
    return x

if __name__ == "__main__":
    import jax
    _d = setup_inputs()
    print(jax.jit(kernel)(*tuple(_d.values())))

</pallas_src>

<mosaic_0001>
#map = affine_map<(d0, d1) -> (0)>
#map1 = affine_map<(d0, d1) -> (0, 0)>
module attributes {stable_mosaic.version = 14 : i64} {
  func.func @_edge_sc_body(%arg0: i32, %arg1: i32, %arg2: memref<172032xi32, #tpu.memory_space<hbm>>, %arg3: memref<172032xi32, #tpu.memory_space<hbm>>, %arg4: memref<20480x128xf32, #tpu.memory_space<hbm>>, %arg5: memref<20480x128xf32, #tpu.memory_space<hbm>>, %arg6: memref<20480x128xf32, #tpu.memory_space<hbm>>, %arg7: memref<64xi32, #tpu.memory_space<vmem>>, %arg8: memref<64xi32, #tpu.memory_space<vmem>>, %arg9: memref<64xi32, #tpu.memory_space<vmem>>, %arg10: memref<64xi32, #tpu.memory_space<vmem>>, %arg11: memref<64xi32, #tpu.memory_space<vmem>>, %arg12: memref<64xi32, #tpu.memory_space<vmem>>, %arg13: memref<64x128xf32, #tpu.memory_space<vmem>>, %arg14: memref<64x128xf32, #tpu.memory_space<vmem>>, %arg15: memref<64x128xf32, #tpu.memory_space<vmem>>, %arg16: memref<64x128xf32, #tpu.memory_space<vmem>>, %arg17: memref<64x128xf32, #tpu.memory_space<vmem>>, %arg18: memref<10240x128xf32, #tpu.memory_space<vmem_shared>>, %arg19: memref<!tpu.dma_semaphore, #tpu.memory_space<semaphore_mem>>, %arg20: memref<!tpu.dma_semaphore, #tpu.memory_space<semaphore_mem>>) attributes {dimension_semantics = [#tpu.dimension_semantics<core_parallel>, #tpu.dimension_semantics<subcore_parallel>], iteration_bounds = array<i64: 2, 16>, scalar_prefetch = 0 : i64, scratch_operands = 14 : i64, tpu.core_type = #tpu.core_type<sc_vector_subcore>, window_params = [{transform_indices = #map}, {transform_indices = #map}, {transform_indices = #map1}, {transform_indices = #map1}, {transform_indices = #map1}]} {
    %mul3A = arith.constant 640 : i32
    %mul3A_0 = arith.muli %arg1, %mul3A : i32
    %mul3A_1 = arith.constant 1 : i32
    %mul3A_2 = arith.muli %arg0, %mul3A_1 : i32
    %add3A = arith.constant 0 : i32
    %add3A_3 = arith.addi %mul3A_2, %add3A : i32
    %scan3A = arith.constant 0 : i32
    %scan3A_4 = arith.constant 0 : i32
    %scan3A_5 = arith.constant 64 : i32
    %scan3A_6 = arith.addi %scan3A_4, %scan3A_5 : i32
    %scan3A_7 = arith.constant 1 : i32
    %scan3A_8 = scf.for %scan3A_112 = %scan3A_4 to %scan3A_6 step %scan3A_7 iter_args(%scan3A_113 = %scan3A) -> (i32)  : i32 {
      %broadcast_in_dim3A = arith.constant 0.000000e+00 : f32
      %broadcast_in_dim3A_114 = vector.broadcast %broadcast_in_dim3A : f32 to vector<16xf32>
      %swap3A_115 = arith.index_cast %scan3A_112 : i32 to index
      %swap3A_116 = arith.constant 0 : index
      %swap3A_117 = tpu.vector_load %arg17[%swap3A_115, %swap3A_116] {strides = array<i32>} : memref<64x128xf32, #tpu.memory_space<vmem>>, vector<16xf32>,
      tpu.vector_store %arg17[%swap3A_115, %swap3A_116], %broadcast_in_dim3A_114 {strides = array<i32>} : memref<64x128xf32, #tpu.memory_space<vmem>>, vector<16xf32>,
      %broadcast_in_dim3A_118 = arith.constant 0.000000e+00 : f32
      %broadcast_in_dim3A_119 = vector.broadcast %broadcast_in_dim3A_118 : f32 to vector<16xf32>
      %swap3A_120 = arith.index_cast %scan3A_112 : i32 to index
      %swap3A_121 = arith.constant 16 : index
      %swap3A_122 = tpu.vector_load %arg17[%swap3A_120, %swap3A_121] {strides = array<i32>} : memref<64x128xf32, #tpu.memory_space<vmem>>, vector<16xf32>,
      tpu.vector_store %arg17[%swap3A_120, %swap3A_121], %broadcast_in_dim3A_119 {strides = array<i32>} : memref<64x128xf32, #tpu.memory_space<vmem>>, vector<16xf32>,
      %broadcast_in_dim3A_123 = arith.constant 0.000000e+00 : f32
      %broadcast_in_dim3A_124 = vector.broadcast %broadcast_in_dim3A_123 : f32 to vector<16xf32>
      %swap3A_125 = arith.index_cast %scan3A_112 : i32 to index
      %swap3A_126 = arith.constant 32 : index
      %swap3A_127 = tpu.vector_load %arg17[%swap3A_125, %swap3A_126] {strides = array<i32>} : memref<64x128xf32, #tpu.memory_space<vmem>>, vector<16xf32>,
      tpu.vector_store %arg17[%swap3A_125, %swap3A_126], %broadcast_in_dim3A_124 {strides = array<i32>} : memref<64x128xf32, #tpu.memory_space<vmem>>, vector<16xf32>,
      %broadcast_in_dim3A_128 = arith.constant 0.000000e+00 : f32
      %broadcast_in_dim3A_129 = vector.broadcast %broadcast_in_dim3A_128 : f32 to vector<16xf32>
      %swap3A_130 = arith.index_cast %scan3A_112 : i32 to index
      %swap3A_131 = arith.constant 48 : index
      %swap3A_132 = tpu.vector_load %arg17[%swap3A_130, %swap3A_131] {strides = array<i32>} : memref<64x128xf32, #tpu.memory_space<vmem>>, vector<16xf32>,
      tpu.vector_store %arg17[%swap3A_130, %swap3A_131], %broadcast_in_dim3A_129 {strides = array<i32>} : memref<64x128xf32, #tpu.memory_space<vmem>>, vector<16xf32>,
      %broadcast_in_dim3A_133 = arith.constant 0.000000e+00 : f32
      %broadcast_in_dim3A_134 = vector.broadcast %broadcast_in_dim3A_133 : f32 to vector<16xf32>
      %swap3A_135 = arith.index_cast %scan3A_112 : i32 to index
      %swap3A_136 = arith.constant 64 : index
      %swap3A_137 = tpu.vector_load %arg17[%swap3A_135, %swap3A_136] {strides = array<i32>} : memref<64x128xf32, #tpu.memory_space<vmem>>, vector<16xf32>,
      tpu.vector_store %arg17[%swap3A_135, %swap3A_136], %broadcast_in_dim3A_134 {strides = array<i32>} : memref<64x128xf32, #tpu.memory_space<vmem>>, vector<16xf32>,
      %broadcast_in_dim3A_138 = arith.constant 0.000000e+00 : f32
      %broadcast_in_dim3A_139 = vector.broadcast %broadcast_in_dim3A_138 : f32 to vector<16xf32>
      %swap3A_140 = arith.index_cast %scan3A_112 : i32 to index
      %swap3A_141 = arith.constant 80 : index
      %swap3A_142 = tpu.vector_load %arg17[%swap3A_140, %swap3A_141] {strides = array<i32>} : memref<64x128xf32, #tpu.memory_space<vmem>>, vector<16xf32>,
      tpu.vector_store %arg17[%swap3A_140, %swap3A_141], %broadcast_in_dim3A_139 {strides = array<i32>} : memref<64x128xf32, #tpu.memory_space<vmem>>, vector<16xf32>,
      %broadcast_in_dim3A_143 = arith.constant 0.000000e+00 : f32
      %broadcast_in_dim3A_144 = vector.broadcast %broadcast_in_dim3A_143 : f32 to vector<16xf32>
      %swap3A_145 = arith.index_cast %scan3A_112 : i32 to index
      %swap3A_146 = arith.constant 96 : index
      %swap3A_147 = tpu.vector_load %arg17[%swap3A_145, %swap3A_146] {strides = array<i32>} : memref<64x128xf32, #tpu.memory_space<vmem>>, vector<16xf32>,
      tpu.vector_store %arg17[%swap3A_145, %swap3A_146], %broadcast_in_dim3A_144 {strides = array<i32>} : memref<64x128xf32, #tpu.memory_space<vmem>>, vector<16xf32>,
      %broadcast_in_dim3A_148 = arith.constant 0.000000e+00 : f32
      %broadcast_in_dim3A_149 = vector.broadcast %broadcast_in_dim3A_148 : f32 to vector<16xf32>
      %swap3A_150 = arith.index_cast %scan3A_112 : i32 to index
      %swap3A_151 = arith.constant 112 : index
      %swap3A_152 = tpu.vector_load %arg17[%swap3A_150, %swap3A_151] {strides = array<i32>} : memref<64x128xf32, #tpu.memory_space<vmem>>, vector<16xf32>,
      tpu.vector_store %arg17[%swap3A_150, %swap3A_151], %broadcast_in_dim3A_149 {strides = array<i32>} : memref<64x128xf32, #tpu.memory_space<vmem>>, vector<16xf32>,
      %scan3A_153 = arith.constant 0 : i32
      scf.yield %scan3A_153 : i32
    }
    %scan3A_9 = arith.constant 64 : i32
    %add3A_10 = arith.constant 0 : i32
    %add3A_11 = arith.addi %mul3A_0, %add3A_10 : i32
    "tpu.region"() ({
      %run_scoped3A = tpu.sem_alloc : memref<!tpu.dma_semaphore, #tpu.memory_space<semaphore_mem>>
      %dma_start3A_112 = arith.constant 0 : i32
      %dma_start3A_113 = tpu.memref_slice %arg18[%add3A_11, %dma_start3A_112] : memref<10240x128xf32, #tpu.memory_space<vmem_shared>> -> memref<64x128xf32, #tpu.memory_space<vmem_shared>>
      %dma_start3A_114 = arith.constant 0 : i32
      %dma_start3A_115 = tpu.memref_slice %arg18[%add3A_11, %dma_start3A_114] : memref<10240x128xf32, #tpu.memory_space<vmem_shared>> -> memref<64x128xf32, #tpu.memory_space<vmem_shared>>
      tpu.enqueue_dma source(%arg17 : memref<64x128xf32, #tpu.memory_space<vmem>>) target(%dma_start3A_115 : memref<64x128xf32, #tpu.memory_space<vmem_shared>>) target_semaphore(%run_scoped3A : memref<!tpu.dma_semaphore, #tpu.memory_space<semaphore_mem>>)
      %dma_wait3A = arith.constant 0 : i32
      %dma_wait3A_116 = tpu.memref_slice %arg18[%add3A_11, %dma_wait3A] : memref<10240x128xf32, #tpu.memory_space<vmem_shared>> -> memref<64x128xf32, #tpu.memory_space<vmem_shared>>
      %dma_wait3A_117 = arith.constant 0 : i32
      %dma_wait3A_118 = tpu.memref_slice %arg18[%add3A_11, %dma_wait3A_117] : memref<10240x128xf32, #tpu.memory_space<vmem_shared>> -> memref<64x128xf32, #tpu.memory_space<vmem_shared>>
      tpu.wait_dma2 semaphore(%run_scoped3A : memref<!tpu.dma_semaphore, #tpu.memory_space<semaphore_mem>>) src(%arg17 : memref<64x128xf32, #tpu.memory_space<vmem>>) dst(%dma_wait3A_118 : memref<64x128xf32, #tpu.memory_space<vmem_shared>>)
      tpu.yield
    }) : () -> ()
    %add3A_12 = arith.constant 64 : i32
    %add3A_13 = arith.addi %mul3A_0, %add3A_12 : i32
    "tpu.region"() ({
      %run_scoped3A = tpu.sem_alloc : memref<!tpu.dma_semaphore, #tpu.memory_space<semaphore_mem>>
      %dma_start3A_112 = arith.constant 0 : i32
      %dma_start3A_113 = tpu.memref_slice %arg18[%add3A_13, %dma_start3A_112] : memref<10240x128xf32, #tpu.memory_space<vmem_shared>> -> memref<64x128xf32, #tpu.memory_space<vmem_shared>>
      %dma_start3A_114 = arith.constant 0 : i32
      %dma_start3A_115 = tpu.memref_slice %arg18[%add3A_13, %dma_start3A_114] : memref<10240x128xf32, #tpu.memory_space<vmem_shared>> -> memref<64x128xf32, #tpu.memory_space<vmem_shared>>
      tpu.enqueue_dma source(%arg17 : memref<64x128xf32, #tpu.memory_space<vmem>>) target(%dma_start3A_115 : memref<64x128xf32, #tpu.memory_space<vmem_shared>>) target_semaphore(%run_scoped3A : memref<!tpu.dma_semaphore, #tpu.memory_space<semaphore_mem>>)
      %dma_wait3A = arith.constant 0 : i32
      %dma_wait3A_116 = tpu.memref_slice %arg18[%add3A_13, %dma_wait3A] : memref<10240x128xf32, #tpu.memory_space<vmem_shared>> -> memref<64x128xf32, #tpu.memory_space<vmem_shared>>
      %dma_wait3A_117 = arith.constant 0 : i32
      %dma_wait3A_118 = tpu.memref_slice %arg18[%add3A_13, %dma_wait3A_117] : memref<10240x128xf32, #tpu.memory_space<vmem_shared>> -> memref<64x128xf32, #tpu.memory_space<vmem_shared>>
      tpu.wait_dma2 semaphore(%run_scoped3A : memref<!tpu.dma_semaphore, #tpu.memory_space<semaphore_mem>>) src(%arg17 : memref<64x128xf32, #tpu.memory_space<vmem>>) dst(%dma_wait3A_118 : memref<64x128xf32, #tpu.memory_space<vmem_shared>>)
      tpu.yield
    }) : () -> ()
    %add3A_14 = arith.constant 128 : i32
    %add3A_15 = arith.addi %mul3A_0, %add3A_14 : i32
    "tpu.region"() ({
      %run_scoped3A = tpu.sem_alloc : memref<!tpu.dma_semaphore, #tpu.memory_space<semaphore_mem>>
      %dma_start3A_112 = arith.constant 0 : i32
      %dma_start3A_113 = tpu.memref_slice %arg18[%add3A_15, %dma_start3A_112] : memref<10240x128xf32, #tpu.memory_space<vmem_shared>> -> memref<64x128xf32, #tpu.memory_space<vmem_shared>>
      %dma_start3A_114 = arith.constant 0 : i32
      %dma_start3A_115 = tpu.memref_slice %arg18[%add3A_15, %dma_start3A_114] : memref<10240x128xf32, #tpu.memory_space<vmem_shared>> -> memref<64x128xf32, #tpu.memory_space<vmem_shared>>
      tpu.enqueue_dma source(%arg17 : memref<64x128xf32, #tpu.memory_space<vmem>>) target(%dma_start3A_115 : memref<64x128xf32, #tpu.memory_space<vmem_shared>>) target_semaphore(%run_scoped3A : memref<!tpu.dma_semaphore, #tpu.memory_space<semaphore_mem>>)
      %dma_wait3A = arith.constant 0 : i32
      %dma_wait3A_116 = tpu.memref_slice %arg18[%add3A_15, %dma_wait3A] : memref<10240x128xf32, #tpu.memory_space<vmem_shared>> -> memref<64x128xf32, #tpu.memory_space<vmem_shared>>
      %dma_wait3A_117 = arith.constant 0 : i32
      %dma_wait3A_118 = tpu.memref_slice %arg18[%add3A_15, %dma_wait3A_117] : memref<10240x128xf32, #tpu.memory_space<vmem_shared>> -> memref<64x128xf32, #tpu.memory_space<vmem_shared>>
      tpu.wait_dma2 semaphore(%run_scoped3A : memref<!tpu.dma_semaphore, #tpu.memory_space<semaphore_mem>>) src(%arg17 : memref<64x128xf32, #tpu.memory_space<vmem>>) dst(%dma_wait3A_118 : memref<64x128xf32, #tpu.memory_space<vmem_shared>>)
      tpu.yield
    }) : () -> ()
    %add3A_16 = arith.constant 192 : i32
    %add3A_17 = arith.addi %mul3A_0, %add3A_16 : i32
    "tpu.region"() ({
      %run_scoped3A = tpu.sem_alloc : memref<!tpu.dma_semaphore, #tpu.memory_space<semaphore_mem>>
      %dma_start3A_112 = arith.constant 0 : i32
      %dma_start3A_113 = tpu.memref_slice %arg18[%add3A_17, %dma_start3A_112] : memref<10240x128xf32, #tpu.memory_space<vmem_shared>> -> memref<64x128xf32, #tpu.memory_space<vmem_shared>>
      %dma_start3A_114 = arith.constant 0 : i32
      %dma_start3A_115 = tpu.memref_slice %arg18[%add3A_17, %dma_start3A_114] : memref<10240x128xf32, #tpu.memory_space<vmem_shared>> -> memref<64x128xf32, #tpu.memory_space<vmem_shared>>
      tpu.enqueue_dma source(%arg17 : memref<64x128xf32, #tpu.memory_space<vmem>>) target(%dma_start3A_115 : memref<64x128xf32, #tpu.memory_space<vmem_shared>>) target_semaphore(%run_scoped3A : memref<!tpu.dma_semaphore, #tpu.memory_space<semaphore_mem>>)
      %dma_wait3A = arith.constant 0 : i32
      %dma_wait3A_116 = tpu.memref_slice %arg18[%add3A_17, %dma_wait3A] : memref<10240x128xf32, #tpu.memory_space<vmem_shared>> -> memref<64x128xf32, #tpu.memory_space<vmem_shared>>
      %dma_wait3A_117 = arith.constant 0 : i32
      %dma_wait3A_118 = tpu.memref_slice %arg18[%add3A_17, %dma_wait3A_117] : memref<10240x128xf32, #tpu.memory_space<vmem_shared>> -> memref<64x128xf32, #tpu.memory_space<vmem_shared>>
      tpu.wait_dma2 semaphore(%run_scoped3A : memref<!tpu.dma_semaphore, #tpu.memory_space<semaphore_mem>>) src(%arg17 : memref<64x128xf32, #tpu.memory_space<vmem>>) dst(%dma_wait3A_118 : memref<64x128xf32, #tpu.memory_space<vmem_shared>>)
      tpu.yield
    }) : () -> ()
    %add3A_18 = arith.constant 256 : i32
    %add3A_19 = arith.addi %mul3A_0, %add3A_18 : i32
    "tpu.region"() ({
      %run_scoped3A = tpu.sem_alloc : memref<!tpu.dma_semaphore, #tpu.memory_space<semaphore_mem>>
      %dma_start3A_112 = arith.constant 0 : i32
      %dma_start3A_113 = tpu.memref_slice %arg18[%add3A_19, %dma_start3A_112] : memref<10240x128xf32, #tpu.memory_space<vmem_shared>> -> memref<64x128xf32, #tpu.memory_space<vmem_shared>>
      %dma_start3A_114 = arith.constant 0 : i32
      %dma_start3A_115 = tpu.memref_slice %arg18[%add3A_19, %dma_start3A_114] : memref<10240x128xf32, #tpu.memory_space<vmem_shared>> -> memref<64x128xf32, #tpu.memory_space<vmem_shared>>
      tpu.enqueue_dma source(%arg17 : memref<64x128xf32, #tpu.memory_space<vmem>>) target(%dma_start3A_115 : memref<64x128xf32, #tpu.memory_space<vmem_shared>>) target_semaphore(%run_scoped3A : memref<!tpu.dma_semaphore, #tpu.memory_space<semaphore_mem>>)
      %dma_wait3A = arith.constant 0 : i32
      %dma_wait3A_116 = tpu.memref_slice %arg18[%add3A_19, %dma_wait3A] : memref<10240x128xf32, #tpu.memory_space<vmem_shared>> -> memref<64x128xf32, #tpu.memory_space<vmem_shared>>
      %dma_wait3A_117 = arith.constant 0 : i32
      %dma_wait3A_118 = tpu.memref_slice %arg18[%add3A_19, %dma_wait3A_117] : memref<10240x128xf32, #tpu.memory_space<vmem_shared>> -> memref<64x128xf32, #tpu.memory_space<vmem_shared>>
      tpu.wait_dma2 semaphore(%run_scoped3A : memref<!tpu.dma_semaphore, #tpu.memory_space<semaphore_mem>>) src(%arg17 : memref<64x128xf32, #tpu.memory_space<vmem>>) dst(%dma_wait3A_118 : memref<64x128xf32, #tpu.memory_space<vmem_shared>>)
      tpu.yield
    }) : () -> ()
    %add3A_20 = arith.constant 320 : i32
    %add3A_21 = arith.addi %mul3A_0, %add3A_20 : i32
    "tpu.region"() ({
      %run_scoped3A = tpu.sem_alloc : memref<!tpu.dma_semaphore, #tpu.memory_space<semaphore_mem>>
      %dma_start3A_112 = arith.constant 0 : i32
      %dma_start3A_113 = tpu.memref_slice %arg18[%add3A_21, %dma_start3A_112] : memref<10240x128xf32, #tpu.memory_space<vmem_shared>> -> memref<64x128xf32, #tpu.memory_space<vmem_shared>>
      %dma_start3A_114 = arith.constant 0 : i32
      %dma_start3A_115 = tpu.memref_slice %arg18[%add3A_21, %dma_start3A_114] : memref<10240x128xf32, #tpu.memory_space<vmem_shared>> -> memref<64x128xf32, #tpu.memory_space<vmem_shared>>
      tpu.enqueue_dma source(%arg17 : memref<64x128xf32, #tpu.memory_space<vmem>>) target(%dma_start3A_115 : memref<64x128xf32, #tpu.memory_space<vmem_shared>>) target_semaphore(%run_scoped3A : memref<!tpu.dma_semaphore, #tpu.memory_space<semaphore_mem>>)
      %dma_wait3A = arith.constant 0 : i32
      %dma_wait3A_116 = tpu.memref_slice %arg18[%add3A_21, %dma_wait3A] : memref<10240x128xf32, #tpu.memory_space<vmem_shared>> -> memref<64x128xf32, #tpu.memory_space<vmem_shared>>
      %dma_wait3A_117 = arith.constant 0 : i32
      %dma_wait3A_118 = tpu.memref_slice %arg18[%add3A_21, %dma_wait3A_117] : memref<10240x128xf32, #tpu.memory_space<vmem_shared>> -> memref<64x128xf32, #tpu.memory_space<vmem_shared>>
      tpu.wait_dma2 semaphore(%run_scoped3A : memref<!tpu.dma_semaphore, #tpu.memory_space<semaphore_mem>>) src(%arg17 : memref<64x128xf32, #tpu.memory_space<vmem>>) dst(%dma_wait3A_118 : memref<64x128xf32, #tpu.memory_space<vmem_shared>>)
      tpu.yield
    }) : () -> ()
    %add3A_22 = arith.constant 384 : i32
    %add3A_23 = arith.addi %mul3A_0, %add3A_22 : i32
    "tpu.region"() ({
      %run_scoped3A = tpu.sem_alloc : memref<!tpu.dma_semaphore, #tpu.memory_space<semaphore_mem>>
      %dma_start3A_112 = arith.constant 0 : i32
      %dma_start3A_113 = tpu.memref_slice %arg18[%add3A_23, %dma_start3A_112] : memref<10240x128xf32, #tpu.memory_space<vmem_shared>> -> memref<64x128xf32, #tpu.memory_space<vmem_shared>>
      %dma_start3A_114 = arith.constant 0 : i32
      %dma_start3A_115 = tpu.memref_slice %arg18[%add3A_23, %dma_start3A_114] : memref<10240x128xf32, #tpu.memory_space<vmem_shared>> -> memref<64x128xf32, #tpu.memory_space<vmem_shared>>
      tpu.enqueue_dma source(%arg17 : memref<64x128xf32, #tpu.memory_space<vmem>>) target(%dma_start3A_115 : memref<64x128xf32, #tpu.memory_space<vmem_shared>>) target_semaphore(%run_scoped3A : memref<!tpu.dma_semaphore, #tpu.memory_space<semaphore_mem>>)
      %dma_wait3A = arith.constant 0 : i32
      %dma_wait3A_116 = tpu.memref_slice %arg18[%add3A_23, %dma_wait3A] : memref<10240x128xf32, #tpu.memory_space<vmem_shared>> -> memref<64x128xf32, #tpu.memory_space<vmem_shared>>
      %dma_wait3A_117 = arith.constant 0 : i32
      %dma_wait3A_118 = tpu.memref_slice %arg18[%add3A_23, %dma_wait3A_117] : memref<10240x128xf32, #tpu.memory_space<vmem_shared>> -> memref<64x128xf32, #tpu.memory_space<vmem_shared>>
      tpu.wait_dma2 semaphore(%run_scoped3A : memref<!tpu.dma_semaphore, #tpu.memory_space<semaphore_mem>>) src(%arg17 : memref<64x128xf32, #tpu.memory_space<vmem>>) dst(%dma_wait3A_118 : memref<64x128xf32, #tpu.memory_space<vmem_shared>>)
      tpu.yield
    }) : () -> ()
    %add3A_24 = arith.constant 448 : i32
    %add3A_25 = arith.addi %mul3A_0, %add3A_24 : i32
    "tpu.region"() ({
      %run_scoped3A = tpu.sem_alloc : memref<!tpu.dma_semaphore, #tpu.memory_space<semaphore_mem>>
      %dma_start3A_112 = arith.constant 0 : i32
      %dma_start3A_113 = tpu.memref_slice %arg18[%add3A_25, %dma_start3A_112] : memref<10240x128xf32, #tpu.memory_space<vmem_shared>> -> memref<64x128xf32, #tpu.memory_space<vmem_shared>>
      %dma_start3A_114 = arith.constant 0 : i32
      %dma_start3A_115 = tpu.memref_slice %arg18[%add3A_25, %dma_start3A_114] : memref<10240x128xf32, #tpu.memory_space<vmem_shared>> -> memref<64x128xf32, #tpu.memory_space<vmem_shared>>
      tpu.enqueue_dma source(%arg17 : memref<64x128xf32, #tpu.memory_space<vmem>>) target(%dma_start3A_115 : memref<64x128xf32, #tpu.memory_space<vmem_shared>>) target_semaphore(%run_scoped3A : memref<!tpu.dma_semaphore, #tpu.memory_space<semaphore_mem>>)
      %dma_wait3A = arith.constant 0 : i32
      %dma_wait3A_116 = tpu.memref_slice %arg18[%add3A_25, %dma_wait3A] : memref<10240x128xf32, #tpu.memory_space<vmem_shared>> -> memref<64x128xf32, #tpu.memory_space<vmem_shared>>
      %dma_wait3A_117 = arith.constant 0 : i32
      %dma_wait3A_118 = tpu.memref_slice %arg18[%add3A_25, %dma_wait3A_117] : memref<10240x128xf32, #tpu.memory_space<vmem_shared>> -> memref<64x128xf32, #tpu.memory_space<vmem_shared>>
      tpu.wait_dma2 semaphore(%run_scoped3A : memref<!tpu.dma_semaphore, #tpu.memory_space<semaphore_mem>>) src(%arg17 : memref<64x128xf32, #tpu.memory_space<vmem>>) dst(%dma_wait3A_118 : memref<64x128xf32, #tpu.memory_space<vmem_shared>>)
      tpu.yield
    }) : () -> ()
    %add3A_26 = arith.constant 512 : i32
    %add3A_27 = arith.addi %mul3A_0, %add3A_26 : i32
    "tpu.region"() ({
      %run_scoped3A = tpu.sem_alloc : memref<!tpu.dma_semaphore, #tpu.memory_space<semaphore_mem>>
      %dma_start3A_112 = arith.constant 0 : i32
      %dma_start3A_113 = tpu.memref_slice %arg18[%add3A_27, %dma_start3A_112] : memref<10240x128xf32, #tpu.memory_space<vmem_shared>> -> memref<64x128xf32, #tpu.memory_space<vmem_shared>>
      %dma_start3A_114 = arith.constant 0 : i32
      %dma_start3A_115 = tpu.memref_slice %arg18[%add3A_27, %dma_start3A_114] : memref<10240x128xf32, #tpu.memory_space<vmem_shared>> -> memref<64x128xf32, #tpu.memory_space<vmem_shared>>
      tpu.enqueue_dma source(%arg17 : memref<64x128xf32, #tpu.memory_space<vmem>>) target(%dma_start3A_115 : memref<64x128xf32, #tpu.memory_space<vmem_shared>>) target_semaphore(%run_scoped3A : memref<!tpu.dma_semaphore, #tpu.memory_space<semaphore_mem>>)
      %dma_wait3A = arith.constant 0 : i32
      %dma_wait3A_116 = tpu.memref_slice %arg18[%add3A_27, %dma_wait3A] : memref<10240x128xf32, #tpu.memory_space<vmem_shared>> -> memref<64x128xf32, #tpu.memory_space<vmem_shared>>
      %dma_wait3A_117 = arith.constant 0 : i32
      %dma_wait3A_118 = tpu.memref_slice %arg18[%add3A_27, %dma_wait3A_117] : memref<10240x128xf32, #tpu.memory_space<vmem_shared>> -> memref<64x128xf32, #tpu.memory_space<vmem_shared>>
      tpu.wait_dma2 semaphore(%run_scoped3A : memref<!tpu.dma_semaphore, #tpu.memory_space<semaphore_mem>>) src(%arg17 : memref<64x128xf32, #tpu.memory_space<vmem>>) dst(%dma_wait3A_118 : memref<64x128xf32, #tpu.memory_space<vmem_shared>>)
      tpu.yield
    }) : () -> ()
    %add3A_28 = arith.constant 576 : i32
    %add3A_29 = arith.addi %mul3A_0, %add3A_28 : i32
    "tpu.region"() ({
      %run_scoped3A = tpu.sem_alloc : memref<!tpu.dma_semaphore, #tpu.memory_space<semaphore_mem>>
      %dma_start3A_112 = arith.constant 0 : i32
      %dma_start3A_113 = tpu.memref_slice %arg18[%add3A_29, %dma_start3A_112] : memref<10240x128xf32, #tpu.memory_space<vmem_shared>> -> memref<64x128xf32, #tpu.memory_space<vmem_shared>>
      %dma_start3A_114 = arith.constant 0 : i32
      %dma_start3A_115 = tpu.memref_slice %arg18[%add3A_29, %dma_start3A_114] : memref<10240x128xf32, #tpu.memory_space<vmem_shared>> -> memref<64x128xf32, #tpu.memory_space<vmem_shared>>
      tpu.enqueue_dma source(%arg17 : memref<64x128xf32, #tpu.memory_space<vmem>>) target(%dma_start3A_115 : memref<64x128xf32, #tpu.memory_space<vmem_shared>>) target_semaphore(%run_scoped3A : memref<!tpu.dma_semaphore, #tpu.memory_space<semaphore_mem>>)
      %dma_wait3A = arith.constant 0 : i32
      %dma_wait3A_116 = tpu.memref_slice %arg18[%add3A_29, %dma_wait3A] : memref<10240x128xf32, #tpu.memory_space<vmem_shared>> -> memref<64x128xf32, #tpu.memory_space<vmem_shared>>
      %dma_wait3A_117 = arith.constant 0 : i32
      %dma_wait3A_118 = tpu.memref_slice %arg18[%add3A_29, %dma_wait3A_117] : memref<10240x128xf32, #tpu.memory_space<vmem_shared>> -> memref<64x128xf32, #tpu.memory_space<vmem_shared>>
      tpu.wait_dma2 semaphore(%run_scoped3A : memref<!tpu.dma_semaphore, #tpu.memory_space<semaphore_mem>>) src(%arg17 : memref<64x128xf32, #tpu.memory_space<vmem>>) dst(%dma_wait3A_118 : memref<64x128xf32, #tpu.memory_space<vmem_shared>>)
      tpu.yield
    }) : () -> ()
    %barrier3A = arith.constant 0 : index
    tpu.barrier barrier_id(%barrier3A)
    %mul3A_30 = arith.constant 10752 : i32
    %mul3A_31 = arith.muli %arg1, %mul3A_30 : i32
    %add3A_32 = arith.constant 0 : i32
    %add3A_33 = arith.addi %mul3A_31, %add3A_32 : i32
    "tpu.region"() ({
      %run_scoped3A = tpu.sem_alloc : memref<!tpu.dma_semaphore, #tpu.memory_space<semaphore_mem>>
      %dma_start3A_112 = tpu.memref_slice %arg2[%add3A_33] : memref<172032xi32, #tpu.memory_space<hbm>> -> memref<64xi32, #tpu.memory_space<hbm>>
      %dma_start3A_113 = tpu.memref_slice %arg2[%add3A_33] : memref<172032xi32, #tpu.memory_space<hbm>> -> memref<64xi32, #tpu.memory_space<hbm>>
      tpu.enqueue_dma source(%dma_start3A_113 : memref<64xi32, #tpu.memory_space<hbm>>) target(%arg7 : memref<64xi32, #tpu.memory_space<vmem>>) target_semaphore(%run_scoped3A : memref<!tpu.dma_semaphore, #tpu.memory_space<semaphore_mem>>)
      %dma_wait3A = tpu.memref_slice %arg2[%add3A_33] : memref<172032xi32, #tpu.memory_space<hbm>> -> memref<64xi32, #tpu.memory_space<hbm>>
      %dma_wait3A_114 = tpu.memref_slice %arg2[%add3A_33] : memref<172032xi32, #tpu.memory_space<hbm>> -> memref<64xi32, #tpu.memory_space<hbm>>
      tpu.wait_dma2 semaphore(%run_scoped3A : memref<!tpu.dma_semaphore, #tpu.memory_space<semaphore_mem>>) src(%dma_wait3A_114 : memref<64xi32, #tpu.memory_space<hbm>>) dst(%arg7 : memref<64xi32, #tpu.memory_space<vmem>>)
      tpu.yield
    }) : () -> ()
    "tpu.region"() ({
      %run_scoped3A = tpu.sem_alloc : memref<!tpu.dma_semaphore, #tpu.memory_space<semaphore_mem>>
      %dma_start3A_112 = tpu.memref_slice %arg3[%add3A_33] : memref<172032xi32, #tpu.memory_space<hbm>> -> memref<64xi32, #tpu.memory_space<hbm>>
      %dma_start3A_113 = tpu.memref_slice %arg3[%add3A_33] : memref<172032xi32, #tpu.memory_space<hbm>> -> memref<64xi32, #tpu.memory_space<hbm>>
      tpu.enqueue_dma source(%dma_start3A_113 : memref<64xi32, #tpu.memory_space<hbm>>) target(%arg11 : memref<64xi32, #tpu.memory_space<vmem>>) target_semaphore(%run_scoped3A : memref<!tpu.dma_semaphore, #tpu.memory_space<semaphore_mem>>)
      %dma_wait3A = tpu.memref_slice %arg3[%add3A_33] : memref<172032xi32, #tpu.memory_space<hbm>> -> memref<64xi32, #tpu.memory_space<hbm>>
      %dma_wait3A_114 = tpu.memref_slice %arg3[%add3A_33] : memref<172032xi32, #tpu.memory_space<hbm>> -> memref<64xi32, #tpu.memory_space<hbm>>
      tpu.wait_dma2 semaphore(%run_scoped3A : memref<!tpu.dma_semaphore, #tpu.memory_space<semaphore_mem>>) src(%dma_wait3A_114 : memref<64xi32, #tpu.memory_space<hbm>>) dst(%arg11 : memref<64xi32, #tpu.memory_space<vmem>>)
      tpu.yield
    }) : () -> ()
    %get3A = arith.constant 0 : index
    %get3A_34 = tpu.vector_load %arg7[%get3A] {strides = array<i32>} : memref<64xi32, #tpu.memory_space<vmem>>, vector<16xi32>,
    %mul3A_35 = arith.constant 10240 : i32
    %mul3A_36 = arith.muli %add3A_3, %mul3A_35 : i32
    %add3A_37 = vector.broadcast %mul3A_36 : i32 to vector<16xi32>
    %add3A_38 = arith.addi %get3A_34, %add3A_37 : vector<16xi32>
    %swap3A = arith.constant 0 : index
    %swap3A_39 = tpu.vector_load %arg7[%swap3A] {strides = array<i32>} : memref<64xi32, #tpu.memory_space<vmem>>, vector<16xi32>,
    tpu.vector_store %arg7[%swap3A], %add3A_38 {strides = array<i32>} : memref<64xi32, #tpu.memory_space<vmem>>, vector<16xi32>,
    %get3A_40 = arith.constant 0 : index
    %get3A_41 = tpu.vector_load %arg11[%get3A_40] {strides = array<i32>} : memref<64xi32, #tpu.memory_space<vmem>>, vector<16xi32>,
    %mul3A_42 = arith.constant 10240 : i32
    %mul3A_43 = arith.muli %add3A_3, %mul3A_42 : i32
    %add3A_44 = vector.broadcast %mul3A_43 : i32 to vector<16xi32>
    %add3A_45 = arith.addi %get3A_41, %add3A_44 : vector<16xi32>
    %swap3A_46 = arith.constant 0 : index
    %swap3A_47 = tpu.vector_load %arg9[%swap3A_46] {strides = array<i32>} : memref<64xi32, #tpu.memory_space<vmem>>, vector<16xi32>,
    tpu.vector_store %arg9[%swap3A_46], %add3A_45 {strides = array<i32>} : memref<64xi32, #tpu.memory_space<vmem>>, vector<16xi32>,
    %get3A_48 = arith.constant 16 : index
    %get3A_49 = tpu.vector_load %arg7[%get3A_48] {strides = array<i32>} : memref<64xi32, #tpu.memory_space<vmem>>, vector<16xi32>,
    %mul3A_50 = arith.constant 10240 : i32
    %mul3A_51 = arith.muli %add3A_3, %mul3A_50 : i32
    %add3A_52 = vector.broadcast %mul3A_51 : i32 to vector<16xi32>
    %add3A_53 = arith.addi %get3A_49, %add3A_52 : vector<16xi32>
    %swap3A_54 = arith.constant 16 : index
    %swap3A_55 = tpu.vector_load %arg7[%swap3A_54] {strides = array<i32>} : memref<64xi32, #tpu.memory_space<vmem>>, vector<16xi32>,
    tpu.vector_store %arg7[%swap3A_54], %add3A_53 {strides = array<i32>} : memref<64xi32, #tpu.memory_space<vmem>>, vector<16xi32>,
    %get3A_56 = arith.constant 16 : index
    %get3A_57 = tpu.vector_load %arg11[%get3A_56] {strides = array<i32>} : memref<64xi32, #tpu.memory_space<vmem>>, vector<16xi32>,
    %mul3A_58 = arith.constant 10240 : i32
    %mul3A_59 = arith.muli %add3A_3, %mul3A_58 : i32
    %add3A_60 = vector.broadcast %mul3A_59 : i32 to vector<16xi32>
    %add3A_61 = arith.addi %get3A_57, %add3A_60 : vector<16xi32>
    %swap3A_62 = arith.constant 16 : index
    %swap3A_63 = tpu.vector_load %arg9[%swap3A_62] {strides = array<i32>} : memref<64xi32, #tpu.memory_space<vmem>>, vector<16xi32>,
    tpu.vector_store %arg9[%swap3A_62], %add3A_61 {strides = array<i32>} : memref<64xi32, #tpu.memory_space<vmem>>, vector<16xi32>,
    %get3A_64 = arith.constant 32 : index
    %get3A_65 = tpu.vector_load %arg7[%get3A_64] {strides = array<i32>} : memref<64xi32, #tpu.memory_space<vmem>>, vector<16xi32>,
    %mul3A_66 = arith.constant 10240 : i32
    %mul3A_67 = arith.muli %add3A_3, %mul3A_66 : i32
    %add3A_68 = vector.broadcast %mul3A_67 : i32 to vector<16xi32>
    %add3A_69 = arith.addi %get3A_65, %add3A_68 : vector<16xi32>
    %swap3A_70 = arith.constant 32 : index
    %swap3A_71 = tpu.vector_load %arg7[%swap3A_70] {strides = array<i32>} : memref<64xi32, #tpu.memory_space<vmem>>, vector<16xi32>,
    tpu.vector_store %arg7[%swap3A_70], %add3A_69 {strides = array<i32>} : memref<64xi32, #tpu.memory_space<vmem>>, vector<16xi32>,
    %get3A_72 = arith.constant 32 : index
    %get3A_73 = tpu.vector_load %arg11[%get3A_72] {strides = array<i32>} : memref<64xi32, #tpu.memory_space<vmem>>, vector<16xi32>,
    %mul3A_74 = arith.constant 10240 : i32
    %mul3A_75 = arith.muli %add3A_3, %mul3A_74 : i32
    %add3A_76 = vector.broadcast %mul3A_75 : i32 to vector<16xi32>
    %add3A_77 = arith.addi %get3A_73, %add3A_76 : vector<16xi32>
    %swap3A_78 = arith.constant 32 : index
    %swap3A_79 = tpu.vector_load %arg9[%swap3A_78] {strides = array<i32>} : memref<64xi32, #tpu.memory_space<vmem>>, vector<16xi32>,
    tpu.vector_store %arg9[%swap3A_78], %add3A_77 {strides = array<i32>} : memref<64xi32, #tpu.memory_space<vmem>>, vector<16xi32>,
    %get3A_80 = arith.constant 48 : index
    %get3A_81 = tpu.vector_load %arg7[%get3A_80] {strides = array<i32>} : memref<64xi32, #tpu.memory_space<vmem>>, vector<16xi32>,
    %mul3A_82 = arith.constant 10240 : i32
    %mul3A_83 = arith.muli %add3A_3, %mul3A_82 : i32
    %add3A_84 = vector.broadcast %mul3A_83 : i32 to vector<16xi32>
    %add3A_85 = arith.addi %get3A_81, %add3A_84 : vector<16xi32>
    %swap3A_86 = arith.constant 48 : index
    %swap3A_87 = tpu.vector_load %arg7[%swap3A_86] {strides = array<i32>} : memref<64xi32, #tpu.memory_space<vmem>>, vector<16xi32>,
    tpu.vector_store %arg7[%swap3A_86], %add3A_85 {strides = array<i32>} : memref<64xi32, #tpu.memory_space<vmem>>, vector<16xi32>,
    %get3A_88 = arith.constant 48 : index
    %get3A_89 = tpu.vector_load %arg11[%get3A_88] {strides = array<i32>} : memref<64xi32, #tpu.memory_space<vmem>>, vector<16xi32>,
    %mul3A_90 = arith.constant 10240 : i32
    %mul3A_91 = arith.muli %add3A_3, %mul3A_90 : i32
    %add3A_92 = vector.broadcast %mul3A_91 : i32 to vector<16xi32>
    %add3A_93 = arith.addi %get3A_89, %add3A_92 : vector<16xi32>
    %swap3A_94 = arith.constant 48 : index
    %swap3A_95 = tpu.vector_load %arg9[%swap3A_94] {strides = array<i32>} : memref<64xi32, #tpu.memory_space<vmem>>, vector<16xi32>,
    tpu.vector_store %arg9[%swap3A_94], %add3A_93 {strides = array<i32>} : memref<64xi32, #tpu.memory_space<vmem>>, vector<16xi32>,
    %dma_start3A = arith.constant 0 : i32
    %dma_start3A_96 = arith.constant 0 : i32
    %dma_start3A_97 = tpu.memref_slice %arg4[%dma_start3A, %dma_start3A_96] : memref<20480x128xf32, #tpu.memory_space<hbm>> -> memref<20480x128xf32, #tpu.memory_space<hbm>>
    tpu.enqueue_indirect_dma source(%dma_start3A_97 : memref<20480x128xf32, #tpu.memory_space<hbm>>) target(%arg13 : memref<64x128xf32, #tpu.memory_space<vmem>>) offsets(%arg7 : memref<64xi32, #tpu.memory_space<vmem>>) semaphore(%arg19 : memref<!tpu.dma_semaphore, #tpu.memory_space<semaphore_mem>>)
    %dma_start3A_98 = arith.constant 0 : i32
    %dma_start3A_99 = arith.constant 0 : i32
    %dma_start3A_100 = tpu.memref_slice %arg5[%dma_start3A_98, %dma_start3A_99] : memref<20480x128xf32, #tpu.memory_space<hbm>> -> memref<20480x128xf32, #tpu.memory_space<hbm>>
    tpu.enqueue_indirect_dma source(%dma_start3A_100 : memref<20480x128xf32, #tpu.memory_space<hbm>>) target(%arg15 : memref<64x128xf32, #tpu.memory_space<vmem>>) offsets(%arg9 : memref<64xi32, #tpu.memory_space<vmem>>) semaphore(%arg19 : memref<!tpu.dma_semaphore, #tpu.memory_space<semaphore_mem>>)
    %scan3A_101 = arith.constant 0 : i32
    %scan3A_102 = arith.constant 0 : i32
    %scan3A_103 = arith.constant 84 : i32
    %scan3A_104 = arith.addi %scan3A_102, %scan3A_103 : i32
    %scan3A_105 = arith.constant 1 : i32
    %scan3A_106 = scf.for %scan3A_112 = %scan3A_102 to %scan3A_104 step %scan3A_105 iter_args(%scan3A_113 = %scan3A_101) -> (i32)  : i32 {
      %mul3A_114 = arith.constant 2 : i32
      %mul3A_115 = arith.muli %mul3A_114, %scan3A_112 : i32
      %add3A_116 = arith.constant 0 : i32
      %add3A_117 = arith.addi %mul3A_115, %add3A_116 : i32
      %add3A_118 = arith.constant 1 : i32
      %add3A_119 = arith.addi %add3A_117, %add3A_118 : i32
      %lt3A = arith.constant 168 : i32
      %lt3A_120 = arith.cmpi slt, %add3A_119, %lt3A : i32
      %convert_element_type3A = arith.extui %lt3A_120 : i1 to i32
      %cond3A = arith.constant 0 : i32
      %cond3A_121 = arith.cmpi ne, %convert_element_type3A, %cond3A : i32
      scf.if %cond3A_121 {
        %add3A_159 = arith.constant 1 : i32
        %add3A_160 = arith.addi %add3A_117, %add3A_159 : i32
        %mul3A_161 = arith.constant 10752 : i32
        %mul3A_162 = arith.muli %arg1, %mul3A_161 : i32
        %mul3A_163 = arith.constant 64 : i32
        %mul3A_164 = arith.muli %add3A_160, %mul3A_163 : i32
        %add3A_165 = arith.addi %mul3A_162, %mul3A_164 : i32
        "tpu.region"() ({
          %run_scoped3A = tpu.sem_alloc : memref<!tpu.dma_semaphore, #tpu.memory_space<semaphore_mem>>
          %dma_start3A_236 = tpu.memref_slice %arg2[%add3A_165] : memref<172032xi32, #tpu.memory_space<hbm>> -> memref<64xi32, #tpu.memory_space<hbm>>
          %dma_start3A_237 = tpu.memref_slice %arg2[%add3A_165] : memref<172032xi32, #tpu.memory_space<hbm>> -> memref<64xi32, #tpu.memory_space<hbm>>
          tpu.enqueue_dma source(%dma_start3A_237 : memref<64xi32, #tpu.memory_space<hbm>>) target(%arg8 : memref<64xi32, #tpu.memory_space<vmem>>) target_semaphore(%run_scoped3A : memref<!tpu.dma_semaphore, #tpu.memory_space<semaphore_mem>>)
          %dma_wait3A_238 = tpu.memref_slice %arg2[%add3A_165] : memref<172032xi32, #tpu.memory_space<hbm>> -> memref<64xi32, #tpu.memory_space<hbm>>
          %dma_wait3A_239 = tpu.memref_slice %arg2[%add3A_165] : memref<172032xi32, #tpu.memory_space<hbm>> -> memref<64xi32, #tpu.memory_space<hbm>>
          tpu.wait_dma2 semaphore(%run_scoped3A : memref<!tpu.dma_semaphore, #tpu.memory_space<semaphore_mem>>) src(%dma_wait3A_239 : memref<64xi32, #tpu.memory_space<hbm>>) dst(%arg8 : memref<64xi32, #tpu.memory_space<vmem>>)
          tpu.yield
        }) : () -> ()
        "tpu.region"() ({
          %run_scoped3A = tpu.sem_alloc : memref<!tpu.dma_semaphore, #tpu.memory_space<semaphore_mem>>
          %dma_start3A_236 = tpu.memref_slice %arg3[%add3A_165] : memref<172032xi32, #tpu.memory_space<hbm>> -> memref<64xi32, #tpu.memory_space<hbm>>
          %dma_start3A_237 = tpu.memref_slice %arg3[%add3A_165] : memref<172032xi32, #tpu.memory_space<hbm>> -> memref<64xi32, #tpu.memory_space<hbm>>
          tpu.enqueue_dma source(%dma_start3A_237 : memref<64xi32, #tpu.memory_space<hbm>>) target(%arg12 : memref<64xi32, #tpu.memory_space<vmem>>) target_semaphore(%run_scoped3A : memref<!tpu.dma_semaphore, #tpu.memory_space<semaphore_mem>>)
          %dma_wait3A_238 = tpu.memref_slice %arg3[%add3A_165] : memref<172032xi32, #tpu.memory_space<hbm>> -> memref<64xi32, #tpu.memory_space<hbm>>
          %dma_wait3A_239 = tpu.memref_slice %arg3[%add3A_165] : memref<172032xi32, #tpu.memory_space<hbm>> -> memref<64xi32, #tpu.memory_space<hbm>>
          tpu.wait_dma2 semaphore(%run_scoped3A : memref<!tpu.dma_semaphore, #tpu.memory_space<semaphore_mem>>) src(%dma_wait3A_239 : memref<64xi32, #tpu.memory_space<hbm>>) dst(%arg12 : memref<64xi32, #tpu.memory_space<vmem>>)
          tpu.yield
        }) : () -> ()
        %get3A_166 = arith.constant 0 : index
        %get3A_167 = tpu.vector_load %arg8[%get3A_166] {strides = array<i32>} : memref<64xi32, #tpu.memory_space<vmem>>, vector<16xi32>,
        %mul3A_168 = arith.constant 10240 : i32
        %mul3A_169 = arith.muli %add3A_3, %mul3A_168 : i32
        %add3A_170 = vector.broadcast %mul3A_169 : i32 to vector<16xi32>
        %add3A_171 = arith.addi %get3A_167, %add3A_170 : vector<16xi32>
        %swap3A_172 = arith.constant 0 : index
        %swap3A_173 = tpu.vector_load %arg8[%swap3A_172] {strides = array<i32>} : memref<64xi32, #tpu.memory_space<vmem>>, vector<16xi32>,
        tpu.vector_store %arg8[%swap3A_172], %add3A_171 {strides = array<i32>} : memref<64xi32, #tpu.memory_space<vmem>>, vector<16xi32>,
        %get3A_174 = arith.constant 0 : index
        %get3A_175 = tpu.vector_load %arg12[%get3A_174] {strides = array<i32>} : memref<64xi32, #tpu.memory_space<vmem>>, vector<16xi32>,
        %mul3A_176 = arith.constant 10240 : i32
        %mul3A_177 = arith.muli %add3A_3, %mul3A_176 : i32
        %add3A_178 = vector.broadcast %mul3A_177 : i32 to vector<16xi32>
        %add3A_179 = arith.addi %get3A_175, %add3A_178 : vector<16xi32>
        %swap3A_180 = arith.constant 0 : index
        %swap3A_181 = tpu.vector_load %arg10[%swap3A_180] {strides = array<i32>} : memref<64xi32, #tpu.memory_space<vmem>>, vector<16xi32>,
        tpu.vector_store %arg10[%swap3A_180], %add3A_179 {strides = array<i32>} : memref<64xi32, #tpu.memory_space<vmem>>, vector<16xi32>,
        %get3A_182 = arith.constant 16 : index
        %get3A_183 = tpu.vector_load %arg8[%get3A_182] {strides = array<i32>} : memref<64xi32, #tpu.memory_space<vmem>>, vector<16xi32>,
        %mul3A_184 = arith.constant 10240 : i32
        %mul3A_185 = arith.muli %add3A_3, %mul3A_184 : i32
        %add3A_186 = vector.broadcast %mul3A_185 : i32 to vector<16xi32>
        %add3A_187 = arith.addi %get3A_183, %add3A_186 : vector<16xi32>
        %swap3A_188 = arith.constant 16 : index
        %swap3A_189 = tpu.vector_load %arg8[%swap3A_188] {strides = array<i32>} : memref<64xi32, #tpu.memory_space<vmem>>, vector<16xi32>,
        tpu.vector_store %arg8[%swap3A_188], %add3A_187 {strides = array<i32>} : memref<64xi32, #tpu.memory_space<vmem>>, vector<16xi32>,
        %get3A_190 = arith.constant 16 : index
        %get3A_191 = tpu.vector_load %arg12[%get3A_190] {strides = array<i32>} : memref<64xi32, #tpu.memory_space<vmem>>, vector<16xi32>,
        %mul3A_192 = arith.constant 10240 : i32
        %mul3A_193 = arith.muli %add3A_3, %mul3A_192 : i32
        %add3A_194 = vector.broadcast %mul3A_193 : i32 to vector<16xi32>
        %add3A_195 = arith.addi %get3A_191, %add3A_194 : vector<16xi32>
        %swap3A_196 = arith.constant 16 : index
        %swap3A_197 = tpu.vector_load %arg10[%swap3A_196] {strides = array<i32>} : memref<64xi32, #tpu.memory_space<vmem>>, vector<16xi32>,
        tpu.vector_store %arg10[%swap3A_196], %add3A_195 {strides = array<i32>} : memref<64xi32, #tpu.memory_space<vmem>>, vector<16xi32>,
        %get3A_198 = arith.constant 32 : index
        %get3A_199 = tpu.vector_load %arg8[%get3A_198] {strides = array<i32>} : memref<64xi32, #tpu.memory_space<vmem>>, vector<16xi32>,
        %mul3A_200 = arith.constant 10240 : i32
        %mul3A_201 = arith.muli %add3A_3, %mul3A_200 : i32
        %add3A_202 = vector.broadcast %mul3A_201 : i32 to vector<16xi32>
        %add3A_203 = arith.addi %get3A_199, %add3A_202 : vector<16xi32>
        %swap3A_204 = arith.constant 32 : index
        %swap3A_205 = tpu.vector_load %arg8[%swap3A_204] {strides = array<i32>} : memref<64xi32, #tpu.memory_space<vmem>>, vector<16xi32>,
        tpu.vector_store %arg8[%swap3A_204], %add3A_203 {strides = array<i32>} : memref<64xi32, #tpu.memory_space<vmem>>, vector<16xi32>,
        %get3A_206 = arith.constant 32 : index
        %get3A_207 = tpu.vector_load %arg12[%get3A_206] {strides = array<i32>} : memref<64xi32, #tpu.memory_space<vmem>>, vector<16xi32>,
        %mul3A_208 = arith.constant 10240 : i32
        %mul3A_209 = arith.muli %add3A_3, %mul3A_208 : i32
        %add3A_210 = vector.broadcast %mul3A_209 : i32 to vector<16xi32>
        %add3A_211 = arith.addi %get3A_207, %add3A_210 : vector<16xi32>
        %swap3A_212 = arith.constant 32 : index
        %swap3A_213 = tpu.vector_load %arg10[%swap3A_212] {strides = array<i32>} : memref<64xi32, #tpu.memory_space<vmem>>, vector<16xi32>,
        tpu.vector_store %arg10[%swap3A_212], %add3A_211 {strides = array<i32>} : memref<64xi32, #tpu.memory_space<vmem>>, vector<16xi32>,
        %get3A_214 = arith.constant 48 : index
        %get3A_215 = tpu.vector_load %arg8[%get3A_214] {strides = array<i32>} : memref<64xi32, #tpu.memory_space<vmem>>, vector<16xi32>,
        %mul3A_216 = arith.constant 10240 : i32
        %mul3A_217 = arith.muli %add3A_3, %mul3A_216 : i32
        %add3A_218 = vector.broadcast %mul3A_217 : i32 to vector<16xi32>
        %add3A_219 = arith.addi %get3A_215, %add3A_218 : vector<16xi32>
        %swap3A_220 = arith.constant 48 : index
        %swap3A_221 = tpu.vector_load %arg8[%swap3A_220] {strides = array<i32>} : memref<64xi32, #tpu.memory_space<vmem>>, vector<16xi32>,
        tpu.vector_store %arg8[%swap3A_220], %add3A_219 {strides = array<i32>} : memref<64xi32, #tpu.memory_space<vmem>>, vector<16xi32>,
        %get3A_222 = arith.constant 48 : index
        %get3A_223 = tpu.vector_load %arg12[%get3A_222] {strides = array<i32>} : memref<64xi32, #tpu.memory_space<vmem>>, vector<16xi32>,
        %mul3A_224 = arith.constant 10240 : i32
        %mul3A_225 = arith.muli %add3A_3, %mul3A_224 : i32
        %add3A_226 = vector.broadcast %mul3A_225 : i32 to vector<16xi32>
        %add3A_227 = arith.addi %get3A_223, %add3A_226 : vector<16xi32>
        %swap3A_228 = arith.constant 48 : index
        %swap3A_229 = tpu.vector_load %arg10[%swap3A_228] {strides = array<i32>} : memref<64xi32, #tpu.memory_space<vmem>>, vector<16xi32>,
        tpu.vector_store %arg10[%swap3A_228], %add3A_227 {strides = array<i32>} : memref<64xi32, #tpu.memory_space<vmem>>, vector<16xi32>,
        %dma_start3A_230 = arith.constant 0 : i32
        %dma_start3A_231 = arith.constant 0 : i32
        %dma_start3A_232 = tpu.memref_slice %arg4[%dma_start3A_230, %dma_start3A_231] : memref<20480x128xf32, #tpu.memory_space<hbm>> -> memref<20480x128xf32, #tpu.memory_space<hbm>>
        tpu.enqueue_indirect_dma source(%dma_start3A_232 : memref<20480x128xf32, #tpu.memory_space<hbm>>) target(%arg14 : memref<64x128xf32, #tpu.memory_space<vmem>>) offsets(%arg8 : memref<64xi32, #tpu.memory_space<vmem>>) semaphore(%arg20 : memref<!tpu.dma_semaphore, #tpu.memory_space<semaphore_mem>>)
        %dma_start3A_233 = arith.constant 0 : i32
        %dma_start3A_234 = arith.constant 0 : i32
        %dma_start3A_235 = tpu.memref_slice %arg5[%dma_start3A_233, %dma_start3A_234] : memref<20480x128xf32, #tpu.memory_space<hbm>> -> memref<20480x128xf32, #tpu.memory_space<hbm>>
        tpu.enqueue_indirect_dma source(%dma_start3A_235 : memref<20480x128xf32, #tpu.memory_space<hbm>>) target(%arg16 : memref<64x128xf32, #tpu.memory_space<vmem>>) offsets(%arg10 : memref<64xi32, #tpu.memory_space<vmem>>) semaphore(%arg20 : memref<!tpu.dma_semaphore, #tpu.memory_space<semaphore_mem>>)
      } else {
      }
      %dma_wait3A = arith.constant 0 : i32
      %dma_wait3A_122 = arith.constant 0 : i32
      %dma_wait3A_123 = tpu.memref_slice %arg4[%dma_wait3A, %dma_wait3A_122] : memref<20480x128xf32, #tpu.memory_space<hbm>> -> memref<20480x128xf32, #tpu.memory_space<hbm>>
      tpu.wait_indirect_dma semaphore(%arg19 : memref<!tpu.dma_semaphore, #tpu.memory_space<semaphore_mem>>) src(%dma_wait3A_123 : memref<20480x128xf32, #tpu.memory_space<hbm>>) dst(%arg13 : memref<64x128xf32, #tpu.memory_space<vmem>>)
      %dma_wait3A_124 = arith.constant 0 : i32
      %dma_wait3A_125 = arith.constant 0 : i32
      %dma_wait3A_126 = tpu.memref_slice %arg5[%dma_wait3A_124, %dma_wait3A_125] : memref<20480x128xf32, #tpu.memory_space<hbm>> -> memref<20480x128xf32, #tpu.memory_space<hbm>>
      tpu.wait_indirect_dma semaphore(%arg19 : memref<!tpu.dma_semaphore, #tpu.memory_space<semaphore_mem>>) src(%dma_wait3A_126 : memref<20480x128xf32, #tpu.memory_space<hbm>>) dst(%arg15 : memref<64x128xf32, #tpu.memory_space<vmem>>)
      %scan3A_127 = arith.constant 0 : i32
      %scan3A_128 = arith.constant 0 : i32
      %scan3A_129 = arith.constant 64 : i32
      %scan3A_130 = arith.addi %scan3A_128, %scan3A_129 : i32
      %scan3A_131 = arith.constant 1 : i32
      %scan3A_132 = scf.for %scan3A_159 = %scan3A_128 to %scan3A_130 step %scan3A_131 iter_args(%scan3A_160 = %scan3A_127) -> (i32)  : i32 {
        %get3A_161 = arith.index_cast %scan3A_159 : i32 to index
        %get3A_162 = arith.constant 0 : index
        %get3A_163 = tpu.vector_load %arg13[%get3A_161, %get3A_162] {strides = array<i32>} : memref<64x128xf32, #tpu.memory_space<vmem>>, vector<16xf32>,
        %get3A_164 = arith.index_cast %scan3A_159 : i32 to index
        %get3A_165 = arith.constant 0 : index
        %get3A_166 = tpu.vector_load %arg15[%get3A_164, %get3A_165] {strides = array<i32>} : memref<64x128xf32, #tpu.memory_space<vmem>>, vector<16xf32>,
        %add3A_167 = arith.addf %get3A_163, %get3A_166 : vector<16xf32>
        %exp3A = math.exp %add3A_167 : vector<16xf32>
        %swap3A_168 = arith.index_cast %scan3A_159 : i32 to index
        %swap3A_169 = arith.constant 0 : index
        %swap3A_170 = tpu.vector_load %arg17[%swap3A_168, %swap3A_169] {strides = array<i32>} : memref<64x128xf32, #tpu.memory_space<vmem>>, vector<16xf32>,
        tpu.vector_store %arg17[%swap3A_168, %swap3A_169], %exp3A {strides = array<i32>} : memref<64x128xf32, #tpu.memory_space<vmem>>, vector<16xf32>,
        %get3A_171 = arith.index_cast %scan3A_159 : i32 to index
        %get3A_172 = arith.constant 64 : index
        %get3A_173 = tpu.vector_load %arg13[%get3A_171, %get3A_172] {strides = array<i32>} : memref<64x128xf32, #tpu.memory_space<vmem>>, vector<16xf32>,
        %get3A_174 = arith.index_cast %scan3A_159 : i32 to index
        %get3A_175 = arith.constant 64 : index
        %get3A_176 = tpu.vector_load %arg15[%get3A_174, %get3A_175] {strides = array<i32>} : memref<64x128xf32, #tpu.memory_space<vmem>>, vector<16xf32>,
        %add3A_177 = arith.addf %get3A_173, %get3A_176 : vector<16xf32>
        %mul3A_178 = arith.mulf %exp3A, %add3A_177 : vector<16xf32>
        %swap3A_179 = arith.index_cast %scan3A_159 : i32 to index
        %swap3A_180 = arith.constant 64 : index
        %swap3A_181 = tpu.vector_load %arg17[%swap3A_179, %swap3A_180] {strides = array<i32>} : memref<64x128xf32, #tpu.memory_space<vmem>>, vector<16xf32>,
        tpu.vector_store %arg17[%swap3A_179, %swap3A_180], %mul3A_178 {strides = array<i32>} : memref<64x128xf32, #tpu.memory_space<vmem>>, vector<16xf32>,
        %get3A_182 = arith.index_cast %scan3A_159 : i32 to index
        %get3A_183 = arith.constant 16 : index
        %get3A_184 = tpu.vector_load %arg13[%get3A_182, %get3A_183] {strides = array<i32>} : memref<64x128xf32, #tpu.memory_space<vmem>>, vector<16xf32>,
        %get3A_185 = arith.index_cast %scan3A_159 : i32 to index
        %get3A_186 = arith.constant 16 : index
        %get3A_187 = tpu.vector_load %arg15[%get3A_185, %get3A_186] {strides = array<i32>} : memref<64x128xf32, #tpu.memory_space<vmem>>, vector<16xf32>,
        %add3A_188 = arith.addf %get3A_184, %get3A_187 : vector<16xf32>
        %exp3A_189 = math.exp %add3A_188 : vector<16xf32>
        %swap3A_190 = arith.index_cast %scan3A_159 : i32 to index
        %swap3A_191 = arith.constant 16 : index
        %swap3A_192 = tpu.vector_load %arg17[%swap3A_190, %swap3A_191] {strides = array<i32>} : memref<64x128xf32, #tpu.memory_space<vmem>>, vector<16xf32>,
        tpu.vector_store %arg17[%swap3A_190, %swap3A_191], %exp3A_189 {strides = array<i32>} : memref<64x128xf32, #tpu.memory_space<vmem>>, vector<16xf32>,
        %get3A_193 = arith.index_cast %scan3A_159 : i32 to index
        %get3A_194 = arith.constant 80 : index
        %get3A_195 = tpu.vector_load %arg13[%get3A_193, %get3A_194] {strides = array<i32>} : memref<64x128xf32, #tpu.memory_space<vmem>>, vector<16xf32>,
        %get3A_196 = arith.index_cast %scan3A_159 : i32 to index
        %get3A_197 = arith.constant 80 : index
        %get3A_198 = tpu.vector_load %arg15[%get3A_196, %get3A_197] {strides = array<i32>} : memref<64x128xf32, #tpu.memory_space<vmem>>, vector<16xf32>,
        %add3A_199 = arith.addf %get3A_195, %get3A_198 : vector<16xf32>
        %mul3A_200 = arith.mulf %exp3A_189, %add3A_199 : vector<16xf32>
        %swap3A_201 = arith.index_cast %scan3A_159 : i32 to index
        %swap3A_202 = arith.constant 80 : index
        %swap3A_203 = tpu.vector_load %arg17[%swap3A_201, %swap3A_202] {strides = array<i32>} : memref<64x128xf32, #tpu.memory_space<vmem>>, vector<16xf32>,
        tpu.vector_store %arg17[%swap3A_201, %swap3A_202], %mul3A_200 {strides = array<i32>} : memref<64x128xf32, #tpu.memory_space<vmem>>, vector<16xf32>,
        %get3A_204 = arith.index_cast %scan3A_159 : i32 to index
        %get3A_205 = arith.constant 32 : index
        %get3A_206 = tpu.vector_load %arg13[%get3A_204, %get3A_205] {strides = array<i32>} : memref<64x128xf32, #tpu.memory_space<vmem>>, vector<16xf32>,
        %get3A_207 = arith.index_cast %scan3A_159 : i32 to index
        %get3A_208 = arith.constant 32 : index
        %get3A_209 = tpu.vector_load %arg15[%get3A_207, %get3A_208] {strides = array<i32>} : memref<64x128xf32, #tpu.memory_space<vmem>>, vector<16xf32>,
        %add3A_210 = arith.addf %get3A_206, %get3A_209 : vector<16xf32>
        %exp3A_211 = math.exp %add3A_210 : vector<16xf32>
        %swap3A_212 = arith.index_cast %scan3A_159 : i32 to index
        %swap3A_213 = arith.constant 32 : index
        %swap3A_214 = tpu.vector_load %arg17[%swap3A_212, %swap3A_213] {strides = array<i32>} : memref<64x128xf32, #tpu.memory_space<vmem>>, vector<16xf32>,
        tpu.vector_store %arg17[%swap3A_212, %swap3A_213], %exp3A_211 {strides = array<i32>} : memref<64x128xf32, #tpu.memory_space<vmem>>, vector<16xf32>,
        %get3A_215 = arith.index_cast %scan3A_159 : i32 to index
        %get3A_216 = arith.constant 96 : index
        %get3A_217 = tpu.vector_load %arg13[%get3A_215, %get3A_216] {strides = array<i32>} : memref<64x128xf32, #tpu.memory_space<vmem>>, vector<16xf32>,
        %get3A_218 = arith.index_cast %scan3A_159 : i32 to index
        %get3A_219 = arith.constant 96 : index
        %get3A_220 = tpu.vector_load %arg15[%get3A_218, %get3A_219] {strides = array<i32>} : memref<64x128xf32, #tpu.memory_space<vmem>>, vector<16xf32>,
        %add3A_221 = arith.addf %get3A_217, %get3A_220 : vector<16xf32>
        %mul3A_222 = arith.mulf %exp3A_211, %add3A_221 : vector<16xf32>
        %swap3A_223 = arith.index_cast %scan3A_159 : i32 to index
        %swap3A_224 = arith.constant 96 : index
        %swap3A_225 = tpu.vector_load %arg17[%swap3A_223, %swap3A_224] {strides = array<i32>} : memref<64x128xf32, #tpu.memory_space<vmem>>, vector<16xf32>,
        tpu.vector_store %arg17[%swap3A_223, %swap3A_224], %mul3A_222 {strides = array<i32>} : memref<64x128xf32, #tpu.memory_space<vmem>>, vector<16xf32>,
        %get3A_226 = arith.index_cast %scan3A_159 : i32 to index
        %get3A_227 = arith.constant 48 : index
        %get3A_228 = tpu.vector_load %arg13[%get3A_226, %get3A_227] {strides = array<i32>} : memref<64x128xf32, #tpu.memory_space<vmem>>, vector<16xf32>,
        %get3A_229 = arith.index_cast %scan3A_159 : i32 to index
        %get3A_230 = arith.constant 48 : index
        %get3A_231 = tpu.vector_load %arg15[%get3A_229, %get3A_230] {strides = array<i32>} : memref<64x128xf32, #tpu.memory_space<vmem>>, vector<16xf32>,
        %add3A_232 = arith.addf %get3A_228, %get3A_231 : vector<16xf32>
        %exp3A_233 = math.exp %add3A_232 : vector<16xf32>
        %swap3A_234 = arith.index_cast %scan3A_159 : i32 to index
        %swap3A_235 = arith.constant 48 : index
        %swap3A_236 = tpu.vector_load %arg17[%swap3A_234, %swap3A_235] {strides = array<i32>} : memref<64x128xf32, #tpu.memory_space<vmem>>, vector<16xf32>,
        tpu.vector_store %arg17[%swap3A_234, %swap3A_235], %exp3A_233 {strides = array<i32>} : memref<64x128xf32, #tpu.memory_space<vmem>>, vector<16xf32>,
        %get3A_237 = arith.index_cast %scan3A_159 : i32 to index
        %get3A_238 = arith.constant 112 : index
        %get3A_239 = tpu.vector_load %arg13[%get3A_237, %get3A_238] {strides = array<i32>} : memref<64x128xf32, #tpu.memory_space<vmem>>, vector<16xf32>,
        %get3A_240 = arith.index_cast %scan3A_159 : i32 to index
        %get3A_241 = arith.constant 112 : index
        %get3A_242 = tpu.vector_load %arg15[%get3A_240, %get3A_241] {strides = array<i32>} : memref<64x128xf32, #tpu.memory_space<vmem>>, vector<16xf32>,
        %add3A_243 = arith.addf %get3A_239, %get3A_242 : vector<16xf32>
        %mul3A_244 = arith.mulf %exp3A_233, %add3A_243 : vector<16xf32>
        %swap3A_245 = arith.index_cast %scan3A_159 : i32 to index
        %swap3A_246 = arith.constant 112 : index
        %swap3A_247 = tpu.vector_load %arg17[%swap3A_245, %swap3A_246] {strides = array<i32>} : memref<64x128xf32, #tpu.memory_space<vmem>>, vector<16xf32>,
        tpu.vector_store %arg17[%swap3A_245, %swap3A_246], %mul3A_244 {strides = array<i32>} : memref<64x128xf32, #tpu.memory_space<vmem>>, vector<16xf32>,
        %scan3A_248 = arith.constant 0 : i32
        scf.yield %scan3A_248 : i32
      }
      %scan3A_133 = arith.constant 64 : i32
      "tpu.region"() ({
        %run_scoped3A = tpu.sem_alloc : memref<!tpu.dma_semaphore, #tpu.memory_space<semaphore_mem>>
        %dma_start3A_159 = arith.constant 0 : i32
        %dma_start3A_160 = arith.constant 0 : i32
        %dma_start3A_161 = tpu.memref_slice %arg18[%dma_start3A_159, %dma_start3A_160] : memref<10240x128xf32, #tpu.memory_space<vmem_shared>> -> memref<10240x128xf32, #tpu.memory_space<vmem_shared>>
        tpu.enqueue_indirect_dma source(%arg17 : memref<64x128xf32, #tpu.memory_space<vmem>>) target(%dma_start3A_161 : memref<10240x128xf32, #tpu.memory_space<vmem_shared>>) offsets(%arg11 : memref<64xi32, #tpu.memory_space<vmem>>) semaphore(%run_scoped3A : memref<!tpu.dma_semaphore, #tpu.memory_space<semaphore_mem>>) {add = true}
        %dma_wait3A_162 = arith.constant 0 : i32
        %dma_wait3A_163 = arith.constant 0 : i32
        %dma_wait3A_164 = tpu.memref_slice %arg18[%dma_wait3A_162, %dma_wait3A_163] : memref<10240x128xf32, #tpu.memory_space<vmem_shared>> -> memref<10240x128xf32, #tpu.memory_space<vmem_shared>>
        tpu.wait_indirect_dma semaphore(%run_scoped3A : memref<!tpu.dma_semaphore, #tpu.memory_space<semaphore_mem>>) src(%arg17 : memref<64x128xf32, #tpu.memory_space<vmem>>) dst(%dma_wait3A_164 : memref<10240x128xf32, #tpu.memory_space<vmem_shared>>)
        tpu.yield
      }) : () -> ()
      %mul3A_134 = arith.constant 2 : i32
      %mul3A_135 = arith.muli %mul3A_134, %scan3A_112 : i32
      %add3A_136 = arith.constant 1 : i32
      %add3A_137 = arith.addi %mul3A_135, %add3A_136 : i32
      %add3A_138 = arith.constant 1 : i32
      %add3A_139 = arith.addi %add3A_137, %add3A_138 : i32
      %lt3A_140 = arith.constant 168 : i32
      %lt3A_141 = arith.cmpi slt, %add3A_139, %lt3A_140 : i32
      %convert_element_type3A_142 = arith.extui %lt3A_141 : i1 to i32
      %cond3A_143 = arith.constant 0 : i32
      %cond3A_144 = arith.cmpi ne, %convert_element_type3A_142, %cond3A_143 : i32
      scf.if %cond3A_144 {
        %add3A_159 = arith.constant 1 : i32
        %add3A_160 = arith.addi %add3A_137, %add3A_159 : i32
        %mul3A_161 = arith.constant 10752 : i32
        %mul3A_162 = arith.muli %arg1, %mul3A_161 : i32
        %mul3A_163 = arith.constant 64 : i32
        %mul3A_164 = arith.muli %add3A_160, %mul3A_163 : i32
        %add3A_165 = arith.addi %mul3A_162, %mul3A_164 : i32
        "tpu.region"() ({
          %run_scoped3A = tpu.sem_alloc : memref<!tpu.dma_semaphore, #tpu.memory_space<semaphore_mem>>
          %dma_start3A_236 = tpu.memref_slice %arg2[%add3A_165] : memref<172032xi32, #tpu.memory_space<hbm>> -> memref<64xi32, #tpu.memory_space<hbm>>
          %dma_start3A_237 = tpu.memref_slice %arg2[%add3A_165] : memref<172032xi32, #tpu.memory_space<hbm>> -> memref<64xi32, #tpu.memory_space<hbm>>
          tpu.enqueue_dma source(%dma_start3A_237 : memref<64xi32, #tpu.memory_space<hbm>>) target(%arg7 : memref<64xi32, #tpu.memory_space<vmem>>) target_semaphore(%run_scoped3A : memref<!tpu.dma_semaphore, #tpu.memory_space<semaphore_mem>>)
          %dma_wait3A_238 = tpu.memref_slice %arg2[%add3A_165] : memref<172032xi32, #tpu.memory_space<hbm>> -> memref<64xi32, #tpu.memory_space<hbm>>
          %dma_wait3A_239 = tpu.memref_slice %arg2[%add3A_165] : memref<172032xi32, #tpu.memory_space<hbm>> -> memref<64xi32, #tpu.memory_space<hbm>>
          tpu.wait_dma2 semaphore(%run_scoped3A : memref<!tpu.dma_semaphore, #tpu.memory_space<semaphore_mem>>) src(%dma_wait3A_239 : memref<64xi32, #tpu.memory_space<hbm>>) dst(%arg7 : memref<64xi32, #tpu.memory_space<vmem>>)
          tpu.yield
        }) : () -> ()
        "tpu.region"() ({
          %run_scoped3A = tpu.sem_alloc : memref<!tpu.dma_semaphore, #tpu.memory_space<semaphore_mem>>
          %dma_start3A_236 = tpu.memref_slice %arg3[%add3A_165] : memref<172032xi32, #tpu.memory_space<hbm>> -> memref<64xi32, #tpu.memory_space<hbm>>
          %dma_start3A_237 = tpu.memref_slice %arg3[%add3A_165] : memref<172032xi32, #tpu.memory_space<hbm>> -> memref<64xi32, #tpu.memory_space<hbm>>
          tpu.enqueue_dma source(%dma_start3A_237 : memref<64xi32, #tpu.memory_space<hbm>>) target(%arg11 : memref<64xi32, #tpu.memory_space<vmem>>) target_semaphore(%run_scoped3A : memref<!tpu.dma_semaphore, #tpu.memory_space<semaphore_mem>>)
          %dma_wait3A_238 = tpu.memref_slice %arg3[%add3A_165] : memref<172032xi32, #tpu.memory_space<hbm>> -> memref<64xi32, #tpu.memory_space<hbm>>
          %dma_wait3A_239 = tpu.memref_slice %arg3[%add3A_165] : memref<172032xi32, #tpu.memory_space<hbm>> -> memref<64xi32, #tpu.memory_space<hbm>>
          tpu.wait_dma2 semaphore(%run_scoped3A : memref<!tpu.dma_semaphore, #tpu.memory_space<semaphore_mem>>) src(%dma_wait3A_239 : memref<64xi32, #tpu.memory_space<hbm>>) dst(%arg11 : memref<64xi32, #tpu.memory_space<vmem>>)
          tpu.yield
        }) : () -> ()
        %get3A_166 = arith.constant 0 : index
        %get3A_167 = tpu.vector_load %arg7[%get3A_166] {strides = array<i32>} : memref<64xi32, #tpu.memory_space<vmem>>, vector<16xi32>,
        %mul3A_168 = arith.constant 10240 : i32
        %mul3A_169 = arith.muli %add3A_3, %mul3A_168 : i32
        %add3A_170 = vector.broadcast %mul3A_169 : i32 to vector<16xi32>
        %add3A_171 = arith.addi %get3A_167, %add3A_170 : vector<16xi32>
        %swap3A_172 = arith.constant 0 : index
        %swap3A_173 = tpu.vector_load %arg7[%swap3A_172] {strides = array<i32>} : memref<64xi32, #tpu.memory_space<vmem>>, vector<16xi32>,
        tpu.vector_store %arg7[%swap3A_172], %add3A_171 {strides = array<i32>} : memref<64xi32, #tpu.memory_space<vmem>>, vector<16xi32>,
        %get3A_174 = arith.constant 0 : index
        %get3A_175 = tpu.vector_load %arg11[%get3A_174] {strides = array<i32>} : memref<64xi32, #tpu.memory_space<vmem>>, vector<16xi32>,
        %mul3A_176 = arith.constant 10240 : i32
        %mul3A_177 = arith.muli %add3A_3, %mul3A_176 : i32
        %add3A_178 = vector.broadcast %mul3A_177 : i32 to vector<16xi32>
        %add3A_179 = arith.addi %get3A_175, %add3A_178 : vector<16xi32>
        %swap3A_180 = arith.constant 0 : index
        %swap3A_181 = tpu.vector_load %arg9[%swap3A_180] {strides = array<i32>} : memref<64xi32, #tpu.memory_space<vmem>>, vector<16xi32>,
        tpu.vector_store %arg9[%swap3A_180], %add3A_179 {strides = array<i32>} : memref<64xi32, #tpu.memory_space<vmem>>, vector<16xi32>,
        %get3A_182 = arith.constant 16 : index
        %get3A_183 = tpu.vector_load %arg7[%get3A_182] {strides = array<i32>} : memref<64xi32, #tpu.memory_space<vmem>>, vector<16xi32>,
        %mul3A_184 = arith.constant 10240 : i32
        %mul3A_185 = arith.muli %add3A_3, %mul3A_184 : i32
        %add3A_186 = vector.broadcast %mul3A_185 : i32 to vector<16xi32>
        %add3A_187 = arith.addi %get3A_183, %add3A_186 : vector<16xi32>
        %swap3A_188 = arith.constant 16 : index
        %swap3A_189 = tpu.vector_load %arg7[%swap3A_188] {strides = array<i32>} : memref<64xi32, #tpu.memory_space<vmem>>, vector<16xi32>,
        tpu.vector_store %arg7[%swap3A_188], %add3A_187 {strides = array<i32>} : memref<64xi32, #tpu.memory_space<vmem>>, vector<16xi32>,
        %get3A_190 = arith.constant 16 : index
        %get3A_191 = tpu.vector_load %arg11[%get3A_190] {strides = array<i32>} : memref<64xi32, #tpu.memory_space<vmem>>, vector<16xi32>,
        %mul3A_192 = arith.constant 10240 : i32
        %mul3A_193 = arith.muli %add3A_3, %mul3A_192 : i32
        %add3A_194 = vector.broadcast %mul3A_193 : i32 to vector<16xi32>
        %add3A_195 = arith.addi %get3A_191, %add3A_194 : vector<16xi32>
        %swap3A_196 = arith.constant 16 : index
        %swap3A_197 = tpu.vector_load %arg9[%swap3A_196] {strides = array<i32>} : memref<64xi32, #tpu.memory_space<vmem>>, vector<16xi32>,
        tpu.vector_store %arg9[%swap3A_196], %add3A_195 {strides = array<i32>} : memref<64xi32, #tpu.memory_space<vmem>>, vector<16xi32>,
        %get3A_198 = arith.constant 32 : index
        %get3A_199 = tpu.vector_load %arg7[%get3A_198] {strides = array<i32>} : memref<64xi32, #tpu.memory_space<vmem>>, vector<16xi32>,
        %mul3A_200 = arith.constant 10240 : i32
        %mul3A_201 = arith.muli %add3A_3, %mul3A_200 : i32
        %add3A_202 = vector.broadcast %mul3A_201 : i32 to vector<16xi32>
        %add3A_203 = arith.addi %get3A_199, %add3A_202 : vector<16xi32>
        %swap3A_204 = arith.constant 32 : index
        %swap3A_205 = tpu.vector_load %arg7[%swap3A_204] {strides = array<i32>} : memref<64xi32, #tpu.memory_space<vmem>>, vector<16xi32>,
        tpu.vector_store %arg7[%swap3A_204], %add3A_203 {strides = array<i32>} : memref<64xi32, #tpu.memory_space<vmem>>, vector<16xi32>,
        %get3A_206 = arith.constant 32 : index
        %get3A_207 = tpu.vector_load %arg11[%get3A_206] {strides = array<i32>} : memref<64xi32, #tpu.memory_space<vmem>>, vector<16xi32>,
        %mul3A_208 = arith.constant 10240 : i32
        %mul3A_209 = arith.muli %add3A_3, %mul3A_208 : i32
        %add3A_210 = vector.broadcast %mul3A_209 : i32 to vector<16xi32>
        %add3A_211 = arith.addi %get3A_207, %add3A_210 : vector<16xi32>
        %swap3A_212 = arith.constant 32 : index
        %swap3A_213 = tpu.vector_load %arg9[%swap3A_212] {strides = array<i32>} : memref<64xi32, #tpu.memory_space<vmem>>, vector<16xi32>,
        tpu.vector_store %arg9[%swap3A_212], %add3A_211 {strides = array<i32>} : memref<64xi32, #tpu.memory_space<vmem>>, vector<16xi32>,
        %get3A_214 = arith.constant 48 : index
        %get3A_215 = tpu.vector_load %arg7[%get3A_214] {strides = array<i32>} : memref<64xi32, #tpu.memory_space<vmem>>, vector<16xi32>,
        %mul3A_216 = arith.constant 10240 : i32
        %mul3A_217 = arith.muli %add3A_3, %mul3A_216 : i32
        %add3A_218 = vector.broadcast %mul3A_217 : i32 to vector<16xi32>
        %add3A_219 = arith.addi %get3A_215, %add3A_218 : vector<16xi32>
        %swap3A_220 = arith.constant 48 : index
        %swap3A_221 = tpu.vector_load %arg7[%swap3A_220] {strides = array<i32>} : memref<64xi32, #tpu.memory_space<vmem>>, vector<16xi32>,
        tpu.vector_store %arg7[%swap3A_220], %add3A_219 {strides = array<i32>} : memref<64xi32, #tpu.memory_space<vmem>>, vector<16xi32>,
        %get3A_222 = arith.constant 48 : index
        %get3A_223 = tpu.vector_load %arg11[%get3A_222] {strides = array<i32>} : memref<64xi32, #tpu.memory_space<vmem>>, vector<16xi32>,
        %mul3A_224 = arith.constant 10240 : i32
        %mul3A_225 = arith.muli %add3A_3, %mul3A_224 : i32
        %add3A_226 = vector.broadcast %mul3A_225 : i32 to vector<16xi32>
        %add3A_227 = arith.addi %get3A_223, %add3A_226 : vector<16xi32>
        %swap3A_228 = arith.constant 48 : index
        %swap3A_229 = tpu.vector_load %arg9[%swap3A_228] {strides = array<i32>} : memref<64xi32, #tpu.memory_space<vmem>>, vector<16xi32>,
        tpu.vector_store %arg9[%swap3A_228], %add3A_227 {strides = array<i32>} : memref<64xi32, #tpu.memory_space<vmem>>, vector<16xi32>,
        %dma_start3A_230 = arith.constant 0 : i32
        %dma_start3A_231 = arith.constant 0 : i32
        %dma_start3A_232 = tpu.memref_slice %arg4[%dma_start3A_230, %dma_start3A_231] : memref<20480x128xf32, #tpu.memory_space<hbm>> -> memref<20480x128xf32, #tpu.memory_space<hbm>>
        tpu.enqueue_indirect_dma source(%dma_start3A_232 : memref<20480x128xf32, #tpu.memory_space<hbm>>) target(%arg13 : memref<64x128xf32, #tpu.memory_space<vmem>>) offsets(%arg7 : memref<64xi32, #tpu.memory_space<vmem>>) semaphore(%arg19 : memref<!tpu.dma_semaphore, #tpu.memory_space<semaphore_mem>>)
        %dma_start3A_233 = arith.constant 0 : i32
        %dma_start3A_234 = arith.constant 0 : i32
        %dma_start3A_235 = tpu.memref_slice %arg5[%dma_start3A_233, %dma_start3A_234] : memref<20480x128xf32, #tpu.memory_space<hbm>> -> memref<20480x128xf32, #tpu.memory_space<hbm>>
        tpu.enqueue_indirect_dma source(%dma_start3A_235 : memref<20480x128xf32, #tpu.memory_space<hbm>>) target(%arg15 : memref<64x128xf32, #tpu.memory_space<vmem>>) offsets(%arg9 : memref<64xi32, #tpu.memory_space<vmem>>) semaphore(%arg19 : memref<!tpu.dma_semaphore, #tpu.memory_space<semaphore_mem>>)
      } else {
      }
      %dma_wait3A_145 = arith.constant 0 : i32
      %dma_wait3A_146 = arith.constant 0 : i32
      %dma_wait3A_147 = tpu.memref_slice %arg4[%dma_wait3A_145, %dma_wait3A_146] : memref<20480x128xf32, #tpu.memory_space<hbm>> -> memref<20480x128xf32, #tpu.memory_space<hbm>>
      tpu.wait_indirect_dma semaphore(%arg20 : memref<!tpu.dma_semaphore, #tpu.memory_space<semaphore_mem>>) src(%dma_wait3A_147 : memref<20480x128xf32, #tpu.memory_space<hbm>>) dst(%arg14 : memref<64x128xf32, #tpu.memory_space<vmem>>)
      %dma_wait3A_148 = arith.constant 0 : i32
      %dma_wait3A_149 = arith.constant 0 : i32
      %dma_wait3A_150 = tpu.memref_slice %arg5[%dma_wait3A_148, %dma_wait3A_149] : memref<20480x128xf32, #tpu.memory_space<hbm>> -> memref<20480x128xf32, #tpu.memory_space<hbm>>
      tpu.wait_indirect_dma semaphore(%arg20 : memref<!tpu.dma_semaphore, #tpu.memory_space<semaphore_mem>>) src(%dma_wait3A_150 : memref<20480x128xf32, #tpu.memory_space<hbm>>) dst(%arg16 : memref<64x128xf32, #tpu.memory_space<vmem>>)
      %scan3A_151 = arith.constant 0 : i32
      %scan3A_152 = arith.constant 0 : i32
      %scan3A_153 = arith.constant 64 : i32
      %scan3A_154 = arith.addi %scan3A_152, %scan3A_153 : i32
      %scan3A_155 = arith.constant 1 : i32
      %scan3A_156 = scf.for %scan3A_159 = %scan3A_152 to %scan3A_154 step %scan3A_155 iter_args(%scan3A_160 = %scan3A_151) -> (i32)  : i32 {
        %get3A_161 = arith.index_cast %scan3A_159 : i32 to index
        %get3A_162 = arith.constant 0 : index
        %get3A_163 = tpu.vector_load %arg14[%get3A_161, %get3A_162] {strides = array<i32>} : memref<64x128xf32, #tpu.memory_space<vmem>>, vector<16xf32>,
        %get3A_164 = arith.index_cast %scan3A_159 : i32 to index
        %get3A_165 = arith.constant 0 : index
        %get3A_166 = tpu.vector_load %arg16[%get3A_164, %get3A_165] {strides = array<i32>} : memref<64x128xf32, #tpu.memory_space<vmem>>, vector<16xf32>,
        %add3A_167 = arith.addf %get3A_163, %get3A_166 : vector<16xf32>
        %exp3A = math.exp %add3A_167 : vector<16xf32>
        %swap3A_168 = arith.index_cast %scan3A_159 : i32 to index
        %swap3A_169 = arith.constant 0 : index
        %swap3A_170 = tpu.vector_load %arg17[%swap3A_168, %swap3A_169] {strides = array<i32>} : memref<64x128xf32, #tpu.memory_space<vmem>>, vector<16xf32>,
        tpu.vector_store %arg17[%swap3A_168, %swap3A_169], %exp3A {strides = array<i32>} : memref<64x128xf32, #tpu.memory_space<vmem>>, vector<16xf32>,
        %get3A_171 = arith.index_cast %scan3A_159 : i32 to index
        %get3A_172 = arith.constant 64 : index
        %get3A_173 = tpu.vector_load %arg14[%get3A_171, %get3A_172] {strides = array<i32>} : memref<64x128xf32, #tpu.memory_space<vmem>>, vector<16xf32>,
        %get3A_174 = arith.index_cast %scan3A_159 : i32 to index
        %get3A_175 = arith.constant 64 : index
        %get3A_176 = tpu.vector_load %arg16[%get3A_174, %get3A_175] {strides = array<i32>} : memref<64x128xf32, #tpu.memory_space<vmem>>, vector<16xf32>,
        %add3A_177 = arith.addf %get3A_173, %get3A_176 : vector<16xf32>
        %mul3A_178 = arith.mulf %exp3A, %add3A_177 : vector<16xf32>
        %swap3A_179 = arith.index_cast %scan3A_159 : i32 to index
        %swap3A_180 = arith.constant 64 : index
        %swap3A_181 = tpu.vector_load %arg17[%swap3A_179, %swap3A_180] {strides = array<i32>} : memref<64x128xf32, #tpu.memory_space<vmem>>, vector<16xf32>,
        tpu.vector_store %arg17[%swap3A_179, %swap3A_180], %mul3A_178 {strides = array<i32>} : memref<64x128xf32, #tpu.memory_space<vmem>>, vector<16xf32>,
        %get3A_182 = arith.index_cast %scan3A_159 : i32 to index
        %get3A_183 = arith.constant 16 : index
        %get3A_184 = tpu.vector_load %arg14[%get3A_182, %get3A_183] {strides = array<i32>} : memref<64x128xf32, #tpu.memory_space<vmem>>, vector<16xf32>,
        %get3A_185 = arith.index_cast %scan3A_159 : i32 to index
        %get3A_186 = arith.constant 16 : index
        %get3A_187 = tpu.vector_load %arg16[%get3A_185, %get3A_186] {strides = array<i32>} : memref<64x128xf32, #tpu.memory_space<vmem>>, vector<16xf32>,
        %add3A_188 = arith.addf %get3A_184, %get3A_187 : vector<16xf32>
        %exp3A_189 = math.exp %add3A_188 : vector<16xf32>
        %swap3A_190 = arith.index_cast %scan3A_159 : i32 to index
        %swap3A_191 = arith.constant 16 : index
        %swap3A_192 = tpu.vector_load %arg17[%swap3A_190, %swap3A_191] {strides = array<i32>} : memref<64x128xf32, #tpu.memory_space<vmem>>, vector<16xf32>,
        tpu.vector_store %arg17[%swap3A_190, %swap3A_191], %exp3A_189 {strides = array<i32>} : memref<64x128xf32, #tpu.memory_space<vmem>>, vector<16xf32>,
        %get3A_193 = arith.index_cast %scan3A_159 : i32 to index
        %get3A_194 = arith.constant 80 : index
        %get3A_195 = tpu.vector_load %arg14[%get3A_193, %get3A_194] {strides = array<i32>} : memref<64x128xf32, #tpu.memory_space<vmem>>, vector<16xf32>,
        %get3A_196 = arith.index_cast %scan3A_159 : i32 to index
        %get3A_197 = arith.constant 80 : index
        %get3A_198 = tpu.vector_load %arg16[%get3A_196, %get3A_197] {strides = array<i32>} : memref<64x128xf32, #tpu.memory_space<vmem>>, vector<16xf32>,
        %add3A_199 = arith.addf %get3A_195, %get3A_198 : vector<16xf32>
        %mul3A_200 = arith.mulf %exp3A_189, %add3A_199 : vector<16xf32>
        %swap3A_201 = arith.index_cast %scan3A_159 : i32 to index
        %swap3A_202 = arith.constant 80 : index
        %swap3A_203 = tpu.vector_load %arg17[%swap3A_201, %swap3A_202] {strides = array<i32>} : memref<64x128xf32, #tpu.memory_space<vmem>>, vector<16xf32>,
        tpu.vector_store %arg17[%swap3A_201, %swap3A_202], %mul3A_200 {strides = array<i32>} : memref<64x128xf32, #tpu.memory_space<vmem>>, vector<16xf32>,
        %get3A_204 = arith.index_cast %scan3A_159 : i32 to index
        %get3A_205 = arith.constant 32 : index
        %get3A_206 = tpu.vector_load %arg14[%get3A_204, %get3A_205] {strides = array<i32>} : memref<64x128xf32, #tpu.memory_space<vmem>>, vector<16xf32>,
        %get3A_207 = arith.index_cast %scan3A_159 : i32 to index
        %get3A_208 = arith.constant 32 : index
        %get3A_209 = tpu.vector_load %arg16[%get3A_207, %get3A_208] {strides = array<i32>} : memref<64x128xf32, #tpu.memory_space<vmem>>, vector<16xf32>,
        %add3A_210 = arith.addf %get3A_206, %get3A_209 : vector<16xf32>
        %exp3A_211 = math.exp %add3A_210 : vector<16xf32>
        %swap3A_212 = arith.index_cast %scan3A_159 : i32 to index
        %swap3A_213 = arith.constant 32 : index
        %swap3A_214 = tpu.vector_load %arg17[%swap3A_212, %swap3A_213] {strides = array<i32>} : memref<64x128xf32, #tpu.memory_space<vmem>>, vector<16xf32>,
        tpu.vector_store %arg17[%swap3A_212, %swap3A_213], %exp3A_211 {strides = array<i32>} : memref<64x128xf32, #tpu.memory_space<vmem>>, vector<16xf32>,
        %get3A_215 = arith.index_cast %scan3A_159 : i32 to index
        %get3A_216 = arith.constant 96 : index
        %get3A_217 = tpu.vector_load %arg14[%get3A_215, %get3A_216] {strides = array<i32>} : memref<64x128xf32, #tpu.memory_space<vmem>>, vector<16xf32>,
        %get3A_218 = arith.index_cast %scan3A_159 : i32 to index
        %get3A_219 = arith.constant 96 : index
        %get3A_220 = tpu.vector_load %arg16[%get3A_218, %get3A_219] {strides = array<i32>} : memref<64x128xf32, #tpu.memory_space<vmem>>, vector<16xf32>,
        %add3A_221 = arith.addf %get3A_217, %get3A_220 : vector<16xf32>
        %mul3A_222 = arith.mulf %exp3A_211, %add3A_221 : vector<16xf32>
        %swap3A_223 = arith.index_cast %scan3A_159 : i32 to index
        %swap3A_224 = arith.constant 96 : index
        %swap3A_225 = tpu.vector_load %arg17[%swap3A_223, %swap3A_224] {strides = array<i32>} : memref<64x128xf32, #tpu.memory_space<vmem>>, vector<16xf32>,
        tpu.vector_store %arg17[%swap3A_223, %swap3A_224], %mul3A_222 {strides = array<i32>} : memref<64x128xf32, #tpu.memory_space<vmem>>, vector<16xf32>,
        %get3A_226 = arith.index_cast %scan3A_159 : i32 to index
        %get3A_227 = arith.constant 48 : index
        %get3A_228 = tpu.vector_load %arg14[%get3A_226, %get3A_227] {strides = array<i32>} : memref<64x128xf32, #tpu.memory_space<vmem>>, vector<16xf32>,
        %get3A_229 = arith.index_cast %scan3A_159 : i32 to index
        %get3A_230 = arith.constant 48 : index
        %get3A_231 = tpu.vector_load %arg16[%get3A_229, %get3A_230] {strides = array<i32>} : memref<64x128xf32, #tpu.memory_space<vmem>>, vector<16xf32>,
        %add3A_232 = arith.addf %get3A_228, %get3A_231 : vector<16xf32>
        %exp3A_233 = math.exp %add3A_232 : vector<16xf32>
        %swap3A_234 = arith.index_cast %scan3A_159 : i32 to index
        %swap3A_235 = arith.constant 48 : index
        %swap3A_236 = tpu.vector_load %arg17[%swap3A_234, %swap3A_235] {strides = array<i32>} : memref<64x128xf32, #tpu.memory_space<vmem>>, vector<16xf32>,
        tpu.vector_store %arg17[%swap3A_234, %swap3A_235], %exp3A_233 {strides = array<i32>} : memref<64x128xf32, #tpu.memory_space<vmem>>, vector<16xf32>,
        %get3A_237 = arith.index_cast %scan3A_159 : i32 to index
        %get3A_238 = arith.constant 112 : index
        %get3A_239 = tpu.vector_load %arg14[%get3A_237, %get3A_238] {strides = array<i32>} : memref<64x128xf32, #tpu.memory_space<vmem>>, vector<16xf32>,
        %get3A_240 = arith.index_cast %scan3A_159 : i32 to index
        %get3A_241 = arith.constant 112 : index
        %get3A_242 = tpu.vector_load %arg16[%get3A_240, %get3A_241] {strides = array<i32>} : memref<64x128xf32, #tpu.memory_space<vmem>>, vector<16xf32>,
        %add3A_243 = arith.addf %get3A_239, %get3A_242 : vector<16xf32>
        %mul3A_244 = arith.mulf %exp3A_233, %add3A_243 : vector<16xf32>
        %swap3A_245 = arith.index_cast %scan3A_159 : i32 to index
        %swap3A_246 = arith.constant 112 : index
        %swap3A_247 = tpu.vector_load %arg17[%swap3A_245, %swap3A_246] {strides = array<i32>} : memref<64x128xf32, #tpu.memory_space<vmem>>, vector<16xf32>,
        tpu.vector_store %arg17[%swap3A_245, %swap3A_246], %mul3A_244 {strides = array<i32>} : memref<64x128xf32, #tpu.memory_space<vmem>>, vector<16xf32>,
        %scan3A_248 = arith.constant 0 : i32
        scf.yield %scan3A_248 : i32
      }
      %scan3A_157 = arith.constant 64 : i32
      "tpu.region"() ({
        %run_scoped3A = tpu.sem_alloc : memref<!tpu.dma_semaphore, #tpu.memory_space<semaphore_mem>>
        %dma_start3A_159 = arith.constant 0 : i32
        %dma_start3A_160 = arith.constant 0 : i32
        %dma_start3A_161 = tpu.memref_slice %arg18[%dma_start3A_159, %dma_start3A_160] : memref<10240x128xf32, #tpu.memory_space<vmem_shared>> -> memref<10240x128xf32, #tpu.memory_space<vmem_shared>>
        tpu.enqueue_indirect_dma source(%arg17 : memref<64x128xf32, #tpu.memory_space<vmem>>) target(%dma_start3A_161 : memref<10240x128xf32, #tpu.memory_space<vmem_shared>>) offsets(%arg12 : memref<64xi32, #tpu.memory_space<vmem>>) semaphore(%run_scoped3A : memref<!tpu.dma_semaphore, #tpu.memory_space<semaphore_mem>>) {add = true}
        %dma_wait3A_162 = arith.constant 0 : i32
        %dma_wait3A_163 = arith.constant 0 : i32
        %dma_wait3A_164 = tpu.memref_slice %arg18[%dma_wait3A_162, %dma_wait3A_163] : memref<10240x128xf32, #tpu.memory_space<vmem_shared>> -> memref<10240x128xf32, #tpu.memory_space<vmem_shared>>
        tpu.wait_indirect_dma semaphore(%run_scoped3A : memref<!tpu.dma_semaphore, #tpu.memory_space<semaphore_mem>>) src(%arg17 : memref<64x128xf32, #tpu.memory_space<vmem>>) dst(%dma_wait3A_164 : memref<10240x128xf32, #tpu.memory_space<vmem_shared>>)
        tpu.yield
      }) : () -> ()
      %scan3A_158 = arith.constant 0 : i32
      scf.yield %scan3A_158 : i32
    }
    %scan3A_107 = arith.constant 84 : i32
    %barrier3A_108 = arith.constant 0 : index
    tpu.barrier barrier_id(%barrier3A_108)
    %mul3A_109 = arith.constant 10240 : i32
    %mul3A_110 = arith.muli %add3A_3, %mul3A_109 : i32
    %add3A_111 = arith.addi %mul3A_110, %mul3A_0 : i32
    "tpu.region"() ({
      %run_scoped3A = tpu.sem_alloc : memref<!tpu.dma_semaphore, #tpu.memory_space<semaphore_mem>>
      %dma_start3A_112 = arith.constant 0 : i32
      %dma_start3A_113 = tpu.memref_slice %arg6[%add3A_111, %dma_start3A_112] : memref<20480x128xf32, #tpu.memory_space<hbm>> -> memref<640x128xf32, #tpu.memory_space<hbm>>
      %dma_start3A_114 = arith.constant 0 : i32
      %dma_start3A_115 = tpu.memref_slice %arg18[%mul3A_0, %dma_start3A_114] : memref<10240x128xf32, #tpu.memory_space<vmem_shared>> -> memref<640x128xf32, #tpu.memory_space<vmem_shared>>
      tpu.enqueue_dma source(%dma_start3A_115 : memref<640x128xf32, #tpu.memory_space<vmem_shared>>) target(%dma_start3A_113 : memref<640x128xf32, #tpu.memory_space<hbm>>) target_semaphore(%run_scoped3A : memref<!tpu.dma_semaphore, #tpu.memory_space<semaphore_mem>>)
      %dma_wait3A = arith.constant 0 : i32
      %dma_wait3A_116 = tpu.memref_slice %arg6[%add3A_111, %dma_wait3A] : memref<20480x128xf32, #tpu.memory_space<hbm>> -> memref<640x128xf32, #tpu.memory_space<hbm>>
      %dma_wait3A_117 = arith.constant 0 : i32
      %dma_wait3A_118 = tpu.memref_slice %arg18[%mul3A_0, %dma_wait3A_117] : memref<10240x128xf32, #tpu.memory_space<vmem_shared>> -> memref<640x128xf32, #tpu.memory_space<vmem_shared>>
      tpu.wait_dma2 semaphore(%run_scoped3A : memref<!tpu.dma_semaphore, #tpu.memory_space<semaphore_mem>>) src(%dma_wait3A_118 : memref<640x128xf32, #tpu.memory_space<vmem_shared>>) dst(%dma_wait3A_116 : memref<640x128xf32, #tpu.memory_space<hbm>>)
      tpu.yield
    }) : () -> ()
    return
  }
}

#map = affine_map<(d0, d1) -> (0)>
#map1 = affine_map<(d0, d1) -> (0, 0)>
module attributes {stable_mosaic.version = 14 : i64} {
  func.func @_edge_sc_body(%arg0: i32, %arg1: i32, %arg2: memref<172032xi32, #tpu.memory_space<hbm>>, %arg3: memref<172032xi32, #tpu.memory_space<hbm>>, %arg4: memref<40960x128xf32, #tpu.memory_space<hbm>>, %arg5: memref<40960x128xf32, #tpu.memory_space<hbm>>, %arg6: memref<40960x128xf32, #tpu.memory_space<hbm>>, %arg7: memref<64xi32, #tpu.memory_space<vmem>>, %arg8: memref<64xi32, #tpu.memory_space<vmem>>, %arg9: memref<64xi32, #tpu.memory_space<vmem>>, %arg10: memref<64xi32, #tpu.memory_space<vmem>>, %arg11: memref<64xi32, #tpu.memory_space<vmem>>, %arg12: memref<64xi32, #tpu.memory_space<vmem>>, %arg13: memref<64x128xf32, #tpu.memory_space<vmem>>, %arg14: memref<64x128xf32, #tpu.memory_space<vmem>>, %arg15: memref<64x128xf32, #tpu.memory_space<vmem>>, %arg16: memref<64x128xf32, #tpu.memory_space<vmem>>, %arg17: memref<64x128xf32, #tpu.memory_space<vmem>>, %arg18: memref<10240x128xf32, #tpu.memory_space<vmem_shared>>, %arg19: memref<!tpu.dma_semaphore, #tpu.memory_space<semaphore_mem>>, %arg20: memref<!tpu.dma_semaphore, #tpu.memory_space<semaphore_mem>>) attributes {dimension_semantics = [#tpu.dimension_semantics<core_parallel>, #tpu.dimension_semantics<subcore_parallel>], iteration_bounds = array<i64: 2, 16>, scalar_prefetch = 0 : i64, scratch_operands = 14 : i64, tpu.core_type = #tpu.core_type<sc_vector_subcore>, window_params = [{transform_indices = #map}, {transform_indices = #map}, {transform_indices = #map1}, {transform_indices = #map1}, {transform_indices = #map1}]} {
    %mul3A = arith.constant 640 : i32
    %mul3A_0 = arith.muli %arg1, %mul3A : i32
    %mul3A_1 = arith.constant 2 : i32
    %mul3A_2 = arith.muli %arg0, %mul3A_1 : i32
    %add3A = arith.constant 0 : i32
    %add3A_3 = arith.addi %mul3A_2, %add3A : i32
    %scan3A = arith.constant 0 : i32
    %scan3A_4 = arith.constant 0 : i32
    %scan3A_5 = arith.constant 64 : i32
    %scan3A_6 = arith.addi %scan3A_4, %scan3A_5 : i32
    %scan3A_7 = arith.constant 1 : i32
    %scan3A_8 = scf.for %scan3A_229 = %scan3A_4 to %scan3A_6 step %scan3A_7 iter_args(%scan3A_230 = %scan3A) -> (i32)  : i32 {
      %broadcast_in_dim3A = arith.constant 0.000000e+00 : f32
      %broadcast_in_dim3A_231 = vector.broadcast %broadcast_in_dim3A : f32 to vector<16xf32>
      %swap3A_232 = arith.index_cast %scan3A_229 : i32 to index
      %swap3A_233 = arith.constant 0 : index
      %swap3A_234 = tpu.vector_load %arg17[%swap3A_232, %swap3A_233] {strides = array<i32>} : memref<64x128xf32, #tpu.memory_space<vmem>>, vector<16xf32>,
      tpu.vector_store %arg17[%swap3A_232, %swap3A_233], %broadcast_in_dim3A_231 {strides = array<i32>} : memref<64x128xf32, #tpu.memory_space<vmem>>, vector<16xf32>,
      %broadcast_in_dim3A_235 = arith.constant 0.000000e+00 : f32
      %broadcast_in_dim3A_236 = vector.broadcast %broadcast_in_dim3A_235 : f32 to vector<16xf32>
      %swap3A_237 = arith.index_cast %scan3A_229 : i32 to index
      %swap3A_238 = arith.constant 16 : index
      %swap3A_239 = tpu.vector_load %arg17[%swap3A_237, %swap3A_238] {strides = array<i32>} : memref<64x128xf32, #tpu.memory_space<vmem>>, vector<16xf32>,
      tpu.vector_store %arg17[%swap3A_237, %swap3A_238], %broadcast_in_dim3A_236 {strides = array<i32>} : memref<64x128xf32, #tpu.memory_space<vmem>>, vector<16xf32>,
      %broadcast_in_dim3A_240 = arith.constant 0.000000e+00 : f32
      %broadcast_in_dim3A_241 = vector.broadcast %broadcast_in_dim3A_240 : f32 to vector<16xf32>
      %swap3A_242 = arith.index_cast %scan3A_229 : i32 to index
      %swap3A_243 = arith.constant 32 : index
      %swap3A_244 = tpu.vector_load %arg17[%swap3A_242, %swap3A_243] {strides = array<i32>} : memref<64x128xf32, #tpu.memory_space<vmem>>, vector<16xf32>,
      tpu.vector_store %arg17[%swap3A_242, %swap3A_243], %broadcast_in_dim3A_241 {strides = array<i32>} : memref<64x128xf32, #tpu.memory_space<vmem>>, vector<16xf32>,
      %broadcast_in_dim3A_245 = arith.constant 0.000000e+00 : f32
      %broadcast_in_dim3A_246 = vector.broadcast %broadcast_in_dim3A_245 : f32 to vector<16xf32>
      %swap3A_247 = arith.index_cast %scan3A_229 : i32 to index
      %swap3A_248 = arith.constant 48 : index
      %swap3A_249 = tpu.vector_load %arg17[%swap3A_247, %swap3A_248] {strides = array<i32>} : memref<64x128xf32, #tpu.memory_space<vmem>>, vector<16xf32>,
      tpu.vector_store %arg17[%swap3A_247, %swap3A_248], %broadcast_in_dim3A_246 {strides = array<i32>} : memref<64x128xf32, #tpu.memory_space<vmem>>, vector<16xf32>,
      %broadcast_in_dim3A_250 = arith.constant 0.000000e+00 : f32
      %broadcast_in_dim3A_251 = vector.broadcast %broadcast_in_dim3A_250 : f32 to vector<16xf32>
      %swap3A_252 = arith.index_cast %scan3A_229 : i32 to index
      %swap3A_253 = arith.constant 64 : index
      %swap3A_254 = tpu.vector_load %arg17[%swap3A_252, %swap3A_253] {strides = array<i32>} : memref<64x128xf32, #tpu.memory_space<vmem>>, vector<16xf32>,
      tpu.vector_store %arg17[%swap3A_252, %swap3A_253], %broadcast_in_dim3A_251 {strides = array<i32>} : memref<64x128xf32, #tpu.memory_space<vmem>>, vector<16xf32>,
      %broadcast_in_dim3A_255 = arith.constant 0.000000e+00 : f32
      %broadcast_in_dim3A_256 = vector.broadcast %broadcast_in_dim3A_255 : f32 to vector<16xf32>
      %swap3A_257 = arith.index_cast %scan3A_229 : i32 to index
      %swap3A_258 = arith.constant 80 : index
      %swap3A_259 = tpu.vector_load %arg17[%swap3A_257, %swap3A_258] {strides = array<i32>} : memref<64x128xf32, #tpu.memory_space<vmem>>, vector<16xf32>,
      tpu.vector_store %arg17[%swap3A_257, %swap3A_258], %broadcast_in_dim3A_256 {strides = array<i32>} : memref<64x128xf32, #tpu.memory_space<vmem>>, vector<16xf32>,
      %broadcast_in_dim3A_260 = arith.constant 0.000000e+00 : f32
      %broadcast_in_dim3A_261 = vector.broadcast %broadcast_in_dim3A_260 : f32 to vector<16xf32>
      %swap3A_262 = arith.index_cast %scan3A_229 : i32 to index
      %swap3A_263 = arith.constant 96 : index
      %swap3A_264 = tpu.vector_load %arg17[%swap3A_262, %swap3A_263] {strides = array<i32>} : memref<64x128xf32, #tpu.memory_space<vmem>>, vector<16xf32>,
      tpu.vector_store %arg17[%swap3A_262, %swap3A_263], %broadcast_in_dim3A_261 {strides = array<i32>} : memref<64x128xf32, #tpu.memory_space<vmem>>, vector<16xf32>,
      %broadcast_in_dim3A_265 = arith.constant 0.000000e+00 : f32
      %broadcast_in_dim3A_266 = vector.broadcast %broadcast_in_dim3A_265 : f32 to vector<16xf32>
      %swap3A_267 = arith.index_cast %scan3A_229 : i32 to index
      %swap3A_268 = arith.constant 112 : index
      %swap3A_269 = tpu.vector_load %arg17[%swap3A_267, %swap3A_268] {strides = array<i32>} : memref<64x128xf32, #tpu.memory_space<vmem>>, vector<16xf32>,
      tpu.vector_store %arg17[%swap3A_267, %swap3A_268], %broadcast_in_dim3A_266 {strides = array<i32>} : memref<64x128xf32, #tpu.memory_space<vmem>>, vector<16xf32>,
      %scan3A_270 = arith.constant 0 : i32
      scf.yield %scan3A_270 : i32
    }
    %scan3A_9 = arith.constant 64 : i32
    %add3A_10 = arith.constant 0 : i32
    %add3A_11 = arith.addi %mul3A_0, %add3A_10 : i32
    "tpu.region"() ({
      %run_scoped3A = tpu.sem_alloc : memref<!tpu.dma_semaphore, #tpu.memory_space<semaphore_mem>>
      %dma_start3A_229 = arith.constant 0 : i32
      %dma_start3A_230 = tpu.memref_slice %arg18[%add3A_11, %dma_start3A_229] : memref<10240x128xf32, #tpu.memory_space<vmem_shared>> -> memref<64x128xf32, #tpu.memory_space<vmem_shared>>
      %dma_start3A_231 = arith.constant 0 : i32
      %dma_start3A_232 = tpu.memref_slice %arg18[%add3A_11, %dma_start3A_231] : memref<10240x128xf32, #tpu.memory_space<vmem_shared>> -> memref<64x128xf32, #tpu.memory_space<vmem_shared>>
      tpu.enqueue_dma source(%arg17 : memref<64x128xf32, #tpu.memory_space<vmem>>) target(%dma_start3A_232 : memref<64x128xf32, #tpu.memory_space<vmem_shared>>) target_semaphore(%run_scoped3A : memref<!tpu.dma_semaphore, #tpu.memory_space<semaphore_mem>>)
      %dma_wait3A = arith.constant 0 : i32
      %dma_wait3A_233 = tpu.memref_slice %arg18[%add3A_11, %dma_wait3A] : memref<10240x128xf32, #tpu.memory_space<vmem_shared>> -> memref<64x128xf32, #tpu.memory_space<vmem_shared>>
      %dma_wait3A_234 = arith.constant 0 : i32
      %dma_wait3A_235 = tpu.memref_slice %arg18[%add3A_11, %dma_wait3A_234] : memref<10240x128xf32, #tpu.memory_space<vmem_shared>> -> memref<64x128xf32, #tpu.memory_space<vmem_shared>>
      tpu.wait_dma2 semaphore(%run_scoped3A : memref<!tpu.dma_semaphore, #tpu.memory_space<semaphore_mem>>) src(%arg17 : memref<64x128xf32, #tpu.memory_space<vmem>>) dst(%dma_wait3A_235 : memref<64x128xf32, #tpu.memory_space<vmem_shared>>)
      tpu.yield
    }) : () -> ()
    %add3A_12 = arith.constant 64 : i32
    %add3A_13 = arith.addi %mul3A_0, %add3A_12 : i32
    "tpu.region"() ({
      %run_scoped3A = tpu.sem_alloc : memref<!tpu.dma_semaphore, #tpu.memory_space<semaphore_mem>>
      %dma_start3A_229 = arith.constant 0 : i32
      %dma_start3A_230 = tpu.memref_slice %arg18[%add3A_13, %dma_start3A_229] : memref<10240x128xf32, #tpu.memory_space<vmem_shared>> -> memref<64x128xf32, #tpu.memory_space<vmem_shared>>
      %dma_start3A_231 = arith.constant 0 : i32
      %dma_start3A_232 = tpu.memref_slice %arg18[%add3A_13, %dma_start3A_231] : memref<10240x128xf32, #tpu.memory_space<vmem_shared>> -> memref<64x128xf32, #tpu.memory_space<vmem_shared>>
      tpu.enqueue_dma source(%arg17 : memref<64x128xf32, #tpu.memory_space<vmem>>) target(%dma_start3A_232 : memref<64x128xf32, #tpu.memory_space<vmem_shared>>) target_semaphore(%run_scoped3A : memref<!tpu.dma_semaphore, #tpu.memory_space<semaphore_mem>>)
      %dma_wait3A = arith.constant 0 : i32
      %dma_wait3A_233 = tpu.memref_slice %arg18[%add3A_13, %dma_wait3A] : memref<10240x128xf32, #tpu.memory_space<vmem_shared>> -> memref<64x128xf32, #tpu.memory_space<vmem_shared>>
      %dma_wait3A_234 = arith.constant 0 : i32
      %dma_wait3A_235 = tpu.memref_slice %arg18[%add3A_13, %dma_wait3A_234] : memref<10240x128xf32, #tpu.memory_space<vmem_shared>> -> memref<64x128xf32, #tpu.memory_space<vmem_shared>>
      tpu.wait_dma2 semaphore(%run_scoped3A : memref<!tpu.dma_semaphore, #tpu.memory_space<semaphore_mem>>) src(%arg17 : memref<64x128xf32, #tpu.memory_space<vmem>>) dst(%dma_wait3A_235 : memref<64x128xf32, #tpu.memory_space<vmem_shared>>)
      tpu.yield
    }) : () -> ()
    %add3A_14 = arith.constant 128 : i32
    %add3A_15 = arith.addi %mul3A_0, %add3A_14 : i32
    "tpu.region"() ({
      %run_scoped3A = tpu.sem_alloc : memref<!tpu.dma_semaphore, #tpu.memory_space<semaphore_mem>>
      %dma_start3A_229 = arith.constant 0 : i32
      %dma_start3A_230 = tpu.memref_slice %arg18[%add3A_15, %dma_start3A_229] : memref<10240x128xf32, #tpu.memory_space<vmem_shared>> -> memref<64x128xf32, #tpu.memory_space<vmem_shared>>
      %dma_start3A_231 = arith.constant 0 : i32
      %dma_start3A_232 = tpu.memref_slice %arg18[%add3A_15, %dma_start3A_231] : memref<10240x128xf32, #tpu.memory_space<vmem_shared>> -> memref<64x128xf32, #tpu.memory_space<vmem_shared>>
      tpu.enqueue_dma source(%arg17 : memref<64x128xf32, #tpu.memory_space<vmem>>) target(%dma_start3A_232 : memref<64x128xf32, #tpu.memory_space<vmem_shared>>) target_semaphore(%run_scoped3A : memref<!tpu.dma_semaphore, #tpu.memory_space<semaphore_mem>>)
      %dma_wait3A = arith.constant 0 : i32
      %dma_wait3A_233 = tpu.memref_slice %arg18[%add3A_15, %dma_wait3A] : memref<10240x128xf32, #tpu.memory_space<vmem_shared>> -> memref<64x128xf32, #tpu.memory_space<vmem_shared>>
      %dma_wait3A_234 = arith.constant 0 : i32
      %dma_wait3A_235 = tpu.memref_slice %arg18[%add3A_15, %dma_wait3A_234] : memref<10240x128xf32, #tpu.memory_space<vmem_shared>> -> memref<64x128xf32, #tpu.memory_space<vmem_shared>>
      tpu.wait_dma2 semaphore(%run_scoped3A : memref<!tpu.dma_semaphore, #tpu.memory_space<semaphore_mem>>) src(%arg17 : memref<64x128xf32, #tpu.memory_space<vmem>>) dst(%dma_wait3A_235 : memref<64x128xf32, #tpu.memory_space<vmem_shared>>)
      tpu.yield
    }) : () -> ()
    %add3A_16 = arith.constant 192 : i32
    %add3A_17 = arith.addi %mul3A_0, %add3A_16 : i32
    "tpu.region"() ({
      %run_scoped3A = tpu.sem_alloc : memref<!tpu.dma_semaphore, #tpu.memory_space<semaphore_mem>>
      %dma_start3A_229 = arith.constant 0 : i32
      %dma_start3A_230 = tpu.memref_slice %arg18[%add3A_17, %dma_start3A_229] : memref<10240x128xf32, #tpu.memory_space<vmem_shared>> -> memref<64x128xf32, #tpu.memory_space<vmem_shared>>
      %dma_start3A_231 = arith.constant 0 : i32
      %dma_start3A_232 = tpu.memref_slice %arg18[%add3A_17, %dma_start3A_231] : memref<10240x128xf32, #tpu.memory_space<vmem_shared>> -> memref<64x128xf32, #tpu.memory_space<vmem_shared>>
      tpu.enqueue_dma source(%arg17 : memref<64x128xf32, #tpu.memory_space<vmem>>) target(%dma_start3A_232 : memref<64x128xf32, #tpu.memory_space<vmem_shared>>) target_semaphore(%run_scoped3A : memref<!tpu.dma_semaphore, #tpu.memory_space<semaphore_mem>>)
      %dma_wait3A = arith.constant 0 : i32
      %dma_wait3A_233 = tpu.memref_slice %arg18[%add3A_17, %dma_wait3A] : memref<10240x128xf32, #tpu.memory_space<vmem_shared>> -> memref<64x128xf32, #tpu.memory_space<vmem_shared>>
      %dma_wait3A_234 = arith.constant 0 : i32
      %dma_wait3A_235 = tpu.memref_slice %arg18[%add3A_17, %dma_wait3A_234] : memref<10240x128xf32, #tpu.memory_space<vmem_shared>> -> memref<64x128xf32, #tpu.memory_space<vmem_shared>>
      tpu.wait_dma2 semaphore(%run_scoped3A : memref<!tpu.dma_semaphore, #tpu.memory_space<semaphore_mem>>) src(%arg17 : memref<64x128xf32, #tpu.memory_space<vmem>>) dst(%dma_wait3A_235 : memref<64x128xf32, #tpu.memory_space<vmem_shared>>)
      tpu.yield
    }) : () -> ()
    %add3A_18 = arith.constant 256 : i32
    %add3A_19 = arith.addi %mul3A_0, %add3A_18 : i32
    "tpu.region"() ({
      %run_scoped3A = tpu.sem_alloc : memref<!tpu.dma_semaphore, #tpu.memory_space<semaphore_mem>>
      %dma_start3A_229 = arith.constant 0 : i32
      %dma_start3A_230 = tpu.memref_slice %arg18[%add3A_19, %dma_start3A_229] : memref<10240x128xf32, #tpu.memory_space<vmem_shared>> -> memref<64x128xf32, #tpu.memory_space<vmem_shared>>
      %dma_start3A_231 = arith.constant 0 : i32
      %dma_start3A_232 = tpu.memref_slice %arg18[%add3A_19, %dma_start3A_231] : memref<10240x128xf32, #tpu.memory_space<vmem_shared>> -> memref<64x128xf32, #tpu.memory_space<vmem_shared>>
      tpu.enqueue_dma source(%arg17 : memref<64x128xf32, #tpu.memory_space<vmem>>) target(%dma_start3A_232 : memref<64x128xf32, #tpu.memory_space<vmem_shared>>) target_semaphore(%run_scoped3A : memref<!tpu.dma_semaphore, #tpu.memory_space<semaphore_mem>>)
      %dma_wait3A = arith.constant 0 : i32
      %dma_wait3A_233 = tpu.memref_slice %arg18[%add3A_19, %dma_wait3A] : memref<10240x128xf32, #tpu.memory_space<vmem_shared>> -> memref<64x128xf32, #tpu.memory_space<vmem_shared>>
      %dma_wait3A_234 = arith.constant 0 : i32
      %dma_wait3A_235 = tpu.memref_slice %arg18[%add3A_19, %dma_wait3A_234] : memref<10240x128xf32, #tpu.memory_space<vmem_shared>> -> memref<64x128xf32, #tpu.memory_space<vmem_shared>>
      tpu.wait_dma2 semaphore(%run_scoped3A : memref<!tpu.dma_semaphore, #tpu.memory_space<semaphore_mem>>) src(%arg17 : memref<64x128xf32, #tpu.memory_space<vmem>>) dst(%dma_wait3A_235 : memref<64x128xf32, #tpu.memory_space<vmem_shared>>)
      tpu.yield
    }) : () -> ()
    %add3A_20 = arith.constant 320 : i32
    %add3A_21 = arith.addi %mul3A_0, %add3A_20 : i32
    "tpu.region"() ({
      %run_scoped3A = tpu.sem_alloc : memref<!tpu.dma_semaphore, #tpu.memory_space<semaphore_mem>>
      %dma_start3A_229 = arith.constant 0 : i32
      %dma_start3A_230 = tpu.memref_slice %arg18[%add3A_21, %dma_start3A_229] : memref<10240x128xf32, #tpu.memory_space<vmem_shared>> -> memref<64x128xf32, #tpu.memory_space<vmem_shared>>
      %dma_start3A_231 = arith.constant 0 : i32
      %dma_start3A_232 = tpu.memref_slice %arg18[%add3A_21, %dma_start3A_231] : memref<10240x128xf32, #tpu.memory_space<vmem_shared>> -> memref<64x128xf32, #tpu.memory_space<vmem_shared>>
      tpu.enqueue_dma source(%arg17 : memref<64x128xf32, #tpu.memory_space<vmem>>) target(%dma_start3A_232 : memref<64x128xf32, #tpu.memory_space<vmem_shared>>) target_semaphore(%run_scoped3A : memref<!tpu.dma_semaphore, #tpu.memory_space<semaphore_mem>>)
      %dma_wait3A = arith.constant 0 : i32
      %dma_wait3A_233 = tpu.memref_slice %arg18[%add3A_21, %dma_wait3A] : memref<10240x128xf32, #tpu.memory_space<vmem_shared>> -> memref<64x128xf32, #tpu.memory_space<vmem_shared>>
      %dma_wait3A_234 = arith.constant 0 : i32
      %dma_wait3A_235 = tpu.memref_slice %arg18[%add3A_21, %dma_wait3A_234] : memref<10240x128xf32, #tpu.memory_space<vmem_shared>> -> memref<64x128xf32, #tpu.memory_space<vmem_shared>>
      tpu.wait_dma2 semaphore(%run_scoped3A : memref<!tpu.dma_semaphore, #tpu.memory_space<semaphore_mem>>) src(%arg17 : memref<64x128xf32, #tpu.memory_space<vmem>>) dst(%dma_wait3A_235 : memref<64x128xf32, #tpu.memory_space<vmem_shared>>)
      tpu.yield
    }) : () -> ()
    %add3A_22 = arith.constant 384 : i32
    %add3A_23 = arith.addi %mul3A_0, %add3A_22 : i32
    "tpu.region"() ({
      %run_scoped3A = tpu.sem_alloc : memref<!tpu.dma_semaphore, #tpu.memory_space<semaphore_mem>>
      %dma_start3A_229 = arith.constant 0 : i32
      %dma_start3A_230 = tpu.memref_slice %arg18[%add3A_23, %dma_start3A_229] : memref<10240x128xf32, #tpu.memory_space<vmem_shared>> -> memref<64x128xf32, #tpu.memory_space<vmem_shared>>
      %dma_start3A_231 = arith.constant 0 : i32
      %dma_start3A_232 = tpu.memref_slice %arg18[%add3A_23, %dma_start3A_231] : memref<10240x128xf32, #tpu.memory_space<vmem_shared>> -> memref<64x128xf32, #tpu.memory_space<vmem_shared>>
      tpu.enqueue_dma source(%arg17 : memref<64x128xf32, #tpu.memory_space<vmem>>) target(%dma_start3A_232 : memref<64x128xf32, #tpu.memory_space<vmem_shared>>) target_semaphore(%run_scoped3A : memref<!tpu.dma_semaphore, #tpu.memory_space<semaphore_mem>>)
      %dma_wait3A = arith.constant 0 : i32
      %dma_wait3A_233 = tpu.memref_slice %arg18[%add3A_23, %dma_wait3A] : memref<10240x128xf32, #tpu.memory_space<vmem_shared>> -> memref<64x128xf32, #tpu.memory_space<vmem_shared>>
      %dma_wait3A_234 = arith.constant 0 : i32
      %dma_wait3A_235 = tpu.memref_slice %arg18[%add3A_23, %dma_wait3A_234] : memref<10240x128xf32, #tpu.memory_space<vmem_shared>> -> memref<64x128xf32, #tpu.memory_space<vmem_shared>>
      tpu.wait_dma2 semaphore(%run_scoped3A : memref<!tpu.dma_semaphore, #tpu.memory_space<semaphore_mem>>) src(%arg17 : memref<64x128xf32, #tpu.memory_space<vmem>>) dst(%dma_wait3A_235 : memref<64x128xf32, #tpu.memory_space<vmem_shared>>)
      tpu.yield
    }) : () -> ()
    %add3A_24 = arith.constant 448 : i32
    %add3A_25 = arith.addi %mul3A_0, %add3A_24 : i32
    "tpu.region"() ({
      %run_scoped3A = tpu.sem_alloc : memref<!tpu.dma_semaphore, #tpu.memory_space<semaphore_mem>>
      %dma_start3A_229 = arith.constant 0 : i32
      %dma_start3A_230 = tpu.memref_slice %arg18[%add3A_25, %dma_start3A_229] : memref<10240x128xf32, #tpu.memory_space<vmem_shared>> -> memref<64x128xf32, #tpu.memory_space<vmem_shared>>
      %dma_start3A_231 = arith.constant 0 : i32
      %dma_start3A_232 = tpu.memref_slice %arg18[%add3A_25, %dma_start3A_231] : memref<10240x128xf32, #tpu.memory_space<vmem_shared>> -> memref<64x128xf32, #tpu.memory_space<vmem_shared>>
      tpu.enqueue_dma source(%arg17 : memref<64x128xf32, #tpu.memory_space<vmem>>) target(%dma_start3A_232 : memref<64x128xf32, #tpu.memory_space<vmem_shared>>) target_semaphore(%run_scoped3A : memref<!tpu.dma_semaphore, #tpu.memory_space<semaphore_mem>>)
      %dma_wait3A = arith.constant 0 : i32
      %dma_wait3A_233 = tpu.memref_slice %arg18[%add3A_25, %dma_wait3A] : memref<10240x128xf32, #tpu.memory_space<vmem_shared>> -> memref<64x128xf32, #tpu.memory_space<vmem_shared>>
      %dma_wait3A_234 = arith.constant 0 : i32
      %dma_wait3A_235 = tpu.memref_slice %arg18[%add3A_25, %dma_wait3A_234] : memref<10240x128xf32, #tpu.memory_space<vmem_shared>> -> memref<64x128xf32, #tpu.memory_space<vmem_shared>>
      tpu.wait_dma2 semaphore(%run_scoped3A : memref<!tpu.dma_semaphore, #tpu.memory_space<semaphore_mem>>) src(%arg17 : memref<64x128xf32, #tpu.memory_space<vmem>>) dst(%dma_wait3A_235 : memref<64x128xf32, #tpu.memory_space<vmem_shared>>)
      tpu.yield
    }) : () -> ()
    %add3A_26 = arith.constant 512 : i32
    %add3A_27 = arith.addi %mul3A_0, %add3A_26 : i32
    "tpu.region"() ({
      %run_scoped3A = tpu.sem_alloc : memref<!tpu.dma_semaphore, #tpu.memory_space<semaphore_mem>>
      %dma_start3A_229 = arith.constant 0 : i32
      %dma_start3A_230 = tpu.memref_slice %arg18[%add3A_27, %dma_start3A_229] : memref<10240x128xf32, #tpu.memory_space<vmem_shared>> -> memref<64x128xf32, #tpu.memory_space<vmem_shared>>
      %dma_start3A_231 = arith.constant 0 : i32
      %dma_start3A_232 = tpu.memref_slice %arg18[%add3A_27, %dma_start3A_231] : memref<10240x128xf32, #tpu.memory_space<vmem_shared>> -> memref<64x128xf32, #tpu.memory_space<vmem_shared>>
      tpu.enqueue_dma source(%arg17 : memref<64x128xf32, #tpu.memory_space<vmem>>) target(%dma_start3A_232 : memref<64x128xf32, #tpu.memory_space<vmem_shared>>) target_semaphore(%run_scoped3A : memref<!tpu.dma_semaphore, #tpu.memory_space<semaphore_mem>>)
      %dma_wait3A = arith.constant 0 : i32
      %dma_wait3A_233 = tpu.memref_slice %arg18[%add3A_27, %dma_wait3A] : memref<10240x128xf32, #tpu.memory_space<vmem_shared>> -> memref<64x128xf32, #tpu.memory_space<vmem_shared>>
      %dma_wait3A_234 = arith.constant 0 : i32
      %dma_wait3A_235 = tpu.memref_slice %arg18[%add3A_27, %dma_wait3A_234] : memref<10240x128xf32, #tpu.memory_space<vmem_shared>> -> memref<64x128xf32, #tpu.memory_space<vmem_shared>>
      tpu.wait_dma2 semaphore(%run_scoped3A : memref<!tpu.dma_semaphore, #tpu.memory_space<semaphore_mem>>) src(%arg17 : memref<64x128xf32, #tpu.memory_space<vmem>>) dst(%dma_wait3A_235 : memref<64x128xf32, #tpu.memory_space<vmem_shared>>)
      tpu.yield
    }) : () -> ()
    %add3A_28 = arith.constant 576 : i32
    %add3A_29 = arith.addi %mul3A_0, %add3A_28 : i32
    "tpu.region"() ({
      %run_scoped3A = tpu.sem_alloc : memref<!tpu.dma_semaphore, #tpu.memory_space<semaphore_mem>>
      %dma_start3A_229 = arith.constant 0 : i32
      %dma_start3A_230 = tpu.memref_slice %arg18[%add3A_29, %dma_start3A_229] : memref<10240x128xf32, #tpu.memory_space<vmem_shared>> -> memref<64x128xf32, #tpu.memory_space<vmem_shared>>
      %dma_start3A_231 = arith.constant 0 : i32
      %dma_start3A_232 = tpu.memref_slice %arg18[%add3A_29, %dma_start3A_231] : memref<10240x128xf32, #tpu.memory_space<vmem_shared>> -> memref<64x128xf32, #tpu.memory_space<vmem_shared>>
      tpu.enqueue_dma source(%arg17 : memref<64x128xf32, #tpu.memory_space<vmem>>) target(%dma_start3A_232 : memref<64x128xf32, #tpu.memory_space<vmem_shared>>) target_semaphore(%run_scoped3A : memref<!tpu.dma_semaphore, #tpu.memory_space<semaphore_mem>>)
      %dma_wait3A = arith.constant 0 : i32
      %dma_wait3A_233 = tpu.memref_slice %arg18[%add3A_29, %dma_wait3A] : memref<10240x128xf32, #tpu.memory_space<vmem_shared>> -> memref<64x128xf32, #tpu.memory_space<vmem_shared>>
      %dma_wait3A_234 = arith.constant 0 : i32
      %dma_wait3A_235 = tpu.memref_slice %arg18[%add3A_29, %dma_wait3A_234] : memref<10240x128xf32, #tpu.memory_space<vmem_shared>> -> memref<64x128xf32, #tpu.memory_space<vmem_shared>>
      tpu.wait_dma2 semaphore(%run_scoped3A : memref<!tpu.dma_semaphore, #tpu.memory_space<semaphore_mem>>) src(%arg17 : memref<64x128xf32, #tpu.memory_space<vmem>>) dst(%dma_wait3A_235 : memref<64x128xf32, #tpu.memory_space<vmem_shared>>)
      tpu.yield
    }) : () -> ()
    %barrier3A = arith.constant 0 : index
    tpu.barrier barrier_id(%barrier3A)
    %mul3A_30 = arith.constant 10752 : i32
    %mul3A_31 = arith.muli %arg1, %mul3A_30 : i32
    %add3A_32 = arith.constant 0 : i32
    %add3A_33 = arith.addi %mul3A_31, %add3A_32 : i32
    "tpu.region"() ({
      %run_scoped3A = tpu.sem_alloc : memref<!tpu.dma_semaphore, #tpu.memory_space<semaphore_mem>>
      %dma_start3A_229 = tpu.memref_slice %arg2[%add3A_33] : memref<172032xi32, #tpu.memory_space<hbm>> -> memref<64xi32, #tpu.memory_space<hbm>>
      %dma_start3A_230 = tpu.memref_slice %arg2[%add3A_33] : memref<172032xi32, #tpu.memory_space<hbm>> -> memref<64xi32, #tpu.memory_space<hbm>>
      tpu.enqueue_dma source(%dma_start3A_230 : memref<64xi32, #tpu.memory_space<hbm>>) target(%arg7 : memref<64xi32, #tpu.memory_space<vmem>>) target_semaphore(%run_scoped3A : memref<!tpu.dma_semaphore, #tpu.memory_space<semaphore_mem>>)
      %dma_wait3A = tpu.memref_slice %arg2[%add3A_33] : memref<172032xi32, #tpu.memory_space<hbm>> -> memref<64xi32, #tpu.memory_space<hbm>>
      %dma_wait3A_231 = tpu.memref_slice %arg2[%add3A_33] : memref<172032xi32, #tpu.memory_space<hbm>> -> memref<64xi32, #tpu.memory_space<hbm>>
      tpu.wait_dma2 semaphore(%run_scoped3A : memref<!tpu.dma_semaphore, #tpu.memory_space<semaphore_mem>>) src(%dma_wait3A_231 : memref<64xi32, #tpu.memory_space<hbm>>) dst(%arg7 : memref<64xi32, #tpu.memory_space<vmem>>)
      tpu.yield
    }) : () -> ()
    "tpu.region"() ({
      %run_scoped3A = tpu.sem_alloc : memref<!tpu.dma_semaphore, #tpu.memory_space<semaphore_mem>>
      %dma_start3A_229 = tpu.memref_slice %arg3[%add3A_33] : memref<172032xi32, #tpu.memory_space<hbm>> -> memref<64xi32, #tpu.memory_space<hbm>>
      %dma_start3A_230 = tpu.memref_slice %arg3[%add3A_33] : memref<172032xi32, #tpu.memory_space<hbm>> -> memref<64xi32, #tpu.memory_space<hbm>>
      tpu.enqueue_dma source(%dma_start3A_230 : memref<64xi32, #tpu.memory_space<hbm>>) target(%arg11 : memref<64xi32, #tpu.memory_space<vmem>>) target_semaphore(%run_scoped3A : memref<!tpu.dma_semaphore, #tpu.memory_space<semaphore_mem>>)
      %dma_wait3A = tpu.memref_slice %arg3[%add3A_33] : memref<172032xi32, #tpu.memory_space<hbm>> -> memref<64xi32, #tpu.memory_space<hbm>>
      %dma_wait3A_231 = tpu.memref_slice %arg3[%add3A_33] : memref<172032xi32, #tpu.memory_space<hbm>> -> memref<64xi32, #tpu.memory_space<hbm>>
      tpu.wait_dma2 semaphore(%run_scoped3A : memref<!tpu.dma_semaphore, #tpu.memory_space<semaphore_mem>>) src(%dma_wait3A_231 : memref<64xi32, #tpu.memory_space<hbm>>) dst(%arg11 : memref<64xi32, #tpu.memory_space<vmem>>)
      tpu.yield
    }) : () -> ()
    %get3A = arith.constant 0 : index
    %get3A_34 = tpu.vector_load %arg7[%get3A] {strides = array<i32>} : memref<64xi32, #tpu.memory_space<vmem>>, vector<16xi32>,
    %mul3A_35 = arith.constant 10240 : i32
    %mul3A_36 = arith.muli %add3A_3, %mul3A_35 : i32
    %add3A_37 = vector.broadcast %mul3A_36 : i32 to vector<16xi32>
    %add3A_38 = arith.addi %get3A_34, %add3A_37 : vector<16xi32>
    %swap3A = arith.constant 0 : index
    %swap3A_39 = tpu.vector_load %arg7[%swap3A] {strides = array<i32>} : memref<64xi32, #tpu.memory_space<vmem>>, vector<16xi32>,
    tpu.vector_store %arg7[%swap3A], %add3A_38 {strides = array<i32>} : memref<64xi32, #tpu.memory_space<vmem>>, vector<16xi32>,
    %get3A_40 = arith.constant 0 : index
    %get3A_41 = tpu.vector_load %arg11[%get3A_40] {strides = array<i32>} : memref<64xi32, #tpu.memory_space<vmem>>, vector<16xi32>,
    %mul3A_42 = arith.constant 10240 : i32
    %mul3A_43 = arith.muli %add3A_3, %mul3A_42 : i32
    %add3A_44 = vector.broadcast %mul3A_43 : i32 to vector<16xi32>
    %add3A_45 = arith.addi %get3A_41, %add3A_44 : vector<16xi32>
    %swap3A_46 = arith.constant 0 : index
    %swap3A_47 = tpu.vector_load %arg9[%swap3A_46] {strides = array<i32>} : memref<64xi32, #tpu.memory_space<vmem>>, vector<16xi32>,
    tpu.vector_store %arg9[%swap3A_46], %add3A_45 {strides = array<i32>} : memref<64xi32, #tpu.memory_space<vmem>>, vector<16xi32>,
    %get3A_48 = arith.constant 16 : index
    %get3A_49 = tpu.vector_load %arg7[%get3A_48] {strides = array<i32>} : memref<64xi32, #tpu.memory_space<vmem>>, vector<16xi32>,
    %mul3A_50 = arith.constant 10240 : i32
    %mul3A_51 = arith.muli %add3A_3, %mul3A_50 : i32
    %add3A_52 = vector.broadcast %mul3A_51 : i32 to vector<16xi32>
    %add3A_53 = arith.addi %get3A_49, %add3A_52 : vector<16xi32>
    %swap3A_54 = arith.constant 16 : index
    %swap3A_55 = tpu.vector_load %arg7[%swap3A_54] {strides = array<i32>} : memref<64xi32, #tpu.memory_space<vmem>>, vector<16xi32>,
    tpu.vector_store %arg7[%swap3A_54], %add3A_53 {strides = array<i32>} : memref<64xi32, #tpu.memory_space<vmem>>, vector<16xi32>,
    %get3A_56 = arith.constant 16 : index
    %get3A_57 = tpu.vector_load %arg11[%get3A_56] {strides = array<i32>} : memref<64xi32, #tpu.memory_space<vmem>>, vector<16xi32>,
    %mul3A_58 = arith.constant 10240 : i32
    %mul3A_59 = arith.muli %add3A_3, %mul3A_58 : i32
    %add3A_60 = vector.broadcast %mul3A_59 : i32 to vector<16xi32>
    %add3A_61 = arith.addi %get3A_57, %add3A_60 : vector<16xi32>
    %swap3A_62 = arith.constant 16 : index
    %swap3A_63 = tpu.vector_load %arg9[%swap3A_62] {strides = array<i32>} : memref<64xi32, #tpu.memory_space<vmem>>, vector<16xi32>,
    tpu.vector_store %arg9[%swap3A_62], %add3A_61 {strides = array<i32>} : memref<64xi32, #tpu.memory_space<vmem>>, vector<16xi32>,
    %get3A_64 = arith.constant 32 : index
    %get3A_65 = tpu.vector_load %arg7[%get3A_64] {strides = array<i32>} : memref<64xi32, #tpu.memory_space<vmem>>, vector<16xi32>,
    %mul3A_66 = arith.constant 10240 : i32
    %mul3A_67 = arith.muli %add3A_3, %mul3A_66 : i32
    %add3A_68 = vector.broadcast %mul3A_67 : i32 to vector<16xi32>
    %add3A_69 = arith.addi %get3A_65, %add3A_68 : vector<16xi32>
    %swap3A_70 = arith.constant 32 : index
    %swap3A_71 = tpu.vector_load %arg7[%swap3A_70] {strides = array<i32>} : memref<64xi32, #tpu.memory_space<vmem>>, vector<16xi32>,
    tpu.vector_store %arg7[%swap3A_70], %add3A_69 {strides = array<i32>} : memref<64xi32, #tpu.memory_space<vmem>>, vector<16xi32>,
    %get3A_72 = arith.constant 32 : index
    %get3A_73 = tpu.vector_load %arg11[%get3A_72] {strides = array<i32>} : memref<64xi32, #tpu.memory_space<vmem>>, vector<16xi32>,
    %mul3A_74 = arith.constant 10240 : i32
    %mul3A_75 = arith.muli %add3A_3, %mul3A_74 : i32
    %add3A_76 = vector.broadcast %mul3A_75 : i32 to vector<16xi32>
    %add3A_77 = arith.addi %get3A_73, %add3A_76 : vector<16xi32>
    %swap3A_78 = arith.constant 32 : index
    %swap3A_79 = tpu.vector_load %arg9[%swap3A_78] {strides = array<i32>} : memref<64xi32, #tpu.memory_space<vmem>>, vector<16xi32>,
    tpu.vector_store %arg9[%swap3A_78], %add3A_77 {strides = array<i32>} : memref<64xi32, #tpu.memory_space<vmem>>, vector<16xi32>,
    %get3A_80 = arith.constant 48 : index
    %get3A_81 = tpu.vector_load %arg7[%get3A_80] {strides = array<i32>} : memref<64xi32, #tpu.memory_space<vmem>>, vector<16xi32>,
    %mul3A_82 = arith.constant 10240 : i32
    %mul3A_83 = arith.muli %add3A_3, %mul3A_82 : i32
    %add3A_84 = vector.broadcast %mul3A_83 : i32 to vector<16xi32>
    %add3A_85 = arith.addi %get3A_81, %add3A_84 : vector<16xi32>
    %swap3A_86 = arith.constant 48 : index
    %swap3A_87 = tpu.vector_load %arg7[%swap3A_86] {strides = array<i32>} : memref<64xi32, #tpu.memory_space<vmem>>, vector<16xi32>,
    tpu.vector_store %arg7[%swap3A_86], %add3A_85 {strides = array<i32>} : memref<64xi32, #tpu.memory_space<vmem>>, vector<16xi32>,
    %get3A_88 = arith.constant 48 : index
    %get3A_89 = tpu.vector_load %arg11[%get3A_88] {strides = array<i32>} : memref<64xi32, #tpu.memory_space<vmem>>, vector<16xi32>,
    %mul3A_90 = arith.constant 10240 : i32
    %mul3A_91 = arith.muli %add3A_3, %mul3A_90 : i32
    %add3A_92 = vector.broadcast %mul3A_91 : i32 to vector<16xi32>
    %add3A_93 = arith.addi %get3A_89, %add3A_92 : vector<16xi32>
    %swap3A_94 = arith.constant 48 : index
    %swap3A_95 = tpu.vector_load %arg9[%swap3A_94] {strides = array<i32>} : memref<64xi32, #tpu.memory_space<vmem>>, vector<16xi32>,
    tpu.vector_store %arg9[%swap3A_94], %add3A_93 {strides = array<i32>} : memref<64xi32, #tpu.memory_space<vmem>>, vector<16xi32>,
    %dma_start3A = arith.constant 0 : i32
    %dma_start3A_96 = arith.constant 0 : i32
    %dma_start3A_97 = tpu.memref_slice %arg4[%dma_start3A, %dma_start3A_96] : memref<40960x128xf32, #tpu.memory_space<hbm>> -> memref<40960x128xf32, #tpu.memory_space<hbm>>
    tpu.enqueue_indirect_dma source(%dma_start3A_97 : memref<40960x128xf32, #tpu.memory_space<hbm>>) target(%arg13 : memref<64x128xf32, #tpu.memory_space<vmem>>) offsets(%arg7 : memref<64xi32, #tpu.memory_space<vmem>>) semaphore(%arg19 : memref<!tpu.dma_semaphore, #tpu.memory_space<semaphore_mem>>)
    %dma_start3A_98 = arith.constant 0 : i32
    %dma_start3A_99 = arith.constant 0 : i32
    %dma_start3A_100 = tpu.memref_slice %arg5[%dma_start3A_98, %dma_start3A_99] : memref<40960x128xf32, #tpu.memory_space<hbm>> -> memref<40960x128xf32, #tpu.memory_space<hbm>>
    tpu.enqueue_indirect_dma source(%dma_start3A_100 : memref<40960x128xf32, #tpu.memory_space<hbm>>) target(%arg15 : memref<64x128xf32, #tpu.memory_space<vmem>>) offsets(%arg9 : memref<64xi32, #tpu.memory_space<vmem>>) semaphore(%arg19 : memref<!tpu.dma_semaphore, #tpu.memory_space<semaphore_mem>>)
    %scan3A_101 = arith.constant 0 : i32
    %scan3A_102 = arith.constant 0 : i32
    %scan3A_103 = arith.constant 84 : i32
    %scan3A_104 = arith.addi %scan3A_102, %scan3A_103 : i32
    %scan3A_105 = arith.constant 1 : i32
    %scan3A_106 = scf.for %scan3A_229 = %scan3A_102 to %scan3A_104 step %scan3A_105 iter_args(%scan3A_230 = %scan3A_101) -> (i32)  : i32 {
      %mul3A_231 = arith.constant 2 : i32
      %mul3A_232 = arith.muli %mul3A_231, %scan3A_229 : i32
      %add3A_233 = arith.constant 0 : i32
      %add3A_234 = arith.addi %mul3A_232, %add3A_233 : i32
      %add3A_235 = arith.constant 1 : i32
      %add3A_236 = arith.addi %add3A_234, %add3A_235 : i32
      %lt3A = arith.constant 168 : i32
      %lt3A_237 = arith.cmpi slt, %add3A_236, %lt3A : i32
      %convert_element_type3A = arith.extui %lt3A_237 : i1 to i32
      %cond3A = arith.constant 0 : i32
      %cond3A_238 = arith.cmpi ne, %convert_element_type3A, %cond3A : i32
      scf.if %cond3A_238 {
        %add3A_276 = arith.constant 1 : i32
        %add3A_277 = arith.addi %add3A_234, %add3A_276 : i32
        %mul3A_278 = arith.constant 10752 : i32
        %mul3A_279 = arith.muli %arg1, %mul3A_278 : i32
        %mul3A_280 = arith.constant 64 : i32
        %mul3A_281 = arith.muli %add3A_277, %mul3A_280 : i32
        %add3A_282 = arith.addi %mul3A_279, %mul3A_281 : i32
        "tpu.region"() ({
          %run_scoped3A = tpu.sem_alloc : memref<!tpu.dma_semaphore, #tpu.memory_space<semaphore_mem>>
          %dma_start3A_353 = tpu.memref_slice %arg2[%add3A_282] : memref<172032xi32, #tpu.memory_space<hbm>> -> memref<64xi32, #tpu.memory_space<hbm>>
          %dma_start3A_354 = tpu.memref_slice %arg2[%add3A_282] : memref<172032xi32, #tpu.memory_space<hbm>> -> memref<64xi32, #tpu.memory_space<hbm>>
          tpu.enqueue_dma source(%dma_start3A_354 : memref<64xi32, #tpu.memory_space<hbm>>) target(%arg8 : memref<64xi32, #tpu.memory_space<vmem>>) target_semaphore(%run_scoped3A : memref<!tpu.dma_semaphore, #tpu.memory_space<semaphore_mem>>)
          %dma_wait3A_355 = tpu.memref_slice %arg2[%add3A_282] : memref<172032xi32, #tpu.memory_space<hbm>> -> memref<64xi32, #tpu.memory_space<hbm>>
          %dma_wait3A_356 = tpu.memref_slice %arg2[%add3A_282] : memref<172032xi32, #tpu.memory_space<hbm>> -> memref<64xi32, #tpu.memory_space<hbm>>
          tpu.wait_dma2 semaphore(%run_scoped3A : memref<!tpu.dma_semaphore, #tpu.memory_space<semaphore_mem>>) src(%dma_wait3A_356 : memref<64xi32, #tpu.memory_space<hbm>>) dst(%arg8 : memref<64xi32, #tpu.memory_space<vmem>>)
          tpu.yield
        }) : () -> ()
        "tpu.region"() ({
          %run_scoped3A = tpu.sem_alloc : memref<!tpu.dma_semaphore, #tpu.memory_space<semaphore_mem>>
          %dma_start3A_353 = tpu.memref_slice %arg3[%add3A_282] : memref<172032xi32, #tpu.memory_space<hbm>> -> memref<64xi32, #tpu.memory_space<hbm>>
          %dma_start3A_354 = tpu.memref_slice %arg3[%add3A_282] : memref<172032xi32, #tpu.memory_space<hbm>> -> memref<64xi32, #tpu.memory_space<hbm>>
          tpu.enqueue_dma source(%dma_start3A_354 : memref<64xi32, #tpu.memory_space<hbm>>) target(%arg12 : memref<64xi32, #tpu.memory_space<vmem>>) target_semaphore(%run_scoped3A : memref<!tpu.dma_semaphore, #tpu.memory_space<semaphore_mem>>)
          %dma_wait3A_355 = tpu.memref_slice %arg3[%add3A_282] : memref<172032xi32, #tpu.memory_space<hbm>> -> memref<64xi32, #tpu.memory_space<hbm>>
          %dma_wait3A_356 = tpu.memref_slice %arg3[%add3A_282] : memref<172032xi32, #tpu.memory_space<hbm>> -> memref<64xi32, #tpu.memory_space<hbm>>
          tpu.wait_dma2 semaphore(%run_scoped3A : memref<!tpu.dma_semaphore, #tpu.memory_space<semaphore_mem>>) src(%dma_wait3A_356 : memref<64xi32, #tpu.memory_space<hbm>>) dst(%arg12 : memref<64xi32, #tpu.memory_space<vmem>>)
          tpu.yield
        }) : () -> ()
        %get3A_283 = arith.constant 0 : index
        %get3A_284 = tpu.vector_load %arg8[%get3A_283] {strides = array<i32>} : memref<64xi32, #tpu.memory_space<vmem>>, vector<16xi32>,
        %mul3A_285 = arith.constant 10240 : i32
        %mul3A_286 = arith.muli %add3A_3, %mul3A_285 : i32
        %add3A_287 = vector.broadcast %mul3A_286 : i32 to vector<16xi32>
        %add3A_288 = arith.addi %get3A_284, %add3A_287 : vector<16xi32>
        %swap3A_289 = arith.constant 0 : index
        %swap3A_290 = tpu.vector_load %arg8[%swap3A_289] {strides = array<i32>} : memref<64xi32, #tpu.memory_space<vmem>>, vector<16xi32>,
        tpu.vector_store %arg8[%swap3A_289], %add3A_288 {strides = array<i32>} : memref<64xi32, #tpu.memory_space<vmem>>, vector<16xi32>,
        %get3A_291 = arith.constant 0 : index
        %get3A_292 = tpu.vector_load %arg12[%get3A_291] {strides = array<i32>} : memref<64xi32, #tpu.memory_space<vmem>>, vector<16xi32>,
        %mul3A_293 = arith.constant 10240 : i32
        %mul3A_294 = arith.muli %add3A_3, %mul3A_293 : i32
        %add3A_295 = vector.broadcast %mul3A_294 : i32 to vector<16xi32>
        %add3A_296 = arith.addi %get3A_292, %add3A_295 : vector<16xi32>
        %swap3A_297 = arith.constant 0 : index
        %swap3A_298 = tpu.vector_load %arg10[%swap3A_297] {strides = array<i32>} : memref<64xi32, #tpu.memory_space<vmem>>, vector<16xi32>,
        tpu.vector_store %arg10[%swap3A_297], %add3A_296 {strides = array<i32>} : memref<64xi32, #tpu.memory_space<vmem>>, vector<16xi32>,
        %get3A_299 = arith.constant 16 : index
        %get3A_300 = tpu.vector_load %arg8[%get3A_299] {strides = array<i32>} : memref<64xi32, #tpu.memory_space<vmem>>, vector<16xi32>,
        %mul3A_301 = arith.constant 10240 : i32
        %mul3A_302 = arith.muli %add3A_3, %mul3A_301 : i32
        %add3A_303 = vector.broadcast %mul3A_302 : i32 to vector<16xi32>
        %add3A_304 = arith.addi %get3A_300, %add3A_303 : vector<16xi32>
        %swap3A_305 = arith.constant 16 : index
        %swap3A_306 = tpu.vector_load %arg8[%swap3A_305] {strides = array<i32>} : memref<64xi32, #tpu.memory_space<vmem>>, vector<16xi32>,
        tpu.vector_store %arg8[%swap3A_305], %add3A_304 {strides = array<i32>} : memref<64xi32, #tpu.memory_space<vmem>>, vector<16xi32>,
        %get3A_307 = arith.constant 16 : index
        %get3A_308 = tpu.vector_load %arg12[%get3A_307] {strides = array<i32>} : memref<64xi32, #tpu.memory_space<vmem>>, vector<16xi32>,
        %mul3A_309 = arith.constant 10240 : i32
        %mul3A_310 = arith.muli %add3A_3, %mul3A_309 : i32
        %add3A_311 = vector.broadcast %mul3A_310 : i32 to vector<16xi32>
        %add3A_312 = arith.addi %get3A_308, %add3A_311 : vector<16xi32>
        %swap3A_313 = arith.constant 16 : index
        %swap3A_314 = tpu.vector_load %arg10[%swap3A_313] {strides = array<i32>} : memref<64xi32, #tpu.memory_space<vmem>>, vector<16xi32>,
        tpu.vector_store %arg10[%swap3A_313], %add3A_312 {strides = array<i32>} : memref<64xi32, #tpu.memory_space<vmem>>, vector<16xi32>,
        %get3A_315 = arith.constant 32 : index
        %get3A_316 = tpu.vector_load %arg8[%get3A_315] {strides = array<i32>} : memref<64xi32, #tpu.memory_space<vmem>>, vector<16xi32>,
        %mul3A_317 = arith.constant 10240 : i32
        %mul3A_318 = arith.muli %add3A_3, %mul3A_317 : i32
        %add3A_319 = vector.broadcast %mul3A_318 : i32 to vector<16xi32>
        %add3A_320 = arith.addi %get3A_316, %add3A_319 : vector<16xi32>
        %swap3A_321 = arith.constant 32 : index
        %swap3A_322 = tpu.vector_load %arg8[%swap3A_321] {strides = array<i32>} : memref<64xi32, #tpu.memory_space<vmem>>, vector<16xi32>,
        tpu.vector_store %arg8[%swap3A_321], %add3A_320 {strides = array<i32>} : memref<64xi32, #tpu.memory_space<vmem>>, vector<16xi32>,
        %get3A_323 = arith.constant 32 : index
        %get3A_324 = tpu.vector_load %arg12[%get3A_323] {strides = array<i32>} : memref<64xi32, #tpu.memory_space<vmem>>, vector<16xi32>,
        %mul3A_325 = arith.constant 10240 : i32
        %mul3A_326 = arith.muli %add3A_3, %mul3A_325 : i32
        %add3A_327 = vector.broadcast %mul3A_326 : i32 to vector<16xi32>
        %add3A_328 = arith.addi %get3A_324, %add3A_327 : vector<16xi32>
        %swap3A_329 = arith.constant 32 : index
        %swap3A_330 = tpu.vector_load %arg10[%swap3A_329] {strides = array<i32>} : memref<64xi32, #tpu.memory_space<vmem>>, vector<16xi32>,
        tpu.vector_store %arg10[%swap3A_329], %add3A_328 {strides = array<i32>} : memref<64xi32, #tpu.memory_space<vmem>>, vector<16xi32>,
        %get3A_331 = arith.constant 48 : index
        %get3A_332 = tpu.vector_load %arg8[%get3A_331] {strides = array<i32>} : memref<64xi32, #tpu.memory_space<vmem>>, vector<16xi32>,
        %mul3A_333 = arith.constant 10240 : i32
        %mul3A_334 = arith.muli %add3A_3, %mul3A_333 : i32
        %add3A_335 = vector.broadcast %mul3A_334 : i32 to vector<16xi32>
        %add3A_336 = arith.addi %get3A_332, %add3A_335 : vector<16xi32>
        %swap3A_337 = arith.constant 48 : index
        %swap3A_338 = tpu.vector_load %arg8[%swap3A_337] {strides = array<i32>} : memref<64xi32, #tpu.memory_space<vmem>>, vector<16xi32>,
        tpu.vector_store %arg8[%swap3A_337], %add3A_336 {strides = array<i32>} : memref<64xi32, #tpu.memory_space<vmem>>, vector<16xi32>,
        %get3A_339 = arith.constant 48 : index
        %get3A_340 = tpu.vector_load %arg12[%get3A_339] {strides = array<i32>} : memref<64xi32, #tpu.memory_space<vmem>>, vector<16xi32>,
        %mul3A_341 = arith.constant 10240 : i32
        %mul3A_342 = arith.muli %add3A_3, %mul3A_341 : i32
        %add3A_343 = vector.broadcast %mul3A_342 : i32 to vector<16xi32>
        %add3A_344 = arith.addi %get3A_340, %add3A_343 : vector<16xi32>
        %swap3A_345 = arith.constant 48 : index
        %swap3A_346 = tpu.vector_load %arg10[%swap3A_345] {strides = array<i32>} : memref<64xi32, #tpu.memory_space<vmem>>, vector<16xi32>,
        tpu.vector_store %arg10[%swap3A_345], %add3A_344 {strides = array<i32>} : memref<64xi32, #tpu.memory_space<vmem>>, vector<16xi32>,
        %dma_start3A_347 = arith.constant 0 : i32
        %dma_start3A_348 = arith.constant 0 : i32
        %dma_start3A_349 = tpu.memref_slice %arg4[%dma_start3A_347, %dma_start3A_348] : memref<40960x128xf32, #tpu.memory_space<hbm>> -> memref<40960x128xf32, #tpu.memory_space<hbm>>
        tpu.enqueue_indirect_dma source(%dma_start3A_349 : memref<40960x128xf32, #tpu.memory_space<hbm>>) target(%arg14 : memref<64x128xf32, #tpu.memory_space<vmem>>) offsets(%arg8 : memref<64xi32, #tpu.memory_space<vmem>>) semaphore(%arg20 : memref<!tpu.dma_semaphore, #tpu.memory_space<semaphore_mem>>)
        %dma_start3A_350 = arith.constant 0 : i32
        %dma_start3A_351 = arith.constant 0 : i32
        %dma_start3A_352 = tpu.memref_slice %arg5[%dma_start3A_350, %dma_start3A_351] : memref<40960x128xf32, #tpu.memory_space<hbm>> -> memref<40960x128xf32, #tpu.memory_space<hbm>>
        tpu.enqueue_indirect_dma source(%dma_start3A_352 : memref<40960x128xf32, #tpu.memory_space<hbm>>) target(%arg16 : memref<64x128xf32, #tpu.memory_space<vmem>>) offsets(%arg10 : memref<64xi32, #tpu.memory_space<vmem>>) semaphore(%arg20 : memref<!tpu.dma_semaphore, #tpu.memory_space<semaphore_mem>>)
      } else {
      }
      %dma_wait3A = arith.constant 0 : i32
      %dma_wait3A_239 = arith.constant 0 : i32
      %dma_wait3A_240 = tpu.memref_slice %arg4[%dma_wait3A, %dma_wait3A_239] : memref<40960x128xf32, #tpu.memory_space<hbm>> -> memref<40960x128xf32, #tpu.memory_space<hbm>>
      tpu.wait_indirect_dma semaphore(%arg19 : memref<!tpu.dma_semaphore, #tpu.memory_space<semaphore_mem>>) src(%dma_wait3A_240 : memref<40960x128xf32, #tpu.memory_space<hbm>>) dst(%arg13 : memref<64x128xf32, #tpu.memory_space<vmem>>)
      %dma_wait3A_241 = arith.constant 0 : i32
      %dma_wait3A_242 = arith.constant 0 : i32
      %dma_wait3A_243 = tpu.memref_slice %arg5[%dma_wait3A_241, %dma_wait3A_242] : memref<40960x128xf32, #tpu.memory_space<hbm>> -> memref<40960x128xf32, #tpu.memory_space<hbm>>
      tpu.wait_indirect_dma semaphore(%arg19 : memref<!tpu.dma_semaphore, #tpu.memory_space<semaphore_mem>>) src(%dma_wait3A_243 : memref<40960x128xf32, #tpu.memory_space<hbm>>) dst(%arg15 : memref<64x128xf32, #tpu.memory_space<vmem>>)
      %scan3A_244 = arith.constant 0 : i32
      %scan3A_245 = arith.constant 0 : i32
      %scan3A_246 = arith.constant 64 : i32
      %scan3A_247 = arith.addi %scan3A_245, %scan3A_246 : i32
      %scan3A_248 = arith.constant 1 : i32
      %scan3A_249 = scf.for %scan3A_276 = %scan3A_245 to %scan3A_247 step %scan3A_248 iter_args(%scan3A_277 = %scan3A_244) -> (i32)  : i32 {
        %get3A_278 = arith.index_cast %scan3A_276 : i32 to index
        %get3A_279 = arith.constant 0 : index
        %get3A_280 = tpu.vector_load %arg13[%get3A_278, %get3A_279] {strides = array<i32>} : memref<64x128xf32, #tpu.memory_space<vmem>>, vector<16xf32>,
        %get3A_281 = arith.index_cast %scan3A_276 : i32 to index
        %get3A_282 = arith.constant 0 : index
        %get3A_283 = tpu.vector_load %arg15[%get3A_281, %get3A_282] {strides = array<i32>} : memref<64x128xf32, #tpu.memory_space<vmem>>, vector<16xf32>,
        %add3A_284 = arith.addf %get3A_280, %get3A_283 : vector<16xf32>
        %exp3A = math.exp %add3A_284 : vector<16xf32>
        %swap3A_285 = arith.index_cast %scan3A_276 : i32 to index
        %swap3A_286 = arith.constant 0 : index
        %swap3A_287 = tpu.vector_load %arg17[%swap3A_285, %swap3A_286] {strides = array<i32>} : memref<64x128xf32, #tpu.memory_space<vmem>>, vector<16xf32>,
        tpu.vector_store %arg17[%swap3A_285, %swap3A_286], %exp3A {strides = array<i32>} : memref<64x128xf32, #tpu.memory_space<vmem>>, vector<16xf32>,
        %get3A_288 = arith.index_cast %scan3A_276 : i32 to index
        %get3A_289 = arith.constant 64 : index
        %get3A_290 = tpu.vector_load %arg13[%get3A_288, %get3A_289] {strides = array<i32>} : memref<64x128xf32, #tpu.memory_space<vmem>>, vector<16xf32>,
        %get3A_291 = arith.index_cast %scan3A_276 : i32 to index
        %get3A_292 = arith.constant 64 : index
        %get3A_293 = tpu.vector_load %arg15[%get3A_291, %get3A_292] {strides = array<i32>} : memref<64x128xf32, #tpu.memory_space<vmem>>, vector<16xf32>,
        %add3A_294 = arith.addf %get3A_290, %get3A_293 : vector<16xf32>
        %mul3A_295 = arith.mulf %exp3A, %add3A_294 : vector<16xf32>
        %swap3A_296 = arith.index_cast %scan3A_276 : i32 to index
        %swap3A_297 = arith.constant 64 : index
        %swap3A_298 = tpu.vector_load %arg17[%swap3A_296, %swap3A_297] {strides = array<i32>} : memref<64x128xf32, #tpu.memory_space<vmem>>, vector<16xf32>,
        tpu.vector_store %arg17[%swap3A_296, %swap3A_297], %mul3A_295 {strides = array<i32>} : memref<64x128xf32, #tpu.memory_space<vmem>>, vector<16xf32>,
        %get3A_299 = arith.index_cast %scan3A_276 : i32 to index
        %get3A_300 = arith.constant 16 : index
        %get3A_301 = tpu.vector_load %arg13[%get3A_299, %get3A_300] {strides = array<i32>} : memref<64x128xf32, #tpu.memory_space<vmem>>, vector<16xf32>,
        %get3A_302 = arith.index_cast %scan3A_276 : i32 to index
        %get3A_303 = arith.constant 16 : index
        %get3A_304 = tpu.vector_load %arg15[%get3A_302, %get3A_303] {strides = array<i32>} : memref<64x128xf32, #tpu.memory_space<vmem>>, vector<16xf32>,
        %add3A_305 = arith.addf %get3A_301, %get3A_304 : vector<16xf32>
        %exp3A_306 = math.exp %add3A_305 : vector<16xf32>
        %swap3A_307 = arith.index_cast %scan3A_276 : i32 to index
        %swap3A_308 = arith.constant 16 : index
        %swap3A_309 = tpu.vector_load %arg17[%swap3A_307, %swap3A_308] {strides = array<i32>} : memref<64x128xf32, #tpu.memory_space<vmem>>, vector<16xf32>,
        tpu.vector_store %arg17[%swap3A_307, %swap3A_308], %exp3A_306 {strides = array<i32>} : memref<64x128xf32, #tpu.memory_space<vmem>>, vector<16xf32>,
        %get3A_310 = arith.index_cast %scan3A_276 : i32 to index
        %get3A_311 = arith.constant 80 : index
        %get3A_312 = tpu.vector_load %arg13[%get3A_310, %get3A_311] {strides = array<i32>} : memref<64x128xf32, #tpu.memory_space<vmem>>, vector<16xf32>,
        %get3A_313 = arith.index_cast %scan3A_276 : i32 to index
        %get3A_314 = arith.constant 80 : index
        %get3A_315 = tpu.vector_load %arg15[%get3A_313, %get3A_314] {strides = array<i32>} : memref<64x128xf32, #tpu.memory_space<vmem>>, vector<16xf32>,
        %add3A_316 = arith.addf %get3A_312, %get3A_315 : vector<16xf32>
        %mul3A_317 = arith.mulf %exp3A_306, %add3A_316 : vector<16xf32>
        %swap3A_318 = arith.index_cast %scan3A_276 : i32 to index
        %swap3A_319 = arith.constant 80 : index
        %swap3A_320 = tpu.vector_load %arg17[%swap3A_318, %swap3A_319] {strides = array<i32>} : memref<64x128xf32, #tpu.memory_space<vmem>>, vector<16xf32>,
        tpu.vector_store %arg17[%swap3A_318, %swap3A_319], %mul3A_317 {strides = array<i32>} : memref<64x128xf32, #tpu.memory_space<vmem>>, vector<16xf32>,
        %get3A_321 = arith.index_cast %scan3A_276 : i32 to index
        %get3A_322 = arith.constant 32 : index
        %get3A_323 = tpu.vector_load %arg13[%get3A_321, %get3A_322] {strides = array<i32>} : memref<64x128xf32, #tpu.memory_space<vmem>>, vector<16xf32>,
        %get3A_324 = arith.index_cast %scan3A_276 : i32 to index
        %get3A_325 = arith.constant 32 : index
        %get3A_326 = tpu.vector_load %arg15[%get3A_324, %get3A_325] {strides = array<i32>} : memref<64x128xf32, #tpu.memory_space<vmem>>, vector<16xf32>,
        %add3A_327 = arith.addf %get3A_323, %get3A_326 : vector<16xf32>
        %exp3A_328 = math.exp %add3A_327 : vector<16xf32>
        %swap3A_329 = arith.index_cast %scan3A_276 : i32 to index
        %swap3A_330 = arith.constant 32 : index
        %swap3A_331 = tpu.vector_load %arg17[%swap3A_329, %swap3A_330] {strides = array<i32>} : memref<64x128xf32, #tpu.memory_space<vmem>>, vector<16xf32>,
        tpu.vector_store %arg17[%swap3A_329, %swap3A_330], %exp3A_328 {strides = array<i32>} : memref<64x128xf32, #tpu.memory_space<vmem>>, vector<16xf32>,
        %get3A_332 = arith.index_cast %scan3A_276 : i32 to index
        %get3A_333 = arith.constant 96 : index
        %get3A_334 = tpu.vector_load %arg13[%get3A_332, %get3A_333] {strides = array<i32>} : memref<64x128xf32, #tpu.memory_space<vmem>>, vector<16xf32>,
        %get3A_335 = arith.index_cast %scan3A_276 : i32 to index
        %get3A_336 = arith.constant 96 : index
        %get3A_337 = tpu.vector_load %arg15[%get3A_335, %get3A_336] {strides = array<i32>} : memref<64x128xf32, #tpu.memory_space<vmem>>, vector<16xf32>,
        %add3A_338 = arith.addf %get3A_334, %get3A_337 : vector<16xf32>
        %mul3A_339 = arith.mulf %exp3A_328, %add3A_338 : vector<16xf32>
        %swap3A_340 = arith.index_cast %scan3A_276 : i32 to index
        %swap3A_341 = arith.constant 96 : index
        %swap3A_342 = tpu.vector_load %arg17[%swap3A_340, %swap3A_341] {strides = array<i32>} : memref<64x128xf32, #tpu.memory_space<vmem>>, vector<16xf32>,
        tpu.vector_store %arg17[%swap3A_340, %swap3A_341], %mul3A_339 {strides = array<i32>} : memref<64x128xf32, #tpu.memory_space<vmem>>, vector<16xf32>,
        %get3A_343 = arith.index_cast %scan3A_276 : i32 to index
        %get3A_344 = arith.constant 48 : index
        %get3A_345 = tpu.vector_load %arg13[%get3A_343, %get3A_344] {strides = array<i32>} : memref<64x128xf32, #tpu.memory_space<vmem>>, vector<16xf32>,
        %get3A_346 = arith.index_cast %scan3A_276 : i32 to index
        %get3A_347 = arith.constant 48 : index
        %get3A_348 = tpu.vector_load %arg15[%get3A_346, %get3A_347] {strides = array<i32>} : memref<64x128xf32, #tpu.memory_space<vmem>>, vector<16xf32>,
        %add3A_349 = arith.addf %get3A_345, %get3A_348 : vector<16xf32>
        %exp3A_350 = math.exp %add3A_349 : vector<16xf32>
        %swap3A_351 = arith.index_cast %scan3A_276 : i32 to index
        %swap3A_352 = arith.constant 48 : index
        %swap3A_353 = tpu.vector_load %arg17[%swap3A_351, %swap3A_352] {strides = array<i32>} : memref<64x128xf32, #tpu.memory_space<vmem>>, vector<16xf32>,
        tpu.vector_store %arg17[%swap3A_351, %swap3A_352], %exp3A_350 {strides = array<i32>} : memref<64x128xf32, #tpu.memory_space<vmem>>, vector<16xf32>,
        %get3A_354 = arith.index_cast %scan3A_276 : i32 to index
        %get3A_355 = arith.constant 112 : index
        %get3A_356 = tpu.vector_load %arg13[%get3A_354, %get3A_355] {strides = array<i32>} : memref<64x128xf32, #tpu.memory_space<vmem>>, vector<16xf32>,
        %get3A_357 = arith.index_cast %scan3A_276 : i32 to index
        %get3A_358 = arith.constant 112 : index
        %get3A_359 = tpu.vector_load %arg15[%get3A_357, %get3A_358] {strides = array<i32>} : memref<64x128xf32, #tpu.memory_space<vmem>>, vector<16xf32>,
        %add3A_360 = arith.addf %get3A_356, %get3A_359 : vector<16xf32>
        %mul3A_361 = arith.mulf %exp3A_350, %add3A_360 : vector<16xf32>
        %swap3A_362 = arith.index_cast %scan3A_276 : i32 to index
        %swap3A_363 = arith.constant 112 : index
        %swap3A_364 = tpu.vector_load %arg17[%swap3A_362, %swap3A_363] {strides = array<i32>} : memref<64x128xf32, #tpu.memory_space<vmem>>, vector<16xf32>,
        tpu.vector_store %arg17[%swap3A_362, %swap3A_363], %mul3A_361 {strides = array<i32>} : memref<64x128xf32, #tpu.memory_space<vmem>>, vector<16xf32>,
        %scan3A_365 = arith.constant 0 : i32
        scf.yield %scan3A_365 : i32
      }
      %scan3A_250 = arith.constant 64 : i32
      "tpu.region"() ({
        %run_scoped3A = tpu.sem_alloc : memref<!tpu.dma_semaphore, #tpu.memory_space<semaphore_mem>>
        %dma_start3A_276 = arith.constant 0 : i32
        %dma_start3A_277 = arith.constant 0 : i32
        %dma_start3A_278 = tpu.memref_slice %arg18[%dma_start3A_276, %dma_start3A_277] : memref<10240x128xf32, #tpu.memory_space<vmem_shared>> -> memref<10240x128xf32, #tpu.memory_space<vmem_shared>>
        tpu.enqueue_indirect_dma source(%arg17 : memref<64x128xf32, #tpu.memory_space<vmem>>) target(%dma_start3A_278 : memref<10240x128xf32, #tpu.memory_space<vmem_shared>>) offsets(%arg11 : memref<64xi32, #tpu.memory_space<vmem>>) semaphore(%run_scoped3A : memref<!tpu.dma_semaphore, #tpu.memory_space<semaphore_mem>>) {add = true}
        %dma_wait3A_279 = arith.constant 0 : i32
        %dma_wait3A_280 = arith.constant 0 : i32
        %dma_wait3A_281 = tpu.memref_slice %arg18[%dma_wait3A_279, %dma_wait3A_280] : memref<10240x128xf32, #tpu.memory_space<vmem_shared>> -> memref<10240x128xf32, #tpu.memory_space<vmem_shared>>
        tpu.wait_indirect_dma semaphore(%run_scoped3A : memref<!tpu.dma_semaphore, #tpu.memory_space<semaphore_mem>>) src(%arg17 : memref<64x128xf32, #tpu.memory_space<vmem>>) dst(%dma_wait3A_281 : memref<10240x128xf32, #tpu.memory_space<vmem_shared>>)
        tpu.yield
      }) : () -> ()
      %mul3A_251 = arith.constant 2 : i32
      %mul3A_252 = arith.muli %mul3A_251, %scan3A_229 : i32
      %add3A_253 = arith.constant 1 : i32
      %add3A_254 = arith.addi %mul3A_252, %add3A_253 : i32
      %add3A_255 = arith.constant 1 : i32
      %add3A_256 = arith.addi %add3A_254, %add3A_255 : i32
      %lt3A_257 = arith.constant 168 : i32
      %lt3A_258 = arith.cmpi slt, %add3A_256, %lt3A_257 : i32
      %convert_element_type3A_259 = arith.extui %lt3A_258 : i1 to i32
      %cond3A_260 = arith.constant 0 : i32
      %cond3A_261 = arith.cmpi ne, %convert_element_type3A_259, %cond3A_260 : i32
      scf.if %cond3A_261 {
        %add3A_276 = arith.constant 1 : i32
        %add3A_277 = arith.addi %add3A_254, %add3A_276 : i32
        %mul3A_278 = arith.constant 10752 : i32
        %mul3A_279 = arith.muli %arg1, %mul3A_278 : i32
        %mul3A_280 = arith.constant 64 : i32
        %mul3A_281 = arith.muli %add3A_277, %mul3A_280 : i32
        %add3A_282 = arith.addi %mul3A_279, %mul3A_281 : i32
        "tpu.region"() ({
          %run_scoped3A = tpu.sem_alloc : memref<!tpu.dma_semaphore, #tpu.memory_space<semaphore_mem>>
          %dma_start3A_353 = tpu.memref_slice %arg2[%add3A_282] : memref<172032xi32, #tpu.memory_space<hbm>> -> memref<64xi32, #tpu.memory_space<hbm>>
          %dma_start3A_354 = tpu.memref_slice %arg2[%add3A_282] : memref<172032xi32, #tpu.memory_space<hbm>> -> memref<64xi32, #tpu.memory_space<hbm>>
          tpu.enqueue_dma source(%dma_start3A_354 : memref<64xi32, #tpu.memory_space<hbm>>) target(%arg7 : memref<64xi32, #tpu.memory_space<vmem>>) target_semaphore(%run_scoped3A : memref<!tpu.dma_semaphore, #tpu.memory_space<semaphore_mem>>)
          %dma_wait3A_355 = tpu.memref_slice %arg2[%add3A_282] : memref<172032xi32, #tpu.memory_space<hbm>> -> memref<64xi32, #tpu.memory_space<hbm>>
          %dma_wait3A_356 = tpu.memref_slice %arg2[%add3A_282] : memref<172032xi32, #tpu.memory_space<hbm>> -> memref<64xi32, #tpu.memory_space<hbm>>
          tpu.wait_dma2 semaphore(%run_scoped3A : memref<!tpu.dma_semaphore, #tpu.memory_space<semaphore_mem>>) src(%dma_wait3A_356 : memref<64xi32, #tpu.memory_space<hbm>>) dst(%arg7 : memref<64xi32, #tpu.memory_space<vmem>>)
          tpu.yield
        }) : () -> ()
        "tpu.region"() ({
          %run_scoped3A = tpu.sem_alloc : memref<!tpu.dma_semaphore, #tpu.memory_space<semaphore_mem>>
          %dma_start3A_353 = tpu.memref_slice %arg3[%add3A_282] : memref<172032xi32, #tpu.memory_space<hbm>> -> memref<64xi32, #tpu.memory_space<hbm>>
          %dma_start3A_354 = tpu.memref_slice %arg3[%add3A_282] : memref<172032xi32, #tpu.memory_space<hbm>> -> memref<64xi32, #tpu.memory_space<hbm>>
          tpu.enqueue_dma source(%dma_start3A_354 : memref<64xi32, #tpu.memory_space<hbm>>) target(%arg11 : memref<64xi32, #tpu.memory_space<vmem>>) target_semaphore(%run_scoped3A : memref<!tpu.dma_semaphore, #tpu.memory_space<semaphore_mem>>)
          %dma_wait3A_355 = tpu.memref_slice %arg3[%add3A_282] : memref<172032xi32, #tpu.memory_space<hbm>> -> memref<64xi32, #tpu.memory_space<hbm>>
          %dma_wait3A_356 = tpu.memref_slice %arg3[%add3A_282] : memref<172032xi32, #tpu.memory_space<hbm>> -> memref<64xi32, #tpu.memory_space<hbm>>
          tpu.wait_dma2 semaphore(%run_scoped3A : memref<!tpu.dma_semaphore, #tpu.memory_space<semaphore_mem>>) src(%dma_wait3A_356 : memref<64xi32, #tpu.memory_space<hbm>>) dst(%arg11 : memref<64xi32, #tpu.memory_space<vmem>>)
          tpu.yield
        }) : () -> ()
        %get3A_283 = arith.constant 0 : index
        %get3A_284 = tpu.vector_load %arg7[%get3A_283] {strides = array<i32>} : memref<64xi32, #tpu.memory_space<vmem>>, vector<16xi32>,
        %mul3A_285 = arith.constant 10240 : i32
        %mul3A_286 = arith.muli %add3A_3, %mul3A_285 : i32
        %add3A_287 = vector.broadcast %mul3A_286 : i32 to vector<16xi32>
        %add3A_288 = arith.addi %get3A_284, %add3A_287 : vector<16xi32>
        %swap3A_289 = arith.constant 0 : index
        %swap3A_290 = tpu.vector_load %arg7[%swap3A_289] {strides = array<i32>} : memref<64xi32, #tpu.memory_space<vmem>>, vector<16xi32>,
        tpu.vector_store %arg7[%swap3A_289], %add3A_288 {strides = array<i32>} : memref<64xi32, #tpu.memory_space<vmem>>, vector<16xi32>,
        %get3A_291 = arith.constant 0 : index
        %get3A_292 = tpu.vector_load %arg11[%get3A_291] {strides = array<i32>} : memref<64xi32, #tpu.memory_space<vmem>>, vector<16xi32>,
        %mul3A_293 = arith.constant 10240 : i32
        %mul3A_294 = arith.muli %add3A_3, %mul3A_293 : i32
        %add3A_295 = vector.broadcast %mul3A_294 : i32 to vector<16xi32>
        %add3A_296 = arith.addi %get3A_292, %add3A_295 : vector<16xi32>
        %swap3A_297 = arith.constant 0 : index
        %swap3A_298 = tpu.vector_load %arg9[%swap3A_297] {strides = array<i32>} : memref<64xi32, #tpu.memory_space<vmem>>, vector<16xi32>,
        tpu.vector_store %arg9[%swap3A_297], %add3A_296 {strides = array<i32>} : memref<64xi32, #tpu.memory_space<vmem>>, vector<16xi32>,
        %get3A_299 = arith.constant 16 : index
        %get3A_300 = tpu.vector_load %arg7[%get3A_299] {strides = array<i32>} : memref<64xi32, #tpu.memory_space<vmem>>, vector<16xi32>,
        %mul3A_301 = arith.constant 10240 : i32
        %mul3A_302 = arith.muli %add3A_3, %mul3A_301 : i32
        %add3A_303 = vector.broadcast %mul3A_302 : i32 to vector<16xi32>
        %add3A_304 = arith.addi %get3A_300, %add3A_303 : vector<16xi32>
        %swap3A_305 = arith.constant 16 : index
        %swap3A_306 = tpu.vector_load %arg7[%swap3A_305] {strides = array<i32>} : memref<64xi32, #tpu.memory_space<vmem>>, vector<16xi32>,
        tpu.vector_store %arg7[%swap3A_305], %add3A_304 {strides = array<i32>} : memref<64xi32, #tpu.memory_space<vmem>>, vector<16xi32>,
        %get3A_307 = arith.constant 16 : index
        %get3A_308 = tpu.vector_load %arg11[%get3A_307] {strides = array<i32>} : memref<64xi32, #tpu.memory_space<vmem>>, vector<16xi32>,
        %mul3A_309 = arith.constant 10240 : i32
        %mul3A_310 = arith.muli %add3A_3, %mul3A_309 : i32
        %add3A_311 = vector.broadcast %mul3A_310 : i32 to vector<16xi32>
        %add3A_312 = arith.addi %get3A_308, %add3A_311 : vector<16xi32>
        %swap3A_313 = arith.constant 16 : index
        %swap3A_314 = tpu.vector_load %arg9[%swap3A_313] {strides = array<i32>} : memref<64xi32, #tpu.memory_space<vmem>>, vector<16xi32>,
        tpu.vector_store %arg9[%swap3A_313], %add3A_312 {strides = array<i32>} : memref<64xi32, #tpu.memory_space<vmem>>, vector<16xi32>,
        %get3A_315 = arith.constant 32 : index
        %get3A_316 = tpu.vector_load %arg7[%get3A_315] {strides = array<i32>} : memref<64xi32, #tpu.memory_space<vmem>>, vector<16xi32>,
        %mul3A_317 = arith.constant 10240 : i32
        %mul3A_318 = arith.muli %add3A_3, %mul3A_317 : i32
        %add3A_319 = vector.broadcast %mul3A_318 : i32 to vector<16xi32>
        %add3A_320 = arith.addi %get3A_316, %add3A_319 : vector<16xi32>
        %swap3A_321 = arith.constant 32 : index
        %swap3A_322 = tpu.vector_load %arg7[%swap3A_321] {strides = array<i32>} : memref<64xi32, #tpu.memory_space<vmem>>, vector<16xi32>,
        tpu.vector_store %arg7[%swap3A_321], %add3A_320 {strides = array<i32>} : memref<64xi32, #tpu.memory_space<vmem>>, vector<16xi32>,
        %get3A_323 = arith.constant 32 : index
        %get3A_324 = tpu.vector_load %arg11[%get3A_323] {strides = array<i32>} : memref<64xi32, #tpu.memory_space<vmem>>, vector<16xi32>,
        %mul3A_325 = arith.constant 10240 : i32
        %mul3A_326 = arith.muli %add3A_3, %mul3A_325 : i32
        %add3A_327 = vector.broadcast %mul3A_326 : i32 to vector<16xi32>
        %add3A_328 = arith.addi %get3A_324, %add3A_327 : vector<16xi32>
        %swap3A_329 = arith.constant 32 : index
        %swap3A_330 = tpu.vector_load %arg9[%swap3A_329] {strides = array<i32>} : memref<64xi32, #tpu.memory_space<vmem>>, vector<16xi32>,
        tpu.vector_store %arg9[%swap3A_329], %add3A_328 {strides = array<i32>} : memref<64xi32, #tpu.memory_space<vmem>>, vector<16xi32>,
        %get3A_331 = arith.constant 48 : index
        %get3A_332 = tpu.vector_load %arg7[%get3A_331] {strides = array<i32>} : memref<64xi32, #tpu.memory_space<vmem>>, vector<16xi32>,
        %mul3A_333 = arith.constant 10240 : i32
        %mul3A_334 = arith.muli %add3A_3, %mul3A_333 : i32
        %add3A_335 = vector.broadcast %mul3A_334 : i32 to vector<16xi32>
        %add3A_336 = arith.addi %get3A_332, %add3A_335 : vector<16xi32>
        %swap3A_337 = arith.constant 48 : index
        %swap3A_338 = tpu.vector_load %arg7[%swap3A_337] {strides = array<i32>} : memref<64xi32, #tpu.memory_space<vmem>>, vector<16xi32>,
        tpu.vector_store %arg7[%swap3A_337], %add3A_336 {strides = array<i32>} : memref<64xi32, #tpu.memory_space<vmem>>, vector<16xi32>,
        %get3A_339 = arith.constant 48 : index
        %get3A_340 = tpu.vector_load %arg11[%get3A_339] {strides = array<i32>} : memref<64xi32, #tpu.memory_space<vmem>>, vector<16xi32>,
        %mul3A_341 = arith.constant 10240 : i32
        %mul3A_342 = arith.muli %add3A_3, %mul3A_341 : i32
        %add3A_343 = vector.broadcast %mul3A_342 : i32 to vector<16xi32>
        %add3A_344 = arith.addi %get3A_340, %add3A_343 : vector<16xi32>
        %swap3A_345 = arith.constant 48 : index
        %swap3A_346 = tpu.vector_load %arg9[%swap3A_345] {strides = array<i32>} : memref<64xi32, #tpu.memory_space<vmem>>, vector<16xi32>,
        tpu.vector_store %arg9[%swap3A_345], %add3A_344 {strides = array<i32>} : memref<64xi32, #tpu.memory_space<vmem>>, vector<16xi32>,
        %dma_start3A_347 = arith.constant 0 : i32
        %dma_start3A_348 = arith.constant 0 : i32
        %dma_start3A_349 = tpu.memref_slice %arg4[%dma_start3A_347, %dma_start3A_348] : memref<40960x128xf32, #tpu.memory_space<hbm>> -> memref<40960x128xf32, #tpu.memory_space<hbm>>
        tpu.enqueue_indirect_dma source(%dma_start3A_349 : memref<40960x128xf32, #tpu.memory_space<hbm>>) target(%arg13 : memref<64x128xf32, #tpu.memory_space<vmem>>) offsets(%arg7 : memref<64xi32, #tpu.memory_space<vmem>>) semaphore(%arg19 : memref<!tpu.dma_semaphore, #tpu.memory_space<semaphore_mem>>)
        %dma_start3A_350 = arith.constant 0 : i32
        %dma_start3A_351 = arith.constant 0 : i32
        %dma_start3A_352 = tpu.memref_slice %arg5[%dma_start3A_350, %dma_start3A_351] : memref<40960x128xf32, #tpu.memory_space<hbm>> -> memref<40960x128xf32, #tpu.memory_space<hbm>>
        tpu.enqueue_indirect_dma source(%dma_start3A_352 : memref<40960x128xf32, #tpu.memory_space<hbm>>) target(%arg15 : memref<64x128xf32, #tpu.memory_space<vmem>>) offsets(%arg9 : memref<64xi32, #tpu.memory_space<vmem>>) semaphore(%arg19 : memref<!tpu.dma_semaphore, #tpu.memory_space<semaphore_mem>>)
      } else {
      }
      %dma_wait3A_262 = arith.constant 0 : i32
      %dma_wait3A_263 = arith.constant 0 : i32
      %dma_wait3A_264 = tpu.memref_slice %arg4[%dma_wait3A_262, %dma_wait3A_263] : memref<40960x128xf32, #tpu.memory_space<hbm>> -> memref<40960x128xf32, #tpu.memory_space<hbm>>
      tpu.wait_indirect_dma semaphore(%arg20 : memref<!tpu.dma_semaphore, #tpu.memory_space<semaphore_mem>>) src(%dma_wait3A_264 : memref<40960x128xf32, #tpu.memory_space<hbm>>) dst(%arg14 : memref<64x128xf32, #tpu.memory_space<vmem>>)
      %dma_wait3A_265 = arith.constant 0 : i32
      %dma_wait3A_266 = arith.constant 0 : i32
      %dma_wait3A_267 = tpu.memref_slice %arg5[%dma_wait3A_265, %dma_wait3A_266] : memref<40960x128xf32, #tpu.memory_space<hbm>> -> memref<40960x128xf32, #tpu.memory_space<hbm>>
      tpu.wait_indirect_dma semaphore(%arg20 : memref<!tpu.dma_semaphore, #tpu.memory_space<semaphore_mem>>) src(%dma_wait3A_267 : memref<40960x128xf32, #tpu.memory_space<hbm>>) dst(%arg16 : memref<64x128xf32, #tpu.memory_space<vmem>>)
      %scan3A_268 = arith.constant 0 : i32
      %scan3A_269 = arith.constant 0 : i32
      %scan3A_270 = arith.constant 64 : i32
      %scan3A_271 = arith.addi %scan3A_269, %scan3A_270 : i32
      %scan3A_272 = arith.constant 1 : i32
      %scan3A_273 = scf.for %scan3A_276 = %scan3A_269 to %scan3A_271 step %scan3A_272 iter_args(%scan3A_277 = %scan3A_268) -> (i32)  : i32 {
        %get3A_278 = arith.index_cast %scan3A_276 : i32 to index
        %get3A_279 = arith.constant 0 : index
        %get3A_280 = tpu.vector_load %arg14[%get3A_278, %get3A_279] {strides = array<i32>} : memref<64x128xf32, #tpu.memory_space<vmem>>, vector<16xf32>,
        %get3A_281 = arith.index_cast %scan3A_276 : i32 to index
        %get3A_282 = arith.constant 0 : index
        %get3A_283 = tpu.vector_load %arg16[%get3A_281, %get3A_282] {strides = array<i32>} : memref<64x128xf32, #tpu.memory_space<vmem>>, vector<16xf32>,
        %add3A_284 = arith.addf %get3A_280, %get3A_283 : vector<16xf32>
        %exp3A = math.exp %add3A_284 : vector<16xf32>
        %swap3A_285 = arith.index_cast %scan3A_276 : i32 to index
        %swap3A_286 = arith.constant 0 : index
        %swap3A_287 = tpu.vector_load %arg17[%swap3A_285, %swap3A_286] {strides = array<i32>} : memref<64x128xf32, #tpu.memory_space<vmem>>, vector<16xf32>,
        tpu.vector_store %arg17[%swap3A_285, %swap3A_286], %exp3A {strides = array<i32>} : memref<64x128xf32, #tpu.memory_space<vmem>>, vector<16xf32>,
        %get3A_288 = arith.index_cast %scan3A_276 : i32 to index
        %get3A_289 = arith.constant 64 : index
        %get3A_290 = tpu.vector_load %arg14[%get3A_288, %get3A_289] {strides = array<i32>} : memref<64x128xf32, #tpu.memory_space<vmem>>, vector<16xf32>,
        %get3A_291 = arith.index_cast %scan3A_276 : i32 to index
        %get3A_292 = arith.constant 64 : index
        %get3A_293 = tpu.vector_load %arg16[%get3A_291, %get3A_292] {strides = array<i32>} : memref<64x128xf32, #tpu.memory_space<vmem>>, vector<16xf32>,
        %add3A_294 = arith.addf %get3A_290, %get3A_293 : vector<16xf32>
        %mul3A_295 = arith.mulf %exp3A, %add3A_294 : vector<16xf32>
        %swap3A_296 = arith.index_cast %scan3A_276 : i32 to index
        %swap3A_297 = arith.constant 64 : index
        %swap3A_298 = tpu.vector_load %arg17[%swap3A_296, %swap3A_297] {strides = array<i32>} : memref<64x128xf32, #tpu.memory_space<vmem>>, vector<16xf32>,
        tpu.vector_store %arg17[%swap3A_296, %swap3A_297], %mul3A_295 {strides = array<i32>} : memref<64x128xf32, #tpu.memory_space<vmem>>, vector<16xf32>,
        %get3A_299 = arith.index_cast %scan3A_276 : i32 to index
        %get3A_300 = arith.constant 16 : index
        %get3A_301 = tpu.vector_load %arg14[%get3A_299, %get3A_300] {strides = array<i32>} : memref<64x128xf32, #tpu.memory_space<vmem>>, vector<16xf32>,
        %get3A_302 = arith.index_cast %scan3A_276 : i32 to index
        %get3A_303 = arith.constant 16 : index
        %get3A_304 = tpu.vector_load %arg16[%get3A_302, %get3A_303] {strides = array<i32>} : memref<64x128xf32, #tpu.memory_space<vmem>>, vector<16xf32>,
        %add3A_305 = arith.addf %get3A_301, %get3A_304 : vector<16xf32>
        %exp3A_306 = math.exp %add3A_305 : vector<16xf32>
        %swap3A_307 = arith.index_cast %scan3A_276 : i32 to index
        %swap3A_308 = arith.constant 16 : index
        %swap3A_309 = tpu.vector_load %arg17[%swap3A_307, %swap3A_308] {strides = array<i32>} : memref<64x128xf32, #tpu.memory_space<vmem>>, vector<16xf32>,
        tpu.vector_store %arg17[%swap3A_307, %swap3A_308], %exp3A_306 {strides = array<i32>} : memref<64x128xf32, #tpu.memory_space<vmem>>, vector<16xf32>,
        %get3A_310 = arith.index_cast %scan3A_276 : i32 to index
        %get3A_311 = arith.constant 80 : index
        %get3A_312 = tpu.vector_load %arg14[%get3A_310, %get3A_311] {strides = array<i32>} : memref<64x128xf32, #tpu.memory_space<vmem>>, vector<16xf32>,
        %get3A_313 = arith.index_cast %scan3A_276 : i32 to index
        %get3A_314 = arith.constant 80 : index
        %get3A_315 = tpu.vector_load %arg16[%get3A_313, %get3A_314] {strides = array<i32>} : memref<64x128xf32, #tpu.memory_space<vmem>>, vector<16xf32>,
        %add3A_316 = arith.addf %get3A_312, %get3A_315 : vector<16xf32>
        %mul3A_317 = arith.mulf %exp3A_306, %add3A_316 : vector<16xf32>
        %swap3A_318 = arith.index_cast %scan3A_276 : i32 to index
        %swap3A_319 = arith.constant 80 : index
        %swap3A_320 = tpu.vector_load %arg17[%swap3A_318, %swap3A_319] {strides = array<i32>} : memref<64x128xf32, #tpu.memory_space<vmem>>, vector<16xf32>,
        tpu.vector_store %arg17[%swap3A_318, %swap3A_319], %mul3A_317 {strides = array<i32>} : memref<64x128xf32, #tpu.memory_space<vmem>>, vector<16xf32>,
        %get3A_321 = arith.index_cast %scan3A_276 : i32 to index
        %get3A_322 = arith.constant 32 : index
        %get3A_323 = tpu.vector_load %arg14[%get3A_321, %get3A_322] {strides = array<i32>} : memref<64x128xf32, #tpu.memory_space<vmem>>, vector<16xf32>,
        %get3A_324 = arith.index_cast %scan3A_276 : i32 to index
        %get3A_325 = arith.constant 32 : index
        %get3A_326 = tpu.vector_load %arg16[%get3A_324, %get3A_325] {strides = array<i32>} : memref<64x128xf32, #tpu.memory_space<vmem>>, vector<16xf32>,
        %add3A_327 = arith.addf %get3A_323, %get3A_326 : vector<16xf32>
        %exp3A_328 = math.exp %add3A_327 : vector<16xf32>
        %swap3A_329 = arith.index_cast %scan3A_276 : i32 to index
        %swap3A_330 = arith.constant 32 : index
        %swap3A_331 = tpu.vector_load %arg17[%swap3A_329, %swap3A_330] {strides = array<i32>} : memref<64x128xf32, #tpu.memory_space<vmem>>, vector<16xf32>,
        tpu.vector_store %arg17[%swap3A_329, %swap3A_330], %exp3A_328 {strides = array<i32>} : memref<64x128xf32, #tpu.memory_space<vmem>>, vector<16xf32>,
        %get3A_332 = arith.index_cast %scan3A_276 : i32 to index
        %get3A_333 = arith.constant 96 : index
        %get3A_334 = tpu.vector_load %arg14[%get3A_332, %get3A_333] {strides = array<i32>} : memref<64x128xf32, #tpu.memory_space<vmem>>, vector<16xf32>,
        %get3A_335 = arith.index_cast %scan3A_276 : i32 to index
        %get3A_336 = arith.constant 96 : index
        %get3A_337 = tpu.vector_load %arg16[%get3A_335, %get3A_336] {strides = array<i32>} : memref<64x128xf32, #tpu.memory_space<vmem>>, vector<16xf32>,
        %add3A_338 = arith.addf %get3A_334, %get3A_337 : vector<16xf32>
        %mul3A_339 = arith.mulf %exp3A_328, %add3A_338 : vector<16xf32>
        %swap3A_340 = arith.index_cast %scan3A_276 : i32 to index
        %swap3A_341 = arith.constant 96 : index
        %swap3A_342 = tpu.vector_load %arg17[%swap3A_340, %swap3A_341] {strides = array<i32>} : memref<64x128xf32, #tpu.memory_space<vmem>>, vector<16xf32>,
        tpu.vector_store %arg17[%swap3A_340, %swap3A_341], %mul3A_339 {strides = array<i32>} : memref<64x128xf32, #tpu.memory_space<vmem>>, vector<16xf32>,
        %get3A_343 = arith.index_cast %scan3A_276 : i32 to index
        %get3A_344 = arith.constant 48 : index
        %get3A_345 = tpu.vector_load %arg14[%get3A_343, %get3A_344] {strides = array<i32>} : memref<64x128xf32, #tpu.memory_space<vmem>>, vector<16xf32>,
        %get3A_346 = arith.index_cast %scan3A_276 : i32 to index
        %get3A_347 = arith.constant 48 : index
        %get3A_348 = tpu.vector_load %arg16[%get3A_346, %get3A_347] {strides = array<i32>} : memref<64x128xf32, #tpu.memory_space<vmem>>, vector<16xf32>,
        %add3A_349 = arith.addf %get3A_345, %get3A_348 : vector<16xf32>
        %exp3A_350 = math.exp %add3A_349 : vector<16xf32>
        %swap3A_351 = arith.index_cast %scan3A_276 : i32 to index
        %swap3A_352 = arith.constant 48 : index
        %swap3A_353 = tpu.vector_load %arg17[%swap3A_351, %swap3A_352] {strides = array<i32>} : memref<64x128xf32, #tpu.memory_space<vmem>>, vector<16xf32>,
        tpu.vector_store %arg17[%swap3A_351, %swap3A_352], %exp3A_350 {strides = array<i32>} : memref<64x128xf32, #tpu.memory_space<vmem>>, vector<16xf32>,
        %get3A_354 = arith.index_cast %scan3A_276 : i32 to index
        %get3A_355 = arith.constant 112 : index
        %get3A_356 = tpu.vector_load %arg14[%get3A_354, %get3A_355] {strides = array<i32>} : memref<64x128xf32, #tpu.memory_space<vmem>>, vector<16xf32>,
        %get3A_357 = arith.index_cast %scan3A_276 : i32 to index
        %get3A_358 = arith.constant 112 : index
        %get3A_359 = tpu.vector_load %arg16[%get3A_357, %get3A_358] {strides = array<i32>} : memref<64x128xf32, #tpu.memory_space<vmem>>, vector<16xf32>,
        %add3A_360 = arith.addf %get3A_356, %get3A_359 : vector<16xf32>
        %mul3A_361 = arith.mulf %exp3A_350, %add3A_360 : vector<16xf32>
        %swap3A_362 = arith.index_cast %scan3A_276 : i32 to index
        %swap3A_363 = arith.constant 112 : index
        %swap3A_364 = tpu.vector_load %arg17[%swap3A_362, %swap3A_363] {strides = array<i32>} : memref<64x128xf32, #tpu.memory_space<vmem>>, vector<16xf32>,
        tpu.vector_store %arg17[%swap3A_362, %swap3A_363], %mul3A_361 {strides = array<i32>} : memref<64x128xf32, #tpu.memory_space<vmem>>, vector<16xf32>,
        %scan3A_365 = arith.constant 0 : i32
        scf.yield %scan3A_365 : i32
      }
      %scan3A_274 = arith.constant 64 : i32
      "tpu.region"() ({
        %run_scoped3A = tpu.sem_alloc : memref<!tpu.dma_semaphore, #tpu.memory_space<semaphore_mem>>
        %dma_start3A_276 = arith.constant 0 : i32
        %dma_start3A_277 = arith.constant 0 : i32
        %dma_start3A_278 = tpu.memref_slice %arg18[%dma_start3A_276, %dma_start3A_277] : memref<10240x128xf32, #tpu.memory_space<vmem_shared>> -> memref<10240x128xf32, #tpu.memory_space<vmem_shared>>
        tpu.enqueue_indirect_dma source(%arg17 : memref<64x128xf32, #tpu.memory_space<vmem>>) target(%dma_start3A_278 : memref<10240x128xf32, #tpu.memory_space<vmem_shared>>) offsets(%arg12 : memref<64xi32, #tpu.memory_space<vmem>>) semaphore(%run_scoped3A : memref<!tpu.dma_semaphore, #tpu.memory_space<semaphore_mem>>) {add = true}
        %dma_wait3A_279 = arith.constant 0 : i32
        %dma_wait3A_280 = arith.constant 0 : i32
        %dma_wait3A_281 = tpu.memref_slice %arg18[%dma_wait3A_279, %dma_wait3A_280] : memref<10240x128xf32, #tpu.memory_space<vmem_shared>> -> memref<10240x128xf32, #tpu.memory_space<vmem_shared>>
        tpu.wait_indirect_dma semaphore(%run_scoped3A : memref<!tpu.dma_semaphore, #tpu.memory_space<semaphore_mem>>) src(%arg17 : memref<64x128xf32, #tpu.memory_space<vmem>>) dst(%dma_wait3A_281 : memref<10240x128xf32, #tpu.memory_space<vmem_shared>>)
        tpu.yield
      }) : () -> ()
      %scan3A_275 = arith.constant 0 : i32
      scf.yield %scan3A_275 : i32
    }
    %scan3A_107 = arith.constant 84 : i32
    %barrier3A_108 = arith.constant 0 : index
    tpu.barrier barrier_id(%barrier3A_108)
    %mul3A_109 = arith.constant 10240 : i32
    %mul3A_110 = arith.muli %add3A_3, %mul3A_109 : i32
    %add3A_111 = arith.addi %mul3A_110, %mul3A_0 : i32
    "tpu.region"() ({
      %run_scoped3A = tpu.sem_alloc : memref<!tpu.dma_semaphore, #tpu.memory_space<semaphore_mem>>
      %dma_start3A_229 = arith.constant 0 : i32
      %dma_start3A_230 = tpu.memref_slice %arg6[%add3A_111, %dma_start3A_229] : memref<40960x128xf32, #tpu.memory_space<hbm>> -> memref<640x128xf32, #tpu.memory_space<hbm>>
      %dma_start3A_231 = arith.constant 0 : i32
      %dma_start3A_232 = tpu.memref_slice %arg18[%mul3A_0, %dma_start3A_231] : memref<10240x128xf32, #tpu.memory_space<vmem_shared>> -> memref<640x128xf32, #tpu.memory_space<vmem_shared>>
      tpu.enqueue_dma source(%dma_start3A_232 : memref<640x128xf32, #tpu.memory_space<vmem_shared>>) target(%dma_start3A_230 : memref<640x128xf32, #tpu.memory_space<hbm>>) target_semaphore(%run_scoped3A : memref<!tpu.dma_semaphore, #tpu.memory_space<semaphore_mem>>)
      %dma_wait3A = arith.constant 0 : i32
      %dma_wait3A_233 = tpu.memref_slice %arg6[%add3A_111, %dma_wait3A] : memref<40960x128xf32, #tpu.memory_space<hbm>> -> memref<640x128xf32, #tpu.memory_space<hbm>>
      %dma_wait3A_234 = arith.constant 0 : i32
      %dma_wait3A_235 = tpu.memref_slice %arg18[%mul3A_0, %dma_wait3A_234] : memref<10240x128xf32, #tpu.memory_space<vmem_shared>> -> memref<640x128xf32, #tpu.memory_space<vmem_shared>>
      tpu.wait_dma2 semaphore(%run_scoped3A : memref<!tpu.dma_semaphore, #tpu.memory_space<semaphore_mem>>) src(%dma_wait3A_235 : memref<640x128xf32, #tpu.memory_space<vmem_shared>>) dst(%dma_wait3A_233 : memref<640x128xf32, #tpu.memory_space<hbm>>)
      tpu.yield
    }) : () -> ()
    %mul3A_112 = arith.constant 2 : i32
    %mul3A_113 = arith.muli %arg0, %mul3A_112 : i32
    %add3A_114 = arith.constant 1 : i32
    %add3A_115 = arith.addi %mul3A_113, %add3A_114 : i32
    %scan3A_116 = arith.constant 0 : i32
    %scan3A_117 = arith.constant 0 : i32
    %scan3A_118 = arith.constant 64 : i32
    %scan3A_119 = arith.addi %scan3A_117, %scan3A_118 : i32
    %scan3A_120 = arith.constant 1 : i32
    %scan3A_121 = scf.for %scan3A_229 = %scan3A_117 to %scan3A_119 step %scan3A_120 iter_args(%scan3A_230 = %scan3A_116) -> (i32)  : i32 {
      %broadcast_in_dim3A = arith.constant 0.000000e+00 : f32
      %broadcast_in_dim3A_231 = vector.broadcast %broadcast_in_dim3A : f32 to vector<16xf32>
      %swap3A_232 = arith.index_cast %scan3A_229 : i32 to index
      %swap3A_233 = arith.constant 0 : index
      %swap3A_234 = tpu.vector_load %arg17[%swap3A_232, %swap3A_233] {strides = array<i32>} : memref<64x128xf32, #tpu.memory_space<vmem>>, vector<16xf32>,
      tpu.vector_store %arg17[%swap3A_232, %swap3A_233], %broadcast_in_dim3A_231 {strides = array<i32>} : memref<64x128xf32, #tpu.memory_space<vmem>>, vector<16xf32>,
      %broadcast_in_dim3A_235 = arith.constant 0.000000e+00 : f32
      %broadcast_in_dim3A_236 = vector.broadcast %broadcast_in_dim3A_235 : f32 to vector<16xf32>
      %swap3A_237 = arith.index_cast %scan3A_229 : i32 to index
      %swap3A_238 = arith.constant 16 : index
      %swap3A_239 = tpu.vector_load %arg17[%swap3A_237, %swap3A_238] {strides = array<i32>} : memref<64x128xf32, #tpu.memory_space<vmem>>, vector<16xf32>,
      tpu.vector_store %arg17[%swap3A_237, %swap3A_238], %broadcast_in_dim3A_236 {strides = array<i32>} : memref<64x128xf32, #tpu.memory_space<vmem>>, vector<16xf32>,
      %broadcast_in_dim3A_240 = arith.constant 0.000000e+00 : f32
      %broadcast_in_dim3A_241 = vector.broadcast %broadcast_in_dim3A_240 : f32 to vector<16xf32>
      %swap3A_242 = arith.index_cast %scan3A_229 : i32 to index
      %swap3A_243 = arith.constant 32 : index
      %swap3A_244 = tpu.vector_load %arg17[%swap3A_242, %swap3A_243] {strides = array<i32>} : memref<64x128xf32, #tpu.memory_space<vmem>>, vector<16xf32>,
      tpu.vector_store %arg17[%swap3A_242, %swap3A_243], %broadcast_in_dim3A_241 {strides = array<i32>} : memref<64x128xf32, #tpu.memory_space<vmem>>, vector<16xf32>,
      %broadcast_in_dim3A_245 = arith.constant 0.000000e+00 : f32
      %broadcast_in_dim3A_246 = vector.broadcast %broadcast_in_dim3A_245 : f32 to vector<16xf32>
      %swap3A_247 = arith.index_cast %scan3A_229 : i32 to index
      %swap3A_248 = arith.constant 48 : index
      %swap3A_249 = tpu.vector_load %arg17[%swap3A_247, %swap3A_248] {strides = array<i32>} : memref<64x128xf32, #tpu.memory_space<vmem>>, vector<16xf32>,
      tpu.vector_store %arg17[%swap3A_247, %swap3A_248], %broadcast_in_dim3A_246 {strides = array<i32>} : memref<64x128xf32, #tpu.memory_space<vmem>>, vector<16xf32>,
      %broadcast_in_dim3A_250 = arith.constant 0.000000e+00 : f32
      %broadcast_in_dim3A_251 = vector.broadcast %broadcast_in_dim3A_250 : f32 to vector<16xf32>
      %swap3A_252 = arith.index_cast %scan3A_229 : i32 to index
      %swap3A_253 = arith.constant 64 : index
      %swap3A_254 = tpu.vector_load %arg17[%swap3A_252, %swap3A_253] {strides = array<i32>} : memref<64x128xf32, #tpu.memory_space<vmem>>, vector<16xf32>,
      tpu.vector_store %arg17[%swap3A_252, %swap3A_253], %broadcast_in_dim3A_251 {strides = array<i32>} : memref<64x128xf32, #tpu.memory_space<vmem>>, vector<16xf32>,
      %broadcast_in_dim3A_255 = arith.constant 0.000000e+00 : f32
      %broadcast_in_dim3A_256 = vector.broadcast %broadcast_in_dim3A_255 : f32 to vector<16xf32>
      %swap3A_257 = arith.index_cast %scan3A_229 : i32 to index
      %swap3A_258 = arith.constant 80 : index
      %swap3A_259 = tpu.vector_load %arg17[%swap3A_257, %swap3A_258] {strides = array<i32>} : memref<64x128xf32, #tpu.memory_space<vmem>>, vector<16xf32>,
      tpu.vector_store %arg17[%swap3A_257, %swap3A_258], %broadcast_in_dim3A_256 {strides = array<i32>} : memref<64x128xf32, #tpu.memory_space<vmem>>, vector<16xf32>,
      %broadcast_in_dim3A_260 = arith.constant 0.000000e+00 : f32
      %broadcast_in_dim3A_261 = vector.broadcast %broadcast_in_dim3A_260 : f32 to vector<16xf32>
      %swap3A_262 = arith.index_cast %scan3A_229 : i32 to index
      %swap3A_263 = arith.constant 96 : index
      %swap3A_264 = tpu.vector_load %arg17[%swap3A_262, %swap3A_263] {strides = array<i32>} : memref<64x128xf32, #tpu.memory_space<vmem>>, vector<16xf32>,
      tpu.vector_store %arg17[%swap3A_262, %swap3A_263], %broadcast_in_dim3A_261 {strides = array<i32>} : memref<64x128xf32, #tpu.memory_space<vmem>>, vector<16xf32>,
      %broadcast_in_dim3A_265 = arith.constant 0.000000e+00 : f32
      %broadcast_in_dim3A_266 = vector.broadcast %broadcast_in_dim3A_265 : f32 to vector<16xf32>
      %swap3A_267 = arith.index_cast %scan3A_229 : i32 to index
      %swap3A_268 = arith.constant 112 : index
      %swap3A_269 = tpu.vector_load %arg17[%swap3A_267, %swap3A_268] {strides = array<i32>} : memref<64x128xf32, #tpu.memory_space<vmem>>, vector<16xf32>,
      tpu.vector_store %arg17[%swap3A_267, %swap3A_268], %broadcast_in_dim3A_266 {strides = array<i32>} : memref<64x128xf32, #tpu.memory_space<vmem>>, vector<16xf32>,
      %scan3A_270 = arith.constant 0 : i32
      scf.yield %scan3A_270 : i32
    }
    %scan3A_122 = arith.constant 64 : i32
    %add3A_123 = arith.constant 0 : i32
    %add3A_124 = arith.addi %mul3A_0, %add3A_123 : i32
    "tpu.region"() ({
      %run_scoped3A = tpu.sem_alloc : memref<!tpu.dma_semaphore, #tpu.memory_space<semaphore_mem>>
      %dma_start3A_229 = arith.constant 0 : i32
      %dma_start3A_230 = tpu.memref_slice %arg18[%add3A_124, %dma_start3A_229] : memref<10240x128xf32, #tpu.memory_space<vmem_shared>> -> memref<64x128xf32, #tpu.memory_space<vmem_shared>>
      %dma_start3A_231 = arith.constant 0 : i32
      %dma_start3A_232 = tpu.memref_slice %arg18[%add3A_124, %dma_start3A_231] : memref<10240x128xf32, #tpu.memory_space<vmem_shared>> -> memref<64x128xf32, #tpu.memory_space<vmem_shared>>
      tpu.enqueue_dma source(%arg17 : memref<64x128xf32, #tpu.memory_space<vmem>>) target(%dma_start3A_232 : memref<64x128xf32, #tpu.memory_space<vmem_shared>>) target_semaphore(%run_scoped3A : memref<!tpu.dma_semaphore, #tpu.memory_space<semaphore_mem>>)
      %dma_wait3A = arith.constant 0 : i32
      %dma_wait3A_233 = tpu.memref_slice %arg18[%add3A_124, %dma_wait3A] : memref<10240x128xf32, #tpu.memory_space<vmem_shared>> -> memref<64x128xf32, #tpu.memory_space<vmem_shared>>
      %dma_wait3A_234 = arith.constant 0 : i32
      %dma_wait3A_235 = tpu.memref_slice %arg18[%add3A_124, %dma_wait3A_234] : memref<10240x128xf32, #tpu.memory_space<vmem_shared>> -> memref<64x128xf32, #tpu.memory_space<vmem_shared>>
      tpu.wait_dma2 semaphore(%run_scoped3A : memref<!tpu.dma_semaphore, #tpu.memory_space<semaphore_mem>>) src(%arg17 : memref<64x128xf32, #tpu.memory_space<vmem>>) dst(%dma_wait3A_235 : memref<64x128xf32, #tpu.memory_space<vmem_shared>>)
      tpu.yield
    }) : () -> ()
    %add3A_125 = arith.constant 64 : i32
    %add3A_126 = arith.addi %mul3A_0, %add3A_125 : i32
    "tpu.region"() ({
      %run_scoped3A = tpu.sem_alloc : memref<!tpu.dma_semaphore, #tpu.memory_space<semaphore_mem>>
      %dma_start3A_229 = arith.constant 0 : i32
      %dma_start3A_230 = tpu.memref_slice %arg18[%add3A_126, %dma_start3A_229] : memref<10240x128xf32, #tpu.memory_space<vmem_shared>> -> memref<64x128xf32, #tpu.memory_space<vmem_shared>>
      %dma_start3A_231 = arith.constant 0 : i32
      %dma_start3A_232 = tpu.memref_slice %arg18[%add3A_126, %dma_start3A_231] : memref<10240x128xf32, #tpu.memory_space<vmem_shared>> -> memref<64x128xf32, #tpu.memory_space<vmem_shared>>
      tpu.enqueue_dma source(%arg17 : memref<64x128xf32, #tpu.memory_space<vmem>>) target(%dma_start3A_232 : memref<64x128xf32, #tpu.memory_space<vmem_shared>>) target_semaphore(%run_scoped3A : memref<!tpu.dma_semaphore, #tpu.memory_space<semaphore_mem>>)
      %dma_wait3A = arith.constant 0 : i32
      %dma_wait3A_233 = tpu.memref_slice %arg18[%add3A_126, %dma_wait3A] : memref<10240x128xf32, #tpu.memory_space<vmem_shared>> -> memref<64x128xf32, #tpu.memory_space<vmem_shared>>
      %dma_wait3A_234 = arith.constant 0 : i32
      %dma_wait3A_235 = tpu.memref_slice %arg18[%add3A_126, %dma_wait3A_234] : memref<10240x128xf32, #tpu.memory_space<vmem_shared>> -> memref<64x128xf32, #tpu.memory_space<vmem_shared>>
      tpu.wait_dma2 semaphore(%run_scoped3A : memref<!tpu.dma_semaphore, #tpu.memory_space<semaphore_mem>>) src(%arg17 : memref<64x128xf32, #tpu.memory_space<vmem>>) dst(%dma_wait3A_235 : memref<64x128xf32, #tpu.memory_space<vmem_shared>>)
      tpu.yield
    }) : () -> ()
    %add3A_127 = arith.constant 128 : i32
    %add3A_128 = arith.addi %mul3A_0, %add3A_127 : i32
    "tpu.region"() ({
      %run_scoped3A = tpu.sem_alloc : memref<!tpu.dma_semaphore, #tpu.memory_space<semaphore_mem>>
      %dma_start3A_229 = arith.constant 0 : i32
      %dma_start3A_230 = tpu.memref_slice %arg18[%add3A_128, %dma_start3A_229] : memref<10240x128xf32, #tpu.memory_space<vmem_shared>> -> memref<64x128xf32, #tpu.memory_space<vmem_shared>>
      %dma_start3A_231 = arith.constant 0 : i32
      %dma_start3A_232 = tpu.memref_slice %arg18[%add3A_128, %dma_start3A_231] : memref<10240x128xf32, #tpu.memory_space<vmem_shared>> -> memref<64x128xf32, #tpu.memory_space<vmem_shared>>
      tpu.enqueue_dma source(%arg17 : memref<64x128xf32, #tpu.memory_space<vmem>>) target(%dma_start3A_232 : memref<64x128xf32, #tpu.memory_space<vmem_shared>>) target_semaphore(%run_scoped3A : memref<!tpu.dma_semaphore, #tpu.memory_space<semaphore_mem>>)
      %dma_wait3A = arith.constant 0 : i32
      %dma_wait3A_233 = tpu.memref_slice %arg18[%add3A_128, %dma_wait3A] : memref<10240x128xf32, #tpu.memory_space<vmem_shared>> -> memref<64x128xf32, #tpu.memory_space<vmem_shared>>
      %dma_wait3A_234 = arith.constant 0 : i32
      %dma_wait3A_235 = tpu.memref_slice %arg18[%add3A_128, %dma_wait3A_234] : memref<10240x128xf32, #tpu.memory_space<vmem_shared>> -> memref<64x128xf32, #tpu.memory_space<vmem_shared>>
      tpu.wait_dma2 semaphore(%run_scoped3A : memref<!tpu.dma_semaphore, #tpu.memory_space<semaphore_mem>>) src(%arg17 : memref<64x128xf32, #tpu.memory_space<vmem>>) dst(%dma_wait3A_235 : memref<64x128xf32, #tpu.memory_space<vmem_shared>>)
      tpu.yield
    }) : () -> ()
    %add3A_129 = arith.constant 192 : i32
    %add3A_130 = arith.addi %mul3A_0, %add3A_129 : i32
    "tpu.region"() ({
      %run_scoped3A = tpu.sem_alloc : memref<!tpu.dma_semaphore, #tpu.memory_space<semaphore_mem>>
      %dma_start3A_229 = arith.constant 0 : i32
      %dma_start3A_230 = tpu.memref_slice %arg18[%add3A_130, %dma_start3A_229] : memref<10240x128xf32, #tpu.memory_space<vmem_shared>> -> memref<64x128xf32, #tpu.memory_space<vmem_shared>>
      %dma_start3A_231 = arith.constant 0 : i32
      %dma_start3A_232 = tpu.memref_slice %arg18[%add3A_130, %dma_start3A_231] : memref<10240x128xf32, #tpu.memory_space<vmem_shared>> -> memref<64x128xf32, #tpu.memory_space<vmem_shared>>
      tpu.enqueue_dma source(%arg17 : memref<64x128xf32, #tpu.memory_space<vmem>>) target(%dma_start3A_232 : memref<64x128xf32, #tpu.memory_space<vmem_shared>>) target_semaphore(%run_scoped3A : memref<!tpu.dma_semaphore, #tpu.memory_space<semaphore_mem>>)
      %dma_wait3A = arith.constant 0 : i32
      %dma_wait3A_233 = tpu.memref_slice %arg18[%add3A_130, %dma_wait3A] : memref<10240x128xf32, #tpu.memory_space<vmem_shared>> -> memref<64x128xf32, #tpu.memory_space<vmem_shared>>
      %dma_wait3A_234 = arith.constant 0 : i32
      %dma_wait3A_235 = tpu.memref_slice %arg18[%add3A_130, %dma_wait3A_234] : memref<10240x128xf32, #tpu.memory_space<vmem_shared>> -> memref<64x128xf32, #tpu.memory_space<vmem_shared>>
      tpu.wait_dma2 semaphore(%run_scoped3A : memref<!tpu.dma_semaphore, #tpu.memory_space<semaphore_mem>>) src(%arg17 : memref<64x128xf32, #tpu.memory_space<vmem>>) dst(%dma_wait3A_235 : memref<64x128xf32, #tpu.memory_space<vmem_shared>>)
      tpu.yield
    }) : () -> ()
    %add3A_131 = arith.constant 256 : i32
    %add3A_132 = arith.addi %mul3A_0, %add3A_131 : i32
    "tpu.region"() ({
      %run_scoped3A = tpu.sem_alloc : memref<!tpu.dma_semaphore, #tpu.memory_space<semaphore_mem>>
      %dma_start3A_229 = arith.constant 0 : i32
      %dma_start3A_230 = tpu.memref_slice %arg18[%add3A_132, %dma_start3A_229] : memref<10240x128xf32, #tpu.memory_space<vmem_shared>> -> memref<64x128xf32, #tpu.memory_space<vmem_shared>>
      %dma_start3A_231 = arith.constant 0 : i32
      %dma_start3A_232 = tpu.memref_slice %arg18[%add3A_132, %dma_start3A_231] : memref<10240x128xf32, #tpu.memory_space<vmem_shared>> -> memref<64x128xf32, #tpu.memory_space<vmem_shared>>
      tpu.enqueue_dma source(%arg17 : memref<64x128xf32, #tpu.memory_space<vmem>>) target(%dma_start3A_232 : memref<64x128xf32, #tpu.memory_space<vmem_shared>>) target_semaphore(%run_scoped3A : memref<!tpu.dma_semaphore, #tpu.memory_space<semaphore_mem>>)
      %dma_wait3A = arith.constant 0 : i32
      %dma_wait3A_233 = tpu.memref_slice %arg18[%add3A_132, %dma_wait3A] : memref<10240x128xf32, #tpu.memory_space<vmem_shared>> -> memref<64x128xf32, #tpu.memory_space<vmem_shared>>
      %dma_wait3A_234 = arith.constant 0 : i32
      %dma_wait3A_235 = tpu.memref_slice %arg18[%add3A_132, %dma_wait3A_234] : memref<10240x128xf32, #tpu.memory_space<vmem_shared>> -> memref<64x128xf32, #tpu.memory_space<vmem_shared>>
      tpu.wait_dma2 semaphore(%run_scoped3A : memref<!tpu.dma_semaphore, #tpu.memory_space<semaphore_mem>>) src(%arg17 : memref<64x128xf32, #tpu.memory_space<vmem>>) dst(%dma_wait3A_235 : memref<64x128xf32, #tpu.memory_space<vmem_shared>>)
      tpu.yield
    }) : () -> ()
    %add3A_133 = arith.constant 320 : i32
    %add3A_134 = arith.addi %mul3A_0, %add3A_133 : i32
    "tpu.region"() ({
      %run_scoped3A = tpu.sem_alloc : memref<!tpu.dma_semaphore, #tpu.memory_space<semaphore_mem>>
      %dma_start3A_229 = arith.constant 0 : i32
      %dma_start3A_230 = tpu.memref_slice %arg18[%add3A_134, %dma_start3A_229] : memref<10240x128xf32, #tpu.memory_space<vmem_shared>> -> memref<64x128xf32, #tpu.memory_space<vmem_shared>>
      %dma_start3A_231 = arith.constant 0 : i32
      %dma_start3A_232 = tpu.memref_slice %arg18[%add3A_134, %dma_start3A_231] : memref<10240x128xf32, #tpu.memory_space<vmem_shared>> -> memref<64x128xf32, #tpu.memory_space<vmem_shared>>
      tpu.enqueue_dma source(%arg17 : memref<64x128xf32, #tpu.memory_space<vmem>>) target(%dma_start3A_232 : memref<64x128xf32, #tpu.memory_space<vmem_shared>>) target_semaphore(%run_scoped3A : memref<!tpu.dma_semaphore, #tpu.memory_space<semaphore_mem>>)
      %dma_wait3A = arith.constant 0 : i32
      %dma_wait3A_233 = tpu.memref_slice %arg18[%add3A_134, %dma_wait3A] : memref<10240x128xf32, #tpu.memory_space<vmem_shared>> -> memref<64x128xf32, #tpu.memory_space<vmem_shared>>
      %dma_wait3A_234 = arith.constant 0 : i32
      %dma_wait3A_235 = tpu.memref_slice %arg18[%add3A_134, %dma_wait3A_234] : memref<10240x128xf32, #tpu.memory_space<vmem_shared>> -> memref<64x128xf32, #tpu.memory_space<vmem_shared>>
      tpu.wait_dma2 semaphore(%run_scoped3A : memref<!tpu.dma_semaphore, #tpu.memory_space<semaphore_mem>>) src(%arg17 : memref<64x128xf32, #tpu.memory_space<vmem>>) dst(%dma_wait3A_235 : memref<64x128xf32, #tpu.memory_space<vmem_shared>>)
      tpu.yield
    }) : () -> ()
    %add3A_135 = arith.constant 384 : i32
    %add3A_136 = arith.addi %mul3A_0, %add3A_135 : i32
    "tpu.region"() ({
      %run_scoped3A = tpu.sem_alloc : memref<!tpu.dma_semaphore, #tpu.memory_space<semaphore_mem>>
      %dma_start3A_229 = arith.constant 0 : i32
      %dma_start3A_230 = tpu.memref_slice %arg18[%add3A_136, %dma_start3A_229] : memref<10240x128xf32, #tpu.memory_space<vmem_shared>> -> memref<64x128xf32, #tpu.memory_space<vmem_shared>>
      %dma_start3A_231 = arith.constant 0 : i32
      %dma_start3A_232 = tpu.memref_slice %arg18[%add3A_136, %dma_start3A_231] : memref<10240x128xf32, #tpu.memory_space<vmem_shared>> -> memref<64x128xf32, #tpu.memory_space<vmem_shared>>
      tpu.enqueue_dma source(%arg17 : memref<64x128xf32, #tpu.memory_space<vmem>>) target(%dma_start3A_232 : memref<64x128xf32, #tpu.memory_space<vmem_shared>>) target_semaphore(%run_scoped3A : memref<!tpu.dma_semaphore, #tpu.memory_space<semaphore_mem>>)
      %dma_wait3A = arith.constant 0 : i32
      %dma_wait3A_233 = tpu.memref_slice %arg18[%add3A_136, %dma_wait3A] : memref<10240x128xf32, #tpu.memory_space<vmem_shared>> -> memref<64x128xf32, #tpu.memory_space<vmem_shared>>
      %dma_wait3A_234 = arith.constant 0 : i32
      %dma_wait3A_235 = tpu.memref_slice %arg18[%add3A_136, %dma_wait3A_234] : memref<10240x128xf32, #tpu.memory_space<vmem_shared>> -> memref<64x128xf32, #tpu.memory_space<vmem_shared>>
      tpu.wait_dma2 semaphore(%run_scoped3A : memref<!tpu.dma_semaphore, #tpu.memory_space<semaphore_mem>>) src(%arg17 : memref<64x128xf32, #tpu.memory_space<vmem>>) dst(%dma_wait3A_235 : memref<64x128xf32, #tpu.memory_space<vmem_shared>>)
      tpu.yield
    }) : () -> ()
    %add3A_137 = arith.constant 448 : i32
    %add3A_138 = arith.addi %mul3A_0, %add3A_137 : i32
    "tpu.region"() ({
      %run_scoped3A = tpu.sem_alloc : memref<!tpu.dma_semaphore, #tpu.memory_space<semaphore_mem>>
      %dma_start3A_229 = arith.constant 0 : i32
      %dma_start3A_230 = tpu.memref_slice %arg18[%add3A_138, %dma_start3A_229] : memref<10240x128xf32, #tpu.memory_space<vmem_shared>> -> memref<64x128xf32, #tpu.memory_space<vmem_shared>>
      %dma_start3A_231 = arith.constant 0 : i32
      %dma_start3A_232 = tpu.memref_slice %arg18[%add3A_138, %dma_start3A_231] : memref<10240x128xf32, #tpu.memory_space<vmem_shared>> -> memref<64x128xf32, #tpu.memory_space<vmem_shared>>
      tpu.enqueue_dma source(%arg17 : memref<64x128xf32, #tpu.memory_space<vmem>>) target(%dma_start3A_232 : memref<64x128xf32, #tpu.memory_space<vmem_shared>>) target_semaphore(%run_scoped3A : memref<!tpu.dma_semaphore, #tpu.memory_space<semaphore_mem>>)
      %dma_wait3A = arith.constant 0 : i32
      %dma_wait3A_233 = tpu.memref_slice %arg18[%add3A_138, %dma_wait3A] : memref<10240x128xf32, #tpu.memory_space<vmem_shared>> -> memref<64x128xf32, #tpu.memory_space<vmem_shared>>
      %dma_wait3A_234 = arith.constant 0 : i32
      %dma_wait3A_235 = tpu.memref_slice %arg18[%add3A_138, %dma_wait3A_234] : memref<10240x128xf32, #tpu.memory_space<vmem_shared>> -> memref<64x128xf32, #tpu.memory_space<vmem_shared>>
      tpu.wait_dma2 semaphore(%run_scoped3A : memref<!tpu.dma_semaphore, #tpu.memory_space<semaphore_mem>>) src(%arg17 : memref<64x128xf32, #tpu.memory_space<vmem>>) dst(%dma_wait3A_235 : memref<64x128xf32, #tpu.memory_space<vmem_shared>>)
      tpu.yield
    }) : () -> ()
    %add3A_139 = arith.constant 512 : i32
    %add3A_140 = arith.addi %mul3A_0, %add3A_139 : i32
    "tpu.region"() ({
      %run_scoped3A = tpu.sem_alloc : memref<!tpu.dma_semaphore, #tpu.memory_space<semaphore_mem>>
      %dma_start3A_229 = arith.constant 0 : i32
      %dma_start3A_230 = tpu.memref_slice %arg18[%add3A_140, %dma_start3A_229] : memref<10240x128xf32, #tpu.memory_space<vmem_shared>> -> memref<64x128xf32, #tpu.memory_space<vmem_shared>>
      %dma_start3A_231 = arith.constant 0 : i32
      %dma_start3A_232 = tpu.memref_slice %arg18[%add3A_140, %dma_start3A_231] : memref<10240x128xf32, #tpu.memory_space<vmem_shared>> -> memref<64x128xf32, #tpu.memory_space<vmem_shared>>
      tpu.enqueue_dma source(%arg17 : memref<64x128xf32, #tpu.memory_space<vmem>>) target(%dma_start3A_232 : memref<64x128xf32, #tpu.memory_space<vmem_shared>>) target_semaphore(%run_scoped3A : memref<!tpu.dma_semaphore, #tpu.memory_space<semaphore_mem>>)
      %dma_wait3A = arith.constant 0 : i32
      %dma_wait3A_233 = tpu.memref_slice %arg18[%add3A_140, %dma_wait3A] : memref<10240x128xf32, #tpu.memory_space<vmem_shared>> -> memref<64x128xf32, #tpu.memory_space<vmem_shared>>
      %dma_wait3A_234 = arith.constant 0 : i32
      %dma_wait3A_235 = tpu.memref_slice %arg18[%add3A_140, %dma_wait3A_234] : memref<10240x128xf32, #tpu.memory_space<vmem_shared>> -> memref<64x128xf32, #tpu.memory_space<vmem_shared>>
      tpu.wait_dma2 semaphore(%run_scoped3A : memref<!tpu.dma_semaphore, #tpu.memory_space<semaphore_mem>>) src(%arg17 : memref<64x128xf32, #tpu.memory_space<vmem>>) dst(%dma_wait3A_235 : memref<64x128xf32, #tpu.memory_space<vmem_shared>>)
      tpu.yield
    }) : () -> ()
    %add3A_141 = arith.constant 576 : i32
    %add3A_142 = arith.addi %mul3A_0, %add3A_141 : i32
    "tpu.region"() ({
      %run_scoped3A = tpu.sem_alloc : memref<!tpu.dma_semaphore, #tpu.memory_space<semaphore_mem>>
      %dma_start3A_229 = arith.constant 0 : i32
      %dma_start3A_230 = tpu.memref_slice %arg18[%add3A_142, %dma_start3A_229] : memref<10240x128xf32, #tpu.memory_space<vmem_shared>> -> memref<64x128xf32, #tpu.memory_space<vmem_shared>>
      %dma_start3A_231 = arith.constant 0 : i32
      %dma_start3A_232 = tpu.memref_slice %arg18[%add3A_142, %dma_start3A_231] : memref<10240x128xf32, #tpu.memory_space<vmem_shared>> -> memref<64x128xf32, #tpu.memory_space<vmem_shared>>
      tpu.enqueue_dma source(%arg17 : memref<64x128xf32, #tpu.memory_space<vmem>>) target(%dma_start3A_232 : memref<64x128xf32, #tpu.memory_space<vmem_shared>>) target_semaphore(%run_scoped3A : memref<!tpu.dma_semaphore, #tpu.memory_space<semaphore_mem>>)
      %dma_wait3A = arith.constant 0 : i32
      %dma_wait3A_233 = tpu.memref_slice %arg18[%add3A_142, %dma_wait3A] : memref<10240x128xf32, #tpu.memory_space<vmem_shared>> -> memref<64x128xf32, #tpu.memory_space<vmem_shared>>
      %dma_wait3A_234 = arith.constant 0 : i32
      %dma_wait3A_235 = tpu.memref_slice %arg18[%add3A_142, %dma_wait3A_234] : memref<10240x128xf32, #tpu.memory_space<vmem_shared>> -> memref<64x128xf32, #tpu.memory_space<vmem_shared>>
      tpu.wait_dma2 semaphore(%run_scoped3A : memref<!tpu.dma_semaphore, #tpu.memory_space<semaphore_mem>>) src(%arg17 : memref<64x128xf32, #tpu.memory_space<vmem>>) dst(%dma_wait3A_235 : memref<64x128xf32, #tpu.memory_space<vmem_shared>>)
      tpu.yield
    }) : () -> ()
    %barrier3A_143 = arith.constant 0 : index
    tpu.barrier barrier_id(%barrier3A_143)
    %mul3A_144 = arith.constant 10752 : i32
    %mul3A_145 = arith.muli %arg1, %mul3A_144 : i32
    %add3A_146 = arith.constant 0 : i32
    %add3A_147 = arith.addi %mul3A_145, %add3A_146 : i32
    "tpu.region"() ({
      %run_scoped3A = tpu.sem_alloc : memref<!tpu.dma_semaphore, #tpu.memory_space<semaphore_mem>>
      %dma_start3A_229 = tpu.memref_slice %arg2[%add3A_147] : memref<172032xi32, #tpu.memory_space<hbm>> -> memref<64xi32, #tpu.memory_space<hbm>>
      %dma_start3A_230 = tpu.memref_slice %arg2[%add3A_147] : memref<172032xi32, #tpu.memory_space<hbm>> -> memref<64xi32, #tpu.memory_space<hbm>>
      tpu.enqueue_dma source(%dma_start3A_230 : memref<64xi32, #tpu.memory_space<hbm>>) target(%arg7 : memref<64xi32, #tpu.memory_space<vmem>>) target_semaphore(%run_scoped3A : memref<!tpu.dma_semaphore, #tpu.memory_space<semaphore_mem>>)
      %dma_wait3A = tpu.memref_slice %arg2[%add3A_147] : memref<172032xi32, #tpu.memory_space<hbm>> -> memref<64xi32, #tpu.memory_space<hbm>>
      %dma_wait3A_231 = tpu.memref_slice %arg2[%add3A_147] : memref<172032xi32, #tpu.memory_space<hbm>> -> memref<64xi32, #tpu.memory_space<hbm>>
      tpu.wait_dma2 semaphore(%run_scoped3A : memref<!tpu.dma_semaphore, #tpu.memory_space<semaphore_mem>>) src(%dma_wait3A_231 : memref<64xi32, #tpu.memory_space<hbm>>) dst(%arg7 : memref<64xi32, #tpu.memory_space<vmem>>)
      tpu.yield
    }) : () -> ()
    "tpu.region"() ({
      %run_scoped3A = tpu.sem_alloc : memref<!tpu.dma_semaphore, #tpu.memory_space<semaphore_mem>>
      %dma_start3A_229 = tpu.memref_slice %arg3[%add3A_147] : memref<172032xi32, #tpu.memory_space<hbm>> -> memref<64xi32, #tpu.memory_space<hbm>>
      %dma_start3A_230 = tpu.memref_slice %arg3[%add3A_147] : memref<172032xi32, #tpu.memory_space<hbm>> -> memref<64xi32, #tpu.memory_space<hbm>>
      tpu.enqueue_dma source(%dma_start3A_230 : memref<64xi32, #tpu.memory_space<hbm>>) target(%arg11 : memref<64xi32, #tpu.memory_space<vmem>>) target_semaphore(%run_scoped3A : memref<!tpu.dma_semaphore, #tpu.memory_space<semaphore_mem>>)
      %dma_wait3A = tpu.memref_slice %arg3[%add3A_147] : memref<172032xi32, #tpu.memory_space<hbm>> -> memref<64xi32, #tpu.memory_space<hbm>>
      %dma_wait3A_231 = tpu.memref_slice %arg3[%add3A_147] : memref<172032xi32, #tpu.memory_space<hbm>> -> memref<64xi32, #tpu.memory_space<hbm>>
      tpu.wait_dma2 semaphore(%run_scoped3A : memref<!tpu.dma_semaphore, #tpu.memory_space<semaphore_mem>>) src(%dma_wait3A_231 : memref<64xi32, #tpu.memory_space<hbm>>) dst(%arg11 : memref<64xi32, #tpu.memory_space<vmem>>)
      tpu.yield
    }) : () -> ()
    %get3A_148 = arith.constant 0 : index
    %get3A_149 = tpu.vector_load %arg7[%get3A_148] {strides = array<i32>} : memref<64xi32, #tpu.memory_space<vmem>>, vector<16xi32>,
    %mul3A_150 = arith.constant 10240 : i32
    %mul3A_151 = arith.muli %add3A_115, %mul3A_150 : i32
    %add3A_152 = vector.broadcast %mul3A_151 : i32 to vector<16xi32>
    %add3A_153 = arith.addi %get3A_149, %add3A_152 : vector<16xi32>
    %swap3A_154 = arith.constant 0 : index
    %swap3A_155 = tpu.vector_load %arg7[%swap3A_154] {strides = array<i32>} : memref<64xi32, #tpu.memory_space<vmem>>, vector<16xi32>,
    tpu.vector_store %arg7[%swap3A_154], %add3A_153 {strides = array<i32>} : memref<64xi32, #tpu.memory_space<vmem>>, vector<16xi32>,
    %get3A_156 = arith.constant 0 : index
    %get3A_157 = tpu.vector_load %arg11[%get3A_156] {strides = array<i32>} : memref<64xi32, #tpu.memory_space<vmem>>, vector<16xi32>,
    %mul3A_158 = arith.constant 10240 : i32
    %mul3A_159 = arith.muli %add3A_115, %mul3A_158 : i32
    %add3A_160 = vector.broadcast %mul3A_159 : i32 to vector<16xi32>
    %add3A_161 = arith.addi %get3A_157, %add3A_160 : vector<16xi32>
    %swap3A_162 = arith.constant 0 : index
    %swap3A_163 = tpu.vector_load %arg9[%swap3A_162] {strides = array<i32>} : memref<64xi32, #tpu.memory_space<vmem>>, vector<16xi32>,
    tpu.vector_store %arg9[%swap3A_162], %add3A_161 {strides = array<i32>} : memref<64xi32, #tpu.memory_space<vmem>>, vector<16xi32>,
    %get3A_164 = arith.constant 16 : index
    %get3A_165 = tpu.vector_load %arg7[%get3A_164] {strides = array<i32>} : memref<64xi32, #tpu.memory_space<vmem>>, vector<16xi32>,
    %mul3A_166 = arith.constant 10240 : i32
    %mul3A_167 = arith.muli %add3A_115, %mul3A_166 : i32
    %add3A_168 = vector.broadcast %mul3A_167 : i32 to vector<16xi32>
    %add3A_169 = arith.addi %get3A_165, %add3A_168 : vector<16xi32>
    %swap3A_170 = arith.constant 16 : index
    %swap3A_171 = tpu.vector_load %arg7[%swap3A_170] {strides = array<i32>} : memref<64xi32, #tpu.memory_space<vmem>>, vector<16xi32>,
    tpu.vector_store %arg7[%swap3A_170], %add3A_169 {strides = array<i32>} : memref<64xi32, #tpu.memory_space<vmem>>, vector<16xi32>,
    %get3A_172 = arith.constant 16 : index
    %get3A_173 = tpu.vector_load %arg11[%get3A_172] {strides = array<i32>} : memref<64xi32, #tpu.memory_space<vmem>>, vector<16xi32>,
    %mul3A_174 = arith.constant 10240 : i32
    %mul3A_175 = arith.muli %add3A_115, %mul3A_174 : i32
    %add3A_176 = vector.broadcast %mul3A_175 : i32 to vector<16xi32>
    %add3A_177 = arith.addi %get3A_173, %add3A_176 : vector<16xi32>
    %swap3A_178 = arith.constant 16 : index
    %swap3A_179 = tpu.vector_load %arg9[%swap3A_178] {strides = array<i32>} : memref<64xi32, #tpu.memory_space<vmem>>, vector<16xi32>,
    tpu.vector_store %arg9[%swap3A_178], %add3A_177 {strides = array<i32>} : memref<64xi32, #tpu.memory_space<vmem>>, vector<16xi32>,
    %get3A_180 = arith.constant 32 : index
    %get3A_181 = tpu.vector_load %arg7[%get3A_180] {strides = array<i32>} : memref<64xi32, #tpu.memory_space<vmem>>, vector<16xi32>,
    %mul3A_182 = arith.constant 10240 : i32
    %mul3A_183 = arith.muli %add3A_115, %mul3A_182 : i32
    %add3A_184 = vector.broadcast %mul3A_183 : i32 to vector<16xi32>
    %add3A_185 = arith.addi %get3A_181, %add3A_184 : vector<16xi32>
    %swap3A_186 = arith.constant 32 : index
    %swap3A_187 = tpu.vector_load %arg7[%swap3A_186] {strides = array<i32>} : memref<64xi32, #tpu.memory_space<vmem>>, vector<16xi32>,
    tpu.vector_store %arg7[%swap3A_186], %add3A_185 {strides = array<i32>} : memref<64xi32, #tpu.memory_space<vmem>>, vector<16xi32>,
    %get3A_188 = arith.constant 32 : index
    %get3A_189 = tpu.vector_load %arg11[%get3A_188] {strides = array<i32>} : memref<64xi32, #tpu.memory_space<vmem>>, vector<16xi32>,
    %mul3A_190 = arith.constant 10240 : i32
    %mul3A_191 = arith.muli %add3A_115, %mul3A_190 : i32
    %add3A_192 = vector.broadcast %mul3A_191 : i32 to vector<16xi32>
    %add3A_193 = arith.addi %get3A_189, %add3A_192 : vector<16xi32>
    %swap3A_194 = arith.constant 32 : index
    %swap3A_195 = tpu.vector_load %arg9[%swap3A_194] {strides = array<i32>} : memref<64xi32, #tpu.memory_space<vmem>>, vector<16xi32>,
    tpu.vector_store %arg9[%swap3A_194], %add3A_193 {strides = array<i32>} : memref<64xi32, #tpu.memory_space<vmem>>, vector<16xi32>,
    %get3A_196 = arith.constant 48 : index
    %get3A_197 = tpu.vector_load %arg7[%get3A_196] {strides = array<i32>} : memref<64xi32, #tpu.memory_space<vmem>>, vector<16xi32>,
    %mul3A_198 = arith.constant 10240 : i32
    %mul3A_199 = arith.muli %add3A_115, %mul3A_198 : i32
    %add3A_200 = vector.broadcast %mul3A_199 : i32 to vector<16xi32>
    %add3A_201 = arith.addi %get3A_197, %add3A_200 : vector<16xi32>
    %swap3A_202 = arith.constant 48 : index
    %swap3A_203 = tpu.vector_load %arg7[%swap3A_202] {strides = array<i32>} : memref<64xi32, #tpu.memory_space<vmem>>, vector<16xi32>,
    tpu.vector_store %arg7[%swap3A_202], %add3A_201 {strides = array<i32>} : memref<64xi32, #tpu.memory_space<vmem>>, vector<16xi32>,
    %get3A_204 = arith.constant 48 : index
    %get3A_205 = tpu.vector_load %arg11[%get3A_204] {strides = array<i32>} : memref<64xi32, #tpu.memory_space<vmem>>, vector<16xi32>,
    %mul3A_206 = arith.constant 10240 : i32
    %mul3A_207 = arith.muli %add3A_115, %mul3A_206 : i32
    %add3A_208 = vector.broadcast %mul3A_207 : i32 to vector<16xi32>
    %add3A_209 = arith.addi %get3A_205, %add3A_208 : vector<16xi32>
    %swap3A_210 = arith.constant 48 : index
    %swap3A_211 = tpu.vector_load %arg9[%swap3A_210] {strides = array<i32>} : memref<64xi32, #tpu.memory_space<vmem>>, vector<16xi32>,
    tpu.vector_store %arg9[%swap3A_210], %add3A_209 {strides = array<i32>} : memref<64xi32, #tpu.memory_space<vmem>>, vector<16xi32>,
    %dma_start3A_212 = arith.constant 0 : i32
    %dma_start3A_213 = arith.constant 0 : i32
    %dma_start3A_214 = tpu.memref_slice %arg4[%dma_start3A_212, %dma_start3A_213] : memref<40960x128xf32, #tpu.memory_space<hbm>> -> memref<40960x128xf32, #tpu.memory_space<hbm>>
    tpu.enqueue_indirect_dma source(%dma_start3A_214 : memref<40960x128xf32, #tpu.memory_space<hbm>>) target(%arg13 : memref<64x128xf32, #tpu.memory_space<vmem>>) offsets(%arg7 : memref<64xi32, #tpu.memory_space<vmem>>) semaphore(%arg19 : memref<!tpu.dma_semaphore, #tpu.memory_space<semaphore_mem>>)
    %dma_start3A_215 = arith.constant 0 : i32
    %dma_start3A_216 = arith.constant 0 : i32
    %dma_start3A_217 = tpu.memref_slice %arg5[%dma_start3A_215, %dma_start3A_216] : memref<40960x128xf32, #tpu.memory_space<hbm>> -> memref<40960x128xf32, #tpu.memory_space<hbm>>
    tpu.enqueue_indirect_dma source(%dma_start3A_217 : memref<40960x128xf32, #tpu.memory_space<hbm>>) target(%arg15 : memref<64x128xf32, #tpu.memory_space<vmem>>) offsets(%arg9 : memref<64xi32, #tpu.memory_space<vmem>>) semaphore(%arg19 : memref<!tpu.dma_semaphore, #tpu.memory_space<semaphore_mem>>)
    %scan3A_218 = arith.constant 0 : i32
    %scan3A_219 = arith.constant 0 : i32
    %scan3A_220 = arith.constant 84 : i32
    %scan3A_221 = arith.addi %scan3A_219, %scan3A_220 : i32
    %scan3A_222 = arith.constant 1 : i32
    %scan3A_223 = scf.for %scan3A_229 = %scan3A_219 to %scan3A_221 step %scan3A_222 iter_args(%scan3A_230 = %scan3A_218) -> (i32)  : i32 {
      %mul3A_231 = arith.constant 2 : i32
      %mul3A_232 = arith.muli %mul3A_231, %scan3A_229 : i32
      %add3A_233 = arith.constant 0 : i32
      %add3A_234 = arith.addi %mul3A_232, %add3A_233 : i32
      %add3A_235 = arith.constant 1 : i32
      %add3A_236 = arith.addi %add3A_234, %add3A_235 : i32
      %lt3A = arith.constant 168 : i32
      %lt3A_237 = arith.cmpi slt, %add3A_236, %lt3A : i32
      %convert_element_type3A = arith.extui %lt3A_237 : i1 to i32
      %cond3A = arith.constant 0 : i32
      %cond3A_238 = arith.cmpi ne, %convert_element_type3A, %cond3A : i32
      scf.if %cond3A_238 {
        %add3A_276 = arith.constant 1 : i32
        %add3A_277 = arith.addi %add3A_234, %add3A_276 : i32
        %mul3A_278 = arith.constant 10752 : i32
        %mul3A_279 = arith.muli %arg1, %mul3A_278 : i32
        %mul3A_280 = arith.constant 64 : i32
        %mul3A_281 = arith.muli %add3A_277, %mul3A_280 : i32
        %add3A_282 = arith.addi %mul3A_279, %mul3A_281 : i32
        "tpu.region"() ({
          %run_scoped3A = tpu.sem_alloc : memref<!tpu.dma_semaphore, #tpu.memory_space<semaphore_mem>>
          %dma_start3A_353 = tpu.memref_slice %arg2[%add3A_282] : memref<172032xi32, #tpu.memory_space<hbm>> -> memref<64xi32, #tpu.memory_space<hbm>>
          %dma_start3A_354 = tpu.memref_slice %arg2[%add3A_282] : memref<172032xi32, #tpu.memory_space<hbm>> -> memref<64xi32, #tpu.memory_space<hbm>>
          tpu.enqueue_dma source(%dma_start3A_354 : memref<64xi32, #tpu.memory_space<hbm>>) target(%arg8 : memref<64xi32, #tpu.memory_space<vmem>>) target_semaphore(%run_scoped3A : memref<!tpu.dma_semaphore, #tpu.memory_space<semaphore_mem>>)
          %dma_wait3A_355 = tpu.memref_slice %arg2[%add3A_282] : memref<172032xi32, #tpu.memory_space<hbm>> -> memref<64xi32, #tpu.memory_space<hbm>>
          %dma_wait3A_356 = tpu.memref_slice %arg2[%add3A_282] : memref<172032xi32, #tpu.memory_space<hbm>> -> memref<64xi32, #tpu.memory_space<hbm>>
          tpu.wait_dma2 semaphore(%run_scoped3A : memref<!tpu.dma_semaphore, #tpu.memory_space<semaphore_mem>>) src(%dma_wait3A_356 : memref<64xi32, #tpu.memory_space<hbm>>) dst(%arg8 : memref<64xi32, #tpu.memory_space<vmem>>)
          tpu.yield
        }) : () -> ()
        "tpu.region"() ({
          %run_scoped3A = tpu.sem_alloc : memref<!tpu.dma_semaphore, #tpu.memory_space<semaphore_mem>>
          %dma_start3A_353 = tpu.memref_slice %arg3[%add3A_282] : memref<172032xi32, #tpu.memory_space<hbm>> -> memref<64xi32, #tpu.memory_space<hbm>>
          %dma_start3A_354 = tpu.memref_slice %arg3[%add3A_282] : memref<172032xi32, #tpu.memory_space<hbm>> -> memref<64xi32, #tpu.memory_space<hbm>>
          tpu.enqueue_dma source(%dma_start3A_354 : memref<64xi32, #tpu.memory_space<hbm>>) target(%arg12 : memref<64xi32, #tpu.memory_space<vmem>>) target_semaphore(%run_scoped3A : memref<!tpu.dma_semaphore, #tpu.memory_space<semaphore_mem>>)
          %dma_wait3A_355 = tpu.memref_slice %arg3[%add3A_282] : memref<172032xi32, #tpu.memory_space<hbm>> -> memref<64xi32, #tpu.memory_space<hbm>>
          %dma_wait3A_356 = tpu.memref_slice %arg3[%add3A_282] : memref<172032xi32, #tpu.memory_space<hbm>> -> memref<64xi32, #tpu.memory_space<hbm>>
          tpu.wait_dma2 semaphore(%run_scoped3A : memref<!tpu.dma_semaphore, #tpu.memory_space<semaphore_mem>>) src(%dma_wait3A_356 : memref<64xi32, #tpu.memory_space<hbm>>) dst(%arg12 : memref<64xi32, #tpu.memory_space<vmem>>)
          tpu.yield
        }) : () -> ()
        %get3A_283 = arith.constant 0 : index
        %get3A_284 = tpu.vector_load %arg8[%get3A_283] {strides = array<i32>} : memref<64xi32, #tpu.memory_space<vmem>>, vector<16xi32>,
        %mul3A_285 = arith.constant 10240 : i32
        %mul3A_286 = arith.muli %add3A_115, %mul3A_285 : i32
        %add3A_287 = vector.broadcast %mul3A_286 : i32 to vector<16xi32>
        %add3A_288 = arith.addi %get3A_284, %add3A_287 : vector<16xi32>
        %swap3A_289 = arith.constant 0 : index
        %swap3A_290 = tpu.vector_load %arg8[%swap3A_289] {strides = array<i32>} : memref<64xi32, #tpu.memory_space<vmem>>, vector<16xi32>,
        tpu.vector_store %arg8[%swap3A_289], %add3A_288 {strides = array<i32>} : memref<64xi32, #tpu.memory_space<vmem>>, vector<16xi32>,
        %get3A_291 = arith.constant 0 : index
        %get3A_292 = tpu.vector_load %arg12[%get3A_291] {strides = array<i32>} : memref<64xi32, #tpu.memory_space<vmem>>, vector<16xi32>,
        %mul3A_293 = arith.constant 10240 : i32
        %mul3A_294 = arith.muli %add3A_115, %mul3A_293 : i32
        %add3A_295 = vector.broadcast %mul3A_294 : i32 to vector<16xi32>
        %add3A_296 = arith.addi %get3A_292, %add3A_295 : vector<16xi32>
        %swap3A_297 = arith.constant 0 : index
        %swap3A_298 = tpu.vector_load %arg10[%swap3A_297] {strides = array<i32>} : memref<64xi32, #tpu.memory_space<vmem>>, vector<16xi32>,
        tpu.vector_store %arg10[%swap3A_297], %add3A_296 {strides = array<i32>} : memref<64xi32, #tpu.memory_space<vmem>>, vector<16xi32>,
        %get3A_299 = arith.constant 16 : index
        %get3A_300 = tpu.vector_load %arg8[%get3A_299] {strides = array<i32>} : memref<64xi32, #tpu.memory_space<vmem>>, vector<16xi32>,
        %mul3A_301 = arith.constant 10240 : i32
        %mul3A_302 = arith.muli %add3A_115, %mul3A_301 : i32
        %add3A_303 = vector.broadcast %mul3A_302 : i32 to vector<16xi32>
        %add3A_304 = arith.addi %get3A_300, %add3A_303 : vector<16xi32>
        %swap3A_305 = arith.constant 16 : index
        %swap3A_306 = tpu.vector_load %arg8[%swap3A_305] {strides = array<i32>} : memref<64xi32, #tpu.memory_space<vmem>>, vector<16xi32>,
        tpu.vector_store %arg8[%swap3A_305], %add3A_304 {strides = array<i32>} : memref<64xi32, #tpu.memory_space<vmem>>, vector<16xi32>,
        %get3A_307 = arith.constant 16 : index
        %get3A_308 = tpu.vector_load %arg12[%get3A_307] {strides = array<i32>} : memref<64xi32, #tpu.memory_space<vmem>>, vector<16xi32>,
        %mul3A_309 = arith.constant 10240 : i32
        %mul3A_310 = arith.muli %add3A_115, %mul3A_309 : i32
        %add3A_311 = vector.broadcast %mul3A_310 : i32 to vector<16xi32>
        %add3A_312 = arith.addi %get3A_308, %add3A_311 : vector<16xi32>
        %swap3A_313 = arith.constant 16 : index
        %swap3A_314 = tpu.vector_load %arg10[%swap3A_313] {strides = array<i32>} : memref<64xi32, #tpu.memory_space<vmem>>, vector<16xi32>,
        tpu.vector_store %arg10[%swap3A_313], %add3A_312 {strides = array<i32>} : memref<64xi32, #tpu.memory_space<vmem>>, vector<16xi32>,
        %get3A_315 = arith.constant 32 : index
        %get3A_316 = tpu.vector_load %arg8[%get3A_315] {strides = array<i32>} : memref<64xi32, #tpu.memory_space<vmem>>, vector<16xi32>,
        %mul3A_317 = arith.constant 10240 : i32
        %mul3A_318 = arith.muli %add3A_115, %mul3A_317 : i32
        %add3A_319 = vector.broadcast %mul3A_318 : i32 to vector<16xi32>
        %add3A_320 = arith.addi %get3A_316, %add3A_319 : vector<16xi32>
        %swap3A_321 = arith.constant 32 : index
        %swap3A_322 = tpu.vector_load %arg8[%swap3A_321] {strides = array<i32>} : memref<64xi32, #tpu.memory_space<vmem>>, vector<16xi32>,
        tpu.vector_store %arg8[%swap3A_321], %add3A_320 {strides = array<i32>} : memref<64xi32, #tpu.memory_space<vmem>>, vector<16xi32>,
        %get3A_323 = arith.constant 32 : index
        %get3A_324 = tpu.vector_load %arg12[%get3A_323] {strides = array<i32>} : memref<64xi32, #tpu.memory_space<vmem>>, vector<16xi32>,
        %mul3A_325 = arith.constant 10240 : i32
        %mul3A_326 = arith.muli %add3A_115, %mul3A_325 : i32
        %add3A_327 = vector.broadcast %mul3A_326 : i32 to vector<16xi32>
        %add3A_328 = arith.addi %get3A_324, %add3A_327 : vector<16xi32>
        %swap3A_329 = arith.constant 32 : index
        %swap3A_330 = tpu.vector_load %arg10[%swap3A_329] {strides = array<i32>} : memref<64xi32, #tpu.memory_space<vmem>>, vector<16xi32>,
        tpu.vector_store %arg10[%swap3A_329], %add3A_328 {strides = array<i32>} : memref<64xi32, #tpu.memory_space<vmem>>, vector<16xi32>,
        %get3A_331 = arith.constant 48 : index
        %get3A_332 = tpu.vector_load %arg8[%get3A_331] {strides = array<i32>} : memref<64xi32, #tpu.memory_space<vmem>>, vector<16xi32>,
        %mul3A_333 = arith.constant 10240 : i32
        %mul3A_334 = arith.muli %add3A_115, %mul3A_333 : i32
        %add3A_335 = vector.broadcast %mul3A_334 : i32 to vector<16xi32>
        %add3A_336 = arith.addi %get3A_332, %add3A_335 : vector<16xi32>
        %swap3A_337 = arith.constant 48 : index
        %swap3A_338 = tpu.vector_load %arg8[%swap3A_337] {strides = array<i32>} : memref<64xi32, #tpu.memory_space<vmem>>, vector<16xi32>,
        tpu.vector_store %arg8[%swap3A_337], %add3A_336 {strides = array<i32>} : memref<64xi32, #tpu.memory_space<vmem>>, vector<16xi32>,
        %get3A_339 = arith.constant 48 : index
        %get3A_340 = tpu.vector_load %arg12[%get3A_339] {strides = array<i32>} : memref<64xi32, #tpu.memory_space<vmem>>, vector<16xi32>,
        %mul3A_341 = arith.constant 10240 : i32
        %mul3A_342 = arith.muli %add3A_115, %mul3A_341 : i32
        %add3A_343 = vector.broadcast %mul3A_342 : i32 to vector<16xi32>
        %add3A_344 = arith.addi %get3A_340, %add3A_343 : vector<16xi32>
        %swap3A_345 = arith.constant 48 : index
        %swap3A_346 = tpu.vector_load %arg10[%swap3A_345] {strides = array<i32>} : memref<64xi32, #tpu.memory_space<vmem>>, vector<16xi32>,
        tpu.vector_store %arg10[%swap3A_345], %add3A_344 {strides = array<i32>} : memref<64xi32, #tpu.memory_space<vmem>>, vector<16xi32>,
        %dma_start3A_347 = arith.constant 0 : i32
        %dma_start3A_348 = arith.constant 0 : i32
        %dma_start3A_349 = tpu.memref_slice %arg4[%dma_start3A_347, %dma_start3A_348] : memref<40960x128xf32, #tpu.memory_space<hbm>> -> memref<40960x128xf32, #tpu.memory_space<hbm>>
        tpu.enqueue_indirect_dma source(%dma_start3A_349 : memref<40960x128xf32, #tpu.memory_space<hbm>>) target(%arg14 : memref<64x128xf32, #tpu.memory_space<vmem>>) offsets(%arg8 : memref<64xi32, #tpu.memory_space<vmem>>) semaphore(%arg20 : memref<!tpu.dma_semaphore, #tpu.memory_space<semaphore_mem>>)
        %dma_start3A_350 = arith.constant 0 : i32
        %dma_start3A_351 = arith.constant 0 : i32
        %dma_start3A_352 = tpu.memref_slice %arg5[%dma_start3A_350, %dma_start3A_351] : memref<40960x128xf32, #tpu.memory_space<hbm>> -> memref<40960x128xf32, #tpu.memory_space<hbm>>
        tpu.enqueue_indirect_dma source(%dma_start3A_352 : memref<40960x128xf32, #tpu.memory_space<hbm>>) target(%arg16 : memref<64x128xf32, #tpu.memory_space<vmem>>) offsets(%arg10 : memref<64xi32, #tpu.memory_space<vmem>>) semaphore(%arg20 : memref<!tpu.dma_semaphore, #tpu.memory_space<semaphore_mem>>)
      } else {
      }
      %dma_wait3A = arith.constant 0 : i32
      %dma_wait3A_239 = arith.constant 0 : i32
      %dma_wait3A_240 = tpu.memref_slice %arg4[%dma_wait3A, %dma_wait3A_239] : memref<40960x128xf32, #tpu.memory_space<hbm>> -> memref<40960x128xf32, #tpu.memory_space<hbm>>
      tpu.wait_indirect_dma semaphore(%arg19 : memref<!tpu.dma_semaphore, #tpu.memory_space<semaphore_mem>>) src(%dma_wait3A_240 : memref<40960x128xf32, #tpu.memory_space<hbm>>) dst(%arg13 : memref<64x128xf32, #tpu.memory_space<vmem>>)
      %dma_wait3A_241 = arith.constant 0 : i32
      %dma_wait3A_242 = arith.constant 0 : i32
      %dma_wait3A_243 = tpu.memref_slice %arg5[%dma_wait3A_241, %dma_wait3A_242] : memref<40960x128xf32, #tpu.memory_space<hbm>> -> memref<40960x128xf32, #tpu.memory_space<hbm>>
      tpu.wait_indirect_dma semaphore(%arg19 : memref<!tpu.dma_semaphore, #tpu.memory_space<semaphore_mem>>) src(%dma_wait3A_243 : memref<40960x128xf32, #tpu.memory_space<hbm>>) dst(%arg15 : memref<64x128xf32, #tpu.memory_space<vmem>>)
      %scan3A_244 = arith.constant 0 : i32
      %scan3A_245 = arith.constant 0 : i32
      %scan3A_246 = arith.constant 64 : i32
      %scan3A_247 = arith.addi %scan3A_245, %scan3A_246 : i32
      %scan3A_248 = arith.constant 1 : i32
      %scan3A_249 = scf.for %scan3A_276 = %scan3A_245 to %scan3A_247 step %scan3A_248 iter_args(%scan3A_277 = %scan3A_244) -> (i32)  : i32 {
        %get3A_278 = arith.index_cast %scan3A_276 : i32 to index
        %get3A_279 = arith.constant 0 : index
        %get3A_280 = tpu.vector_load %arg13[%get3A_278, %get3A_279] {strides = array<i32>} : memref<64x128xf32, #tpu.memory_space<vmem>>, vector<16xf32>,
        %get3A_281 = arith.index_cast %scan3A_276 : i32 to index
        %get3A_282 = arith.constant 0 : index
        %get3A_283 = tpu.vector_load %arg15[%get3A_281, %get3A_282] {strides = array<i32>} : memref<64x128xf32, #tpu.memory_space<vmem>>, vector<16xf32>,
        %add3A_284 = arith.addf %get3A_280, %get3A_283 : vector<16xf32>
        %exp3A = math.exp %add3A_284 : vector<16xf32>
        %swap3A_285 = arith.index_cast %scan3A_276 : i32 to index
        %swap3A_286 = arith.constant 0 : index
        %swap3A_287 = tpu.vector_load %arg17[%swap3A_285, %swap3A_286] {strides = array<i32>} : memref<64x128xf32, #tpu.memory_space<vmem>>, vector<16xf32>,
        tpu.vector_store %arg17[%swap3A_285, %swap3A_286], %exp3A {strides = array<i32>} : memref<64x128xf32, #tpu.memory_space<vmem>>, vector<16xf32>,
        %get3A_288 = arith.index_cast %scan3A_276 : i32 to index
        %get3A_289 = arith.constant 64 : index
        %get3A_290 = tpu.vector_load %arg13[%get3A_288, %get3A_289] {strides = array<i32>} : memref<64x128xf32, #tpu.memory_space<vmem>>, vector<16xf32>,
        %get3A_291 = arith.index_cast %scan3A_276 : i32 to index
        %get3A_292 = arith.constant 64 : index
        %get3A_293 = tpu.vector_load %arg15[%get3A_291, %get3A_292] {strides = array<i32>} : memref<64x128xf32, #tpu.memory_space<vmem>>, vector<16xf32>,
        %add3A_294 = arith.addf %get3A_290, %get3A_293 : vector<16xf32>
        %mul3A_295 = arith.mulf %exp3A, %add3A_294 : vector<16xf32>
        %swap3A_296 = arith.index_cast %scan3A_276 : i32 to index
        %swap3A_297 = arith.constant 64 : index
        %swap3A_298 = tpu.vector_load %arg17[%swap3A_296, %swap3A_297] {strides = array<i32>} : memref<64x128xf32, #tpu.memory_space<vmem>>, vector<16xf32>,
        tpu.vector_store %arg17[%swap3A_296, %swap3A_297], %mul3A_295 {strides = array<i32>} : memref<64x128xf32, #tpu.memory_space<vmem>>, vector<16xf32>,
        %get3A_299 = arith.index_cast %scan3A_276 : i32 to index
        %get3A_300 = arith.constant 16 : index
        %get3A_301 = tpu.vector_load %arg13[%get3A_299, %get3A_300] {strides = array<i32>} : memref<64x128xf32, #tpu.memory_space<vmem>>, vector<16xf32>,
        %get3A_302 = arith.index_cast %scan3A_276 : i32 to index
        %get3A_303 = arith.constant 16 : index
        %get3A_304 = tpu.vector_load %arg15[%get3A_302, %get3A_303] {strides = array<i32>} : memref<64x128xf32, #tpu.memory_space<vmem>>, vector<16xf32>,
        %add3A_305 = arith.addf %get3A_301, %get3A_304 : vector<16xf32>
        %exp3A_306 = math.exp %add3A_305 : vector<16xf32>
        %swap3A_307 = arith.index_cast %scan3A_276 : i32 to index
        %swap3A_308 = arith.constant 16 : index
        %swap3A_309 = tpu.vector_load %arg17[%swap3A_307, %swap3A_308] {strides = array<i32>} : memref<64x128xf32, #tpu.memory_space<vmem>>, vector<16xf32>,
        tpu.vector_store %arg17[%swap3A_307, %swap3A_308], %exp3A_306 {strides = array<i32>} : memref<64x128xf32, #tpu.memory_space<vmem>>, vector<16xf32>,
        %get3A_310 = arith.index_cast %scan3A_276 : i32 to index
        %get3A_311 = arith.constant 80 : index
        %get3A_312 = tpu.vector_load %arg13[%get3A_310, %get3A_311] {strides = array<i32>} : memref<64x128xf32, #tpu.memory_space<vmem>>, vector<16xf32>,
        %get3A_313 = arith.index_cast %scan3A_276 : i32 to index
        %get3A_314 = arith.constant 80 : index
        %get3A_315 = tpu.vector_load %arg15[%get3A_313, %get3A_314] {strides = array<i32>} : memref<64x128xf32, #tpu.memory_space<vmem>>, vector<16xf32>,
        %add3A_316 = arith.addf %get3A_312, %get3A_315 : vector<16xf32>
        %mul3A_317 = arith.mulf %exp3A_306, %add3A_316 : vector<16xf32>
        %swap3A_318 = arith.index_cast %scan3A_276 : i32 to index
        %swap3A_319 = arith.constant 80 : index
        %swap3A_320 = tpu.vector_load %arg17[%swap3A_318, %swap3A_319] {strides = array<i32>} : memref<64x128xf32, #tpu.memory_space<vmem>>, vector<16xf32>,
        tpu.vector_store %arg17[%swap3A_318, %swap3A_319], %mul3A_317 {strides = array<i32>} : memref<64x128xf32, #tpu.memory_space<vmem>>, vector<16xf32>,
        %get3A_321 = arith.index_cast %scan3A_276 : i32 to index
        %get3A_322 = arith.constant 32 : index
        %get3A_323 = tpu.vector_load %arg13[%get3A_321, %get3A_322] {strides = array<i32>} : memref<64x128xf32, #tpu.memory_space<vmem>>, vector<16xf32>,
        %get3A_324 = arith.index_cast %scan3A_276 : i32 to index
        %get3A_325 = arith.constant 32 : index
        %get3A_326 = tpu.vector_load %arg15[%get3A_324, %get3A_325] {strides = array<i32>} : memref<64x128xf32, #tpu.memory_space<vmem>>, vector<16xf32>,
        %add3A_327 = arith.addf %get3A_323, %get3A_326 : vector<16xf32>
        %exp3A_328 = math.exp %add3A_327 : vector<16xf32>
        %swap3A_329 = arith.index_cast %scan3A_276 : i32 to index
        %swap3A_330 = arith.constant 32 : index
        %swap3A_331 = tpu.vector_load %arg17[%swap3A_329, %swap3A_330] {strides = array<i32>} : memref<64x128xf32, #tpu.memory_space<vmem>>, vector<16xf32>,
        tpu.vector_store %arg17[%swap3A_329, %swap3A_330], %exp3A_328 {strides = array<i32>} : memref<64x128xf32, #tpu.memory_space<vmem>>, vector<16xf32>,
        %get3A_332 = arith.index_cast %scan3A_276 : i32 to index
        %get3A_333 = arith.constant 96 : index
        %get3A_334 = tpu.vector_load %arg13[%get3A_332, %get3A_333] {strides = array<i32>} : memref<64x128xf32, #tpu.memory_space<vmem>>, vector<16xf32>,
        %get3A_335 = arith.index_cast %scan3A_276 : i32 to index
        %get3A_336 = arith.constant 96 : index
        %get3A_337 = tpu.vector_load %arg15[%get3A_335, %get3A_336] {strides = array<i32>} : memref<64x128xf32, #tpu.memory_space<vmem>>, vector<16xf32>,
        %add3A_338 = arith.addf %get3A_334, %get3A_337 : vector<16xf32>
        %mul3A_339 = arith.mulf %exp3A_328, %add3A_338 : vector<16xf32>
        %swap3A_340 = arith.index_cast %scan3A_276 : i32 to index
        %swap3A_341 = arith.constant 96 : index
        %swap3A_342 = tpu.vector_load %arg17[%swap3A_340, %swap3A_341] {strides = array<i32>} : memref<64x128xf32, #tpu.memory_space<vmem>>, vector<16xf32>,
        tpu.vector_store %arg17[%swap3A_340, %swap3A_341], %mul3A_339 {strides = array<i32>} : memref<64x128xf32, #tpu.memory_space<vmem>>, vector<16xf32>,
        %get3A_343 = arith.index_cast %scan3A_276 : i32 to index
        %get3A_344 = arith.constant 48 : index
        %get3A_345 = tpu.vector_load %arg13[%get3A_343, %get3A_344] {strides = array<i32>} : memref<64x128xf32, #tpu.memory_space<vmem>>, vector<16xf32>,
        %get3A_346 = arith.index_cast %scan3A_276 : i32 to index
        %get3A_347 = arith.constant 48 : index
        %get3A_348 = tpu.vector_load %arg15[%get3A_346, %get3A_347] {strides = array<i32>} : memref<64x128xf32, #tpu.memory_space<vmem>>, vector<16xf32>,
        %add3A_349 = arith.addf %get3A_345, %get3A_348 : vector<16xf32>
        %exp3A_350 = math.exp %add3A_349 : vector<16xf32>
        %swap3A_351 = arith.index_cast %scan3A_276 : i32 to index
        %swap3A_352 = arith.constant 48 : index
        %swap3A_353 = tpu.vector_load %arg17[%swap3A_351, %swap3A_352] {strides = array<i32>} : memref<64x128xf32, #tpu.memory_space<vmem>>, vector<16xf32>,
        tpu.vector_store %arg17[%swap3A_351, %swap3A_352], %exp3A_350 {strides = array<i32>} : memref<64x128xf32, #tpu.memory_space<vmem>>, vector<16xf32>,
        %get3A_354 = arith.index_cast %scan3A_276 : i32 to index
        %get3A_355 = arith.constant 112 : index
        %get3A_356 = tpu.vector_load %arg13[%get3A_354, %get3A_355] {strides = array<i32>} : memref<64x128xf32, #tpu.memory_space<vmem>>, vector<16xf32>,
        %get3A_357 = arith.index_cast %scan3A_276 : i32 to index
        %get3A_358 = arith.constant 112 : index
        %get3A_359 = tpu.vector_load %arg15[%get3A_357, %get3A_358] {strides = array<i32>} : memref<64x128xf32, #tpu.memory_space<vmem>>, vector<16xf32>,
        %add3A_360 = arith.addf %get3A_356, %get3A_359 : vector<16xf32>
        %mul3A_361 = arith.mulf %exp3A_350, %add3A_360 : vector<16xf32>
        %swap3A_362 = arith.index_cast %scan3A_276 : i32 to index
        %swap3A_363 = arith.constant 112 : index
        %swap3A_364 = tpu.vector_load %arg17[%swap3A_362, %swap3A_363] {strides = array<i32>} : memref<64x128xf32, #tpu.memory_space<vmem>>, vector<16xf32>,
        tpu.vector_store %arg17[%swap3A_362, %swap3A_363], %mul3A_361 {strides = array<i32>} : memref<64x128xf32, #tpu.memory_space<vmem>>, vector<16xf32>,
        %scan3A_365 = arith.constant 0 : i32
        scf.yield %scan3A_365 : i32
      }
      %scan3A_250 = arith.constant 64 : i32
      "tpu.region"() ({
        %run_scoped3A = tpu.sem_alloc : memref<!tpu.dma_semaphore, #tpu.memory_space<semaphore_mem>>
        %dma_start3A_276 = arith.constant 0 : i32
        %dma_start3A_277 = arith.constant 0 : i32
        %dma_start3A_278 = tpu.memref_slice %arg18[%dma_start3A_276, %dma_start3A_277] : memref<10240x128xf32, #tpu.memory_space<vmem_shared>> -> memref<10240x128xf32, #tpu.memory_space<vmem_shared>>
        tpu.enqueue_indirect_dma source(%arg17 : memref<64x128xf32, #tpu.memory_space<vmem>>) target(%dma_start3A_278 : memref<10240x128xf32, #tpu.memory_space<vmem_shared>>) offsets(%arg11 : memref<64xi32, #tpu.memory_space<vmem>>) semaphore(%run_scoped3A : memref<!tpu.dma_semaphore, #tpu.memory_space<semaphore_mem>>) {add = true}
        %dma_wait3A_279 = arith.constant 0 : i32
        %dma_wait3A_280 = arith.constant 0 : i32
        %dma_wait3A_281 = tpu.memref_slice %arg18[%dma_wait3A_279, %dma_wait3A_280] : memref<10240x128xf32, #tpu.memory_space<vmem_shared>> -> memref<10240x128xf32, #tpu.memory_space<vmem_shared>>
        tpu.wait_indirect_dma semaphore(%run_scoped3A : memref<!tpu.dma_semaphore, #tpu.memory_space<semaphore_mem>>) src(%arg17 : memref<64x128xf32, #tpu.memory_space<vmem>>) dst(%dma_wait3A_281 : memref<10240x128xf32, #tpu.memory_space<vmem_shared>>)
        tpu.yield
      }) : () -> ()
      %mul3A_251 = arith.constant 2 : i32
      %mul3A_252 = arith.muli %mul3A_251, %scan3A_229 : i32
      %add3A_253 = arith.constant 1 : i32
      %add3A_254 = arith.addi %mul3A_252, %add3A_253 : i32
      %add3A_255 = arith.constant 1 : i32
      %add3A_256 = arith.addi %add3A_254, %add3A_255 : i32
      %lt3A_257 = arith.constant 168 : i32
      %lt3A_258 = arith.cmpi slt, %add3A_256, %lt3A_257 : i32
      %convert_element_type3A_259 = arith.extui %lt3A_258 : i1 to i32
      %cond3A_260 = arith.constant 0 : i32
      %cond3A_261 = arith.cmpi ne, %convert_element_type3A_259, %cond3A_260 : i32
      scf.if %cond3A_261 {
        %add3A_276 = arith.constant 1 : i32
        %add3A_277 = arith.addi %add3A_254, %add3A_276 : i32
        %mul3A_278 = arith.constant 10752 : i32
        %mul3A_279 = arith.muli %arg1, %mul3A_278 : i32
        %mul3A_280 = arith.constant 64 : i32
        %mul3A_281 = arith.muli %add3A_277, %mul3A_280 : i32
        %add3A_282 = arith.addi %mul3A_279, %mul3A_281 : i32
        "tpu.region"() ({
          %run_scoped3A = tpu.sem_alloc : memref<!tpu.dma_semaphore, #tpu.memory_space<semaphore_mem>>
          %dma_start3A_353 = tpu.memref_slice %arg2[%add3A_282] : memref<172032xi32, #tpu.memory_space<hbm>> -> memref<64xi32, #tpu.memory_space<hbm>>
          %dma_start3A_354 = tpu.memref_slice %arg2[%add3A_282] : memref<172032xi32, #tpu.memory_space<hbm>> -> memref<64xi32, #tpu.memory_space<hbm>>
          tpu.enqueue_dma source(%dma_start3A_354 : memref<64xi32, #tpu.memory_space<hbm>>) target(%arg7 : memref<64xi32, #tpu.memory_space<vmem>>) target_semaphore(%run_scoped3A : memref<!tpu.dma_semaphore, #tpu.memory_space<semaphore_mem>>)
          %dma_wait3A_355 = tpu.memref_slice %arg2[%add3A_282] : memref<172032xi32, #tpu.memory_space<hbm>> -> memref<64xi32, #tpu.memory_space<hbm>>
          %dma_wait3A_356 = tpu.memref_slice %arg2[%add3A_282] : memref<172032xi32, #tpu.memory_space<hbm>> -> memref<64xi32, #tpu.memory_space<hbm>>
          tpu.wait_dma2 semaphore(%run_scoped3A : memref<!tpu.dma_semaphore, #tpu.memory_space<semaphore_mem>>) src(%dma_wait3A_356 : memref<64xi32, #tpu.memory_space<hbm>>) dst(%arg7 : memref<64xi32, #tpu.memory_space<vmem>>)
          tpu.yield
        }) : () -> ()
        "tpu.region"() ({
          %run_scoped3A = tpu.sem_alloc : memref<!tpu.dma_semaphore, #tpu.memory_space<semaphore_mem>>
          %dma_start3A_353 = tpu.memref_slice %arg3[%add3A_282] : memref<172032xi32, #tpu.memory_space<hbm>> -> memref<64xi32, #tpu.memory_space<hbm>>
          %dma_start3A_354 = tpu.memref_slice %arg3[%add3A_282] : memref<172032xi32, #tpu.memory_space<hbm>> -> memref<64xi32, #tpu.memory_space<hbm>>
          tpu.enqueue_dma source(%dma_start3A_354 : memref<64xi32, #tpu.memory_space<hbm>>) target(%arg11 : memref<64xi32, #tpu.memory_space<vmem>>) target_semaphore(%run_scoped3A : memref<!tpu.dma_semaphore, #tpu.memory_space<semaphore_mem>>)
          %dma_wait3A_355 = tpu.memref_slice %arg3[%add3A_282] : memref<172032xi32, #tpu.memory_space<hbm>> -> memref<64xi32, #tpu.memory_space<hbm>>
          %dma_wait3A_356 = tpu.memref_slice %arg3[%add3A_282] : memref<172032xi32, #tpu.memory_space<hbm>> -> memref<64xi32, #tpu.memory_space<hbm>>
          tpu.wait_dma2 semaphore(%run_scoped3A : memref<!tpu.dma_semaphore, #tpu.memory_space<semaphore_mem>>) src(%dma_wait3A_356 : memref<64xi32, #tpu.memory_space<hbm>>) dst(%arg11 : memref<64xi32, #tpu.memory_space<vmem>>)
          tpu.yield
        }) : () -> ()
        %get3A_283 = arith.constant 0 : index
        %get3A_284 = tpu.vector_load %arg7[%get3A_283] {strides = array<i32>} : memref<64xi32, #tpu.memory_space<vmem>>, vector<16xi32>,
        %mul3A_285 = arith.constant 10240 : i32
        %mul3A_286 = arith.muli %add3A_115, %mul3A_285 : i32
        %add3A_287 = vector.broadcast %mul3A_286 : i32 to vector<16xi32>
        %add3A_288 = arith.addi %get3A_284, %add3A_287 : vector<16xi32>
        %swap3A_289 = arith.constant 0 : index
        %swap3A_290 = tpu.vector_load %arg7[%swap3A_289] {strides = array<i32>} : memref<64xi32, #tpu.memory_space<vmem>>, vector<16xi32>,
        tpu.vector_store %arg7[%swap3A_289], %add3A_288 {strides = array<i32>} : memref<64xi32, #tpu.memory_space<vmem>>, vector<16xi32>,
        %get3A_291 = arith.constant 0 : index
        %get3A_292 = tpu.vector_load %arg11[%get3A_291] {strides = array<i32>} : memref<64xi32, #tpu.memory_space<vmem>>, vector<16xi32>,
        %mul3A_293 = arith.constant 10240 : i32
        %mul3A_294 = arith.muli %add3A_115, %mul3A_293 : i32
        %add3A_295 = vector.broadcast %mul3A_294 : i32 to vector<16xi32>
        %add3A_296 = arith.addi %get3A_292, %add3A_295 : vector<16xi32>
        %swap3A_297 = arith.constant 0 : index
        %swap3A_298 = tpu.vector_load %arg9[%swap3A_297] {strides = array<i32>} : memref<64xi32, #tpu.memory_space<vmem>>, vector<16xi32>,
        tpu.vector_store %arg9[%swap3A_297], %add3A_296 {strides = array<i32>} : memref<64xi32, #tpu.memory_space<vmem>>, vector<16xi32>,
        %get3A_299 = arith.constant 16 : index
        %get3A_300 = tpu.vector_load %arg7[%get3A_299] {strides = array<i32>} : memref<64xi32, #tpu.memory_space<vmem>>, vector<16xi32>,
        %mul3A_301 = arith.constant 10240 : i32
        %mul3A_302 = arith.muli %add3A_115, %mul3A_301 : i32
        %add3A_303 = vector.broadcast %mul3A_302 : i32 to vector<16xi32>
        %add3A_304 = arith.addi %get3A_300, %add3A_303 : vector<16xi32>
        %swap3A_305 = arith.constant 16 : index
        %swap3A_306 = tpu.vector_load %arg7[%swap3A_305] {strides = array<i32>} : memref<64xi32, #tpu.memory_space<vmem>>, vector<16xi32>,
        tpu.vector_store %arg7[%swap3A_305], %add3A_304 {strides = array<i32>} : memref<64xi32, #tpu.memory_space<vmem>>, vector<16xi32>,
        %get3A_307 = arith.constant 16 : index
        %get3A_308 = tpu.vector_load %arg11[%get3A_307] {strides = array<i32>} : memref<64xi32, #tpu.memory_space<vmem>>, vector<16xi32>,
        %mul3A_309 = arith.constant 10240 : i32
        %mul3A_310 = arith.muli %add3A_115, %mul3A_309 : i32
        %add3A_311 = vector.broadcast %mul3A_310 : i32 to vector<16xi32>
        %add3A_312 = arith.addi %get3A_308, %add3A_311 : vector<16xi32>
        %swap3A_313 = arith.constant 16 : index
        %swap3A_314 = tpu.vector_load %arg9[%swap3A_313] {strides = array<i32>} : memref<64xi32, #tpu.memory_space<vmem>>, vector<16xi32>,
        tpu.vector_store %arg9[%swap3A_313], %add3A_312 {strides = array<i32>} : memref<64xi32, #tpu.memory_space<vmem>>, vector<16xi32>,
        %get3A_315 = arith.constant 32 : index
        %get3A_316 = tpu.vector_load %arg7[%get3A_315] {strides = array<i32>} : memref<64xi32, #tpu.memory_space<vmem>>, vector<16xi32>,
        %mul3A_317 = arith.constant 10240 : i32
        %mul3A_318 = arith.muli %add3A_115, %mul3A_317 : i32
        %add3A_319 = vector.broadcast %mul3A_318 : i32 to vector<16xi32>
        %add3A_320 = arith.addi %get3A_316, %add3A_319 : vector<16xi32>
        %swap3A_321 = arith.constant 32 : index
        %swap3A_322 = tpu.vector_load %arg7[%swap3A_321] {strides = array<i32>} : memref<64xi32, #tpu.memory_space<vmem>>, vector<16xi32>,
        tpu.vector_store %arg7[%swap3A_321], %add3A_320 {strides = array<i32>} : memref<64xi32, #tpu.memory_space<vmem>>, vector<16xi32>,
        %get3A_323 = arith.constant 32 : index
        %get3A_324 = tpu.vector_load %arg11[%get3A_323] {strides = array<i32>} : memref<64xi32, #tpu.memory_space<vmem>>, vector<16xi32>,
        %mul3A_325 = arith.constant 10240 : i32
        %mul3A_326 = arith.muli %add3A_115, %mul3A_325 : i32
        %add3A_327 = vector.broadcast %mul3A_326 : i32 to vector<16xi32>
        %add3A_328 = arith.addi %get3A_324, %add3A_327 : vector<16xi32>
        %swap3A_329 = arith.constant 32 : index
        %swap3A_330 = tpu.vector_load %arg9[%swap3A_329] {strides = array<i32>} : memref<64xi32, #tpu.memory_space<vmem>>, vector<16xi32>,
        tpu.vector_store %arg9[%swap3A_329], %add3A_328 {strides = array<i32>} : memref<64xi32, #tpu.memory_space<vmem>>, vector<16xi32>,
        %get3A_331 = arith.constant 48 : index
        %get3A_332 = tpu.vector_load %arg7[%get3A_331] {strides = array<i32>} : memref<64xi32, #tpu.memory_space<vmem>>, vector<16xi32>,
        %mul3A_333 = arith.constant 10240 : i32
        %mul3A_334 = arith.muli %add3A_115, %mul3A_333 : i32
        %add3A_335 = vector.broadcast %mul3A_334 : i32 to vector<16xi32>
        %add3A_336 = arith.addi %get3A_332, %add3A_335 : vector<16xi32>
        %swap3A_337 = arith.constant 48 : index
        %swap3A_338 = tpu.vector_load %arg7[%swap3A_337] {strides = array<i32>} : memref<64xi32, #tpu.memory_space<vmem>>, vector<16xi32>,
        tpu.vector_store %arg7[%swap3A_337], %add3A_336 {strides = array<i32>} : memref<64xi32, #tpu.memory_space<vmem>>, vector<16xi32>,
        %get3A_339 = arith.constant 48 : index
        %get3A_340 = tpu.vector_load %arg11[%get3A_339] {strides = array<i32>} : memref<64xi32, #tpu.memory_space<vmem>>, vector<16xi32>,
        %mul3A_341 = arith.constant 10240 : i32
        %mul3A_342 = arith.muli %add3A_115, %mul3A_341 : i32
        %add3A_343 = vector.broadcast %mul3A_342 : i32 to vector<16xi32>
        %add3A_344 = arith.addi %get3A_340, %add3A_343 : vector<16xi32>
        %swap3A_345 = arith.constant 48 : index
        %swap3A_346 = tpu.vector_load %arg9[%swap3A_345] {strides = array<i32>} : memref<64xi32, #tpu.memory_space<vmem>>, vector<16xi32>,
        tpu.vector_store %arg9[%swap3A_345], %add3A_344 {strides = array<i32>} : memref<64xi32, #tpu.memory_space<vmem>>, vector<16xi32>,
        %dma_start3A_347 = arith.constant 0 : i32
        %dma_start3A_348 = arith.constant 0 : i32
        %dma_start3A_349 = tpu.memref_slice %arg4[%dma_start3A_347, %dma_start3A_348] : memref<40960x128xf32, #tpu.memory_space<hbm>> -> memref<40960x128xf32, #tpu.memory_space<hbm>>
        tpu.enqueue_indirect_dma source(%dma_start3A_349 : memref<40960x128xf32, #tpu.memory_space<hbm>>) target(%arg13 : memref<64x128xf32, #tpu.memory_space<vmem>>) offsets(%arg7 : memref<64xi32, #tpu.memory_space<vmem>>) semaphore(%arg19 : memref<!tpu.dma_semaphore, #tpu.memory_space<semaphore_mem>>)
        %dma_start3A_350 = arith.constant 0 : i32
        %dma_start3A_351 = arith.constant 0 : i32
        %dma_start3A_352 = tpu.memref_slice %arg5[%dma_start3A_350, %dma_start3A_351] : memref<40960x128xf32, #tpu.memory_space<hbm>> -> memref<40960x128xf32, #tpu.memory_space<hbm>>
        tpu.enqueue_indirect_dma source(%dma_start3A_352 : memref<40960x128xf32, #tpu.memory_space<hbm>>) target(%arg15 : memref<64x128xf32, #tpu.memory_space<vmem>>) offsets(%arg9 : memref<64xi32, #tpu.memory_space<vmem>>) semaphore(%arg19 : memref<!tpu.dma_semaphore, #tpu.memory_space<semaphore_mem>>)
      } else {
      }
      %dma_wait3A_262 = arith.constant 0 : i32
      %dma_wait3A_263 = arith.constant 0 : i32
      %dma_wait3A_264 = tpu.memref_slice %arg4[%dma_wait3A_262, %dma_wait3A_263] : memref<40960x128xf32, #tpu.memory_space<hbm>> -> memref<40960x128xf32, #tpu.memory_space<hbm>>
      tpu.wait_indirect_dma semaphore(%arg20 : memref<!tpu.dma_semaphore, #tpu.memory_space<semaphore_mem>>) src(%dma_wait3A_264 : memref<40960x128xf32, #tpu.memory_space<hbm>>) dst(%arg14 : memref<64x128xf32, #tpu.memory_space<vmem>>)
      %dma_wait3A_265 = arith.constant 0 : i32
      %dma_wait3A_266 = arith.constant 0 : i32
      %dma_wait3A_267 = tpu.memref_slice %arg5[%dma_wait3A_265, %dma_wait3A_266] : memref<40960x128xf32, #tpu.memory_space<hbm>> -> memref<40960x128xf32, #tpu.memory_space<hbm>>
      tpu.wait_indirect_dma semaphore(%arg20 : memref<!tpu.dma_semaphore, #tpu.memory_space<semaphore_mem>>) src(%dma_wait3A_267 : memref<40960x128xf32, #tpu.memory_space<hbm>>) dst(%arg16 : memref<64x128xf32, #tpu.memory_space<vmem>>)
      %scan3A_268 = arith.constant 0 : i32
      %scan3A_269 = arith.constant 0 : i32
      %scan3A_270 = arith.constant 64 : i32
      %scan3A_271 = arith.addi %scan3A_269, %scan3A_270 : i32
      %scan3A_272 = arith.constant 1 : i32
      %scan3A_273 = scf.for %scan3A_276 = %scan3A_269 to %scan3A_271 step %scan3A_272 iter_args(%scan3A_277 = %scan3A_268) -> (i32)  : i32 {
        %get3A_278 = arith.index_cast %scan3A_276 : i32 to index
        %get3A_279 = arith.constant 0 : index
        %get3A_280 = tpu.vector_load %arg14[%get3A_278, %get3A_279] {strides = array<i32>} : memref<64x128xf32, #tpu.memory_space<vmem>>, vector<16xf32>,
        %get3A_281 = arith.index_cast %scan3A_276 : i32 to index
        %get3A_282 = arith.constant 0 : index
        %get3A_283 = tpu.vector_load %arg16[%get3A_281, %get3A_282] {strides = array<i32>} : memref<64x128xf32, #tpu.memory_space<vmem>>, vector<16xf32>,
        %add3A_284 = arith.addf %get3A_280, %get3A_283 : vector<16xf32>
        %exp3A = math.exp %add3A_284 : vector<16xf32>
        %swap3A_285 = arith.index_cast %scan3A_276 : i32 to index
        %swap3A_286 = arith.constant 0 : index
        %swap3A_287 = tpu.vector_load %arg17[%swap3A_285, %swap3A_286] {strides = array<i32>} : memref<64x128xf32, #tpu.memory_space<vmem>>, vector<16xf32>,
        tpu.vector_store %arg17[%swap3A_285, %swap3A_286], %exp3A {strides = array<i32>} : memref<64x128xf32, #tpu.memory_space<vmem>>, vector<16xf32>,
        %get3A_288 = arith.index_cast %scan3A_276 : i32 to index
        %get3A_289 = arith.constant 64 : index
        %get3A_290 = tpu.vector_load %arg14[%get3A_288, %get3A_289] {strides = array<i32>} : memref<64x128xf32, #tpu.memory_space<vmem>>, vector<16xf32>,
        %get3A_291 = arith.index_cast %scan3A_276 : i32 to index
        %get3A_292 = arith.constant 64 : index
        %get3A_293 = tpu.vector_load %arg16[%get3A_291, %get3A_292] {strides = array<i32>} : memref<64x128xf32, #tpu.memory_space<vmem>>, vector<16xf32>,
        %add3A_294 = arith.addf %get3A_290, %get3A_293 : vector<16xf32>
        %mul3A_295 = arith.mulf %exp3A, %add3A_294 : vector<16xf32>
        %swap3A_296 = arith.index_cast %scan3A_276 : i32 to index
        %swap3A_297 = arith.constant 64 : index
        %swap3A_298 = tpu.vector_load %arg17[%swap3A_296, %swap3A_297] {strides = array<i32>} : memref<64x128xf32, #tpu.memory_space<vmem>>, vector<16xf32>,
        tpu.vector_store %arg17[%swap3A_296, %swap3A_297], %mul3A_295 {strides = array<i32>} : memref<64x128xf32, #tpu.memory_space<vmem>>, vector<16xf32>,
        %get3A_299 = arith.index_cast %scan3A_276 : i32 to index
        %get3A_300 = arith.constant 16 : index
        %get3A_301 = tpu.vector_load %arg14[%get3A_299, %get3A_300] {strides = array<i32>} : memref<64x128xf32, #tpu.memory_space<vmem>>, vector<16xf32>,
        %get3A_302 = arith.index_cast %scan3A_276 : i32 to index
        %get3A_303 = arith.constant 16 : index
        %get3A_304 = tpu.vector_load %arg16[%get3A_302, %get3A_303] {strides = array<i32>} : memref<64x128xf32, #tpu.memory_space<vmem>>, vector<16xf32>,
        %add3A_305 = arith.addf %get3A_301, %get3A_304 : vector<16xf32>
        %exp3A_306 = math.exp %add3A_305 : vector<16xf32>
        %swap3A_307 = arith.index_cast %scan3A_276 : i32 to index
        %swap3A_308 = arith.constant 16 : index
        %swap3A_309 = tpu.vector_load %arg17[%swap3A_307, %swap3A_308] {strides = array<i32>} : memref<64x128xf32, #tpu.memory_space<vmem>>, vector<16xf32>,
        tpu.vector_store %arg17[%swap3A_307, %swap3A_308], %exp3A_306 {strides = array<i32>} : memref<64x128xf32, #tpu.memory_space<vmem>>, vector<16xf32>,
        %get3A_310 = arith.index_cast %scan3A_276 : i32 to index
        %get3A_311 = arith.constant 80 : index
        %get3A_312 = tpu.vector_load %arg14[%get3A_310, %get3A_311] {strides = array<i32>} : memref<64x128xf32, #tpu.memory_space<vmem>>, vector<16xf32>,
        %get3A_313 = arith.index_cast %scan3A_276 : i32 to index
        %get3A_314 = arith.constant 80 : index
        %get3A_315 = tpu.vector_load %arg16[%get3A_313, %get3A_314] {strides = array<i32>} : memref<64x128xf32, #tpu.memory_space<vmem>>, vector<16xf32>,
        %add3A_316 = arith.addf %get3A_312, %get3A_315 : vector<16xf32>
        %mul3A_317 = arith.mulf %exp3A_306, %add3A_316 : vector<16xf32>
        %swap3A_318 = arith.index_cast %scan3A_276 : i32 to index
        %swap3A_319 = arith.constant 80 : index
        %swap3A_320 = tpu.vector_load %arg17[%swap3A_318, %swap3A_319] {strides = array<i32>} : memref<64x128xf32, #tpu.memory_space<vmem>>, vector<16xf32>,
        tpu.vector_store %arg17[%swap3A_318, %swap3A_319], %mul3A_317 {strides = array<i32>} : memref<64x128xf32, #tpu.memory_space<vmem>>, vector<16xf32>,
        %get3A_321 = arith.index_cast %scan3A_276 : i32 to index
        %get3A_322 = arith.constant 32 : index
        %get3A_323 = tpu.vector_load %arg14[%get3A_321, %get3A_322] {strides = array<i32>} : memref<64x128xf32, #tpu.memory_space<vmem>>, vector<16xf32>,
        %get3A_324 = arith.index_cast %scan3A_276 : i32 to index
        %get3A_325 = arith.constant 32 : index
        %get3A_326 = tpu.vector_load %arg16[%get3A_324, %get3A_325] {strides = array<i32>} : memref<64x128xf32, #tpu.memory_space<vmem>>, vector<16xf32>,
        %add3A_327 = arith.addf %get3A_323, %get3A_326 : vector<16xf32>
        %exp3A_328 = math.exp %add3A_327 : vector<16xf32>
        %swap3A_329 = arith.index_cast %scan3A_276 : i32 to index
        %swap3A_330 = arith.constant 32 : index
        %swap3A_331 = tpu.vector_load %arg17[%swap3A_329, %swap3A_330] {strides = array<i32>} : memref<64x128xf32, #tpu.memory_space<vmem>>, vector<16xf32>,
        tpu.vector_store %arg17[%swap3A_329, %swap3A_330], %exp3A_328 {strides = array<i32>} : memref<64x128xf32, #tpu.memory_space<vmem>>, vector<16xf32>,
        %get3A_332 = arith.index_cast %scan3A_276 : i32 to index
        %get3A_333 = arith.constant 96 : index
        %get3A_334 = tpu.vector_load %arg14[%get3A_332, %get3A_333] {strides = array<i32>} : memref<64x128xf32, #tpu.memory_space<vmem>>, vector<16xf32>,
        %get3A_335 = arith.index_cast %scan3A_276 : i32 to index
        %get3A_336 = arith.constant 96 : index
        %get3A_337 = tpu.vector_load %arg16[%get3A_335, %get3A_336] {strides = array<i32>} : memref<64x128xf32, #tpu.memory_space<vmem>>, vector<16xf32>,
        %add3A_338 = arith.addf %get3A_334, %get3A_337 : vector<16xf32>
        %mul3A_339 = arith.mulf %exp3A_328, %add3A_338 : vector<16xf32>
        %swap3A_340 = arith.index_cast %scan3A_276 : i32 to index
        %swap3A_341 = arith.constant 96 : index
        %swap3A_342 = tpu.vector_load %arg17[%swap3A_340, %swap3A_341] {strides = array<i32>} : memref<64x128xf32, #tpu.memory_space<vmem>>, vector<16xf32>,
        tpu.vector_store %arg17[%swap3A_340, %swap3A_341], %mul3A_339 {strides = array<i32>} : memref<64x128xf32, #tpu.memory_space<vmem>>, vector<16xf32>,
        %get3A_343 = arith.index_cast %scan3A_276 : i32 to index
        %get3A_344 = arith.constant 48 : index
        %get3A_345 = tpu.vector_load %arg14[%get3A_343, %get3A_344] {strides = array<i32>} : memref<64x128xf32, #tpu.memory_space<vmem>>, vector<16xf32>,
        %get3A_346 = arith.index_cast %scan3A_276 : i32 to index
        %get3A_347 = arith.constant 48 : index
        %get3A_348 = tpu.vector_load %arg16[%get3A_346, %get3A_347] {strides = array<i32>} : memref<64x128xf32, #tpu.memory_space<vmem>>, vector<16xf32>,
        %add3A_349 = arith.addf %get3A_345, %get3A_348 : vector<16xf32>
        %exp3A_350 = math.exp %add3A_349 : vector<16xf32>
        %swap3A_351 = arith.index_cast %scan3A_276 : i32 to index
        %swap3A_352 = arith.constant 48 : index
        %swap3A_353 = tpu.vector_load %arg17[%swap3A_351, %swap3A_352] {strides = array<i32>} : memref<64x128xf32, #tpu.memory_space<vmem>>, vector<16xf32>,
        tpu.vector_store %arg17[%swap3A_351, %swap3A_352], %exp3A_350 {strides = array<i32>} : memref<64x128xf32, #tpu.memory_space<vmem>>, vector<16xf32>,
        %get3A_354 = arith.index_cast %scan3A_276 : i32 to index
        %get3A_355 = arith.constant 112 : index
        %get3A_356 = tpu.vector_load %arg14[%get3A_354, %get3A_355] {strides = array<i32>} : memref<64x128xf32, #tpu.memory_space<vmem>>, vector<16xf32>,
        %get3A_357 = arith.index_cast %scan3A_276 : i32 to index
        %get3A_358 = arith.constant 112 : index
        %get3A_359 = tpu.vector_load %arg16[%get3A_357, %get3A_358] {strides = array<i32>} : memref<64x128xf32, #tpu.memory_space<vmem>>, vector<16xf32>,
        %add3A_360 = arith.addf %get3A_356, %get3A_359 : vector<16xf32>
        %mul3A_361 = arith.mulf %exp3A_350, %add3A_360 : vector<16xf32>
        %swap3A_362 = arith.index_cast %scan3A_276 : i32 to index
        %swap3A_363 = arith.constant 112 : index
        %swap3A_364 = tpu.vector_load %arg17[%swap3A_362, %swap3A_363] {strides = array<i32>} : memref<64x128xf32, #tpu.memory_space<vmem>>, vector<16xf32>,
        tpu.vector_store %arg17[%swap3A_362, %swap3A_363], %mul3A_361 {strides = array<i32>} : memref<64x128xf32, #tpu.memory_space<vmem>>, vector<16xf32>,
        %scan3A_365 = arith.constant 0 : i32
        scf.yield %scan3A_365 : i32
      }
      %scan3A_274 = arith.constant 64 : i32
      "tpu.region"() ({
        %run_scoped3A = tpu.sem_alloc : memref<!tpu.dma_semaphore, #tpu.memory_space<semaphore_mem>>
        %dma_start3A_276 = arith.constant 0 : i32
        %dma_start3A_277 = arith.constant 0 : i32
        %dma_start3A_278 = tpu.memref_slice %arg18[%dma_start3A_276, %dma_start3A_277] : memref<10240x128xf32, #tpu.memory_space<vmem_shared>> -> memref<10240x128xf32, #tpu.memory_space<vmem_shared>>
        tpu.enqueue_indirect_dma source(%arg17 : memref<64x128xf32, #tpu.memory_space<vmem>>) target(%dma_start3A_278 : memref<10240x128xf32, #tpu.memory_space<vmem_shared>>) offsets(%arg12 : memref<64xi32, #tpu.memory_space<vmem>>) semaphore(%run_scoped3A : memref<!tpu.dma_semaphore, #tpu.memory_space<semaphore_mem>>) {add = true}
        %dma_wait3A_279 = arith.constant 0 : i32
        %dma_wait3A_280 = arith.constant 0 : i32
        %dma_wait3A_281 = tpu.memref_slice %arg18[%dma_wait3A_279, %dma_wait3A_280] : memref<10240x128xf32, #tpu.memory_space<vmem_shared>> -> memref<10240x128xf32, #tpu.memory_space<vmem_shared>>
        tpu.wait_indirect_dma semaphore(%run_scoped3A : memref<!tpu.dma_semaphore, #tpu.memory_space<semaphore_mem>>) src(%arg17 : memref<64x128xf32, #tpu.memory_space<vmem>>) dst(%dma_wait3A_281 : memref<10240x128xf32, #tpu.memory_space<vmem_shared>>)
        tpu.yield
      }) : () -> ()
      %scan3A_275 = arith.constant 0 : i32
      scf.yield %scan3A_275 : i32
    }
    %scan3A_224 = arith.constant 84 : i32
    %barrier3A_225 = arith.constant 0 : index
    tpu.barrier barrier_id(%barrier3A_225)
    %mul3A_226 = arith.constant 10240 : i32
    %mul3A_227 = arith.muli %add3A_115, %mul3A_226 : i32
    %add3A_228 = arith.addi %mul3A_227, %mul3A_0 : i32
    "tpu.region"() ({
      %run_scoped3A = tpu.sem_alloc : memref<!tpu.dma_semaphore, #tpu.memory_space<semaphore_mem>>
      %dma_start3A_229 = arith.constant 0 : i32
      %dma_start3A_230 = tpu.memref_slice %arg6[%add3A_228, %dma_start3A_229] : memref<40960x128xf32, #tpu.memory_space<hbm>> -> memref<640x128xf32, #tpu.memory_space<hbm>>
      %dma_start3A_231 = arith.constant 0 : i32
      %dma_start3A_232 = tpu.memref_slice %arg18[%mul3A_0, %dma_start3A_231] : memref<10240x128xf32, #tpu.memory_space<vmem_shared>> -> memref<640x128xf32, #tpu.memory_space<vmem_shared>>
      tpu.enqueue_dma source(%dma_start3A_232 : memref<640x128xf32, #tpu.memory_space<vmem_shared>>) target(%dma_start3A_230 : memref<640x128xf32, #tpu.memory_space<hbm>>) target_semaphore(%run_scoped3A : memref<!tpu.dma_semaphore, #tpu.memory_space<semaphore_mem>>)
      %dma_wait3A = arith.constant 0 : i32
      %dma_wait3A_233 = tpu.memref_slice %arg6[%add3A_228, %dma_wait3A] : memref<40960x128xf32, #tpu.memory_space<hbm>> -> memref<640x128xf32, #tpu.memory_space<hbm>>
      %dma_wait3A_234 = arith.constant 0 : i32
      %dma_wait3A_235 = tpu.memref_slice %arg18[%mul3A_0, %dma_wait3A_234] : memref<10240x128xf32, #tpu.memory_space<vmem_shared>> -> memref<640x128xf32, #tpu.memory_space<vmem_shared>>
      tpu.wait_dma2 semaphore(%run_scoped3A : memref<!tpu.dma_semaphore, #tpu.memory_space<semaphore_mem>>) src(%dma_wait3A_235 : memref<640x128xf32, #tpu.memory_space<vmem_shared>>) dst(%dma_wait3A_233 : memref<640x128xf32, #tpu.memory_space<hbm>>)
      tpu.yield
    }) : () -> ()
    return
  }
}

module attributes {stable_mosaic.version = 14 : i64} {
  func.func @_conv_max_body(%arg0: i32, %arg1: i32, %arg2: memref<512x8xf32, #tpu.memory_space<vmem>>, %arg3: memref<512x8xf32, #tpu.memory_space<vmem>>, %arg4: memref<1x8x64xf32, #tpu.memory_space<vmem>>, %arg5: memref<1x8x64xf32, #tpu.memory_space<vmem>>, %arg6: memref<1x1x64xf32, #tpu.memory_space<vmem>>, %arg7: memref<1x1x64xf32, #tpu.memory_space<vmem>>, %arg8: memref<2x64xf32, #tpu.memory_space<vmem>>) attributes {dimension_semantics = [#tpu.dimension_semantics<arbitrary>, #tpu.dimension_semantics<arbitrary>], iteration_bounds = array<i64: 2, 20>, scalar_prefetch = 0 : i64, scratch_operands = 1 : i64, tpu.core_type = #tpu.core_type<tc>, window_params = [{transform_indices = @transform_0, window_bounds = array<i64: 512, 8>}, {transform_indices = @transform_1, window_bounds = array<i64: 512, 8>}, {transform_indices = @transform_2, window_bounds = array<i64: 1, 8, 64>}, {transform_indices = @transform_3, window_bounds = array<i64: 1, 8, 64>}, {transform_indices = @transform_4, window_bounds = array<i64: 1, 1, 64>}, {transform_indices = @transform_5, window_bounds = array<i64: 1, 1, 64>}]} {
    %get3A = arith.constant 0 : index
    %get3A_0 = arith.constant 0 : index
    %get3A_1 = vector.load %arg3[%get3A, %get3A_0] : memref<512x8xf32, #tpu.memory_space<vmem>>, vector<512x8xf32>
    %get3A_2 = arith.constant 0 : index
    %get3A_3 = arith.constant 0 : index
    %get3A_4 = arith.constant 0 : index
    %get3A_5 = vector.load %arg5[%get3A_2, %get3A_3, %get3A_4] : memref<1x8x64xf32, #tpu.memory_space<vmem>>, vector<1x8x64xf32>
    %get3A_6 = vector.shape_cast %get3A_5 : vector<1x8x64xf32> to vector<8x64xf32>
    %dot_general3A = arith.constant dense<0.000000e+00> : vector<512x64xf32>
    %dot_general3A_7 = tpu.matmul %get3A_1, %get3A_6, %dot_general3A {dimension_numbers = #tpu.dot_dimension_numbers<[1], [0], [0], [1], [0, 0, 1, 1], [], []>, transpose_lhs_hint = false} : vector<512x8xf32>, vector<8x64xf32>, vector<512x64xf32> -> vector<512x64xf32>
    %get3A_8 = arith.constant 0 : index
    %get3A_9 = arith.constant 0 : index
    %get3A_10 = vector.load %arg2[%get3A_8, %get3A_9] : memref<512x8xf32, #tpu.memory_space<vmem>>, vector<512x8xf32>
    %get3A_11 = arith.constant 0 : index
    %get3A_12 = arith.constant 0 : index
    %get3A_13 = arith.constant 0 : index
    %get3A_14 = vector.load %arg4[%get3A_11, %get3A_12, %get3A_13] : memref<1x8x64xf32, #tpu.memory_space<vmem>>, vector<1x8x64xf32>
    %get3A_15 = vector.shape_cast %get3A_14 : vector<1x8x64xf32> to vector<8x64xf32>
    %dot_general3A_16 = arith.constant dense<0.000000e+00> : vector<512x64xf32>
    %dot_general3A_17 = tpu.matmul %get3A_10, %get3A_15, %dot_general3A_16 {dimension_numbers = #tpu.dot_dimension_numbers<[1], [0], [0], [1], [0, 0, 1, 1], [], []>, transpose_lhs_hint = false} : vector<512x8xf32>, vector<8x64xf32>, vector<512x64xf32> -> vector<512x64xf32>
    %neg3A = arith.constant 0.000000e+00 : f32
    %neg3A_18 = vector.broadcast %neg3A : f32 to vector<512x64xf32>
    %neg3A_19 = arith.subf %neg3A_18, %dot_general3A_17 : vector<512x64xf32>
    %sub3A = arith.subf %neg3A_19, %dot_general3A_7 : vector<512x64xf32>
    %get3A_20 = arith.constant 0 : index
    %get3A_21 = arith.constant 0 : index
    %get3A_22 = arith.constant 0 : index
    %get3A_23 = vector.load %arg6[%get3A_20, %get3A_21, %get3A_22] : memref<1x1x64xf32, #tpu.memory_space<vmem>>, vector<1x1x64xf32>
    %get3A_24 = vector.shape_cast %get3A_23 : vector<1x1x64xf32> to vector<1x64xf32>
    %add3A = vector.broadcast %get3A_24 : vector<1x64xf32> to vector<512x64xf32>
    %add3A_25 = arith.addf %dot_general3A_7, %add3A : vector<512x64xf32>
    %reduce_max3A = arith.constant dense<0xFF800000> : vector<64xf32>
    %reduce_max3A_26 = vector.multi_reduction <maximumf>, %sub3A, %reduce_max3A [0] : vector<512x64xf32> to vector<64xf32>
    %broadcast_in_dim3A = vector.shape_cast %reduce_max3A_26 : vector<64xf32> to vector<1x64xf32>
    %reduce_max3A_27 = arith.constant dense<0xFF800000> : vector<64xf32>
    %reduce_max3A_28 = vector.multi_reduction <maximumf>, %add3A_25, %reduce_max3A_27 [0] : vector<512x64xf32> to vector<64xf32>
    %broadcast_in_dim3A_29 = vector.shape_cast %reduce_max3A_28 : vector<64xf32> to vector<1x64xf32>
    %eq3A = arith.constant 0 : i32
    %eq3A_30 = arith.cmpi eq, %arg1, %eq3A : i32
    %convert_element_type3A = arith.extui %eq3A_30 : i1 to i32
    %cond3A = arith.constant 0 : i32
    %cond3A_31 = arith.cmpi ne, %convert_element_type3A, %cond3A : i32
    scf.if %cond3A_31 {
      %swap3A = arith.constant 0 : index
      %swap3A_41 = arith.constant 0 : index
      %swap3A_42 = vector.load %arg8[%swap3A, %swap3A_41] : memref<2x64xf32, #tpu.memory_space<vmem>>, vector<1x64xf32>
      tpu.vector_store %arg8[%swap3A, %swap3A_41], %broadcast_in_dim3A {strides = array<i32>} : memref<2x64xf32, #tpu.memory_space<vmem>>, vector<1x64xf32>,
      %swap3A_43 = arith.constant 1 : index
      %swap3A_44 = arith.constant 0 : index
      %swap3A_45 = vector.load %arg8[%swap3A_43, %swap3A_44] : memref<2x64xf32, #tpu.memory_space<vmem>>, vector<1x64xf32>
      tpu.vector_store %arg8[%swap3A_43, %swap3A_44], %broadcast_in_dim3A_29 {strides = array<i32>} : memref<2x64xf32, #tpu.memory_space<vmem>>, vector<1x64xf32>,
    } else {
    }
    %gt3A = arith.constant 0 : i32
    %gt3A_32 = arith.cmpi sgt, %arg1, %gt3A : i32
    %convert_element_type3A_33 = arith.extui %gt3A_32 : i1 to i32
    %cond3A_34 = arith.constant 0 : i32
    %cond3A_35 = arith.cmpi ne, %convert_element_type3A_33, %cond3A_34 : i32
    scf.if %cond3A_35 {
      %get3A_41 = arith.constant 0 : index
      %get3A_42 = arith.constant 0 : index
      %get3A_43 = vector.load %arg8[%get3A_41, %get3A_42] : memref<2x64xf32, #tpu.memory_space<vmem>>, vector<1x64xf32>
      %max3A = arith.maximumf %get3A_43, %broadcast_in_dim3A : vector<1x64xf32>
      %swap3A = arith.constant 0 : index
      %swap3A_44 = arith.constant 0 : index
      %swap3A_45 = vector.load %arg8[%swap3A, %swap3A_44] : memref<2x64xf32, #tpu.memory_space<vmem>>, vector<1x64xf32>
      tpu.vector_store %arg8[%swap3A, %swap3A_44], %max3A {strides = array<i32>} : memref<2x64xf32, #tpu.memory_space<vmem>>, vector<1x64xf32>,
      %get3A_46 = arith.constant 1 : index
      %get3A_47 = arith.constant 0 : index
      %get3A_48 = vector.load %arg8[%get3A_46, %get3A_47] : memref<2x64xf32, #tpu.memory_space<vmem>>, vector<1x64xf32>
      %max3A_49 = arith.maximumf %get3A_48, %broadcast_in_dim3A_29 : vector<1x64xf32>
      %swap3A_50 = arith.constant 1 : index
      %swap3A_51 = arith.constant 0 : index
      %swap3A_52 = vector.load %arg8[%swap3A_50, %swap3A_51] : memref<2x64xf32, #tpu.memory_space<vmem>>, vector<1x64xf32>
      tpu.vector_store %arg8[%swap3A_50, %swap3A_51], %max3A_49 {strides = array<i32>} : memref<2x64xf32, #tpu.memory_space<vmem>>, vector<1x64xf32>,
    } else {
    }
    %eq3A_36 = arith.constant 19 : i32
    %eq3A_37 = arith.cmpi eq, %arg1, %eq3A_36 : i32
    %convert_element_type3A_38 = arith.extui %eq3A_37 : i1 to i32
    %cond3A_39 = arith.constant 0 : i32
    %cond3A_40 = arith.cmpi ne, %convert_element_type3A_38, %cond3A_39 : i32
    scf.if %cond3A_40 {
      %get3A_41 = arith.constant 0 : index
      %get3A_42 = arith.constant 0 : index
      %get3A_43 = vector.load %arg8[%get3A_41, %get3A_42] : memref<2x64xf32, #tpu.memory_space<vmem>>, vector<1x64xf32>
      %get3A_44 = arith.constant 1 : index
      %get3A_45 = arith.constant 0 : index
      %get3A_46 = vector.load %arg8[%get3A_44, %get3A_45] : memref<2x64xf32, #tpu.memory_space<vmem>>, vector<1x64xf32>
      %add3A_47 = arith.addf %get3A_43, %get3A_46 : vector<1x64xf32>
      %swap3A = arith.constant 0 : index
      %swap3A_48 = arith.constant 0 : index
      %swap3A_49 = arith.constant 0 : index
      %swap3A_50 = vector.load %arg7[%swap3A, %swap3A_48, %swap3A_49] : memref<1x1x64xf32, #tpu.memory_space<vmem>>, vector<1x1x64xf32>
      %swap3A_51 = vector.shape_cast %swap3A_50 : vector<1x1x64xf32> to vector<1x64xf32>
      %swap3A_52 = vector.shape_cast %add3A_47 : vector<1x64xf32> to vector<1x1x64xf32>
      tpu.vector_store %arg7[%swap3A, %swap3A_48, %swap3A_49], %swap3A_52 {strides = array<i32>} : memref<1x1x64xf32, #tpu.memory_space<vmem>>, vector<1x1x64xf32>,
    } else {
    }
    return
  }
  func.func @transform_0(%arg0: i32, %arg1: i32) -> (i32, i32) {
    %c0_i32 = arith.constant 0 : i32
    %c0_i32_0 = arith.constant 0 : i32
    return %arg1, %c0_i32 : i32, i32
  }
  func.func @transform_1(%arg0: i32, %arg1: i32) -> (i32, i32) {
    %c0_i32 = arith.constant 0 : i32
    %c0_i32_0 = arith.constant 0 : i32
    return %arg1, %c0_i32 : i32, i32
  }
  func.func @transform_2(%arg0: i32, %arg1: i32) -> (i32, i32, i32) {
    %c0_i32 = arith.constant 0 : i32
    %c0_i32_0 = arith.constant 0 : i32
    %c0_i32_1 = arith.constant 0 : i32
    return %arg0, %c0_i32, %c0_i32_0 : i32, i32, i32
  }
  func.func @transform_3(%arg0: i32, %arg1: i32) -> (i32, i32, i32) {
    %c0_i32 = arith.constant 0 : i32
    %c0_i32_0 = arith.constant 0 : i32
    %c0_i32_1 = arith.constant 0 : i32
    return %arg0, %c0_i32, %c0_i32_0 : i32, i32, i32
  }
  func.func @transform_4(%arg0: i32, %arg1: i32) -> (i32, i32, i32) {
    %c0_i32 = arith.constant 0 : i32
    %c0_i32_0 = arith.constant 0 : i32
    %c0_i32_1 = arith.constant 0 : i32
    return %arg0, %c0_i32, %c0_i32_0 : i32, i32, i32
  }
  func.func @transform_5(%arg0: i32, %arg1: i32) -> (i32, i32, i32) {
    %c0_i32 = arith.constant 0 : i32
    %c0_i32_0 = arith.constant 0 : i32
    %c0_i32_1 = arith.constant 0 : i32
    return %arg0, %c0_i32, %c0_i32_0 : i32, i32, i32
  }
}

module attributes {stable_mosaic.version = 14 : i64} {
  func.func @_conv_pre_body(%arg0: i32, %arg1: i32, %arg2: memref<512x8xf32, #tpu.memory_space<vmem>>, %arg3: memref<512x8xf32, #tpu.memory_space<vmem>>, %arg4: memref<1x8x64xf32, #tpu.memory_space<vmem>>, %arg5: memref<1x8x64xf32, #tpu.memory_space<vmem>>, %arg6: memref<1x1x64xf32, #tpu.memory_space<vmem>>, %arg7: memref<1x8x64xf32, #tpu.memory_space<vmem>>, %arg8: memref<1x1x64xf32, #tpu.memory_space<vmem>>, %arg9: memref<1x1x64xf32, #tpu.memory_space<vmem>>, %arg10: memref<1x512x128xf32, #tpu.memory_space<vmem>>, %arg11: memref<1x512x128xf32, #tpu.memory_space<vmem>>) attributes {dimension_semantics = [#tpu.dimension_semantics<arbitrary>, #tpu.dimension_semantics<arbitrary>], iteration_bounds = array<i64: 2, 20>, scalar_prefetch = 0 : i64, scratch_operands = 0 : i64, tpu.core_type = #tpu.core_type<tc>, window_params = [{transform_indices = @transform_0, window_bounds = array<i64: 512, 8>}, {transform_indices = @transform_1, window_bounds = array<i64: 512, 8>}, {transform_indices = @transform_2, window_bounds = array<i64: 1, 8, 64>}, {transform_indices = @transform_3, window_bounds = array<i64: 1, 8, 64>}, {transform_indices = @transform_4, window_bounds = array<i64: 1, 1, 64>}, {transform_indices = @transform_5, window_bounds = array<i64: 1, 8, 64>}, {transform_indices = @transform_6, window_bounds = array<i64: 1, 1, 64>}, {transform_indices = @transform_7, window_bounds = array<i64: 1, 1, 64>}, {transform_indices = @transform_8, window_bounds = array<i64: 1, 512, 128>}, {transform_indices = @transform_9, window_bounds = array<i64: 1, 512, 128>}]} {
    %get3A = arith.constant 0 : index
    %get3A_0 = arith.constant 0 : index
    %get3A_1 = vector.load %arg2[%get3A, %get3A_0] : memref<512x8xf32, #tpu.memory_space<vmem>>, vector<512x8xf32>
    %get3A_2 = arith.constant 0 : index
    %get3A_3 = arith.constant 0 : index
    %get3A_4 = vector.load %arg3[%get3A_2, %get3A_3] : memref<512x8xf32, #tpu.memory_space<vmem>>, vector<512x8xf32>
    %get3A_5 = arith.constant 0 : index
    %get3A_6 = arith.constant 0 : index
    %get3A_7 = arith.constant 0 : index
    %get3A_8 = vector.load %arg7[%get3A_5, %get3A_6, %get3A_7] : memref<1x8x64xf32, #tpu.memory_space<vmem>>, vector<1x8x64xf32>
    %get3A_9 = vector.shape_cast %get3A_8 : vector<1x8x64xf32> to vector<8x64xf32>
    %dot_general3A = arith.constant dense<0.000000e+00> : vector<512x64xf32>
    %dot_general3A_10 = tpu.matmul %get3A_4, %get3A_9, %dot_general3A {dimension_numbers = #tpu.dot_dimension_numbers<[1], [0], [0], [1], [0, 0, 1, 1], [], []>, transpose_lhs_hint = false} : vector<512x8xf32>, vector<8x64xf32>, vector<512x64xf32> -> vector<512x64xf32>
    %get3A_11 = arith.constant 0 : index
    %get3A_12 = arith.constant 0 : index
    %get3A_13 = arith.constant 0 : index
    %get3A_14 = vector.load %arg4[%get3A_11, %get3A_12, %get3A_13] : memref<1x8x64xf32, #tpu.memory_space<vmem>>, vector<1x8x64xf32>
    %get3A_15 = vector.shape_cast %get3A_14 : vector<1x8x64xf32> to vector<8x64xf32>
    %dot_general3A_16 = arith.constant dense<0.000000e+00> : vector<512x64xf32>
    %dot_general3A_17 = tpu.matmul %get3A_1, %get3A_15, %dot_general3A_16 {dimension_numbers = #tpu.dot_dimension_numbers<[1], [0], [0], [1], [0, 0, 1, 1], [], []>, transpose_lhs_hint = false} : vector<512x8xf32>, vector<8x64xf32>, vector<512x64xf32> -> vector<512x64xf32>
    %neg3A = arith.constant 0.000000e+00 : f32
    %neg3A_18 = vector.broadcast %neg3A : f32 to vector<512x64xf32>
    %neg3A_19 = arith.subf %neg3A_18, %dot_general3A_17 : vector<512x64xf32>
    %sub3A = arith.subf %neg3A_19, %dot_general3A_10 : vector<512x64xf32>
    %get3A_20 = arith.constant 0 : index
    %get3A_21 = arith.constant 0 : index
    %get3A_22 = arith.constant 0 : index
    %get3A_23 = vector.load %arg9[%get3A_20, %get3A_21, %get3A_22] : memref<1x1x64xf32, #tpu.memory_space<vmem>>, vector<1x1x64xf32>
    %get3A_24 = vector.shape_cast %get3A_23 : vector<1x1x64xf32> to vector<1x64xf32>
    %sub3A_25 = vector.broadcast %get3A_24 : vector<1x64xf32> to vector<512x64xf32>
    %sub3A_26 = arith.subf %sub3A, %sub3A_25 : vector<512x64xf32>
    %get3A_27 = arith.constant 0 : index
    %get3A_28 = arith.constant 0 : index
    %get3A_29 = arith.constant 0 : index
    %get3A_30 = vector.load %arg5[%get3A_27, %get3A_28, %get3A_29] : memref<1x8x64xf32, #tpu.memory_space<vmem>>, vector<1x8x64xf32>
    %get3A_31 = vector.shape_cast %get3A_30 : vector<1x8x64xf32> to vector<8x64xf32>
    %dot_general3A_32 = arith.constant dense<0.000000e+00> : vector<512x64xf32>
    %dot_general3A_33 = tpu.matmul %get3A_1, %get3A_31, %dot_general3A_32 {dimension_numbers = #tpu.dot_dimension_numbers<[1], [0], [0], [1], [0, 0, 1, 1], [], []>, transpose_lhs_hint = false} : vector<512x8xf32>, vector<8x64xf32>, vector<512x64xf32> -> vector<512x64xf32>
    %get3A_34 = arith.constant 0 : index
    %get3A_35 = arith.constant 0 : index
    %get3A_36 = arith.constant 0 : index
    %get3A_37 = vector.load %arg6[%get3A_34, %get3A_35, %get3A_36] : memref<1x1x64xf32, #tpu.memory_space<vmem>>, vector<1x1x64xf32>
    %get3A_38 = vector.shape_cast %get3A_37 : vector<1x1x64xf32> to vector<1x64xf32>
    %add3A = vector.broadcast %get3A_38 : vector<1x64xf32> to vector<512x64xf32>
    %add3A_39 = arith.addf %dot_general3A_33, %add3A : vector<512x64xf32>
    %sub3A_40 = arith.subf %add3A_39, %dot_general3A_10 : vector<512x64xf32>
    %get3A_41 = arith.constant 0 : index
    %get3A_42 = arith.constant 0 : index
    %get3A_43 = arith.constant 0 : index
    %get3A_44 = vector.load %arg8[%get3A_41, %get3A_42, %get3A_43] : memref<1x1x64xf32, #tpu.memory_space<vmem>>, vector<1x1x64xf32>
    %get3A_45 = vector.shape_cast %get3A_44 : vector<1x1x64xf32> to vector<1x64xf32>
    %add3A_46 = vector.broadcast %get3A_45 : vector<1x64xf32> to vector<512x64xf32>
    %add3A_47 = arith.addf %dot_general3A_10, %add3A_46 : vector<512x64xf32>
    %concatenate3A = tpu.concatenate %sub3A_26, %sub3A_40 in 1 : vector<512x64xf32>, vector<512x64xf32> -> vector<512x128xf32>
    %swap3A = arith.constant 0 : index
    %swap3A_48 = arith.constant 0 : index
    %swap3A_49 = arith.constant 0 : index
    %swap3A_50 = vector.load %arg10[%swap3A, %swap3A_48, %swap3A_49] : memref<1x512x128xf32, #tpu.memory_space<vmem>>, vector<1x512x128xf32>
    %swap3A_51 = vector.shape_cast %swap3A_50 : vector<1x512x128xf32> to vector<512x128xf32>
    %swap3A_52 = vector.shape_cast %concatenate3A : vector<512x128xf32> to vector<1x512x128xf32>
    tpu.vector_store %arg10[%swap3A, %swap3A_48, %swap3A_49], %swap3A_52 {strides = array<i32>} : memref<1x512x128xf32, #tpu.memory_space<vmem>>, vector<1x512x128xf32>,
    %concatenate3A_53 = tpu.concatenate %add3A_47, %add3A_47 in 1 : vector<512x64xf32>, vector<512x64xf32> -> vector<512x128xf32>
    %swap3A_54 = arith.constant 0 : index
    %swap3A_55 = arith.constant 0 : index
    %swap3A_56 = arith.constant 0 : index
    %swap3A_57 = vector.load %arg11[%swap3A_54, %swap3A_55, %swap3A_56] : memref<1x512x128xf32, #tpu.memory_space<vmem>>, vector<1x512x128xf32>
    %swap3A_58 = vector.shape_cast %swap3A_57 : vector<1x512x128xf32> to vector<512x128xf32>
    %swap3A_59 = vector.shape_cast %concatenate3A_53 : vector<512x128xf32> to vector<1x512x128xf32>
    tpu.vector_store %arg11[%swap3A_54, %swap3A_55, %swap3A_56], %swap3A_59 {strides = array<i32>} : memref<1x512x128xf32, #tpu.memory_space<vmem>>, vector<1x512x128xf32>,
    return
  }
  func.func @transform_0(%arg0: i32, %arg1: i32) -> (i32, i32) {
    %c0_i32 = arith.constant 0 : i32
    %c0_i32_0 = arith.constant 0 : i32
    return %arg1, %c0_i32 : i32, i32
  }
  func.func @transform_1(%arg0: i32, %arg1: i32) -> (i32, i32) {
    %c0_i32 = arith.constant 0 : i32
    %c0_i32_0 = arith.constant 0 : i32
    return %arg1, %c0_i32 : i32, i32
  }
  func.func @transform_2(%arg0: i32, %arg1: i32) -> (i32, i32, i32) {
    %c0_i32 = arith.constant 0 : i32
    %c0_i32_0 = arith.constant 0 : i32
    %c0_i32_1 = arith.constant 0 : i32
    return %arg0, %c0_i32, %c0_i32_0 : i32, i32, i32
  }
  func.func @transform_3(%arg0: i32, %arg1: i32) -> (i32, i32, i32) {
    %c0_i32 = arith.constant 0 : i32
    %c0_i32_0 = arith.constant 0 : i32
    %c0_i32_1 = arith.constant 0 : i32
    return %arg0, %c0_i32, %c0_i32_0 : i32, i32, i32
  }
  func.func @transform_4(%arg0: i32, %arg1: i32) -> (i32, i32, i32) {
    %c0_i32 = arith.constant 0 : i32
    %c0_i32_0 = arith.constant 0 : i32
    %c0_i32_1 = arith.constant 0 : i32
    return %arg0, %c0_i32, %c0_i32_0 : i32, i32, i32
  }
  func.func @transform_5(%arg0: i32, %arg1: i32) -> (i32, i32, i32) {
    %c0_i32 = arith.constant 0 : i32
    %c0_i32_0 = arith.constant 0 : i32
    %c0_i32_1 = arith.constant 0 : i32
    return %arg0, %c0_i32, %c0_i32_0 : i32, i32, i32
  }
  func.func @transform_6(%arg0: i32, %arg1: i32) -> (i32, i32, i32) {
    %c0_i32 = arith.constant 0 : i32
    %c0_i32_0 = arith.constant 0 : i32
    %c0_i32_1 = arith.constant 0 : i32
    return %arg0, %c0_i32, %c0_i32_0 : i32, i32, i32
  }
  func.func @transform_7(%arg0: i32, %arg1: i32) -> (i32, i32, i32) {
    %c0_i32 = arith.constant 0 : i32
    %c0_i32_0 = arith.constant 0 : i32
    %c0_i32_1 = arith.constant 0 : i32
    return %arg0, %c0_i32, %c0_i32_0 : i32, i32, i32
  }
  func.func @transform_8(%arg0: i32, %arg1: i32) -> (i32, i32, i32) {
    %c0_i32 = arith.constant 0 : i32
    %c0_i32_0 = arith.constant 0 : i32
    return %arg0, %arg1, %c0_i32 : i32, i32, i32
  }
  func.func @transform_9(%arg0: i32, %arg1: i32) -> (i32, i32, i32) {
    %c0_i32 = arith.constant 0 : i32
    %c0_i32_0 = arith.constant 0 : i32
    return %arg0, %arg1, %c0_i32 : i32, i32, i32
  }
}

module attributes {stable_mosaic.version = 14 : i64} {
  func.func @_conv_post_body(%arg0: i32, %arg1: memref<2x512x128xf32, #tpu.memory_space<vmem>>, %arg2: memref<128x128xf32, #tpu.memory_space<vmem>>, %arg3: memref<1x128xf32, #tpu.memory_space<vmem>>, %arg4: memref<128x128xf32, #tpu.memory_space<vmem>>, %arg5: memref<1x128xf32, #tpu.memory_space<vmem>>, %arg6: memref<512x128xf32, #tpu.memory_space<vmem>>) attributes {dimension_semantics = [#tpu.dimension_semantics<arbitrary>], iteration_bounds = array<i64: 20>, scalar_prefetch = 0 : i64, scratch_operands = 0 : i64, tpu.core_type = #tpu.core_type<tc>, window_params = [{transform_indices = @transform_0, window_bounds = array<i64: 2, 512, 128>}, {pipeline_mode = #tpu.pipeline_mode<synchronous>, transform_indices = @transform_1, window_bounds = array<i64: 128, 128>}, {pipeline_mode = #tpu.pipeline_mode<synchronous>, transform_indices = @transform_2, window_bounds = array<i64: 1, 128>}, {pipeline_mode = #tpu.pipeline_mode<synchronous>, transform_indices = @transform_3, window_bounds = array<i64: 128, 128>}, {pipeline_mode = #tpu.pipeline_mode<synchronous>, transform_indices = @transform_4, window_bounds = array<i64: 1, 128>}, {transform_indices = @transform_5, window_bounds = array<i64: 512, 128>}]} {
    %get3A = arith.constant 0 : index
    %get3A_0 = arith.constant 0 : index
    %get3A_1 = arith.constant 0 : index
    %get3A_2 = vector.load %arg1[%get3A, %get3A_0, %get3A_1] : memref<2x512x128xf32, #tpu.memory_space<vmem>>, vector<2x512x128xf32>
    %slice3A = vector.extract_strided_slice %get3A_2 {offsets = [0, 0, 0], sizes = [1, 512, 64], strides = [1, 1, 1]} : vector<2x512x128xf32> to vector<1x512x64xf32>
    %squeeze3A = vector.shape_cast %slice3A : vector<1x512x64xf32> to vector<512x64xf32>
    %slice3A_3 = vector.extract_strided_slice %get3A_2 {offsets = [0, 0, 64], sizes = [1, 512, 64], strides = [1, 1, 1]} : vector<2x512x128xf32> to vector<1x512x64xf32>
    %squeeze3A_4 = vector.shape_cast %slice3A_3 : vector<1x512x64xf32> to vector<512x64xf32>
    %add3A = arith.constant 1.000000e-16 : f32
    %add3A_5 = vector.broadcast %add3A : f32 to vector<512x64xf32>
    %add3A_6 = arith.addf %squeeze3A, %add3A_5 : vector<512x64xf32>
    %div3A = arith.divf %squeeze3A_4, %add3A_6 : vector<512x64xf32>
    %get3A_7 = arith.constant 0 : index
    %get3A_8 = arith.constant 0 : index
    %get3A_9 = vector.load %arg2[%get3A_7, %get3A_8] : memref<128x128xf32, #tpu.memory_space<vmem>>, vector<64x128xf32>
    %dot_general3A = arith.constant dense<0.000000e+00> : vector<512x128xf32>
    %dot_general3A_10 = tpu.matmul %div3A, %get3A_9, %dot_general3A {dimension_numbers = #tpu.dot_dimension_numbers<[1], [0], [0], [1], [0, 0, 1, 1], [], []>, transpose_lhs_hint = false} : vector<512x64xf32>, vector<64x128xf32>, vector<512x128xf32> -> vector<512x128xf32>
    %slice3A_11 = vector.extract_strided_slice %get3A_2 {offsets = [1, 0, 0], sizes = [1, 512, 64], strides = [1, 1, 1]} : vector<2x512x128xf32> to vector<1x512x64xf32>
    %squeeze3A_12 = vector.shape_cast %slice3A_11 : vector<1x512x64xf32> to vector<512x64xf32>
    %slice3A_13 = vector.extract_strided_slice %get3A_2 {offsets = [1, 0, 64], sizes = [1, 512, 64], strides = [1, 1, 1]} : vector<2x512x128xf32> to vector<1x512x64xf32>
    %squeeze3A_14 = vector.shape_cast %slice3A_13 : vector<1x512x64xf32> to vector<512x64xf32>
    %add3A_15 = arith.constant 1.000000e-16 : f32
    %add3A_16 = vector.broadcast %add3A_15 : f32 to vector<512x64xf32>
    %add3A_17 = arith.addf %squeeze3A_12, %add3A_16 : vector<512x64xf32>
    %div3A_18 = arith.divf %squeeze3A_14, %add3A_17 : vector<512x64xf32>
    %get3A_19 = arith.constant 64 : index
    %get3A_20 = arith.constant 0 : index
    %get3A_21 = vector.load %arg2[%get3A_19, %get3A_20] : memref<128x128xf32, #tpu.memory_space<vmem>>, vector<64x128xf32>
    %dot_general3A_22 = arith.constant dense<0.000000e+00> : vector<512x128xf32>
    %dot_general3A_23 = tpu.matmul %div3A_18, %get3A_21, %dot_general3A_22 {dimension_numbers = #tpu.dot_dimension_numbers<[1], [0], [0], [1], [0, 0, 1, 1], [], []>, transpose_lhs_hint = false} : vector<512x64xf32>, vector<64x128xf32>, vector<512x128xf32> -> vector<512x128xf32>
    %add3A_24 = arith.addf %dot_general3A_10, %dot_general3A_23 : vector<512x128xf32>
    %get3A_25 = arith.constant 0 : index
    %get3A_26 = arith.constant 0 : index
    %get3A_27 = vector.load %arg3[%get3A_25, %get3A_26] : memref<1x128xf32, #tpu.memory_space<vmem>>, vector<1x128xf32>
    %add3A_28 = vector.broadcast %get3A_27 : vector<1x128xf32> to vector<512x128xf32>
    %add3A_29 = arith.addf %add3A_24, %add3A_28 : vector<512x128xf32>
    %max3A = arith.constant 0.000000e+00 : f32
    %max3A_30 = vector.broadcast %max3A : f32 to vector<512x128xf32>
    %max3A_31 = arith.maximumf %add3A_29, %max3A_30 : vector<512x128xf32>
    %get3A_32 = arith.constant 0 : index
    %get3A_33 = arith.constant 0 : index
    %get3A_34 = vector.load %arg4[%get3A_32, %get3A_33] : memref<128x128xf32, #tpu.memory_space<vmem>>, vector<128x128xf32>
    %dot_general3A_35 = arith.constant dense<0.000000e+00> : vector<512x128xf32>
    %dot_general3A_36 = tpu.matmul %max3A_31, %get3A_34, %dot_general3A_35 {dimension_numbers = #tpu.dot_dimension_numbers<[1], [0], [0], [1], [0, 0, 1, 1], [], []>, transpose_lhs_hint = false} : vector<512x128xf32>, vector<128x128xf32>, vector<512x128xf32> -> vector<512x128xf32>
    %get3A_37 = arith.constant 0 : index
    %get3A_38 = arith.constant 0 : index
    %get3A_39 = vector.load %arg5[%get3A_37, %get3A_38] : memref<1x128xf32, #tpu.memory_space<vmem>>, vector<1x128xf32>
    %add3A_40 = vector.broadcast %get3A_39 : vector<1x128xf32> to vector<512x128xf32>
    %add3A_41 = arith.addf %dot_general3A_36, %add3A_40 : vector<512x128xf32>
    %swap3A = arith.constant 0 : index
    %swap3A_42 = arith.constant 0 : index
    %swap3A_43 = vector.load %arg6[%swap3A, %swap3A_42] : memref<512x128xf32, #tpu.memory_space<vmem>>, vector<512x128xf32>
    tpu.vector_store %arg6[%swap3A, %swap3A_42], %add3A_41 {strides = array<i32>} : memref<512x128xf32, #tpu.memory_space<vmem>>, vector<512x128xf32>,
    return
  }
  func.func @transform_0(%arg0: i32) -> (i32, i32, i32) {
    %c0_i32 = arith.constant 0 : i32
    %c0_i32_0 = arith.constant 0 : i32
    %c0_i32_1 = arith.constant 0 : i32
    return %c0_i32, %arg0, %c0_i32_0 : i32, i32, i32
  }
  func.func @transform_1(%arg0: i32) -> (i32, i32) {
    %c0_i32 = arith.constant 0 : i32
    %c0_i32_0 = arith.constant 0 : i32
    %c0_i32_1 = arith.constant 0 : i32
    return %c0_i32, %c0_i32_0 : i32, i32
  }
  func.func @transform_2(%arg0: i32) -> (i32, i32) {
    %c0_i32 = arith.constant 0 : i32
    %c0_i32_0 = arith.constant 0 : i32
    %c0_i32_1 = arith.constant 0 : i32
    return %c0_i32, %c0_i32_0 : i32, i32
  }
  func.func @transform_3(%arg0: i32) -> (i32, i32) {
    %c0_i32 = arith.constant 0 : i32
    %c0_i32_0 = arith.constant 0 : i32
    %c0_i32_1 = arith.constant 0 : i32
    return %c0_i32, %c0_i32_0 : i32, i32
  }
  func.func @transform_4(%arg0: i32) -> (i32, i32) {
    %c0_i32 = arith.constant 0 : i32
    %c0_i32_0 = arith.constant 0 : i32
    %c0_i32_1 = arith.constant 0 : i32
    return %c0_i32, %c0_i32_0 : i32, i32
  }
  func.func @transform_5(%arg0: i32) -> (i32, i32) {
    %c0_i32 = arith.constant 0 : i32
    %c0_i32_0 = arith.constant 0 : i32
    return %arg0, %c0_i32 : i32, i32
  }
}

module attributes {stable_mosaic.version = 14 : i64} {
  func.func @_attn_pre_body(%arg0: i32, %arg1: memref<512x128xf32, #tpu.memory_space<vmem>>, %arg2: memref<512x8xf32, #tpu.memory_space<vmem>>, %arg3: memref<1x128xf32, #tpu.memory_space<vmem>>, %arg4: memref<1x128xf32, #tpu.memory_space<vmem>>, %arg5: memref<8x32xf32, #tpu.memory_space<vmem>>, %arg6: memref<1x32xf32, #tpu.memory_space<vmem>>, %arg7: memref<32x32xf32, #tpu.memory_space<vmem>>, %arg8: memref<1x32xf32, #tpu.memory_space<vmem>>, %arg9: memref<128x128xf32, #tpu.memory_space<vmem>>, %arg10: memref<32x128xf32, #tpu.memory_space<vmem>>, %arg11: memref<1x128xf32, #tpu.memory_space<vmem>>, %arg12: memref<128x128xf32, #tpu.memory_space<vmem>>, %arg13: memref<1x128xf32, #tpu.memory_space<vmem>>, %arg14: memref<128x128xf32, #tpu.memory_space<vmem>>, %arg15: memref<1x128xf32, #tpu.memory_space<vmem>>, %arg16: memref<128x128xf32, #tpu.memory_space<vmem>>, %arg17: memref<1x128xf32, #tpu.memory_space<vmem>>, %arg18: memref<512x128xf32, #tpu.memory_space<vmem>>, %arg19: memref<512x128xf32, #tpu.memory_space<vmem>>, %arg20: memref<512x128xf32, #tpu.memory_space<vmem>>) attributes {dimension_semantics = [#tpu.dimension_semantics<arbitrary>], iteration_bounds = array<i64: 20>, scalar_prefetch = 0 : i64, scratch_operands = 0 : i64, tpu.core_type = #tpu.core_type<tc>, window_params = [{transform_indices = @transform_0, window_bounds = array<i64: 512, 128>}, {transform_indices = @transform_1, window_bounds = array<i64: 512, 8>}, {pipeline_mode = #tpu.pipeline_mode<synchronous>, transform_indices = @transform_2, window_bounds = array<i64: 1, 128>}, {pipeline_mode = #tpu.pipeline_mode<synchronous>, transform_indices = @transform_3, window_bounds = array<i64: 1, 128>}, {pipeline_mode = #tpu.pipeline_mode<synchronous>, transform_indices = @transform_4, window_bounds = array<i64: 8, 32>}, {pipeline_mode = #tpu.pipeline_mode<synchronous>, transform_indices = @transform_5, window_bounds = array<i64: 1, 32>}, {pipeline_mode = #tpu.pipeline_mode<synchronous>, transform_indices = @transform_6, window_bounds = array<i64: 32, 32>}, {pipeline_mode = #tpu.pipeline_mode<synchronous>, transform_indices = @transform_7, window_bounds = array<i64: 1, 32>}, {pipeline_mode = #tpu.pipeline_mode<synchronous>, transform_indices = @transform_8, window_bounds = array<i64: 128, 128>}, {pipeline_mode = #tpu.pipeline_mode<synchronous>, transform_indices = @transform_9, window_bounds = array<i64: 32, 128>}, {pipeline_mode = #tpu.pipeline_mode<synchronous>, transform_indices = @transform_10, window_bounds = array<i64: 1, 128>}, {pipeline_mode = #tpu.pipeline_mode<synchronous>, transform_indices = @transform_11, window_bounds = array<i64: 128, 128>}, {pipeline_mode = #tpu.pipeline_mode<synchronous>, transform_indices = @transform_12, window_bounds = array<i64: 1, 128>}, {pipeline_mode = #tpu.pipeline_mode<synchronous>, transform_indices = @transform_13, window_bounds = array<i64: 128, 128>}, {pipeline_mode = #tpu.pipeline_mode<synchronous>, transform_indices = @transform_14, window_bounds = array<i64: 1, 128>}, {pipeline_mode = #tpu.pipeline_mode<synchronous>, transform_indices = @transform_15, window_bounds = array<i64: 128, 128>}, {pipeline_mode = #tpu.pipeline_mode<synchronous>, transform_indices = @transform_16, window_bounds = array<i64: 1, 128>}, {transform_indices = @transform_17, window_bounds = array<i64: 512, 128>}, {transform_indices = @transform_18, window_bounds = array<i64: 512, 128>}, {transform_indices = @transform_19, window_bounds = array<i64: 512, 128>}]} {
    %get3A = arith.constant 0 : index
    %get3A_0 = arith.constant 0 : index
    %get3A_1 = vector.load %arg1[%get3A, %get3A_0] : memref<512x128xf32, #tpu.memory_space<vmem>>, vector<512x128xf32>
    %get3A_2 = arith.constant 0 : index
    %get3A_3 = arith.constant 0 : index
    %get3A_4 = vector.load %arg3[%get3A_2, %get3A_3] : memref<1x128xf32, #tpu.memory_space<vmem>>, vector<1x128xf32>
    %get3A_5 = arith.constant 0 : index
    %get3A_6 = arith.constant 0 : index
    %get3A_7 = vector.load %arg4[%get3A_5, %get3A_6] : memref<1x128xf32, #tpu.memory_space<vmem>>, vector<1x128xf32>
    %reduce_sum3A = arith.constant dense<0.000000e+00> : vector<512xf32>
    %reduce_sum3A_8 = vector.multi_reduction <add>, %get3A_1, %reduce_sum3A [1] : vector<512x128xf32> to vector<512xf32>
    %broadcast_in_dim3A = vector.shape_cast %reduce_sum3A_8 : vector<512xf32> to vector<512x1xf32>
    %div3A = arith.constant 1.280000e+02 : f32
    %div3A_9 = vector.broadcast %div3A : f32 to vector<512x1xf32>
    %div3A_10 = arith.divf %broadcast_in_dim3A, %div3A_9 : vector<512x1xf32>
    %sub3A = vector.broadcast %div3A_10 : vector<512x1xf32> to vector<512x128xf32>
    %sub3A_11 = arith.subf %get3A_1, %sub3A : vector<512x128xf32>
    %integer_pow3A = arith.mulf %sub3A_11, %sub3A_11 : vector<512x128xf32>
    %reduce_sum3A_12 = arith.constant dense<0.000000e+00> : vector<512xf32>
    %reduce_sum3A_13 = vector.multi_reduction <add>, %integer_pow3A, %reduce_sum3A_12 [1] : vector<512x128xf32> to vector<512xf32>
    %broadcast_in_dim3A_14 = vector.shape_cast %reduce_sum3A_13 : vector<512xf32> to vector<512x1xf32>
    %div3A_15 = arith.constant 1.280000e+02 : f32
    %div3A_16 = vector.broadcast %div3A_15 : f32 to vector<512x1xf32>
    %div3A_17 = arith.divf %broadcast_in_dim3A_14, %div3A_16 : vector<512x1xf32>
    %sub3A_18 = vector.broadcast %div3A_10 : vector<512x1xf32> to vector<512x128xf32>
    %sub3A_19 = arith.subf %get3A_1, %sub3A_18 : vector<512x128xf32>
    %add3A = arith.constant 9.99999974E-6 : f32
    %add3A_20 = vector.broadcast %add3A : f32 to vector<512x1xf32>
    %add3A_21 = arith.addf %div3A_17, %add3A_20 : vector<512x1xf32>
    %sqrt3A = math.sqrt %add3A_21 : vector<512x1xf32>
    %div3A_22 = vector.broadcast %sqrt3A : vector<512x1xf32> to vector<512x128xf32>
    %div3A_23 = arith.divf %sub3A_19, %div3A_22 : vector<512x128xf32>
    %mul3A = vector.broadcast %get3A_4 : vector<1x128xf32> to vector<512x128xf32>
    %mul3A_24 = arith.mulf %div3A_23, %mul3A : vector<512x128xf32>
    %add3A_25 = vector.broadcast %get3A_7 : vector<1x128xf32> to vector<512x128xf32>
    %add3A_26 = arith.addf %mul3A_24, %add3A_25 : vector<512x128xf32>
    %get3A_27 = arith.constant 0 : index
    %get3A_28 = arith.constant 0 : index
    %get3A_29 = vector.load %arg2[%get3A_27, %get3A_28] : memref<512x8xf32, #tpu.memory_space<vmem>>, vector<512x8xf32>
    %get3A_30 = arith.constant 0 : index
    %get3A_31 = arith.constant 0 : index
    %get3A_32 = vector.load %arg5[%get3A_30, %get3A_31] : memref<8x32xf32, #tpu.memory_space<vmem>>, vector<8x32xf32>
    %dot_general3A = arith.constant dense<0.000000e+00> : vector<512x32xf32>
    %dot_general3A_33 = tpu.matmul %get3A_29, %get3A_32, %dot_general3A {dimension_numbers = #tpu.dot_dimension_numbers<[1], [0], [0], [1], [0, 0, 1, 1], [], []>, transpose_lhs_hint = false} : vector<512x8xf32>, vector<8x32xf32>, vector<512x32xf32> -> vector<512x32xf32>
    %get3A_34 = arith.constant 0 : index
    %get3A_35 = arith.constant 0 : index
    %get3A_36 = vector.load %arg6[%get3A_34, %get3A_35] : memref<1x32xf32, #tpu.memory_space<vmem>>, vector<1x32xf32>
    %add3A_37 = vector.broadcast %get3A_36 : vector<1x32xf32> to vector<512x32xf32>
    %add3A_38 = arith.addf %dot_general3A_33, %add3A_37 : vector<512x32xf32>
    %max3A = arith.constant 0.000000e+00 : f32
    %max3A_39 = vector.broadcast %max3A : f32 to vector<512x32xf32>
    %max3A_40 = arith.maximumf %add3A_38, %max3A_39 : vector<512x32xf32>
    %get3A_41 = arith.constant 0 : index
    %get3A_42 = arith.constant 0 : index
    %get3A_43 = vector.load %arg7[%get3A_41, %get3A_42] : memref<32x32xf32, #tpu.memory_space<vmem>>, vector<32x32xf32>
    %dot_general3A_44 = arith.constant dense<0.000000e+00> : vector<512x32xf32>
    %dot_general3A_45 = tpu.matmul %max3A_40, %get3A_43, %dot_general3A_44 {dimension_numbers = #tpu.dot_dimension_numbers<[1], [0], [0], [1], [0, 0, 1, 1], [], []>, transpose_lhs_hint = false} : vector<512x32xf32>, vector<32x32xf32>, vector<512x32xf32> -> vector<512x32xf32>
    %get3A_46 = arith.constant 0 : index
    %get3A_47 = arith.constant 0 : index
    %get3A_48 = vector.load %arg8[%get3A_46, %get3A_47] : memref<1x32xf32, #tpu.memory_space<vmem>>, vector<1x32xf32>
    %add3A_49 = vector.broadcast %get3A_48 : vector<1x32xf32> to vector<512x32xf32>
    %add3A_50 = arith.addf %dot_general3A_45, %add3A_49 : vector<512x32xf32>
    %get3A_51 = arith.constant 0 : index
    %get3A_52 = arith.constant 0 : index
    %get3A_53 = vector.load %arg9[%get3A_51, %get3A_52] : memref<128x128xf32, #tpu.memory_space<vmem>>, vector<128x128xf32>
    %dot_general3A_54 = arith.constant dense<0.000000e+00> : vector<512x128xf32>
    %dot_general3A_55 = tpu.matmul %add3A_26, %get3A_53, %dot_general3A_54 {dimension_numbers = #tpu.dot_dimension_numbers<[1], [0], [0], [1], [0, 0, 1, 1], [], []>, transpose_lhs_hint = false} : vector<512x128xf32>, vector<128x128xf32>, vector<512x128xf32> -> vector<512x128xf32>
    %get3A_56 = arith.constant 0 : index
    %get3A_57 = arith.constant 0 : index
    %get3A_58 = vector.load %arg10[%get3A_56, %get3A_57] : memref<32x128xf32, #tpu.memory_space<vmem>>, vector<32x128xf32>
    %dot_general3A_59 = arith.constant dense<0.000000e+00> : vector<512x128xf32>
    %dot_general3A_60 = tpu.matmul %add3A_50, %get3A_58, %dot_general3A_59 {dimension_numbers = #tpu.dot_dimension_numbers<[1], [0], [0], [1], [0, 0, 1, 1], [], []>, transpose_lhs_hint = false} : vector<512x32xf32>, vector<32x128xf32>, vector<512x128xf32> -> vector<512x128xf32>
    %add3A_61 = arith.addf %dot_general3A_55, %dot_general3A_60 : vector<512x128xf32>
    %get3A_62 = arith.constant 0 : index
    %get3A_63 = arith.constant 0 : index
    %get3A_64 = vector.load %arg11[%get3A_62, %get3A_63] : memref<1x128xf32, #tpu.memory_space<vmem>>, vector<1x128xf32>
    %add3A_65 = vector.broadcast %get3A_64 : vector<1x128xf32> to vector<512x128xf32>
    %add3A_66 = arith.addf %add3A_61, %add3A_65 : vector<512x128xf32>
    %get3A_67 = arith.constant 0 : index
    %get3A_68 = arith.constant 0 : index
    %get3A_69 = vector.load %arg12[%get3A_67, %get3A_68] : memref<128x128xf32, #tpu.memory_space<vmem>>, vector<128x128xf32>
    %dot_general3A_70 = arith.constant dense<0.000000e+00> : vector<512x128xf32>
    %dot_general3A_71 = tpu.matmul %add3A_66, %get3A_69, %dot_general3A_70 {dimension_numbers = #tpu.dot_dimension_numbers<[1], [0], [0], [1], [0, 0, 1, 1], [], []>, transpose_lhs_hint = false} : vector<512x128xf32>, vector<128x128xf32>, vector<512x128xf32> -> vector<512x128xf32>
    %get3A_72 = arith.constant 0 : index
    %get3A_73 = arith.constant 0 : index
    %get3A_74 = vector.load %arg13[%get3A_72, %get3A_73] : memref<1x128xf32, #tpu.memory_space<vmem>>, vector<1x128xf32>
    %add3A_75 = vector.broadcast %get3A_74 : vector<1x128xf32> to vector<512x128xf32>
    %add3A_76 = arith.addf %dot_general3A_71, %add3A_75 : vector<512x128xf32>
    %swap3A = arith.constant 0 : index
    %swap3A_77 = arith.constant 0 : index
    %swap3A_78 = vector.load %arg18[%swap3A, %swap3A_77] : memref<512x128xf32, #tpu.memory_space<vmem>>, vector<512x128xf32>
    tpu.vector_store %arg18[%swap3A, %swap3A_77], %add3A_76 {strides = array<i32>} : memref<512x128xf32, #tpu.memory_space<vmem>>, vector<512x128xf32>,
    %get3A_79 = arith.constant 0 : index
    %get3A_80 = arith.constant 0 : index
    %get3A_81 = vector.load %arg14[%get3A_79, %get3A_80] : memref<128x128xf32, #tpu.memory_space<vmem>>, vector<128x128xf32>
    %dot_general3A_82 = arith.constant dense<0.000000e+00> : vector<512x128xf32>
    %dot_general3A_83 = tpu.matmul %add3A_66, %get3A_81, %dot_general3A_82 {dimension_numbers = #tpu.dot_dimension_numbers<[1], [0], [0], [1], [0, 0, 1, 1], [], []>, transpose_lhs_hint = false} : vector<512x128xf32>, vector<128x128xf32>, vector<512x128xf32> -> vector<512x128xf32>
    %get3A_84 = arith.constant 0 : index
    %get3A_85 = arith.constant 0 : index
    %get3A_86 = vector.load %arg15[%get3A_84, %get3A_85] : memref<1x128xf32, #tpu.memory_space<vmem>>, vector<1x128xf32>
    %add3A_87 = vector.broadcast %get3A_86 : vector<1x128xf32> to vector<512x128xf32>
    %add3A_88 = arith.addf %dot_general3A_83, %add3A_87 : vector<512x128xf32>
    %swap3A_89 = arith.constant 0 : index
    %swap3A_90 = arith.constant 0 : index
    %swap3A_91 = vector.load %arg19[%swap3A_89, %swap3A_90] : memref<512x128xf32, #tpu.memory_space<vmem>>, vector<512x128xf32>
    tpu.vector_store %arg19[%swap3A_89, %swap3A_90], %add3A_88 {strides = array<i32>} : memref<512x128xf32, #tpu.memory_space<vmem>>, vector<512x128xf32>,
    %get3A_92 = arith.constant 0 : index
    %get3A_93 = arith.constant 0 : index
    %get3A_94 = vector.load %arg16[%get3A_92, %get3A_93] : memref<128x128xf32, #tpu.memory_space<vmem>>, vector<128x128xf32>
    %dot_general3A_95 = arith.constant dense<0.000000e+00> : vector<512x128xf32>
    %dot_general3A_96 = tpu.matmul %add3A_66, %get3A_94, %dot_general3A_95 {dimension_numbers = #tpu.dot_dimension_numbers<[1], [0], [0], [1], [0, 0, 1, 1], [], []>, transpose_lhs_hint = false} : vector<512x128xf32>, vector<128x128xf32>, vector<512x128xf32> -> vector<512x128xf32>
    %get3A_97 = arith.constant 0 : index
    %get3A_98 = arith.constant 0 : index
    %get3A_99 = vector.load %arg17[%get3A_97, %get3A_98] : memref<1x128xf32, #tpu.memory_space<vmem>>, vector<1x128xf32>
    %add3A_100 = vector.broadcast %get3A_99 : vector<1x128xf32> to vector<512x128xf32>
    %add3A_101 = arith.addf %dot_general3A_96, %add3A_100 : vector<512x128xf32>
    %swap3A_102 = arith.constant 0 : index
    %swap3A_103 = arith.constant 0 : index
    %swap3A_104 = vector.load %arg20[%swap3A_102, %swap3A_103] : memref<512x128xf32, #tpu.memory_space<vmem>>, vector<512x128xf32>
    tpu.vector_store %arg20[%swap3A_102, %swap3A_103], %add3A_101 {strides = array<i32>} : memref<512x128xf32, #tpu.memory_space<vmem>>, vector<512x128xf32>,
    return
  }
  func.func @transform_0(%arg0: i32) -> (i32, i32) {
    %c0_i32 = arith.constant 0 : i32
    %c0_i32_0 = arith.constant 0 : i32
    return %arg0, %c0_i32 : i32, i32
  }
  func.func @transform_1(%arg0: i32) -> (i32, i32) {
    %c0_i32 = arith.constant 0 : i32
    %c0_i32_0 = arith.constant 0 : i32
    return %arg0, %c0_i32 : i32, i32
  }
  func.func @transform_2(%arg0: i32) -> (i32, i32) {
    %c0_i32 = arith.constant 0 : i32
    %c0_i32_0 = arith.constant 0 : i32
    %c0_i32_1 = arith.constant 0 : i32
    return %c0_i32, %c0_i32_0 : i32, i32
  }
  func.func @transform_3(%arg0: i32) -> (i32, i32) {
    %c0_i32 = arith.constant 0 : i32
    %c0_i32_0 = arith.constant 0 : i32
    %c0_i32_1 = arith.constant 0 : i32
    return %c0_i32, %c0_i32_0 : i32, i32
  }
  func.func @transform_4(%arg0: i32) -> (i32, i32) {
    %c0_i32 = arith.constant 0 : i32
    %c0_i32_0 = arith.constant 0 : i32
    %c0_i32_1 = arith.constant 0 : i32
    return %c0_i32, %c0_i32_0 : i32, i32
  }
  func.func @transform_5(%arg0: i32) -> (i32, i32) {
    %c0_i32 = arith.constant 0 : i32
    %c0_i32_0 = arith.constant 0 : i32
    %c0_i32_1 = arith.constant 0 : i32
    return %c0_i32, %c0_i32_0 : i32, i32
  }
  func.func @transform_6(%arg0: i32) -> (i32, i32) {
    %c0_i32 = arith.constant 0 : i32
    %c0_i32_0 = arith.constant 0 : i32
    %c0_i32_1 = arith.constant 0 : i32
    return %c0_i32, %c0_i32_0 : i32, i32
  }
  func.func @transform_7(%arg0: i32) -> (i32, i32) {
    %c0_i32 = arith.constant 0 : i32
    %c0_i32_0 = arith.constant 0 : i32
    %c0_i32_1 = arith.constant 0 : i32
    return %c0_i32, %c0_i32_0 : i32, i32
  }
  func.func @transform_8(%arg0: i32) -> (i32, i32) {
    %c0_i32 = arith.constant 0 : i32
    %c0_i32_0 = arith.constant 0 : i32
    %c0_i32_1 = arith.constant 0 : i32
    return %c0_i32, %c0_i32_0 : i32, i32
  }
  func.func @transform_9(%arg0: i32) -> (i32, i32) {
    %c0_i32 = arith.constant 0 : i32
    %c0_i32_0 = arith.constant 0 : i32
    %c0_i32_1 = arith.constant 0 : i32
    return %c0_i32, %c0_i32_0 : i32, i32
  }
  func.func @transform_10(%arg0: i32) -> (i32, i32) {
    %c0_i32 = arith.constant 0 : i32
    %c0_i32_0 = arith.constant 0 : i32
    %c0_i32_1 = arith.constant 0 : i32
    return %c0_i32, %c0_i32_0 : i32, i32
  }
  func.func @transform_11(%arg0: i32) -> (i32, i32) {
    %c0_i32 = arith.constant 0 : i32
    %c0_i32_0 = arith.constant 0 : i32
    %c0_i32_1 = arith.constant 0 : i32
    return %c0_i32, %c0_i32_0 : i32, i32
  }
  func.func @transform_12(%arg0: i32) -> (i32, i32) {
    %c0_i32 = arith.constant 0 : i32
    %c0_i32_0 = arith.constant 0 : i32
    %c0_i32_1 = arith.constant 0 : i32
    return %c0_i32, %c0_i32_0 : i32, i32
  }
  func.func @transform_13(%arg0: i32) -> (i32, i32) {
    %c0_i32 = arith.constant 0 : i32
    %c0_i32_0 = arith.constant 0 : i32
    %c0_i32_1 = arith.constant 0 : i32
    return %c0_i32, %c0_i32_0 : i32, i32
  }
  func.func @transform_14(%arg0: i32) -> (i32, i32) {
    %c0_i32 = arith.constant 0 : i32
    %c0_i32_0 = arith.constant 0 : i32
    %c0_i32_1 = arith.constant 0 : i32
    return %c0_i32, %c0_i32_0 : i32, i32
  }
  func.func @transform_15(%arg0: i32) -> (i32, i32) {
    %c0_i32 = arith.constant 0 : i32
    %c0_i32_0 = arith.constant 0 : i32
    %c0_i32_1 = arith.constant 0 : i32
    return %c0_i32, %c0_i32_0 : i32, i32
  }
  func.func @transform_16(%arg0: i32) -> (i32, i32) {
    %c0_i32 = arith.constant 0 : i32
    %c0_i32_0 = arith.constant 0 : i32
    %c0_i32_1 = arith.constant 0 : i32
    return %c0_i32, %c0_i32_0 : i32, i32
  }
  func.func @transform_17(%arg0: i32) -> (i32, i32) {
    %c0_i32 = arith.constant 0 : i32
    %c0_i32_0 = arith.constant 0 : i32
    return %arg0, %c0_i32 : i32, i32
  }
  func.func @transform_18(%arg0: i32) -> (i32, i32) {
    %c0_i32 = arith.constant 0 : i32
    %c0_i32_0 = arith.constant 0 : i32
    return %arg0, %c0_i32 : i32, i32
  }
  func.func @transform_19(%arg0: i32) -> (i32, i32) {
    %c0_i32 = arith.constant 0 : i32
    %c0_i32_0 = arith.constant 0 : i32
    return %arg0, %c0_i32 : i32, i32
  }
}

module attributes {stable_mosaic.version = 14 : i64} {
  func.func @_attn_body(%arg0: i32, %arg1: i32, %arg2: memref<1x256x32xf32, #tpu.memory_space<vmem>>, %arg3: memref<1x10240x32xf32, #tpu.memory_space<vmem>>, %arg4: memref<1x10240x32xf32, #tpu.memory_space<vmem>>, %arg5: memref<1x256x32xf32, #tpu.memory_space<vmem>>) attributes {dimension_semantics = [#tpu.dimension_semantics<arbitrary>, #tpu.dimension_semantics<arbitrary>], iteration_bounds = array<i64: 4, 40>, scalar_prefetch = 0 : i64, scratch_operands = 0 : i64, tpu.core_type = #tpu.core_type<tc>, window_params = [{transform_indices = @transform_0, window_bounds = array<i64: 1, 256, 32>}, {transform_indices = @transform_1, window_bounds = array<i64: 1, 10240, 32>}, {transform_indices = @transform_2, window_bounds = array<i64: 1, 10240, 32>}, {transform_indices = @transform_3, window_bounds = array<i64: 1, 256, 32>}]} {
    %get3A = arith.constant 0 : index
    %get3A_0 = arith.constant 0 : index
    %get3A_1 = arith.constant 0 : index
    %get3A_2 = vector.load %arg2[%get3A, %get3A_0, %get3A_1] : memref<1x256x32xf32, #tpu.memory_space<vmem>>, vector<1x256x32xf32>
    %get3A_3 = vector.shape_cast %get3A_2 : vector<1x256x32xf32> to vector<256x32xf32>
    %mul3A = arith.constant 0.176776692 : f32
    %mul3A_4 = vector.broadcast %mul3A : f32 to vector<256x32xf32>
    %mul3A_5 = arith.mulf %get3A_3, %mul3A_4 : vector<256x32xf32>
    %convert_element_type3A = arith.truncf %mul3A_5 : vector<256x32xf32> to vector<256x32xbf16>
    %get3A_6 = arith.constant 0 : index
    %get3A_7 = arith.constant 0 : index
    %get3A_8 = arith.constant 0 : index
    %get3A_9 = vector.load %arg3[%get3A_6, %get3A_7, %get3A_8] : memref<1x10240x32xf32, #tpu.memory_space<vmem>>, vector<1x10240x32xf32>
    %get3A_10 = vector.shape_cast %get3A_9 : vector<1x10240x32xf32> to vector<10240x32xf32>
    %convert_element_type3A_11 = arith.truncf %get3A_10 : vector<10240x32xf32> to vector<10240x32xbf16>
    %get3A_12 = arith.constant 0 : index
    %get3A_13 = arith.constant 0 : index
    %get3A_14 = arith.constant 0 : index
    %get3A_15 = vector.load %arg4[%get3A_12, %get3A_13, %get3A_14] : memref<1x10240x32xf32, #tpu.memory_space<vmem>>, vector<1x10240x32xf32>
    %get3A_16 = vector.shape_cast %get3A_15 : vector<1x10240x32xf32> to vector<10240x32xf32>
    %convert_element_type3A_17 = arith.truncf %get3A_16 : vector<10240x32xf32> to vector<10240x32xbf16>
    %dot_general3A = arith.constant dense<0.000000e+00> : vector<256x10240xf32>
    %dot_general3A_18 = tpu.matmul %convert_element_type3A, %convert_element_type3A_11, %dot_general3A {dimension_numbers = #tpu.dot_dimension_numbers<[1], [1], [0], [0], [0, 0, 1, 0], [], []>, transpose_lhs_hint = false} : vector<256x32xbf16>, vector<10240x32xbf16>, vector<256x10240xf32> -> vector<256x10240xf32>
    %iota3A = tpu.iota {dimensions = array<i32: 1>} : vector<256x10240xi32>
    %lt3A = arith.constant 10000 : i32
    %lt3A_19 = vector.broadcast %lt3A : i32 to vector<256x10240xi32>
    %lt3A_20 = arith.cmpi slt, %iota3A, %lt3A_19 : vector<256x10240xi32>
    %jit3A = arith.constant -1.000000e+30 : f32
    %broadcast_in_dim3A = vector.broadcast %jit3A : f32 to vector<256x10240xf32>
    %select_n3A = arith.select %lt3A_20, %dot_general3A_18, %broadcast_in_dim3A : vector<256x10240xi1>, vector<256x10240xf32>
    %reduce_max3A = arith.constant dense<0xFF800000> : vector<256xf32>
    %reduce_max3A_21 = vector.multi_reduction <maximumf>, %select_n3A, %reduce_max3A [1] : vector<256x10240xf32> to vector<256xf32>
    %broadcast_in_dim3A_22 = vector.shape_cast %reduce_max3A_21 : vector<256xf32> to vector<256x1xf32>
    %sub3A = vector.broadcast %broadcast_in_dim3A_22 : vector<256x1xf32> to vector<256x10240xf32>
    %sub3A_23 = arith.subf %select_n3A, %sub3A : vector<256x10240xf32>
    %exp3A = math.exp %sub3A_23 : vector<256x10240xf32>
    %reduce_sum3A = arith.constant dense<0.000000e+00> : vector<256xf32>
    %reduce_sum3A_24 = vector.multi_reduction <add>, %exp3A, %reduce_sum3A [1] : vector<256x10240xf32> to vector<256xf32>
    %broadcast_in_dim3A_25 = vector.shape_cast %reduce_sum3A_24 : vector<256xf32> to vector<256x1xf32>
    %convert_element_type3A_26 = arith.truncf %exp3A : vector<256x10240xf32> to vector<256x10240xbf16>
    %dot_general3A_27 = arith.constant dense<0.000000e+00> : vector<256x32xf32>
    %dot_general3A_28 = tpu.matmul %convert_element_type3A_26, %convert_element_type3A_17, %dot_general3A_27 {dimension_numbers = #tpu.dot_dimension_numbers<[1], [0], [0], [1], [0, 0, 1, 1], [], []>, transpose_lhs_hint = false} : vector<256x10240xbf16>, vector<10240x32xbf16>, vector<256x32xf32> -> vector<256x32xf32>
    %div3A = vector.broadcast %broadcast_in_dim3A_25 : vector<256x1xf32> to vector<256x32xf32>
    %div3A_29 = arith.divf %dot_general3A_28, %div3A : vector<256x32xf32>
    %swap3A = arith.constant 0 : index
    %swap3A_30 = arith.constant 0 : index
    %swap3A_31 = arith.constant 0 : index
    %swap3A_32 = vector.load %arg5[%swap3A, %swap3A_30, %swap3A_31] : memref<1x256x32xf32, #tpu.memory_space<vmem>>, vector<1x256x32xf32>
    %swap3A_33 = vector.shape_cast %swap3A_32 : vector<1x256x32xf32> to vector<256x32xf32>
    %swap3A_34 = vector.shape_cast %div3A_29 : vector<256x32xf32> to vector<1x256x32xf32>
    tpu.vector_store %arg5[%swap3A, %swap3A_30, %swap3A_31], %swap3A_34 {strides = array<i32>} : memref<1x256x32xf32, #tpu.memory_space<vmem>>, vector<1x256x32xf32>,
    return
  }
  func.func @transform_0(%arg0: i32, %arg1: i32) -> (i32, i32, i32) {
    %c0_i32 = arith.constant 0 : i32
    %c0_i32_0 = arith.constant 0 : i32
    return %arg0, %arg1, %c0_i32 : i32, i32, i32
  }
  func.func @transform_1(%arg0: i32, %arg1: i32) -> (i32, i32, i32) {
    %c0_i32 = arith.constant 0 : i32
    %c0_i32_0 = arith.constant 0 : i32
    %c0_i32_1 = arith.constant 0 : i32
    return %arg0, %c0_i32, %c0_i32_0 : i32, i32, i32
  }
  func.func @transform_2(%arg0: i32, %arg1: i32) -> (i32, i32, i32) {
    %c0_i32 = arith.constant 0 : i32
    %c0_i32_0 = arith.constant 0 : i32
    %c0_i32_1 = arith.constant 0 : i32
    return %arg0, %c0_i32, %c0_i32_0 : i32, i32, i32
  }
  func.func @transform_3(%arg0: i32, %arg1: i32) -> (i32, i32, i32) {
    %c0_i32 = arith.constant 0 : i32
    %c0_i32_0 = arith.constant 0 : i32
    return %arg0, %arg1, %c0_i32 : i32, i32, i32
  }
}

module attributes {stable_mosaic.version = 14 : i64} {
  func.func @_attn_post_body(%arg0: i32, %arg1: memref<512x128xf32, #tpu.memory_space<vmem>>, %arg2: memref<512x128xf32, #tpu.memory_space<vmem>>, %arg3: memref<128x128xf32, #tpu.memory_space<vmem>>, %arg4: memref<1x128xf32, #tpu.memory_space<vmem>>, %arg5: memref<1x128xf32, #tpu.memory_space<vmem>>, %arg6: memref<1x128xf32, #tpu.memory_space<vmem>>, %arg7: memref<512x128xf32, #tpu.memory_space<vmem>>) attributes {dimension_semantics = [#tpu.dimension_semantics<arbitrary>], iteration_bounds = array<i64: 20>, scalar_prefetch = 0 : i64, scratch_operands = 0 : i64, tpu.core_type = #tpu.core_type<tc>, window_params = [{transform_indices = @transform_0, window_bounds = array<i64: 512, 128>}, {transform_indices = @transform_1, window_bounds = array<i64: 512, 128>}, {pipeline_mode = #tpu.pipeline_mode<synchronous>, transform_indices = @transform_2, window_bounds = array<i64: 128, 128>}, {pipeline_mode = #tpu.pipeline_mode<synchronous>, transform_indices = @transform_3, window_bounds = array<i64: 1, 128>}, {pipeline_mode = #tpu.pipeline_mode<synchronous>, transform_indices = @transform_4, window_bounds = array<i64: 1, 128>}, {pipeline_mode = #tpu.pipeline_mode<synchronous>, transform_indices = @transform_5, window_bounds = array<i64: 1, 128>}, {transform_indices = @transform_6, window_bounds = array<i64: 512, 128>}]} {
    %get3A = arith.constant 0 : index
    %get3A_0 = arith.constant 0 : index
    %get3A_1 = vector.load %arg1[%get3A, %get3A_0] : memref<512x128xf32, #tpu.memory_space<vmem>>, vector<512x128xf32>
    %get3A_2 = arith.constant 0 : index
    %get3A_3 = arith.constant 0 : index
    %get3A_4 = vector.load %arg3[%get3A_2, %get3A_3] : memref<128x128xf32, #tpu.memory_space<vmem>>, vector<128x128xf32>
    %dot_general3A = arith.constant dense<0.000000e+00> : vector<512x128xf32>
    %dot_general3A_5 = tpu.matmul %get3A_1, %get3A_4, %dot_general3A {dimension_numbers = #tpu.dot_dimension_numbers<[1], [0], [0], [1], [0, 0, 1, 1], [], []>, transpose_lhs_hint = false} : vector<512x128xf32>, vector<128x128xf32>, vector<512x128xf32> -> vector<512x128xf32>
    %get3A_6 = arith.constant 0 : index
    %get3A_7 = arith.constant 0 : index
    %get3A_8 = vector.load %arg4[%get3A_6, %get3A_7] : memref<1x128xf32, #tpu.memory_space<vmem>>, vector<1x128xf32>
    %add3A = vector.broadcast %get3A_8 : vector<1x128xf32> to vector<512x128xf32>
    %add3A_9 = arith.addf %dot_general3A_5, %add3A : vector<512x128xf32>
    %get3A_10 = arith.constant 0 : index
    %get3A_11 = arith.constant 0 : index
    %get3A_12 = vector.load %arg2[%get3A_10, %get3A_11] : memref<512x128xf32, #tpu.memory_space<vmem>>, vector<512x128xf32>
    %add3A_13 = arith.addf %add3A_9, %get3A_12 : vector<512x128xf32>
    %get3A_14 = arith.constant 0 : index
    %get3A_15 = arith.constant 0 : index
    %get3A_16 = vector.load %arg5[%get3A_14, %get3A_15] : memref<1x128xf32, #tpu.memory_space<vmem>>, vector<1x128xf32>
    %get3A_17 = arith.constant 0 : index
    %get3A_18 = arith.constant 0 : index
    %get3A_19 = vector.load %arg6[%get3A_17, %get3A_18] : memref<1x128xf32, #tpu.memory_space<vmem>>, vector<1x128xf32>
    %reduce_sum3A = arith.constant dense<0.000000e+00> : vector<512xf32>
    %reduce_sum3A_20 = vector.multi_reduction <add>, %add3A_13, %reduce_sum3A [1] : vector<512x128xf32> to vector<512xf32>
    %broadcast_in_dim3A = vector.shape_cast %reduce_sum3A_20 : vector<512xf32> to vector<512x1xf32>
    %div3A = arith.constant 1.280000e+02 : f32
    %div3A_21 = vector.broadcast %div3A : f32 to vector<512x1xf32>
    %div3A_22 = arith.divf %broadcast_in_dim3A, %div3A_21 : vector<512x1xf32>
    %sub3A = vector.broadcast %div3A_22 : vector<512x1xf32> to vector<512x128xf32>
    %sub3A_23 = arith.subf %add3A_13, %sub3A : vector<512x128xf32>
    %integer_pow3A = arith.mulf %sub3A_23, %sub3A_23 : vector<512x128xf32>
    %reduce_sum3A_24 = arith.constant dense<0.000000e+00> : vector<512xf32>
    %reduce_sum3A_25 = vector.multi_reduction <add>, %integer_pow3A, %reduce_sum3A_24 [1] : vector<512x128xf32> to vector<512xf32>
    %broadcast_in_dim3A_26 = vector.shape_cast %reduce_sum3A_25 : vector<512xf32> to vector<512x1xf32>
    %div3A_27 = arith.constant 1.280000e+02 : f32
    %div3A_28 = vector.broadcast %div3A_27 : f32 to vector<512x1xf32>
    %div3A_29 = arith.divf %broadcast_in_dim3A_26, %div3A_28 : vector<512x1xf32>
    %sub3A_30 = vector.broadcast %div3A_22 : vector<512x1xf32> to vector<512x128xf32>
    %sub3A_31 = arith.subf %add3A_13, %sub3A_30 : vector<512x128xf32>
    %add3A_32 = arith.constant 9.99999974E-6 : f32
    %add3A_33 = vector.broadcast %add3A_32 : f32 to vector<512x1xf32>
    %add3A_34 = arith.addf %div3A_29, %add3A_33 : vector<512x1xf32>
    %sqrt3A = math.sqrt %add3A_34 : vector<512x1xf32>
    %div3A_35 = vector.broadcast %sqrt3A : vector<512x1xf32> to vector<512x128xf32>
    %div3A_36 = arith.divf %sub3A_31, %div3A_35 : vector<512x128xf32>
    %mul3A = vector.broadcast %get3A_16 : vector<1x128xf32> to vector<512x128xf32>
    %mul3A_37 = arith.mulf %div3A_36, %mul3A : vector<512x128xf32>
    %add3A_38 = vector.broadcast %get3A_19 : vector<1x128xf32> to vector<512x128xf32>
    %add3A_39 = arith.addf %mul3A_37, %add3A_38 : vector<512x128xf32>
    %swap3A = arith.constant 0 : index
    %swap3A_40 = arith.constant 0 : index
    %swap3A_41 = vector.load %arg7[%swap3A, %swap3A_40] : memref<512x128xf32, #tpu.memory_space<vmem>>, vector<512x128xf32>
    tpu.vector_store %arg7[%swap3A, %swap3A_40], %add3A_39 {strides = array<i32>} : memref<512x128xf32, #tpu.memory_space<vmem>>, vector<512x128xf32>,
    return
  }
  func.func @transform_0(%arg0: i32) -> (i32, i32) {
    %c0_i32 = arith.constant 0 : i32
    %c0_i32_0 = arith.constant 0 : i32
    return %arg0, %c0_i32 : i32, i32
  }
  func.func @transform_1(%arg0: i32) -> (i32, i32) {
    %c0_i32 = arith.constant 0 : i32
    %c0_i32_0 = arith.constant 0 : i32
    return %arg0, %c0_i32 : i32, i32
  }
  func.func @transform_2(%arg0: i32) -> (i32, i32) {
    %c0_i32 = arith.constant 0 : i32
    %c0_i32_0 = arith.constant 0 : i32
    %c0_i32_1 = arith.constant 0 : i32
    return %c0_i32, %c0_i32_0 : i32, i32
  }
  func.func @transform_3(%arg0: i32) -> (i32, i32) {
    %c0_i32 = arith.constant 0 : i32
    %c0_i32_0 = arith.constant 0 : i32
    %c0_i32_1 = arith.constant 0 : i32
    return %c0_i32, %c0_i32_0 : i32, i32
  }
  func.func @transform_4(%arg0: i32) -> (i32, i32) {
    %c0_i32 = arith.constant 0 : i32
    %c0_i32_0 = arith.constant 0 : i32
    %c0_i32_1 = arith.constant 0 : i32
    return %c0_i32, %c0_i32_0 : i32, i32
  }
  func.func @transform_5(%arg0: i32) -> (i32, i32) {
    %c0_i32 = arith.constant 0 : i32
    %c0_i32_0 = arith.constant 0 : i32
    %c0_i32_1 = arith.constant 0 : i32
    return %c0_i32, %c0_i32_0 : i32, i32
  }
  func.func @transform_6(%arg0: i32) -> (i32, i32) {
    %c0_i32 = arith.constant 0 : i32
    %c0_i32_0 = arith.constant 0 : i32
    return %arg0, %c0_i32 : i32, i32
  }
}

module attributes {stable_mosaic.version = 14 : i64} {
  func.func @_conv_max_body(%arg0: i32, %arg1: i32, %arg2: memref<512x128xf32, #tpu.memory_space<vmem>>, %arg3: memref<512x8xf32, #tpu.memory_space<vmem>>, %arg4: memref<1x128x64xf32, #tpu.memory_space<vmem>>, %arg5: memref<1x8x64xf32, #tpu.memory_space<vmem>>, %arg6: memref<1x1x64xf32, #tpu.memory_space<vmem>>, %arg7: memref<1x1x64xf32, #tpu.memory_space<vmem>>, %arg8: memref<2x64xf32, #tpu.memory_space<vmem>>) attributes {dimension_semantics = [#tpu.dimension_semantics<arbitrary>, #tpu.dimension_semantics<arbitrary>], iteration_bounds = array<i64: 4, 20>, scalar_prefetch = 0 : i64, scratch_operands = 1 : i64, tpu.core_type = #tpu.core_type<tc>, window_params = [{transform_indices = @transform_0, window_bounds = array<i64: 512, 128>}, {transform_indices = @transform_1, window_bounds = array<i64: 512, 8>}, {transform_indices = @transform_2, window_bounds = array<i64: 1, 128, 64>}, {transform_indices = @transform_3, window_bounds = array<i64: 1, 8, 64>}, {transform_indices = @transform_4, window_bounds = array<i64: 1, 1, 64>}, {transform_indices = @transform_5, window_bounds = array<i64: 1, 1, 64>}]} {
    %get3A = arith.constant 0 : index
    %get3A_0 = arith.constant 0 : index
    %get3A_1 = vector.load %arg3[%get3A, %get3A_0] : memref<512x8xf32, #tpu.memory_space<vmem>>, vector<512x8xf32>
    %get3A_2 = arith.constant 0 : index
    %get3A_3 = arith.constant 0 : index
    %get3A_4 = arith.constant 0 : index
    %get3A_5 = vector.load %arg5[%get3A_2, %get3A_3, %get3A_4] : memref<1x8x64xf32, #tpu.memory_space<vmem>>, vector<1x8x64xf32>
    %get3A_6 = vector.shape_cast %get3A_5 : vector<1x8x64xf32> to vector<8x64xf32>
    %dot_general3A = arith.constant dense<0.000000e+00> : vector<512x64xf32>
    %dot_general3A_7 = tpu.matmul %get3A_1, %get3A_6, %dot_general3A {dimension_numbers = #tpu.dot_dimension_numbers<[1], [0], [0], [1], [0, 0, 1, 1], [], []>, transpose_lhs_hint = false} : vector<512x8xf32>, vector<8x64xf32>, vector<512x64xf32> -> vector<512x64xf32>
    %get3A_8 = arith.constant 0 : index
    %get3A_9 = arith.constant 0 : index
    %get3A_10 = vector.load %arg2[%get3A_8, %get3A_9] : memref<512x128xf32, #tpu.memory_space<vmem>>, vector<512x128xf32>
    %get3A_11 = arith.constant 0 : index
    %get3A_12 = arith.constant 0 : index
    %get3A_13 = arith.constant 0 : index
    %get3A_14 = vector.load %arg4[%get3A_11, %get3A_12, %get3A_13] : memref<1x128x64xf32, #tpu.memory_space<vmem>>, vector<1x128x64xf32>
    %get3A_15 = vector.shape_cast %get3A_14 : vector<1x128x64xf32> to vector<128x64xf32>
    %dot_general3A_16 = arith.constant dense<0.000000e+00> : vector<512x64xf32>
    %dot_general3A_17 = tpu.matmul %get3A_10, %get3A_15, %dot_general3A_16 {dimension_numbers = #tpu.dot_dimension_numbers<[1], [0], [0], [1], [0, 0, 1, 1], [], []>, transpose_lhs_hint = false} : vector<512x128xf32>, vector<128x64xf32>, vector<512x64xf32> -> vector<512x64xf32>
    %neg3A = arith.constant 0.000000e+00 : f32
    %neg3A_18 = vector.broadcast %neg3A : f32 to vector<512x64xf32>
    %neg3A_19 = arith.subf %neg3A_18, %dot_general3A_17 : vector<512x64xf32>
    %sub3A = arith.subf %neg3A_19, %dot_general3A_7 : vector<512x64xf32>
    %get3A_20 = arith.constant 0 : index
    %get3A_21 = arith.constant 0 : index
    %get3A_22 = arith.constant 0 : index
    %get3A_23 = vector.load %arg6[%get3A_20, %get3A_21, %get3A_22] : memref<1x1x64xf32, #tpu.memory_space<vmem>>, vector<1x1x64xf32>
    %get3A_24 = vector.shape_cast %get3A_23 : vector<1x1x64xf32> to vector<1x64xf32>
    %add3A = vector.broadcast %get3A_24 : vector<1x64xf32> to vector<512x64xf32>
    %add3A_25 = arith.addf %dot_general3A_7, %add3A : vector<512x64xf32>
    %reduce_max3A = arith.constant dense<0xFF800000> : vector<64xf32>
    %reduce_max3A_26 = vector.multi_reduction <maximumf>, %sub3A, %reduce_max3A [0] : vector<512x64xf32> to vector<64xf32>
    %broadcast_in_dim3A = vector.shape_cast %reduce_max3A_26 : vector<64xf32> to vector<1x64xf32>
    %reduce_max3A_27 = arith.constant dense<0xFF800000> : vector<64xf32>
    %reduce_max3A_28 = vector.multi_reduction <maximumf>, %add3A_25, %reduce_max3A_27 [0] : vector<512x64xf32> to vector<64xf32>
    %broadcast_in_dim3A_29 = vector.shape_cast %reduce_max3A_28 : vector<64xf32> to vector<1x64xf32>
    %eq3A = arith.constant 0 : i32
    %eq3A_30 = arith.cmpi eq, %arg1, %eq3A : i32
    %convert_element_type3A = arith.extui %eq3A_30 : i1 to i32
    %cond3A = arith.constant 0 : i32
    %cond3A_31 = arith.cmpi ne, %convert_element_type3A, %cond3A : i32
    scf.if %cond3A_31 {
      %swap3A = arith.constant 0 : index
      %swap3A_41 = arith.constant 0 : index
      %swap3A_42 = vector.load %arg8[%swap3A, %swap3A_41] : memref<2x64xf32, #tpu.memory_space<vmem>>, vector<1x64xf32>
      tpu.vector_store %arg8[%swap3A, %swap3A_41], %broadcast_in_dim3A {strides = array<i32>} : memref<2x64xf32, #tpu.memory_space<vmem>>, vector<1x64xf32>,
      %swap3A_43 = arith.constant 1 : index
      %swap3A_44 = arith.constant 0 : index
      %swap3A_45 = vector.load %arg8[%swap3A_43, %swap3A_44] : memref<2x64xf32, #tpu.memory_space<vmem>>, vector<1x64xf32>
      tpu.vector_store %arg8[%swap3A_43, %swap3A_44], %broadcast_in_dim3A_29 {strides = array<i32>} : memref<2x64xf32, #tpu.memory_space<vmem>>, vector<1x64xf32>,
    } else {
    }
    %gt3A = arith.constant 0 : i32
    %gt3A_32 = arith.cmpi sgt, %arg1, %gt3A : i32
    %convert_element_type3A_33 = arith.extui %gt3A_32 : i1 to i32
    %cond3A_34 = arith.constant 0 : i32
    %cond3A_35 = arith.cmpi ne, %convert_element_type3A_33, %cond3A_34 : i32
    scf.if %cond3A_35 {
      %get3A_41 = arith.constant 0 : index
      %get3A_42 = arith.constant 0 : index
      %get3A_43 = vector.load %arg8[%get3A_41, %get3A_42] : memref<2x64xf32, #tpu.memory_space<vmem>>, vector<1x64xf32>
      %max3A = arith.maximumf %get3A_43, %broadcast_in_dim3A : vector<1x64xf32>
      %swap3A = arith.constant 0 : index
      %swap3A_44 = arith.constant 0 : index
      %swap3A_45 = vector.load %arg8[%swap3A, %swap3A_44] : memref<2x64xf32, #tpu.memory_space<vmem>>, vector<1x64xf32>
      tpu.vector_store %arg8[%swap3A, %swap3A_44], %max3A {strides = array<i32>} : memref<2x64xf32, #tpu.memory_space<vmem>>, vector<1x64xf32>,
      %get3A_46 = arith.constant 1 : index
      %get3A_47 = arith.constant 0 : index
      %get3A_48 = vector.load %arg8[%get3A_46, %get3A_47] : memref<2x64xf32, #tpu.memory_space<vmem>>, vector<1x64xf32>
      %max3A_49 = arith.maximumf %get3A_48, %broadcast_in_dim3A_29 : vector<1x64xf32>
      %swap3A_50 = arith.constant 1 : index
      %swap3A_51 = arith.constant 0 : index
      %swap3A_52 = vector.load %arg8[%swap3A_50, %swap3A_51] : memref<2x64xf32, #tpu.memory_space<vmem>>, vector<1x64xf32>
      tpu.vector_store %arg8[%swap3A_50, %swap3A_51], %max3A_49 {strides = array<i32>} : memref<2x64xf32, #tpu.memory_space<vmem>>, vector<1x64xf32>,
    } else {
    }
    %eq3A_36 = arith.constant 19 : i32
    %eq3A_37 = arith.cmpi eq, %arg1, %eq3A_36 : i32
    %convert_element_type3A_38 = arith.extui %eq3A_37 : i1 to i32
    %cond3A_39 = arith.constant 0 : i32
    %cond3A_40 = arith.cmpi ne, %convert_element_type3A_38, %cond3A_39 : i32
    scf.if %cond3A_40 {
      %get3A_41 = arith.constant 0 : index
      %get3A_42 = arith.constant 0 : index
      %get3A_43 = vector.load %arg8[%get3A_41, %get3A_42] : memref<2x64xf32, #tpu.memory_space<vmem>>, vector<1x64xf32>
      %get3A_44 = arith.constant 1 : index
      %get3A_45 = arith.constant 0 : index
      %get3A_46 = vector.load %arg8[%get3A_44, %get3A_45] : memref<2x64xf32, #tpu.memory_space<vmem>>, vector<1x64xf32>
      %add3A_47 = arith.addf %get3A_43, %get3A_46 : vector<1x64xf32>
      %swap3A = arith.constant 0 : index
      %swap3A_48 = arith.constant 0 : index
      %swap3A_49 = arith.constant 0 : index
      %swap3A_50 = vector.load %arg7[%swap3A, %swap3A_48, %swap3A_49] : memref<1x1x64xf32, #tpu.memory_space<vmem>>, vector<1x1x64xf32>
      %swap3A_51 = vector.shape_cast %swap3A_50 : vector<1x1x64xf32> to vector<1x64xf32>
      %swap3A_52 = vector.shape_cast %add3A_47 : vector<1x64xf32> to vector<1x1x64xf32>
      tpu.vector_store %arg7[%swap3A, %swap3A_48, %swap3A_49], %swap3A_52 {strides = array<i32>} : memref<1x1x64xf32, #tpu.memory_space<vmem>>, vector<1x1x64xf32>,
    } else {
    }
    return
  }
  func.func @transform_0(%arg0: i32, %arg1: i32) -> (i32, i32) {
    %c0_i32 = arith.constant 0 : i32
    %c0_i32_0 = arith.constant 0 : i32
    return %arg1, %c0_i32 : i32, i32
  }
  func.func @transform_1(%arg0: i32, %arg1: i32) -> (i32, i32) {
    %c0_i32 = arith.constant 0 : i32
    %c0_i32_0 = arith.constant 0 : i32
    return %arg1, %c0_i32 : i32, i32
  }
  func.func @transform_2(%arg0: i32, %arg1: i32) -> (i32, i32, i32) {
    %c0_i32 = arith.constant 0 : i32
    %c0_i32_0 = arith.constant 0 : i32
    %c0_i32_1 = arith.constant 0 : i32
    return %arg0, %c0_i32, %c0_i32_0 : i32, i32, i32
  }
  func.func @transform_3(%arg0: i32, %arg1: i32) -> (i32, i32, i32) {
    %c0_i32 = arith.constant 0 : i32
    %c0_i32_0 = arith.constant 0 : i32
    %c0_i32_1 = arith.constant 0 : i32
    return %arg0, %c0_i32, %c0_i32_0 : i32, i32, i32
  }
  func.func @transform_4(%arg0: i32, %arg1: i32) -> (i32, i32, i32) {
    %c0_i32 = arith.constant 0 : i32
    %c0_i32_0 = arith.constant 0 : i32
    %c0_i32_1 = arith.constant 0 : i32
    return %arg0, %c0_i32, %c0_i32_0 : i32, i32, i32
  }
  func.func @transform_5(%arg0: i32, %arg1: i32) -> (i32, i32, i32) {
    %c0_i32 = arith.constant 0 : i32
    %c0_i32_0 = arith.constant 0 : i32
    %c0_i32_1 = arith.constant 0 : i32
    return %arg0, %c0_i32, %c0_i32_0 : i32, i32, i32
  }
}

module attributes {stable_mosaic.version = 14 : i64} {
  func.func @_conv_pre_body(%arg0: i32, %arg1: i32, %arg2: memref<512x128xf32, #tpu.memory_space<vmem>>, %arg3: memref<512x8xf32, #tpu.memory_space<vmem>>, %arg4: memref<1x128x64xf32, #tpu.memory_space<vmem>>, %arg5: memref<1x128x64xf32, #tpu.memory_space<vmem>>, %arg6: memref<1x1x64xf32, #tpu.memory_space<vmem>>, %arg7: memref<1x8x64xf32, #tpu.memory_space<vmem>>, %arg8: memref<1x1x64xf32, #tpu.memory_space<vmem>>, %arg9: memref<1x1x64xf32, #tpu.memory_space<vmem>>, %arg10: memref<1x512x128xf32, #tpu.memory_space<vmem>>, %arg11: memref<1x512x128xf32, #tpu.memory_space<vmem>>) attributes {dimension_semantics = [#tpu.dimension_semantics<arbitrary>, #tpu.dimension_semantics<arbitrary>], iteration_bounds = array<i64: 4, 20>, scalar_prefetch = 0 : i64, scratch_operands = 0 : i64, tpu.core_type = #tpu.core_type<tc>, window_params = [{transform_indices = @transform_0, window_bounds = array<i64: 512, 128>}, {transform_indices = @transform_1, window_bounds = array<i64: 512, 8>}, {transform_indices = @transform_2, window_bounds = array<i64: 1, 128, 64>}, {transform_indices = @transform_3, window_bounds = array<i64: 1, 128, 64>}, {transform_indices = @transform_4, window_bounds = array<i64: 1, 1, 64>}, {transform_indices = @transform_5, window_bounds = array<i64: 1, 8, 64>}, {transform_indices = @transform_6, window_bounds = array<i64: 1, 1, 64>}, {transform_indices = @transform_7, window_bounds = array<i64: 1, 1, 64>}, {transform_indices = @transform_8, window_bounds = array<i64: 1, 512, 128>}, {transform_indices = @transform_9, window_bounds = array<i64: 1, 512, 128>}]} {
    %get3A = arith.constant 0 : index
    %get3A_0 = arith.constant 0 : index
    %get3A_1 = vector.load %arg2[%get3A, %get3A_0] : memref<512x128xf32, #tpu.memory_space<vmem>>, vector<512x128xf32>
    %get3A_2 = arith.constant 0 : index
    %get3A_3 = arith.constant 0 : index
    %get3A_4 = vector.load %arg3[%get3A_2, %get3A_3] : memref<512x8xf32, #tpu.memory_space<vmem>>, vector<512x8xf32>
    %get3A_5 = arith.constant 0 : index
    %get3A_6 = arith.constant 0 : index
    %get3A_7 = arith.constant 0 : index
    %get3A_8 = vector.load %arg7[%get3A_5, %get3A_6, %get3A_7] : memref<1x8x64xf32, #tpu.memory_space<vmem>>, vector<1x8x64xf32>
    %get3A_9 = vector.shape_cast %get3A_8 : vector<1x8x64xf32> to vector<8x64xf32>
    %dot_general3A = arith.constant dense<0.000000e+00> : vector<512x64xf32>
    %dot_general3A_10 = tpu.matmul %get3A_4, %get3A_9, %dot_general3A {dimension_numbers = #tpu.dot_dimension_numbers<[1], [0], [0], [1], [0, 0, 1, 1], [], []>, transpose_lhs_hint = false} : vector<512x8xf32>, vector<8x64xf32>, vector<512x64xf32> -> vector<512x64xf32>
    %get3A_11 = arith.constant 0 : index
    %get3A_12 = arith.constant 0 : index
    %get3A_13 = arith.constant 0 : index
    %get3A_14 = vector.load %arg4[%get3A_11, %get3A_12, %get3A_13] : memref<1x128x64xf32, #tpu.memory_space<vmem>>, vector<1x128x64xf32>
    %get3A_15 = vector.shape_cast %get3A_14 : vector<1x128x64xf32> to vector<128x64xf32>
    %dot_general3A_16 = arith.constant dense<0.000000e+00> : vector<512x64xf32>
    %dot_general3A_17 = tpu.matmul %get3A_1, %get3A_15, %dot_general3A_16 {dimension_numbers = #tpu.dot_dimension_numbers<[1], [0], [0], [1], [0, 0, 1, 1], [], []>, transpose_lhs_hint = false} : vector<512x128xf32>, vector<128x64xf32>, vector<512x64xf32> -> vector<512x64xf32>
    %neg3A = arith.constant 0.000000e+00 : f32
    %neg3A_18 = vector.broadcast %neg3A : f32 to vector<512x64xf32>
    %neg3A_19 = arith.subf %neg3A_18, %dot_general3A_17 : vector<512x64xf32>
    %sub3A = arith.subf %neg3A_19, %dot_general3A_10 : vector<512x64xf32>
    %get3A_20 = arith.constant 0 : index
    %get3A_21 = arith.constant 0 : index
    %get3A_22 = arith.constant 0 : index
    %get3A_23 = vector.load %arg9[%get3A_20, %get3A_21, %get3A_22] : memref<1x1x64xf32, #tpu.memory_space<vmem>>, vector<1x1x64xf32>
    %get3A_24 = vector.shape_cast %get3A_23 : vector<1x1x64xf32> to vector<1x64xf32>
    %sub3A_25 = vector.broadcast %get3A_24 : vector<1x64xf32> to vector<512x64xf32>
    %sub3A_26 = arith.subf %sub3A, %sub3A_25 : vector<512x64xf32>
    %get3A_27 = arith.constant 0 : index
    %get3A_28 = arith.constant 0 : index
    %get3A_29 = arith.constant 0 : index
    %get3A_30 = vector.load %arg5[%get3A_27, %get3A_28, %get3A_29] : memref<1x128x64xf32, #tpu.memory_space<vmem>>, vector<1x128x64xf32>
    %get3A_31 = vector.shape_cast %get3A_30 : vector<1x128x64xf32> to vector<128x64xf32>
    %dot_general3A_32 = arith.constant dense<0.000000e+00> : vector<512x64xf32>
    %dot_general3A_33 = tpu.matmul %get3A_1, %get3A_31, %dot_general3A_32 {dimension_numbers = #tpu.dot_dimension_numbers<[1], [0], [0], [1], [0, 0, 1, 1], [], []>, transpose_lhs_hint = false} : vector<512x128xf32>, vector<128x64xf32>, vector<512x64xf32> -> vector<512x64xf32>
    %get3A_34 = arith.constant 0 : index
    %get3A_35 = arith.constant 0 : index
    %get3A_36 = arith.constant 0 : index
    %get3A_37 = vector.load %arg6[%get3A_34, %get3A_35, %get3A_36] : memref<1x1x64xf32, #tpu.memory_space<vmem>>, vector<1x1x64xf32>
    %get3A_38 = vector.shape_cast %get3A_37 : vector<1x1x64xf32> to vector<1x64xf32>
    %add3A = vector.broadcast %get3A_38 : vector<1x64xf32> to vector<512x64xf32>
    %add3A_39 = arith.addf %dot_general3A_33, %add3A : vector<512x64xf32>
    %sub3A_40 = arith.subf %add3A_39, %dot_general3A_10 : vector<512x64xf32>
    %get3A_41 = arith.constant 0 : index
    %get3A_42 = arith.constant 0 : index
    %get3A_43 = arith.constant 0 : index
    %get3A_44 = vector.load %arg8[%get3A_41, %get3A_42, %get3A_43] : memref<1x1x64xf32, #tpu.memory_space<vmem>>, vector<1x1x64xf32>
    %get3A_45 = vector.shape_cast %get3A_44 : vector<1x1x64xf32> to vector<1x64xf32>
    %add3A_46 = vector.broadcast %get3A_45 : vector<1x64xf32> to vector<512x64xf32>
    %add3A_47 = arith.addf %dot_general3A_10, %add3A_46 : vector<512x64xf32>
    %concatenate3A = tpu.concatenate %sub3A_26, %sub3A_40 in 1 : vector<512x64xf32>, vector<512x64xf32> -> vector<512x128xf32>
    %swap3A = arith.constant 0 : index
    %swap3A_48 = arith.constant 0 : index
    %swap3A_49 = arith.constant 0 : index
    %swap3A_50 = vector.load %arg10[%swap3A, %swap3A_48, %swap3A_49] : memref<1x512x128xf32, #tpu.memory_space<vmem>>, vector<1x512x128xf32>
    %swap3A_51 = vector.shape_cast %swap3A_50 : vector<1x512x128xf32> to vector<512x128xf32>
    %swap3A_52 = vector.shape_cast %concatenate3A : vector<512x128xf32> to vector<1x512x128xf32>
    tpu.vector_store %arg10[%swap3A, %swap3A_48, %swap3A_49], %swap3A_52 {strides = array<i32>} : memref<1x512x128xf32, #tpu.memory_space<vmem>>, vector<1x512x128xf32>,
    %concatenate3A_53 = tpu.concatenate %add3A_47, %add3A_47 in 1 : vector<512x64xf32>, vector<512x64xf32> -> vector<512x128xf32>
    %swap3A_54 = arith.constant 0 : index
    %swap3A_55 = arith.constant 0 : index
    %swap3A_56 = arith.constant 0 : index
    %swap3A_57 = vector.load %arg11[%swap3A_54, %swap3A_55, %swap3A_56] : memref<1x512x128xf32, #tpu.memory_space<vmem>>, vector<1x512x128xf32>
    %swap3A_58 = vector.shape_cast %swap3A_57 : vector<1x512x128xf32> to vector<512x128xf32>
    %swap3A_59 = vector.shape_cast %concatenate3A_53 : vector<512x128xf32> to vector<1x512x128xf32>
    tpu.vector_store %arg11[%swap3A_54, %swap3A_55, %swap3A_56], %swap3A_59 {strides = array<i32>} : memref<1x512x128xf32, #tpu.memory_space<vmem>>, vector<1x512x128xf32>,
    return
  }
  func.func @transform_0(%arg0: i32, %arg1: i32) -> (i32, i32) {
    %c0_i32 = arith.constant 0 : i32
    %c0_i32_0 = arith.constant 0 : i32
    return %arg1, %c0_i32 : i32, i32
  }
  func.func @transform_1(%arg0: i32, %arg1: i32) -> (i32, i32) {
    %c0_i32 = arith.constant 0 : i32
    %c0_i32_0 = arith.constant 0 : i32
    return %arg1, %c0_i32 : i32, i32
  }
  func.func @transform_2(%arg0: i32, %arg1: i32) -> (i32, i32, i32) {
    %c0_i32 = arith.constant 0 : i32
    %c0_i32_0 = arith.constant 0 : i32
    %c0_i32_1 = arith.constant 0 : i32
    return %arg0, %c0_i32, %c0_i32_0 : i32, i32, i32
  }
  func.func @transform_3(%arg0: i32, %arg1: i32) -> (i32, i32, i32) {
    %c0_i32 = arith.constant 0 : i32
    %c0_i32_0 = arith.constant 0 : i32
    %c0_i32_1 = arith.constant 0 : i32
    return %arg0, %c0_i32, %c0_i32_0 : i32, i32, i32
  }
  func.func @transform_4(%arg0: i32, %arg1: i32) -> (i32, i32, i32) {
    %c0_i32 = arith.constant 0 : i32
    %c0_i32_0 = arith.constant 0 : i32
    %c0_i32_1 = arith.constant 0 : i32
    return %arg0, %c0_i32, %c0_i32_0 : i32, i32, i32
  }
  func.func @transform_5(%arg0: i32, %arg1: i32) -> (i32, i32, i32) {
    %c0_i32 = arith.constant 0 : i32
    %c0_i32_0 = arith.constant 0 : i32
    %c0_i32_1 = arith.constant 0 : i32
    return %arg0, %c0_i32, %c0_i32_0 : i32, i32, i32
  }
  func.func @transform_6(%arg0: i32, %arg1: i32) -> (i32, i32, i32) {
    %c0_i32 = arith.constant 0 : i32
    %c0_i32_0 = arith.constant 0 : i32
    %c0_i32_1 = arith.constant 0 : i32
    return %arg0, %c0_i32, %c0_i32_0 : i32, i32, i32
  }
  func.func @transform_7(%arg0: i32, %arg1: i32) -> (i32, i32, i32) {
    %c0_i32 = arith.constant 0 : i32
    %c0_i32_0 = arith.constant 0 : i32
    %c0_i32_1 = arith.constant 0 : i32
    return %arg0, %c0_i32, %c0_i32_0 : i32, i32, i32
  }
  func.func @transform_8(%arg0: i32, %arg1: i32) -> (i32, i32, i32) {
    %c0_i32 = arith.constant 0 : i32
    %c0_i32_0 = arith.constant 0 : i32
    return %arg0, %arg1, %c0_i32 : i32, i32, i32
  }
  func.func @transform_9(%arg0: i32, %arg1: i32) -> (i32, i32, i32) {
    %c0_i32 = arith.constant 0 : i32
    %c0_i32_0 = arith.constant 0 : i32
    return %arg0, %arg1, %c0_i32 : i32, i32, i32
  }
}

module attributes {stable_mosaic.version = 14 : i64} {
  func.func @_conv_post_body(%arg0: i32, %arg1: memref<4x512x128xf32, #tpu.memory_space<vmem>>, %arg2: memref<256x256xf32, #tpu.memory_space<vmem>>, %arg3: memref<1x256xf32, #tpu.memory_space<vmem>>, %arg4: memref<256x256xf32, #tpu.memory_space<vmem>>, %arg5: memref<1x256xf32, #tpu.memory_space<vmem>>, %arg6: memref<512x256xf32, #tpu.memory_space<vmem>>) attributes {dimension_semantics = [#tpu.dimension_semantics<arbitrary>], iteration_bounds = array<i64: 20>, scalar_prefetch = 0 : i64, scratch_operands = 0 : i64, tpu.core_type = #tpu.core_type<tc>, window_params = [{transform_indices = @transform_0, window_bounds = array<i64: 4, 512, 128>}, {pipeline_mode = #tpu.pipeline_mode<synchronous>, transform_indices = @transform_1, window_bounds = array<i64: 256, 256>}, {pipeline_mode = #tpu.pipeline_mode<synchronous>, transform_indices = @transform_2, window_bounds = array<i64: 1, 256>}, {pipeline_mode = #tpu.pipeline_mode<synchronous>, transform_indices = @transform_3, window_bounds = array<i64: 256, 256>}, {pipeline_mode = #tpu.pipeline_mode<synchronous>, transform_indices = @transform_4, window_bounds = array<i64: 1, 256>}, {transform_indices = @transform_5, window_bounds = array<i64: 512, 256>}]} {
    %get3A = arith.constant 0 : index
    %get3A_0 = arith.constant 0 : index
    %get3A_1 = arith.constant 0 : index
    %get3A_2 = vector.load %arg1[%get3A, %get3A_0, %get3A_1] : memref<4x512x128xf32, #tpu.memory_space<vmem>>, vector<4x512x128xf32>
    %slice3A = vector.extract_strided_slice %get3A_2 {offsets = [0, 0, 0], sizes = [1, 512, 64], strides = [1, 1, 1]} : vector<4x512x128xf32> to vector<1x512x64xf32>
    %squeeze3A = vector.shape_cast %slice3A : vector<1x512x64xf32> to vector<512x64xf32>
    %slice3A_3 = vector.extract_strided_slice %get3A_2 {offsets = [0, 0, 64], sizes = [1, 512, 64], strides = [1, 1, 1]} : vector<4x512x128xf32> to vector<1x512x64xf32>
    %squeeze3A_4 = vector.shape_cast %slice3A_3 : vector<1x512x64xf32> to vector<512x64xf32>
    %add3A = arith.constant 1.000000e-16 : f32
    %add3A_5 = vector.broadcast %add3A : f32 to vector<512x64xf32>
    %add3A_6 = arith.addf %squeeze3A, %add3A_5 : vector<512x64xf32>
    %div3A = arith.divf %squeeze3A_4, %add3A_6 : vector<512x64xf32>
    %get3A_7 = arith.constant 0 : index
    %get3A_8 = arith.constant 0 : index
    %get3A_9 = vector.load %arg2[%get3A_7, %get3A_8] : memref<256x256xf32, #tpu.memory_space<vmem>>, vector<64x256xf32>
    %dot_general3A = arith.constant dense<0.000000e+00> : vector<512x256xf32>
    %dot_general3A_10 = tpu.matmul %div3A, %get3A_9, %dot_general3A {dimension_numbers = #tpu.dot_dimension_numbers<[1], [0], [0], [1], [0, 0, 1, 1], [], []>, transpose_lhs_hint = false} : vector<512x64xf32>, vector<64x256xf32>, vector<512x256xf32> -> vector<512x256xf32>
    %slice3A_11 = vector.extract_strided_slice %get3A_2 {offsets = [1, 0, 0], sizes = [1, 512, 64], strides = [1, 1, 1]} : vector<4x512x128xf32> to vector<1x512x64xf32>
    %squeeze3A_12 = vector.shape_cast %slice3A_11 : vector<1x512x64xf32> to vector<512x64xf32>
    %slice3A_13 = vector.extract_strided_slice %get3A_2 {offsets = [1, 0, 64], sizes = [1, 512, 64], strides = [1, 1, 1]} : vector<4x512x128xf32> to vector<1x512x64xf32>
    %squeeze3A_14 = vector.shape_cast %slice3A_13 : vector<1x512x64xf32> to vector<512x64xf32>
    %add3A_15 = arith.constant 1.000000e-16 : f32
    %add3A_16 = vector.broadcast %add3A_15 : f32 to vector<512x64xf32>
    %add3A_17 = arith.addf %squeeze3A_12, %add3A_16 : vector<512x64xf32>
    %div3A_18 = arith.divf %squeeze3A_14, %add3A_17 : vector<512x64xf32>
    %get3A_19 = arith.constant 64 : index
    %get3A_20 = arith.constant 0 : index
    %get3A_21 = vector.load %arg2[%get3A_19, %get3A_20] : memref<256x256xf32, #tpu.memory_space<vmem>>, vector<64x256xf32>
    %dot_general3A_22 = arith.constant dense<0.000000e+00> : vector<512x256xf32>
    %dot_general3A_23 = tpu.matmul %div3A_18, %get3A_21, %dot_general3A_22 {dimension_numbers = #tpu.dot_dimension_numbers<[1], [0], [0], [1], [0, 0, 1, 1], [], []>, transpose_lhs_hint = false} : vector<512x64xf32>, vector<64x256xf32>, vector<512x256xf32> -> vector<512x256xf32>
    %add3A_24 = arith.addf %dot_general3A_10, %dot_general3A_23 : vector<512x256xf32>
    %slice3A_25 = vector.extract_strided_slice %get3A_2 {offsets = [2, 0, 0], sizes = [1, 512, 64], strides = [1, 1, 1]} : vector<4x512x128xf32> to vector<1x512x64xf32>
    %squeeze3A_26 = vector.shape_cast %slice3A_25 : vector<1x512x64xf32> to vector<512x64xf32>
    %slice3A_27 = vector.extract_strided_slice %get3A_2 {offsets = [2, 0, 64], sizes = [1, 512, 64], strides = [1, 1, 1]} : vector<4x512x128xf32> to vector<1x512x64xf32>
    %squeeze3A_28 = vector.shape_cast %slice3A_27 : vector<1x512x64xf32> to vector<512x64xf32>
    %add3A_29 = arith.constant 1.000000e-16 : f32
    %add3A_30 = vector.broadcast %add3A_29 : f32 to vector<512x64xf32>
    %add3A_31 = arith.addf %squeeze3A_26, %add3A_30 : vector<512x64xf32>
    %div3A_32 = arith.divf %squeeze3A_28, %add3A_31 : vector<512x64xf32>
    %get3A_33 = arith.constant 128 : index
    %get3A_34 = arith.constant 0 : index
    %get3A_35 = vector.load %arg2[%get3A_33, %get3A_34] : memref<256x256xf32, #tpu.memory_space<vmem>>, vector<64x256xf32>
    %dot_general3A_36 = arith.constant dense<0.000000e+00> : vector<512x256xf32>
    %dot_general3A_37 = tpu.matmul %div3A_32, %get3A_35, %dot_general3A_36 {dimension_numbers = #tpu.dot_dimension_numbers<[1], [0], [0], [1], [0, 0, 1, 1], [], []>, transpose_lhs_hint = false} : vector<512x64xf32>, vector<64x256xf32>, vector<512x256xf32> -> vector<512x256xf32>
    %add3A_38 = arith.addf %add3A_24, %dot_general3A_37 : vector<512x256xf32>
    %slice3A_39 = vector.extract_strided_slice %get3A_2 {offsets = [3, 0, 0], sizes = [1, 512, 64], strides = [1, 1, 1]} : vector<4x512x128xf32> to vector<1x512x64xf32>
    %squeeze3A_40 = vector.shape_cast %slice3A_39 : vector<1x512x64xf32> to vector<512x64xf32>
    %slice3A_41 = vector.extract_strided_slice %get3A_2 {offsets = [3, 0, 64], sizes = [1, 512, 64], strides = [1, 1, 1]} : vector<4x512x128xf32> to vector<1x512x64xf32>
    %squeeze3A_42 = vector.shape_cast %slice3A_41 : vector<1x512x64xf32> to vector<512x64xf32>
    %add3A_43 = arith.constant 1.000000e-16 : f32
    %add3A_44 = vector.broadcast %add3A_43 : f32 to vector<512x64xf32>
    %add3A_45 = arith.addf %squeeze3A_40, %add3A_44 : vector<512x64xf32>
    %div3A_46 = arith.divf %squeeze3A_42, %add3A_45 : vector<512x64xf32>
    %get3A_47 = arith.constant 192 : index
    %get3A_48 = arith.constant 0 : index
    %get3A_49 = vector.load %arg2[%get3A_47, %get3A_48] : memref<256x256xf32, #tpu.memory_space<vmem>>, vector<64x256xf32>
    %dot_general3A_50 = arith.constant dense<0.000000e+00> : vector<512x256xf32>
    %dot_general3A_51 = tpu.matmul %div3A_46, %get3A_49, %dot_general3A_50 {dimension_numbers = #tpu.dot_dimension_numbers<[1], [0], [0], [1], [0, 0, 1, 1], [], []>, transpose_lhs_hint = false} : vector<512x64xf32>, vector<64x256xf32>, vector<512x256xf32> -> vector<512x256xf32>
    %add3A_52 = arith.addf %add3A_38, %dot_general3A_51 : vector<512x256xf32>
    %get3A_53 = arith.constant 0 : index
    %get3A_54 = arith.constant 0 : index
    %get3A_55 = vector.load %arg3[%get3A_53, %get3A_54] : memref<1x256xf32, #tpu.memory_space<vmem>>, vector<1x256xf32>
    %add3A_56 = vector.broadcast %get3A_55 : vector<1x256xf32> to vector<512x256xf32>
    %add3A_57 = arith.addf %add3A_52, %add3A_56 : vector<512x256xf32>
    %max3A = arith.constant 0.000000e+00 : f32
    %max3A_58 = vector.broadcast %max3A : f32 to vector<512x256xf32>
    %max3A_59 = arith.maximumf %add3A_57, %max3A_58 : vector<512x256xf32>
    %get3A_60 = arith.constant 0 : index
    %get3A_61 = arith.constant 0 : index
    %get3A_62 = vector.load %arg4[%get3A_60, %get3A_61] : memref<256x256xf32, #tpu.memory_space<vmem>>, vector<256x256xf32>
    %dot_general3A_63 = arith.constant dense<0.000000e+00> : vector<512x256xf32>
    %dot_general3A_64 = tpu.matmul %max3A_59, %get3A_62, %dot_general3A_63 {dimension_numbers = #tpu.dot_dimension_numbers<[1], [0], [0], [1], [0, 0, 1, 1], [], []>, transpose_lhs_hint = false} : vector<512x256xf32>, vector<256x256xf32>, vector<512x256xf32> -> vector<512x256xf32>
    %get3A_65 = arith.constant 0 : index
    %get3A_66 = arith.constant 0 : index
    %get3A_67 = vector.load %arg5[%get3A_65, %get3A_66] : memref<1x256xf32, #tpu.memory_space<vmem>>, vector<1x256xf32>
    %add3A_68 = vector.broadcast %get3A_67 : vector<1x256xf32> to vector<512x256xf32>
    %add3A_69 = arith.addf %dot_general3A_64, %add3A_68 : vector<512x256xf32>
    %swap3A = arith.constant 0 : index
    %swap3A_70 = arith.constant 0 : index
    %swap3A_71 = vector.load %arg6[%swap3A, %swap3A_70] : memref<512x256xf32, #tpu.memory_space<vmem>>, vector<512x256xf32>
    tpu.vector_store %arg6[%swap3A, %swap3A_70], %add3A_69 {strides = array<i32>} : memref<512x256xf32, #tpu.memory_space<vmem>>, vector<512x256xf32>,
    return
  }
  func.func @transform_0(%arg0: i32) -> (i32, i32, i32) {
    %c0_i32 = arith.constant 0 : i32
    %c0_i32_0 = arith.constant 0 : i32
    %c0_i32_1 = arith.constant 0 : i32
    return %c0_i32, %arg0, %c0_i32_0 : i32, i32, i32
  }
  func.func @transform_1(%arg0: i32) -> (i32, i32) {
    %c0_i32 = arith.constant 0 : i32
    %c0_i32_0 = arith.constant 0 : i32
    %c0_i32_1 = arith.constant 0 : i32
    return %c0_i32, %c0_i32_0 : i32, i32
  }
  func.func @transform_2(%arg0: i32) -> (i32, i32) {
    %c0_i32 = arith.constant 0 : i32
    %c0_i32_0 = arith.constant 0 : i32
    %c0_i32_1 = arith.constant 0 : i32
    return %c0_i32, %c0_i32_0 : i32, i32
  }
  func.func @transform_3(%arg0: i32) -> (i32, i32) {
    %c0_i32 = arith.constant 0 : i32
    %c0_i32_0 = arith.constant 0 : i32
    %c0_i32_1 = arith.constant 0 : i32
    return %c0_i32, %c0_i32_0 : i32, i32
  }
  func.func @transform_4(%arg0: i32) -> (i32, i32) {
    %c0_i32 = arith.constant 0 : i32
    %c0_i32_0 = arith.constant 0 : i32
    %c0_i32_1 = arith.constant 0 : i32
    return %c0_i32, %c0_i32_0 : i32, i32
  }
  func.func @transform_5(%arg0: i32) -> (i32, i32) {
    %c0_i32 = arith.constant 0 : i32
    %c0_i32_0 = arith.constant 0 : i32
    return %arg0, %c0_i32 : i32, i32
  }
}

</mosaic_0001>

<sc_bundles>
// kernel: kernel.13.cloned.1.call-start
scs
__scs_entry_jumppad:
0x0: {  	(pc) =	sbr.rel $0x88, $3  }
0x1: {  	(tag) =	ssettag $0x0;
	lr =	simm.s32 $0x1  }
0x2: {  	[smem:$0x3F5C] =	sst lr;
	_ =	strace $0xD0000000  }
0x3: {  	_ = 	snop  }
0x4: {  	_ = 	snop  }
0x5: {  	_ = 	snop  }
0x6: {  	_ = 	snop  }
0x7: {  	_ = 	snop  }
__scs_overlays_trampoline_lowered:
0x8: {  	[smem:$0x3F6B] =	sst s0  }
0x9: {  	[smem:$0x3F6C] =	sst s1  }
0xa: {  	[smem:$0x3F6D] =	sst s2  }
0xb: {  	[smem:$0x3F6E] =	sst s3  }
0xc: {  	[smem:$0x3F6F] =	sst s4  }
0xd: {  	[smem:$0x3F70] =	sst s5  }
0xe: {  	[smem:$0x3F71] =	sst s6  }
0xf: {  	[smem:$0x3F72] =	sst s7  }
0x10: {  	[smem:$0x3F73] =	sst s8  }
0x11: {  	[smem:$0x3F74] =	sst s9;
	s0 =	simm.s32 @!p0 $0x0  }
0x12: {  	s1 =	sld [smem:$0x3F5A];
	s0 =	simm.s32 @p0 $0x1  }
0x13: {  	[smem:$0x3F75] =	sst s0;
	s0 =	simm.s32 @!p1 $0x0  }
0x14: {  	s2 =	sld [smem:$0x3F59];
	s0 =	simm.s32 @p1 $0x1  }
0x15: {  	[smem:$0x3F76] =	sst s0;
	s0 =	simm.s32 @!p2 $0x0  }
0x16: {  	s3 =	sld [smem:$0x3FDB];
	s0 =	simm.s32 @p2 $0x1  }
0x17: {  	s4 =	simm.s32 $0x1BF5;
	[smem:$0x3F78] =	sst s0  }
0x18: {  	s0 =	sld [smem:$0x3F5B];
	_ =	swait.ge [sflag:s4], $0x0  }
0x19: {  	s7 =	sld [smem:$0x3F5C]  }
0x1a: {  	s8 =	sadd.s32 $0xFFFFE003, lr  }
0x1b: {  	s9 =	sadd.s32 $0xFFFFFEF7, lr;
	s5 =	simm.s32 $0xFFFFFFFF;
	p2 =	slt.u32 s8, $0xFFFFF086  }
0x1c: {  	p1 =	slt.u32 s9, $0xF7A;
	s5 =	simm.s32 @!p2 $0x0  }
0x1d: {  	s5 =	simm.s32 @p1 $0x1;
	p0 =	seq.s32 s7, s2  }
0x1e: {  	s7 =	smul.u32 @!p0 $0xF7A, s2;
	p2 =	seq.s32 @!p0 s5, $0x0  }
0x1f: {  	s9 =	smul.u32 $0xF7A, s1;
	s8 =	simm.s32 @!p0 $0x1BF5;
	p2 =	por !p2, p0  }
0x20: {  	[sflag:s8] =	ssyncset.s32 @!p0 $0xFFFFF086;
	s6 =	sadd.s32 @!p0 s3, s7;
	s7 =	simm.s32 @!p0 $0x108  }
0x21: {  	s3 =	sadd.s32 s3, s9;
	s6 =	sadd.s32 @!p0 $0x88, s6;
	s7 =	simm.s32 @p2 $0x1082  }
0x22: {  	[simem:s7], [sflag:s8] =	dma.local @!p0 [hbm:s6], $0xF7A  }
0x23: {  	s9 =	sor.u32 $0xD0000000, s2;
	s6 =	simm.s32 $0x108;
	_ =	swait.ge @!p0 [sflag:s8], $0x0  }
0x24: {  	s3 =	sadd.s32 $0x88, s3;
	s6 =	simm.s32 @!p1 $0x1082;
	[sflag:s4] =	ssyncset.s32 $0xFFFFF086  }
0x25: {  	[simem:s6], [sflag:s4] =	dma.local [hbm:s3], $0xF7A  }
0x26: {  	[smem:$0x3F5C] =	sst s1;
	(tag) =	ssettag s2;
	_ =	strace s9  }
0x27: {  	s1 =	sld [smem:$0x3F6C]  }
0x28: {  	s2 =	sld [smem:$0x3F6D]  }
0x29: {  	s4 =	sld [smem:$0x3F6F]  }
0x2a: {  	p0 =	seq.s32 s5, $0x0;
	s5 =	sld [smem:$0x3F70]  }
0x2b: {  	s6 =	sld [smem:$0x3F71]  }
0x2c: {  	s7 =	sld [smem:$0x3F72]  }
0x2d: {  	s3 =	simm.s32 $0x108;
	s8 =	sld [smem:$0x3F73]  }
0x2e: {  	s3 =	simm.s32 @!p0 $0x1082;
	s9 =	sld [smem:$0x3F74]  }
0x2f: {  	lr =	sadd.s32 s0, s3;
	s0 =	sld [smem:$0x3F6B]  }
0x30: {  	s3 =	sld [smem:$0x3F6E]  }
0x31: {  	[smem:$0x3F77] =	sst s10  }
0x32: {  	s10 =	sld [smem:$0x3F75];
	_ =	sdelay $0x3  }
0x33: {  	p0 =	seq.s32 s10, $0x1;
	s10 =	sld [smem:$0x3F77];
	_ =	sdelay $0x3  }
0x34: {  	[smem:$0x3F77] =	sst s10  }
0x35: {  	s10 =	sld [smem:$0x3F76];
	_ =	sdelay $0x3  }
0x36: {  	p1 =	seq.s32 s10, $0x1;
	s10 =	sld [smem:$0x3F77];
	_ =	sdelay $0x3  }
0x37: {  	[smem:$0x3F77] =	sst s10  }
0x38: {  	s10 =	sld [smem:$0x3F78]  }
0x39: {  	_ = 	snop;
	(pc) =	sbr.ind lr, $3  }
0x3a: {  	_ = 	snop  }
0x3b: {  	_ = 	snop  }
0x3c: {  	p2 =	seq.s32 s10, $0x1;
	s10 =	sld [smem:$0x3F77]  }
0x3d: {  	_ =	shalt  }
0x3e: {  	_ =	shalt  }
0x3f: {  	_ =	shalt  }
0x40: {  	_ =	shalt  }
0x41: {  	_ =	shalt  }
0x42: {  	_ =	shalt  }
0x43: {  	_ =	shalt  }
0x44: {  	_ =	shalt  }
0x45: {  	_ =	shalt  }
0x46: {  	_ =	shalt  }
0x47: {  	_ =	shalt  }
0x48: {  	_ =	shalt  }
0x49: {  	_ =	shalt  }
0x4a: {  	_ =	shalt  }
0x4b: {  	_ =	shalt  }
0x4c: {  	_ =	shalt  }
0x4d: {  	_ =	shalt  }
0x4e: {  	_ =	shalt  }
0x4f: {  	_ =	shalt  }
0x50: {  	_ =	shalt  }
0x51: {  	_ =	shalt  }
0x52: {  	_ =	shalt  }
0x53: {  	_ =	shalt  }
0x54: {  	_ =	shalt  }
0x55: {  	_ =	shalt  }
0x56: {  	_ =	shalt  }
0x57: {  	_ =	shalt  }
0x58: {  	_ =	shalt  }
0x59: {  	_ =	shalt  }
0x5a: {  	_ =	shalt  }
0x5b: {  	_ =	shalt  }
0x5c: {  	_ =	shalt  }
0x5d: {  	_ =	shalt  }
0x5e: {  	_ =	shalt  }
0x5f: {  	_ =	shalt  }
0x60: {  	_ =	shalt  }
0x61: {  	_ =	shalt  }
0x62: {  	_ =	shalt  }
0x63: {  	_ =	shalt  }
0x64: {  	_ =	shalt  }
0x65: {  	_ =	shalt  }
0x66: {  	_ =	shalt  }
0x67: {  	_ =	shalt  }
0x68: {  	_ =	shalt  }
0x69: {  	_ =	shalt  }
0x6a: {  	_ =	shalt  }
0x6b: {  	_ =	shalt  }
0x6c: {  	_ =	shalt  }
0x6d: {  	_ =	shalt  }
0x6e: {  	_ =	shalt  }
0x6f: {  	_ =	shalt  }
0x70: {  	_ =	shalt  }
0x71: {  	_ =	shalt  }
0x72: {  	_ =	shalt  }
0x73: {  	_ =	shalt  }
0x74: {  	_ =	shalt  }
0x75: {  	_ =	shalt  }
0x76: {  	_ =	shalt  }
0x77: {  	_ =	shalt  }
0x78: {  	_ =	shalt  }
0x79: {  	_ =	shalt  }
0x7a: {  	_ =	shalt  }
0x7b: {  	_ =	shalt  }
0x7c: {  	_ =	shalt  }
0x7d: {  	_ =	shalt  }
0x7e: {  	_ =	shalt  }
0x7f: {  	_ =	shalt  }
0x80: {  	_ =	shalt  }
0x81: {  	_ =	shalt  }
0x82: {  	_ =	shalt  }
0x83: {  	_ =	shalt  }
0x84: {  	_ =	shalt  }
0x85: {  	_ =	shalt  }
0x86: {  	_ =	shalt  }
0x87: {  	_ =	shalt  }
.Lfunc_end0:
.L_simem_size_0:
called_computation_lowered:
.L_overlay_start_0:
0x88: {  	s2 =	sld [smem:$0x3FD9]  }
0x89: {  	s3 =	sld [smem:$0x3FFE];
	_ =	sdelay $0x1  }
0x8a: {  	s1 =	srdreg.scid  }
0x8b: {  	s0 =	sand.u32 $0x1, s1  }
0x8c: {  	s16 =	sshll.u32 s0, $0xA;
	s2 =	sadd.s32 s3, s2  }
0x8d: {  	s2 =	sadd.s32 s2, s16  }
0x8e: {  	[smem:$0x3F83] =	sst s2  }
0x8f: {  	_ = 	snop  }
0x90: {  	(tm) =	ssettm $0x1  }
0x91: {  	s17 =	sld [smem:$0x3FFB];
	_ =	sdelay $0x3  }
0x92: {  	_ =	strace s17  }
0x93: {  	s2 =	sld [smem:$0x3FFC];
	_ =	sdelay $0x3  }
0x94: {  	_ =	strace s2  }
0x95: {  	s2 =	sld [smem:$0x3FFD];
	_ =	sdelay $0x3  }
0x96: {  	_ =	strace s2  }
0x97: {  	_ =	strace $0x8FFFFFFF  }
0x98: {  	s18 =	sld [smem:$0x3FDB];
	_ =	sdelay $0x1  }
0x99: {  	s19 =	simm.s32 $_scs_section_size  }
0x9a: {  	s4 =	simm.s32 $_size__tile_overlayer_lowered;
	s5 =	simm.s32 $_tile_overlayer_lowered  }
0x9b: {  	s22 =	simm.s32 $0x1BFF;
	s21 =	sshll.u32 s5, $0x1;
	s2 =	sadd.s32 s19, s18  }
0x9c: {  	s6 =	simm.s32 $0x0;
	s20 =	sshll.u32 s4, $0x1;
	s4 =	sadd.s32 s21, s2  }
0x9d: {  	[timem:s6], [sflag:s22] =	dma.local [hbm:s4], s20  }
0x9e: {  	_ =	swait.ge [sflag:s22], s20  }
0x9f: {  	s3 =	ssub.s32 $0x0, s20;
	[sflag:s22] =	ssyncset.done $0x0  }
0xa0: {  	[sflag:s22] =	ssyncadd.s32 s3;
	_ =	sdelay $0x1  }
0xa1: {  	s23 =	simm.s32 $0x1B8B  }
0xa2: {  	_ =	swait.ge [sflag:s23], $0x1  }
0xa3: {  	[sflag:s23] =	ssyncset.done $0x0  }
0xa4: {  	s25 =	simm.s32 $0x1B8E;
	s24 =	sld [smem:$0x3FFE];
	[sflag:s23] =	ssyncadd.s32 $0xFFFFFFFF  }
0xa5: {  	s26 =	simm.s32 $execute0_lowered;
	[smem:$0x3FD2] =	sst s25  }
0xa6: {  	s4 =	sshll.u32 s26, $0x1;
	_ =	strace $0x80000046;
	[dreg:$0x1] =	wrdreg $0xFFFFFFFF  }
0xa7: {  	s28 =	simm.s32 $_size_execute0_lowered;
	s2 =	sadd.s32 s2, s4;
	[dreg:$0x0] =	wrdreg $0x0  }
0xa8: {  	s4 =	sshll.u32 s28, $0x1;
	[dreg:$0x2] =	wrdreg s2  }
0xa9: {  	[dreg:$0x3] =	wrdreg s4  }
0xaa: {  	[dreg:$0x4] =	wrdreg $0xC0  }
0xab: {  	_ =	task [dreg:s6], $0x5FFFF  }
0xac: {  	[dreg:$0x1] =	wrdreg $0xFFFFFFFF  }
0xad: {  	[dreg:$0x0] =	wrdreg $0x60  }
0xae: {  	[dreg:$0x2] =	wrdreg s24  }
0xaf: {  	[dreg:$0x3] =	wrdreg $0xA3000  }
0xb0: {  	[dreg:$0x4] =	wrdreg $0x9  }
0xb1: {  	_ =	task.clear_ibuf [dreg:s6], $0x5FFFF;
	_ =	strace $0x90000046  }
0xb2: {  	s29 =	simm.s32 $0x9;
	_ =	strace $0x80000048  }
0xb3: {  	_ =	swait.ge [sflag:s29], $0x1  }
0xb4: {  	[sflag:s29] =	ssyncadd.s32 $0xFFFFFFFF  }
0xb5: {  	_ =	strace $0x90000048  }
0xb6: {  	_ =	sfence  }
0xb7: {  	s30 =	sld [smem:$0x0];
	_ =	sdelay $0x2  }
0xb8: {  	s31 =	sshll.u32 s1, $0xD;
	s1 =	sshrl.u32 s1, $0x2  }
0xb9: {  	s3 =	sand.u32 $0x4000, s31;
	s1 =	sadd.s32 s1, s30  }
0xba: {  	s0 =	sor.u32 s3, s0;
	s1 =	sshll.u32 s1, $0x11  }
0xbb: {  	s0 =	sor.u32 s1, s0  }
0xbc: {  	s0 =	sadd.s32 $0x8F2B, s0  }
0xbd: {  	[sflag:s0] =	ssyncadd.remote.s32 $0x1  }
0xbe: {  	_ =	sfence.sel $0xFFFF  }
0xbf: {  	[dreg:$0x0] =	wrdreg $0xFFFFFFFF;
	(pc) =	sbr.abs _section_cstart, $3  }
0xc0: {  	[dreg:$0x1] =	wrdreg $0xFFFFFFFF  }
0xc1: {  	_ =	task.clear_ibuf [dreg:s6], $0x2FFFF;
	_ =	strace $0x9FFFFFFF  }
0xc2: {  	(tm) =	ssettm $0x7FFFFFFF  }
0xc3: {  	_ =	shalt  }
tec
execute0_lowered:
.L_overlay_start_1:
0x0: {  	(tag) =	ssettag $0x1  }
0x1: {  	s0 =	rddreg [dreg:$0x0]  }
0x2: {  	s2 =	rddreg [dreg:$0x1]  }
0x3: {  	s1 =	srdreg.scid;
	s13 =	stileid.u32;
	s3 =	simm.s32 $0x0  }
0x4: {  	s28 =	simm.s32 $0x40;
	s29 =	simm.s32 $0x280;
	s30 =	simm.s32 $0x2300  }
0x5: {  	s31 =	simm.s32 $0x180;
	s1 =	sand.u32 $0x1, s1;
	s8 =	smul.u32 $0x280, s13  }
0x6: {  	[smem:$0x7FF] =	sst s3;
	s4 =	sadd.s32 $0xA000, s0;
	s10 =	smul.u32 $0x50000, s13  }
0x7: {  	s5 =	sadd.s32 $0xF400, s0;
	s6 =	sadd.s32 $0x64800, s0;
	s9 =	smul.u32 $0x2800, s1  }
0x8: {  	s7 =	sadd.s32 $0x14800, s0;
	s16 =	smul.u32 $0x2A00, s13;
	_ =	strace $0x80000047  }
0x9: {  	s1 =	ssub.s32 $0x2, s1;
	s10 =	sshrl.u32 s10, $0x2;
	s8 =	sadd.s32 s8, s9  }
0xa: {  	s12 =	sshrl.u32 s1, $0x1;
	s11 =	sshll.u32 s8, $0x4;
	s8 =	sadd.s32 s10, s2  }
0xb: {  	s26 =	sshrl.u32 s16, $0x3;
	s20 =	sor.u32 $0x40, s16;
	s10 =	sadd.s32 $0x2000, s8  }
0xc: {  	s1 =	ssub.s32 s1, s12;
	s14 =	sadd.s32 $0x4000, s8;
	[dreg:$0x3] =	wrdreg s10  }
0xd: {  	s18 =	sadd.s32 s4, s26;
	s15 =	sadd.s32 $0x6000, s8;
	[dreg:$0x4] =	wrdreg s14  }
0xe: {  	s19 =	sadd.s32 s5, s26;
	s21 =	sadd.s32 $0x8000, s8;
	[dreg:$0x5] =	wrdreg s15  }
0xf: {  	s26 =	simm.s32 $0x200;
	s22 =	sadd.s32 $0xA000, s8;
	[dreg:$0x6] =	wrdreg s21  }
0x10: {  	v0 =	vmov s9;
	s9 =	simm.s32 $0x1;
	s23 =	sadd.s32 $0xC000, s8;
	[dreg:$0x7] =	wrdreg s22  }
0x11: {  	s0 =	sadd.s32 s11, s0;
	s24 =	sadd.s32 $0xE000, s8;
	[dreg:$0x8] =	wrdreg s23  }
0x12: {  	s25 =	sadd.s32 $0x10000, s8;
	s17 =	sadd.s32 $0x12000, s8;
	[dreg:$0x9] =	wrdreg s24  }
0x13: {  	[dreg:$0xa] =	wrdreg s25;
	s21 =	sor.u32 $0x80, s16;
	s22 =	sadd.s32 $0xB4800, s0  }
0x14: {  	s23 =	smax.u32 s1, $0x1;
	s24 =	simm.s32 $0x8300;
	s25 =	simm.s32 $0x3  }
0x15: {  	v1 =	vimm.f32 $0.0e+00;
	s0 =	simm.s32 $0x80;
	s1 =	simm.s32 $0x6300;
	s10 =	simm.s32 $0x2  }
.LBB2_1:
0x16: {  	s11 =	simm.s32 $0x0;
	s12 =	simm.s32 $0x200  }
.LBB2_2:
0x17: {  	p0 =	sne.s32 s12, $0x7E00;
	[tilespmem:s11+$0x8370] =	vst v1  }
0x18: {  	[tilespmem:s11+$0x8300] =	vst v1  }
0x19: {  	[tilespmem:s11+$0x8310] =	vst v1  }
.Ltmp0:
0x1a: {  	[tilespmem:s11+$0x8320] =	vst v1;
	(pc) =	sbr.rel @p0 .LBB2_2-.Ltmp0, $4  }
0x1b: {  	[tilespmem:s11+$0x8330] =	vst v1  }
0x1c: {  	[tilespmem:s11+$0x8340] =	vst v1  }
0x1d: {  	[tilespmem:s11+$0x8350] =	vst v1  }
0x1e: {  	[tilespmem:s11+$0x8360] =	vst v1;
	s11 =	sshra.s32 s12, $0x2;
	s12 =	sadd.s32 $0x200, s12  }
0x1f: {  	[tilespmem:s11+$0x8370] =	vst v1  }
0x20: {  	[tilespmem:s11+$0x8300] =	vst v1  }
0x21: {  	[tilespmem:s11+$0x8310] =	vst v1  }
0x22: {  	[tilespmem:s11+$0x8320] =	vst v1  }
0x23: {  	[tilespmem:s11+$0x8330] =	vst v1  }
0x24: {  	[tilespmem:s11+$0x8340] =	vst v1  }
0x25: {  	[tilespmem:s11+$0x8350] =	vst v1  }
0x26: {  	[tilespmem:s11+$0x8360] =	vst v1  }
0x27: {  	[spmem:s8] =	stream.linear.scatter [tilespmem:s24], [sflag:$0x3], $0x2000, $0x38;
	[tilespmem:$0x1E300] =	vst v63  }
0x28: {  	_ =	swait.ge [sflag:s25], $0x2000  }
0x29: {  	[sflag:s25] =	ssyncset.done $0x0  }
0x2a: {  	s13 =	rddreg [dreg:$0x3];
	[sflag:s25] =	ssyncadd.s32 $0xFFFFE000  }
0x2b: {  	[spmem:s13] =	stream.linear.scatter [tilespmem:s24], [sflag:$0x3], $0x2000, $0x38;
	[tilespmem:$0x1E300] =	vst v63  }
0x2c: {  	_ =	swait.ge [sflag:s25], $0x2000  }
0x2d: {  	[sflag:s25] =	ssyncset.done $0x0  }
0x2e: {  	s14 =	rddreg [dreg:$0x4];
	[sflag:s25] =	ssyncadd.s32 $0xFFFFE000  }
0x2f: {  	[spmem:s14] =	stream.linear.scatter [tilespmem:s24], [sflag:$0x3], $0x2000, $0x38;
	[tilespmem:$0x1E300] =	vst v63  }
0x30: {  	_ =	swait.ge [sflag:s25], $0x2000  }
0x31: {  	[sflag:s25] =	ssyncset.done $0x0  }
0x32: {  	s15 =	rddreg [dreg:$0x5];
	[sflag:s25] =	ssyncadd.s32 $0xFFFFE000  }
0x33: {  	[spmem:s15] =	stream.linear.scatter [tilespmem:s24], [sflag:$0x3], $0x2000, $0x38;
	[tilespmem:$0x1E300] =	vst v63  }
0x34: {  	_ =	swait.ge [sflag:s25], $0x2000  }
0x35: {  	[sflag:s25] =	ssyncset.done $0x0  }
0x36: {  	s16 =	rddreg [dreg:$0x6];
	[sflag:s25] =	ssyncadd.s32 $0xFFFFE000  }
0x37: {  	[spmem:s16] =	stream.linear.scatter [tilespmem:s24], [sflag:$0x3], $0x2000, $0x38;
	[tilespmem:$0x1E300] =	vst v63  }
0x38: {  	_ =	swait.ge [sflag:s25], $0x2000  }
0x39: {  	[sflag:s25] =	ssyncset.done $0x0  }
0x3a: {  	s12 =	rddreg [dreg:$0x7];
	[sflag:s25] =	ssyncadd.s32 $0xFFFFE000  }
0x3b: {  	[spmem:s12] =	stream.linear.scatter [tilespmem:s24], [sflag:$0x3], $0x2000, $0x38;
	[tilespmem:$0x1E300] =	vst v63  }
0x3c: {  	_ =	swait.ge [sflag:s25], $0x2000  }
0x3d: {  	[sflag:s25] =	ssyncset.done $0x0  }
0x3e: {  	s13 =	rddreg [dreg:$0x8];
	[sflag:s25] =	ssyncadd.s32 $0xFFFFE000  }
0x3f: {  	[spmem:s13] =	stream.linear.scatter [tilespmem:s24], [sflag:$0x3], $0x2000, $0x38;
	[tilespmem:$0x1E300] =	vst v63  }
0x40: {  	_ =	swait.ge [sflag:s25], $0x2000  }
0x41: {  	[sflag:s25] =	ssyncset.done $0x0  }
0x42: {  	s14 =	rddreg [dreg:$0x9];
	[sflag:s25] =	ssyncadd.s32 $0xFFFFE000  }
0x43: {  	[spmem:s14] =	stream.linear.scatter [tilespmem:s24], [sflag:$0x3], $0x2000, $0x38;
	[tilespmem:$0x1E300] =	vst v63  }
0x44: {  	_ =	swait.ge [sflag:s25], $0x2000  }
0x45: {  	[sflag:s25] =	ssyncset.done $0x0  }
0x46: {  	s15 =	rddreg [dreg:$0xa];
	[sflag:s25] =	ssyncadd.s32 $0xFFFFE000  }
0x47: {  	[spmem:s15] =	stream.linear.scatter [tilespmem:s24], [sflag:$0x3], $0x2000, $0x38;
	[tilespmem:$0x1E300] =	vst v63  }
0x48: {  	_ =	swait.ge [sflag:s25], $0x2000  }
0x49: {  	[sflag:s25] =	ssyncset.done $0x0  }
0x4a: {  	[sflag:s25] =	ssyncadd.s32 $0xFFFFE000  }
0x4b: {  	[spmem:s17] =	stream.linear.scatter [tilespmem:s24], [sflag:$0x3], $0x2000, $0x38;
	[tilespmem:$0x1E300] =	vst v63  }
0x4c: {  	_ =	swait.ge [sflag:s25], $0x2000  }
0x4d: {  	[sflag:s25] =	ssyncset.done $0x0  }
0x4e: {  	[sflag:s25] =	ssyncadd.s32 $0xFFFFE000  }
0x4f: {  	s11 =	simm.s32 $0x0;
	[bflag:$0x0] =	sbarrier.arrive $0xFFFF  }
0x50: {  	[tilespmem:s11], [sflag:$0x3] =	stream.linear.gather [hbm4b:s18+s11], $0x40, $0x38;
	[tilespmem:$0x1E300] =	vst v63  }
0x51: {  	_ =	swait.ge [sflag:s25], $0x40  }
0x52: {  	[sflag:s25] =	ssyncset.done $0x0  }
0x53: {  	[sflag:s25] =	ssyncadd.s32 $0xFFFFFFC0  }
0x54: {  	[tilespmem:s26], [sflag:$0x3] =	stream.linear.gather [hbm4b:s19+s11], $0x40, $0x38;
	[tilespmem:$0x1E300] =	vst v63  }
0x55: {  	_ =	swait.ge [sflag:s25], $0x40  }
0x56: {  	[sflag:s25] =	ssyncset.done $0x0  }
0x57: {  	[sflag:s25] =	ssyncadd.s32 $0xFFFFFFC0  }
0x58: {  	v2 =	vld [tilespmem:$0x0]  }
0x59: {  	v3 =	vld [tilespmem:$0x200]  }
0x5a: {  	v4 =	vld [tilespmem:$0x10]  }
0x5b: {  	v5 =	vld [tilespmem:$0x210]  }
0x5c: {  	v6 =	vld [tilespmem:$0x20]  }
0x5d: {  	v7 =	vld [tilespmem:$0x220];
	v2 =	vadd.s32 v0, v2  }
0x5e: {  	[tilespmem:$0x0] =	vst v2;
	v2 =	vadd.s32 v0, v3;
	v3 =	vld [tilespmem:$0x30]  }
0x5f: {  	v63 =	vld [tilespmem:$0x230];
	[tilespmem:$0x100] =	vst v2;
	v2 =	vadd.s32 v0, v4  }
0x60: {  	[tilespmem:$0x10] =	vst v2;
	v2 =	vadd.s32 v0, v5  }
0x61: {  	[tilespmem:$0x110] =	vst v2;
	v2 =	vadd.s32 v0, v6  }
0x62: {  	[tilespmem:$0x20] =	vst v2;
	v2 =	vadd.s32 v0, v7  }
0x63: {  	[tilespmem:$0x120] =	vst v2;
	v2 =	vadd.s32 v0, v3  }
0x64: {  	[tilespmem:$0x30] =	vst v2;
	v2 =	vadd.s32 v0, v63  }
0x65: {  	s12 =	simm.s32 $0x300;
	[tilespmem:$0x130] =	vst v2  }
0x66: {  	[tilespmem:s12], [sflag:$0x1] =	stream.indirect.gather [hbm4b:s6+s28], $0x80, s11, s28, $0xb8;
	[tilespmem:$0x1E300] =	vst v63  }
0x67: {  	s16 =	simm.s32 $0x100;
	s13 =	simm.s32 $0x4300;
	s12 =	simm.s32 $0x0  }
0x68: {  	[tilespmem:s13], [sflag:$0x1] =	stream.indirect.gather [hbm4b:s7+s28], $0x80, s16, s28, $0xb8;
	[tilespmem:$0x1E300] =	vst v63  }
.LBB2_4:
0x69: {  	s13 =	sshll.u32 s12, $0x7  }
0x6a: {  	s14 =	sadd.s32 s13, s20  }
0x6b: {  	s14 =	sshrl.u32 s14, $0x3  }
0x6c: {  	s15 =	sadd.s32 s4, s14  }
0x6d: {  	[tilespmem:s0], [sflag:$0x3] =	stream.linear.gather [hbm4b:s15+s11], $0x40, $0x38;
	[tilespmem:$0x1E300] =	vst v63  }
0x6e: {  	_ =	swait.ge [sflag:s25], $0x40  }
0x6f: {  	[sflag:s25] =	ssyncset.done $0x0  }
0x70: {  	s14 =	sadd.s32 s5, s14;
	[sflag:s25] =	ssyncadd.s32 $0xFFFFFFC0  }
0x71: {  	[tilespmem:s29], [sflag:$0x3] =	stream.linear.gather [hbm4b:s14+s11], $0x40, $0x38;
	[tilespmem:$0x1E300] =	vst v63  }
0x72: {  	_ =	swait.ge [sflag:s25], $0x40  }
0x73: {  	[sflag:s25] =	ssyncset.done $0x0  }
0x74: {  	[sflag:s25] =	ssyncadd.s32 $0xFFFFFFC0  }
0x75: {  	v2 =	vld [tilespmem:$0x80]  }
0x76: {  	v3 =	vld [tilespmem:$0x280]  }
0x77: {  	v4 =	vld [tilespmem:$0x90]  }
0x78: {  	v5 =	vld [tilespmem:$0x290]  }
0x79: {  	v6 =	vld [tilespmem:$0xA0]  }
0x7a: {  	v7 =	vld [tilespmem:$0x2A0];
	v2 =	vadd.s32 v0, v2  }
0x7b: {  	[tilespmem:$0x80] =	vst v2;
	v2 =	vadd.s32 v0, v3;
	v3 =	vld [tilespmem:$0xB0]  }
0x7c: {  	[tilespmem:$0x180] =	vst v2;
	v2 =	vadd.s32 v0, v4;
	v4 =	vld [tilespmem:$0x2B0]  }
0x7d: {  	[tilespmem:$0x90] =	vst v2;
	v2 =	vadd.s32 v0, v5  }
0x7e: {  	[tilespmem:$0x190] =	vst v2;
	v2 =	vadd.s32 v0, v6  }
0x7f: {  	[tilespmem:$0xA0] =	vst v2;
	v2 =	vadd.s32 v0, v7  }
0x80: {  	[tilespmem:$0x1A0] =	vst v2;
	v2 =	vadd.s32 v0, v3  }
0x81: {  	[tilespmem:$0xB0] =	vst v2;
	v2 =	vadd.s32 v0, v4  }
0x82: {  	[tilespmem:$0x1B0] =	vst v2  }
0x83: {  	[tilespmem:s30], [sflag:$0x2] =	stream.indirect.gather [hbm4b:s6+s28], $0x80, s0, s28, $0xb8;
	[tilespmem:$0x1E300] =	vst v63  }
0x84: {  	_ = 	snop  }
0x85: {  	[tilespmem:s1], [sflag:$0x2] =	stream.indirect.gather [hbm4b:s7+s28], $0x80, s31, s28, $0xb8;
	[tilespmem:$0x1E300] =	vst v63  }
0x86: {  	_ =	swait.ge [sflag:s9], $0x2000  }
0x87: {  	[sflag:s9] =	ssyncset.done $0x0  }
0x88: {  	[sflag:s9] =	ssyncadd.s32 $0xFFFFE000  }
0x89: {  	_ =	swait.ge [sflag:s9], $0x2000  }
0x8a: {  	[sflag:s9] =	ssyncset.done $0x0  }
0x8b: {  	s14 =	simm.s32 $0x0;
	[sflag:s9] =	ssyncadd.s32 $0xFFFFE000  }
0x8c: {  	v2 =	vld [tilespmem:s14+$0x330]  }
0x8d: {  	v3 =	vld [tilespmem:s14+$0x4330]  }
0x8e: {  	v4 =	vld [tilespmem:s14+$0x300]  }
0x8f: {  	v5 =	vld [tilespmem:s14+$0x4300]  }
0x90: {  	v6 =	vld [tilespmem:s14+$0x310]  }
0x91: {  	v7 =	vld [tilespmem:s14+$0x4310]  }
0x92: {  	v8 =	vld [tilespmem:s14+$0x320];
	v2 =	vadd.f32 v3, v2  }
0x93: {  	v9 =	vld [tilespmem:s14+$0x4320]  }
0x94: {  	v10 =	vld [tilespmem:s14+$0x340];
	v3 =	vadd.f32 v5, v4;
	v2 =	vmul.f32 $1.442695020e+00, v2  }
0x95: {  	v11 =	vld [tilespmem:s14+$0x4340]  }
0x96: {  	v12 =	vld [tilespmem:s14+$0x4350];
	v5 =	vadd.f32 v7, v6;
	v3 =	vmul.f32 $1.442695020e+00, v3;
	(erf) = vpow2.f32 v2  }
0x97: {  	v4 =	vld [tilespmem:s14+$0x350]  }
0x98: {  	v6 =	vadd.f32 v9, v8;
	v7 =	vld [tilespmem:s14+$0x370];
	v5 =	vmul.f32 $1.442695020e+00, v5;
	(erf) = vpow2.f32 v3  }
0x99: {  	v8 =	vld [tilespmem:s14+$0x4370]  }
0x9a: {  	v9 =	vmul.f32 $1.442695020e+00, v6;
	v2 =	vld [tilespmem:s14+$0x360];
	(erf) = vpow2.f32 v5  }
0x9b: {  	s15 =	simm.s32 $0x80;
	v3 =	vld [tilespmem:s14+$0x4360]  }
0x9c: {  	s16 =	simm.s32 $0x400;
	v6 =	vld [tilespmem:s15+$0x330];
	v4 =	vadd.f32 v12, v4;
	v5 =	vadd.f32 v11, v10;
	(erf) = vpow2.f32 v9  }
.LBB2_5:
0x9d: {  	p0 =	sne.s32 s16, $0x7E00;
	v9 =	vld [tilespmem:s15+$0x4330]  }
0x9e: {  	v10 =	vld [tilespmem:s15+$0x300];
	v7 =	vadd.f32 v8, v7  }
0x9f: {  	v8 =	vld [tilespmem:s15+$0x4300];
	v11 =	vpop (erf)  }
0xa0: {  	v12 =	vld [tilespmem:s15+$0x310];
	v2 =	vadd.f32 v3, v2;
	[tilespmem:s14+$0x8330] =	vst v11;
	v3 =	vmul.f32 v7, v11  }
0xa1: {  	v7 =	vld [tilespmem:s15+$0x4310];
	v11 =	vpop (erf)  }
0xa2: {  	v13 =	vld [tilespmem:s15+$0x320];
	v6 =	vadd.f32 v9, v6;
	v5 =	vmul.f32 v5, v11;
	[tilespmem:s14+$0x8370] =	vst v3  }
0xa3: {  	v3 =	vld [tilespmem:s15+$0x4320];
	[tilespmem:s14+$0x8300] =	vst v11;
	v9 =	vpop (erf)  }
0xa4: {  	v8 =	vadd.f32 v8, v10;
	v10 =	vld [tilespmem:s15+$0x340];
	v6 =	vmul.f32 $1.442695020e+00, v6;
	[tilespmem:s14+$0x8340] =	vst v5;
	v4 =	vmul.f32 v4, v9  }
0xa5: {  	v5 =	vld [tilespmem:s15+$0x4340];
	[tilespmem:s14+$0x8310] =	vst v9;
	v9 =	vpop (erf)  }
0xa6: {  	v8 =	vmul.f32 $1.442695020e+00, v8;
	v7 =	vadd.f32 v7, v12;
	v11 =	vld [tilespmem:s15+$0x350];
	(erf) = vpow2.f32 v6;
	[tilespmem:s14+$0x8350] =	vst v4  }
0xa7: {  	v2 =	vmul.f32 v2, v9;
	v4 =	vld [tilespmem:s15+$0x4350];
	[tilespmem:s14+$0x8320] =	vst v9  }
.Ltmp1:
0xa8: {  	v6 =	vmul.f32 $1.442695020e+00, v7;
	v3 =	vadd.f32 v3, v13;
	v7 =	vld [tilespmem:s15+$0x370];
	(erf) = vpow2.f32 v8;
	(pc) =	sbr.rel @p0 .LBB2_5-.Ltmp1, $4  }
0xa9: {  	v8 =	vld [tilespmem:s15+$0x4370];
	[tilespmem:s14+$0x8360] =	vst v2;
	s14 =	smov.u32 s15  }
0xaa: {  	v5 =	vadd.f32 v5, v10;
	v9 =	vmul.f32 $1.442695020e+00, v3;
	v2 =	vld [tilespmem:s14+$0x360];
	(erf) = vpow2.f32 v6  }
0xab: {  	s15 =	sshra.s32 s16, $0x2;
	v3 =	vld [tilespmem:s14+$0x4360]  }
0xac: {  	s16 =	sadd.s32 $0x200, s16;
	v6 =	vld [tilespmem:s15+$0x330];
	v4 =	vadd.f32 v4, v11;
	(erf) = vpow2.f32 v9  }
0xad: {  	_ = 	snop  }
0xae: {  	v7 =	vadd.f32 v8, v7  }
0xaf: {  	v9 =	vld [tilespmem:s15+$0x4330];
	v8 =	vpop (erf)  }
0xb0: {  	v10 =	vld [tilespmem:s15+$0x300];
	v7 =	vmul.f32 v7, v8  }
0xb1: {  	v11 =	vld [tilespmem:s15+$0x4300]  }
0xb2: {  	v12 =	vld [tilespmem:s15+$0x310];
	[tilespmem:s14+$0x8330] =	vst v8  }
0xb3: {  	v8 =	vld [tilespmem:s15+$0x4310]  }
0xb4: {  	v13 =	vld [tilespmem:s15+$0x320];
	[tilespmem:s14+$0x8370] =	vst v7;
	v7 =	vpop (erf)  }
0xb5: {  	v5 =	vmul.f32 v5, v7  }
0xb6: {  	v14 =	vld [tilespmem:s15+$0x4320];
	[tilespmem:s14+$0x8300] =	vst v7  }
0xb7: {  	v7 =	vld [tilespmem:s15+$0x340];
	[tilespmem:s14+$0x8340] =	vst v5;
	v5 =	vadd.f32 v9, v6;
	v6 =	vpop (erf)  }
0xb8: {  	v4 =	vmul.f32 v4, v6;
	_ =	sdelay $0x1  }
0xb9: {  	v9 =	vld [tilespmem:s15+$0x4340];
	[tilespmem:s14+$0x8310] =	vst v6;
	v6 =	vadd.f32 v11, v10;
	v5 =	vmul.f32 $1.442695020e+00, v5;
	_ =	sdelay $0x1  }
0xba: {  	v10 =	vld [tilespmem:s15+$0x350];
	[tilespmem:s14+$0x8350] =	vst v4;
	v6 =	vmul.f32 $1.442695020e+00, v6;
	v4 =	vpop (erf);
	(erf) = vpow2.f32 v5  }
0xbb: {  	v8 =	vadd.f32 v8, v12;
	v5 =	vld [tilespmem:s15+$0x4350];
	[tilespmem:s14+$0x8320] =	vst v4  }
0xbc: {  	v11 =	vadd.f32 v14, v13;
	(erf) = vpow2.f32 v6;
	v62 =	vld [tilespmem:s15+$0x370]  }
0xbd: {  	v2 =	vadd.f32 v3, v2;
	v8 =	vmul.f32 $1.442695020e+00, v8;
	v3 =	vld [tilespmem:s15+$0x4370]  }
0xbe: {  	v6 =	vmul.f32 $1.442695020e+00, v11  }
0xbf: {  	v2 =	vmul.f32 v2, v4;
	(erf) = vpow2.f32 v8  }
0xc0: {  	(erf) = vpow2.f32 v6  }
0xc1: {  	[tilespmem:s14+$0x8360] =	vst v2  }
0xc2: {  	v2 =	vld [tilespmem:s15+$0x360];
	v3 =	vadd.f32 v3, v62  }
0xc3: {  	v4 =	vld [tilespmem:s15+$0x4360];
	v6 =	vpop (erf)  }
0xc4: {  	v7 =	vadd.f32 v9, v7;
	v3 =	vmul.f32 v3, v6  }
0xc5: {  	[tilespmem:s15+$0x8330] =	vst v6;
	v6 =	vpop (erf)  }
0xc6: {  	v7 =	vmul.f32 v7, v6;
	[tilespmem:s15+$0x8300] =	vst v6  }
0xc7: {  	v5 =	vadd.f32 v5, v10;
	[tilespmem:s15+$0x8370] =	vst v3  }
0xc8: {  	v2 =	vadd.f32 v4, v2;
	[tilespmem:s15+$0x8340] =	vst v7;
	v3 =	vpop (erf)  }
0xc9: {  	v4 =	vmul.f32 v5, v3;
	[tilespmem:s15+$0x8310] =	vst v3;
	v3 =	vpop (erf)  }
0xca: {  	v2 =	vmul.f32 v2, v3;
	[tilespmem:s15+$0x8320] =	vst v3  }
0xcb: {  	[tilespmem:s15+$0x8350] =	vst v4  }
0xcc: {  	p0 =	seq.s32 s12, $0x53;
	[tilespmem:s15+$0x8360] =	vst v2  }
0xcd: {  	[spmem:s2] =	stream.indirect.scatter.add.f32 [tilespmem:s24], [sflag:$0x3], $0x80, s26, s28, $0xb8;
	[tilespmem:$0x1E300] =	vst v63  }
0xce: {  	s13 =	sadd.s32 @!p0 s13, s21;
	_ =	swait.ge [sflag:s25], $0x2000  }
0xcf: {  	s13 =	sshrl.u32 @!p0 s13, $0x3;
	[sflag:s25] =	ssyncset.done $0x0  }
0xd0: {  	s14 =	sadd.s32 @!p0 s4, s13;
	s15 =	simm.s32 @!p0 $0x0;
	[sflag:s25] =	ssyncadd.s32 $0xFFFFE000  }
0xd1: {  	[tilespmem:s15], [sflag:$0x3] =	stream.linear.gather @!p0 [hbm4b:s14+s15], $0x40, $0x38;
	[tilespmem:$0x1E300] =	vst v63  }
0xd2: {  	s14 =	simm.s32 @!p0 $0x3  }
0xd3: {  	_ =	swait.ge @!p0 [sflag:s14], $0x40  }
0xd4: {  	[sflag:s14] =	ssyncset.done @!p0 $0x0  }
0xd5: {  	s16 =	simm.s32 @!p0 $0x200;
	s13 =	sadd.s32 @!p0 s5, s13;
	[sflag:s14] =	ssyncadd.s32 @!p0 $0xFFFFFFC0  }
0xd6: {  	[tilespmem:s16], [sflag:$0x3] =	stream.linear.gather @!p0 [hbm4b:s13+s15], $0x40, $0x38;
	[tilespmem:$0x1E300] =	vst v63  }
0xd7: {  	_ =	swait.ge @!p0 [sflag:s14], $0x40  }
0xd8: {  	[sflag:s14] =	ssyncset.done @!p0 $0x0  }
0xd9: {  	[sflag:s14] =	ssyncadd.s32 @!p0 $0xFFFFFFC0  }
0xda: {  	v2 =	vld @!p0 [tilespmem:$0x0]  }
0xdb: {  	v3 =	vld @!p0 [tilespmem:$0x200]  }
0xdc: {  	v4 =	vld @!p0 [tilespmem:$0x10]  }
0xdd: {  	v5 =	vld @!p0 [tilespmem:$0x210]  }
0xde: {  	v6 =	vld @!p0 [tilespmem:$0x20]  }
0xdf: {  	v7 =	vld @!p0 [tilespmem:$0x220];
	v2 =	vadd.s32 @!p0 v0, v2  }
0xe0: {  	[tilespmem:$0x0] =	vst @!p0 v2;
	v2 =	vadd.s32 @!p0 v0, v3;
	v3 =	vld @!p0 [tilespmem:$0x30]  }
0xe1: {  	[tilespmem:$0x100] =	vst @!p0 v2;
	v2 =	vadd.s32 @!p0 v0, v4;
	v4 =	vld @!p0 [tilespmem:$0x230]  }
0xe2: {  	[tilespmem:$0x10] =	vst @!p0 v2;
	v2 =	vadd.s32 @!p0 v0, v5  }
0xe3: {  	[tilespmem:$0x110] =	vst @!p0 v2;
	v2 =	vadd.s32 @!p0 v0, v6  }
0xe4: {  	[tilespmem:$0x20] =	vst @!p0 v2;
	v2 =	vadd.s32 @!p0 v0, v7  }
0xe5: {  	[tilespmem:$0x120] =	vst @!p0 v2;
	v2 =	vadd.s32 @!p0 v0, v3  }
0xe6: {  	[tilespmem:$0x30] =	vst @!p0 v2;
	v2 =	vadd.s32 @!p0 v0, v4  }
0xe7: {  	s13 =	simm.s32 @!p0 $0x40;
	s14 =	simm.s32 @!p0 $0x300;
	[tilespmem:$0x130] =	vst @!p0 v2  }
0xe8: {  	[tilespmem:s14], [sflag:$0x1] =	stream.indirect.gather @!p0 [hbm4b:s6+s13], $0x80, s15, s13, $0xb8;
	[tilespmem:$0x1E300] =	vst v63  }
0xe9: {  	s14 =	simm.s32 @!p0 $0x100;
	s15 =	simm.s32 @!p0 $0x4300  }
0xea: {  	[tilespmem:s15], [sflag:$0x1] =	stream.indirect.gather @!p0 [hbm4b:s7+s13], $0x80, s14, s13, $0xb8;
	[tilespmem:$0x1E300] =	vst v63  }
0xeb: {  	_ =	swait.ge [sflag:s10], $0x2000  }
0xec: {  	[sflag:s10] =	ssyncset.done $0x0  }
0xed: {  	[sflag:s10] =	ssyncadd.s32 $0xFFFFE000  }
0xee: {  	_ =	swait.ge [sflag:s10], $0x2000  }
0xef: {  	[sflag:s10] =	ssyncset.done $0x0  }
0xf0: {  	s13 =	simm.s32 $0x0;
	[sflag:s10] =	ssyncadd.s32 $0xFFFFE000  }
0xf1: {  	v2 =	vld [tilespmem:s13+$0x2330]  }
0xf2: {  	v3 =	vld [tilespmem:s13+$0x6330]  }
0xf3: {  	v4 =	vld [tilespmem:s13+$0x2300]  }
0xf4: {  	v5 =	vld [tilespmem:s13+$0x6300]  }
0xf5: {  	v6 =	vld [tilespmem:s13+$0x2310]  }
0xf6: {  	v7 =	vld [tilespmem:s13+$0x6310]  }
0xf7: {  	v8 =	vld [tilespmem:s13+$0x2320];
	v2 =	vadd.f32 v3, v2  }
0xf8: {  	v9 =	vld [tilespmem:s13+$0x6320]  }
0xf9: {  	v10 =	vld [tilespmem:s13+$0x2340];
	v3 =	vadd.f32 v5, v4;
	v2 =	vmul.f32 $1.442695020e+00, v2  }
0xfa: {  	v11 =	vld [tilespmem:s13+$0x6340]  }
0xfb: {  	v63 =	vld [tilespmem:s13+$0x6350];
	v5 =	vadd.f32 v7, v6;
	v3 =	vmul.f32 $1.442695020e+00, v3;
	(erf) = vpow2.f32 v2  }
0xfc: {  	v4 =	vld [tilespmem:s13+$0x2350]  }
0xfd: {  	v6 =	vadd.f32 v9, v8;
	v7 =	vld [tilespmem:s13+$0x2370];
	v5 =	vmul.f32 $1.442695020e+00, v5;
	(erf) = vpow2.f32 v3  }
0xfe: {  	v8 =	vld [tilespmem:s13+$0x6370]  }
0xff: {  	v9 =	vmul.f32 $1.442695020e+00, v6;
	v2 =	vld [tilespmem:s13+$0x2360];
	(erf) = vpow2.f32 v5  }
0x100: {  	s14 =	simm.s32 $0x80;
	v3 =	vld [tilespmem:s13+$0x6360]  }
0x101: {  	s15 =	simm.s32 $0x400;
	v6 =	vld [tilespmem:s14+$0x2330];
	v4 =	vadd.f32 v63, v4;
	v5 =	vadd.f32 v11, v10;
	(erf) = vpow2.f32 v9  }
.LBB2_7:
0x102: {  	p0 =	sne.s32 s15, $0x7E00;
	v9 =	vld [tilespmem:s14+$0x6330]  }
0x103: {  	v10 =	vld [tilespmem:s14+$0x2300];
	v7 =	vadd.f32 v8, v7  }
0x104: {  	v8 =	vld [tilespmem:s14+$0x6300];
	v11 =	vpop (erf)  }
0x105: {  	v12 =	vld [tilespmem:s14+$0x2310];
	v2 =	vadd.f32 v3, v2;
	[tilespmem:s13+$0x8330] =	vst v11;
	v3 =	vmul.f32 v7, v11  }
0x106: {  	v7 =	vld [tilespmem:s14+$0x6310];
	v11 =	vpop (erf)  }
0x107: {  	v13 =	vld [tilespmem:s14+$0x2320];
	v6 =	vadd.f32 v9, v6;
	v5 =	vmul.f32 v5, v11;
	[tilespmem:s13+$0x8370] =	vst v3  }
0x108: {  	v3 =	vld [tilespmem:s14+$0x6320];
	[tilespmem:s13+$0x8300] =	vst v11;
	v9 =	vpop (erf)  }
0x109: {  	v8 =	vadd.f32 v8, v10;
	v10 =	vld [tilespmem:s14+$0x2340];
	v6 =	vmul.f32 $1.442695020e+00, v6;
	[tilespmem:s13+$0x8340] =	vst v5;
	v4 =	vmul.f32 v4, v9  }
0x10a: {  	v5 =	vld [tilespmem:s14+$0x6340];
	[tilespmem:s13+$0x8310] =	vst v9;
	v9 =	vpop (erf)  }
0x10b: {  	v8 =	vmul.f32 $1.442695020e+00, v8;
	v7 =	vadd.f32 v7, v12;
	v11 =	vld [tilespmem:s14+$0x2350];
	(erf) = vpow2.f32 v6;
	[tilespmem:s13+$0x8350] =	vst v4  }
0x10c: {  	v2 =	vmul.f32 v2, v9;
	v4 =	vld [tilespmem:s14+$0x6350];
	[tilespmem:s13+$0x8320] =	vst v9  }
.Ltmp2:
0x10d: {  	v6 =	vmul.f32 $1.442695020e+00, v7;
	v3 =	vadd.f32 v3, v13;
	v7 =	vld [tilespmem:s14+$0x2370];
	(erf) = vpow2.f32 v8;
	(pc) =	sbr.rel @p0 .LBB2_7-.Ltmp2, $4  }
0x10e: {  	v8 =	vld [tilespmem:s14+$0x6370];
	[tilespmem:s13+$0x8360] =	vst v2;
	s13 =	smov.u32 s14  }
0x10f: {  	v5 =	vadd.f32 v5, v10;
	v9 =	vmul.f32 $1.442695020e+00, v3;
	v2 =	vld [tilespmem:s13+$0x2360];
	(erf) = vpow2.f32 v6  }
0x110: {  	s14 =	sshra.s32 s15, $0x2;
	v3 =	vld [tilespmem:s13+$0x6360]  }
0x111: {  	s15 =	sadd.s32 $0x200, s15;
	v6 =	vld [tilespmem:s14+$0x2330];
	v4 =	vadd.f32 v4, v11;
	(erf) = vpow2.f32 v9  }
0x112: {  	v9 =	vld [tilespmem:s14+$0x6330]  }
0x113: {  	v10 =	vld [tilespmem:s14+$0x2300];
	v7 =	vadd.f32 v8, v7  }
0x114: {  	v11 =	vld [tilespmem:s14+$0x6300];
	v47 =	vpop (erf)  }
0x115: {  	v12 =	vld [tilespmem:s14+$0x2310];
	[tilespmem:s13+$0x8330] =	vst v47;
	v7 =	vmul.f32 v7, v47  }
0x116: {  	v48 =	vld [tilespmem:s14+$0x6310];
	v49 =	vpop (erf)  }
0x117: {  	v13 =	vld [tilespmem:s14+$0x2320];
	[tilespmem:s13+$0x8370] =	vst v7;
	v5 =	vmul.f32 v5, v49;
	v50 =	vadd.f32 v9, v6  }
0x118: {  	v14 =	vld [tilespmem:s14+$0x6320];
	[tilespmem:s13+$0x8300] =	vst v49;
	v51 =	vpop (erf)  }
0x119: {  	v53 =	vadd.f32 v11, v10;
	v7 =	vld [tilespmem:s14+$0x2340];
	[tilespmem:s13+$0x8340] =	vst v5;
	v4 =	vmul.f32 v4, v51;
	v5 =	vmul.f32 $1.442695020e+00, v50  }
0x11a: {  	v52 =	vld [tilespmem:s14+$0x6340];
	[tilespmem:s13+$0x8310] =	vst v51  }
0x11b: {  	v6 =	vmul.f32 $1.442695020e+00, v53;
	v55 =	vpop (erf);
	v54 =	vld [tilespmem:s14+$0x2350];
	[tilespmem:s13+$0x8350] =	vst v4;
	(erf) = vpow2.f32 v5  }
0x11c: {  	v8 =	vadd.f32 v48, v12;
	v56 =	vld [tilespmem:s14+$0x6350];
	[tilespmem:s13+$0x8320] =	vst v55  }
0x11d: {  	(erf) = vpow2.f32 v6;
	v57 =	vadd.f32 v14, v13;
	v58 =	vld [tilespmem:s14+$0x2370]  }
0x11e: {  	v2 =	vadd.f32 v3, v2;
	v8 =	vmul.f32 $1.442695020e+00, v8;
	v3 =	vld [tilespmem:s14+$0x6370]  }
0x11f: {  	v59 =	vmul.f32 $1.442695020e+00, v57  }
0x120: {  	v2 =	vmul.f32 v2, v55;
	(erf) = vpow2.f32 v8  }
0x121: {  	(erf) = vpow2.f32 v59  }
0x122: {  	[tilespmem:s13+$0x8360] =	vst v2  }
0x123: {  	v2 =	vld [tilespmem:s14+$0x2360];
	v3 =	vadd.f32 v3, v58  }
0x124: {  	v60 =	vld [tilespmem:s14+$0x6360];
	v61 =	vpop (erf)  }
0x125: {  	v7 =	vadd.f32 v52, v7;
	v3 =	vmul.f32 v3, v61  }
0x126: {  	[tilespmem:s14+$0x8330] =	vst v61;
	v62 =	vpop (erf)  }
0x127: {  	v7 =	vmul.f32 v7, v62;
	[tilespmem:s14+$0x8300] =	vst v62  }
0x128: {  	v5 =	vadd.f32 v56, v54;
	[tilespmem:s14+$0x8370] =	vst v3  }
0x129: {  	v2 =	vadd.f32 v60, v2;
	[tilespmem:s14+$0x8340] =	vst v7;
	v3 =	vpop (erf)  }
0x12a: {  	v63 =	vmul.f32 v5, v3;
	[tilespmem:s14+$0x8310] =	vst v3;
	v3 =	vpop (erf)  }
0x12b: {  	s12 =	sadd.s32 $0x1, s12;
	v2 =	vmul.f32 v2, v3;
	[tilespmem:s14+$0x8320] =	vst v3  }
0x12c: {  	p0 =	sne.s32 s12, $0x54;
	[tilespmem:s14+$0x8350] =	vst v63  }
.Ltmp3:
0x12d: {  	[tilespmem:s14+$0x8360] =	vst v2;
	(pc) =	sbr.rel @p0 .LBB2_4-.Ltmp3, $4  }
0x12e: {  	[spmem:s2] =	stream.indirect.scatter.add.f32 [tilespmem:s24], [sflag:$0x3], $0x80, s29, s28, $0xb8;
	[tilespmem:$0x1E300] =	vst v63  }
0x12f: {  	_ =	swait.ge [sflag:s25], $0x2000  }
0x130: {  	[sflag:s25] =	ssyncset.done $0x0  }
0x131: {  	[sflag:s25] =	ssyncadd.s32 $0xFFFFE000  }
0x132: {  	s11 =	stileid.u32;
	s3 =	sadd.s32 $0x1, s3  }
0x133: {  	[bflag:$0x0] =	sbarrier.arrive $0xFFFF;
	s11 =	sshll.u32 s11, $0x6;
	p0 =	sne.s32 s3, s23  }
.Ltmp4:
0x134: {  	s12 =	sshrl.u32 s8, $0x3;
	s11 =	sor.u32 $0x1C03, s11;
	(pc) =	sbr.rel @p0 .LBB2_1-.Ltmp4, $4  }
0x135: {  	[hbm:s22], [sflag:s11] =	dma.local [spmem:s12], $0x2800  }
0x136: {  	_ =	swait.ge [sflag:s25], $0x2800  }
0x137: {  	[sflag:s25] =	ssyncset.done $0x0  }
0x138: {  	[sflag:s25] =	ssyncadd.s32 $0xFFFFD800  }
0x139: {  	_ =	sfence.sel $0x180000  }
0x13a: {  	[bflag:$0x0] =	sbarrier.arrive $0xFFFF  }
0x13b: {  	_ =	strace $0x90000047  }
0x13c: {  	s0 =	stileid.u32;
	[bflag:$0x2] =	sbarrier.arrive $0xFFFF  }
0x13d: {  	p0 =	sne.s32 s0, $0x0;
	s0 =	rddreg [dreg:$0x2]  }
0x13e: {  	s0 =	sadd.s32 @!p0 $0x100000, s0  }
0x13f: {  	[sflag:s0] =	ssyncadd.tile.s32 @!p0 $0x1;
	_ =	shalt  }
.Lfunc_end2:
_tile_overlayer_lowered:
.L_overlay_start_2:
0x140: {  	(tag) =	ssettag $0x2  }
0x141: {  	s0 =	rddreg [dreg:$0x0];
	s2 =	stileid.u32  }
0x142: {  	s1 =	rddreg [dreg:$0x1];
	p0 =	sne.s32 s2, $0x0  }
0x143: {  	s3 =	rddreg [dreg:$0x2];
	[bflag:$0x3] =	sbarrier.arrive $0xFFFF;
	s2 =	simm.s32 @!p0 $0x1C03  }
0x144: {  	[timem:s3], [sflag:s2] =	dma.local @!p0 [hbm:s0], s1  }
0x145: {  	s0 =	simm.s32 @!p0 $0x3  }
0x146: {  	_ =	swait.ge @!p0 [sflag:s0], s1  }
0x147: {  	s1 =	ssub.s32 @!p0 $0x0, s1;
	[sflag:s0] =	ssyncset.done @!p0 $0x0  }
0x148: {  	[sflag:s0] =	ssyncadd.s32 @!p0 s1  }
0x149: {  	[bflag:$0x3] =	sbarrier.arrive $0xFFFF  }
0x14a: {  	_ =	shalt  }

// kernel: kernel.16.cloned.1.call-start
scs
__scs_entry_jumppad:
0x0: {  	(pc) =	sbr.rel $0x88, $3  }
0x1: {  	(tag) =	ssettag $0x0;
	lr =	simm.s32 $0x1  }
0x2: {  	[smem:$0x3F5C] =	sst lr;
	_ =	strace $0xD0000000  }
0x3: {  	_ = 	snop  }
0x4: {  	_ = 	snop  }
0x5: {  	_ = 	snop  }
0x6: {  	_ = 	snop  }
0x7: {  	_ = 	snop  }
__scs_overlays_trampoline_lowered:
0x8: {  	[smem:$0x3F6B] =	sst s0  }
0x9: {  	[smem:$0x3F6C] =	sst s1  }
0xa: {  	[smem:$0x3F6D] =	sst s2  }
0xb: {  	[smem:$0x3F6E] =	sst s3  }
0xc: {  	[smem:$0x3F6F] =	sst s4  }
0xd: {  	[smem:$0x3F70] =	sst s5  }
0xe: {  	[smem:$0x3F71] =	sst s6  }
0xf: {  	[smem:$0x3F72] =	sst s7  }
0x10: {  	[smem:$0x3F73] =	sst s8  }
0x11: {  	[smem:$0x3F74] =	sst s9;
	s0 =	simm.s32 @!p0 $0x0  }
0x12: {  	s1 =	sld [smem:$0x3F5A];
	s0 =	simm.s32 @p0 $0x1  }
0x13: {  	[smem:$0x3F75] =	sst s0;
	s0 =	simm.s32 @!p1 $0x0  }
0x14: {  	s2 =	sld [smem:$0x3F59];
	s0 =	simm.s32 @p1 $0x1  }
0x15: {  	[smem:$0x3F76] =	sst s0;
	s0 =	simm.s32 @!p2 $0x0  }
0x16: {  	s3 =	sld [smem:$0x3FDB];
	s0 =	simm.s32 @p2 $0x1  }
0x17: {  	s4 =	simm.s32 $0x1BF5;
	[smem:$0x3F78] =	sst s0  }
0x18: {  	s0 =	sld [smem:$0x3F5B];
	_ =	swait.ge [sflag:s4], $0x0  }
0x19: {  	s7 =	sld [smem:$0x3F5C]  }
0x1a: {  	s8 =	sadd.s32 $0xFFFFE003, lr  }
0x1b: {  	s9 =	sadd.s32 $0xFFFFFEF7, lr;
	s5 =	simm.s32 $0xFFFFFFFF;
	p2 =	slt.u32 s8, $0xFFFFF086  }
0x1c: {  	p1 =	slt.u32 s9, $0xF7A;
	s5 =	simm.s32 @!p2 $0x0  }
0x1d: {  	s5 =	simm.s32 @p1 $0x1;
	p0 =	seq.s32 s7, s2  }
0x1e: {  	s7 =	smul.u32 @!p0 $0xF7A, s2;
	p2 =	seq.s32 @!p0 s5, $0x0  }
0x1f: {  	s9 =	smul.u32 $0xF7A, s1;
	s8 =	simm.s32 @!p0 $0x1BF5;
	p2 =	por !p2, p0  }
0x20: {  	[sflag:s8] =	ssyncset.s32 @!p0 $0xFFFFF086;
	s6 =	sadd.s32 @!p0 s3, s7;
	s7 =	simm.s32 @!p0 $0x108  }
0x21: {  	s3 =	sadd.s32 s3, s9;
	s6 =	sadd.s32 @!p0 $0x88, s6;
	s7 =	simm.s32 @p2 $0x1082  }
0x22: {  	[simem:s7], [sflag:s8] =	dma.local @!p0 [hbm:s6], $0xF7A  }
0x23: {  	s9 =	sor.u32 $0xD0000000, s2;
	s6 =	simm.s32 $0x108;
	_ =	swait.ge @!p0 [sflag:s8], $0x0  }
0x24: {  	s3 =	sadd.s32 $0x88, s3;
	s6 =	simm.s32 @!p1 $0x1082;
	[sflag:s4] =	ssyncset.s32 $0xFFFFF086  }
0x25: {  	[simem:s6], [sflag:s4] =	dma.local [hbm:s3], $0xF7A  }
0x26: {  	[smem:$0x3F5C] =	sst s1;
	(tag) =	ssettag s2;
	_ =	strace s9  }
0x27: {  	s1 =	sld [smem:$0x3F6C]  }
0x28: {  	s2 =	sld [smem:$0x3F6D]  }
0x29: {  	s4 =	sld [smem:$0x3F6F]  }
0x2a: {  	p0 =	seq.s32 s5, $0x0;
	s5 =	sld [smem:$0x3F70]  }
0x2b: {  	s6 =	sld [smem:$0x3F71]  }
0x2c: {  	s7 =	sld [smem:$0x3F72]  }
0x2d: {  	s3 =	simm.s32 $0x108;
	s8 =	sld [smem:$0x3F73]  }
0x2e: {  	s3 =	simm.s32 @!p0 $0x1082;
	s9 =	sld [smem:$0x3F74]  }
0x2f: {  	lr =	sadd.s32 s0, s3;
	s0 =	sld [smem:$0x3F6B]  }
0x30: {  	s3 =	sld [smem:$0x3F6E]  }
0x31: {  	[smem:$0x3F77] =	sst s10  }
0x32: {  	s10 =	sld [smem:$0x3F75];
	_ =	sdelay $0x3  }
0x33: {  	p0 =	seq.s32 s10, $0x1;
	s10 =	sld [smem:$0x3F77];
	_ =	sdelay $0x3  }
0x34: {  	[smem:$0x3F77] =	sst s10  }
0x35: {  	s10 =	sld [smem:$0x3F76];
	_ =	sdelay $0x3  }
0x36: {  	p1 =	seq.s32 s10, $0x1;
	s10 =	sld [smem:$0x3F77];
	_ =	sdelay $0x3  }
0x37: {  	[smem:$0x3F77] =	sst s10  }
0x38: {  	s10 =	sld [smem:$0x3F78]  }
0x39: {  	_ = 	snop;
	(pc) =	sbr.ind lr, $3  }
0x3a: {  	_ = 	snop  }
0x3b: {  	_ = 	snop  }
0x3c: {  	p2 =	seq.s32 s10, $0x1;
	s10 =	sld [smem:$0x3F77]  }
0x3d: {  	_ =	shalt  }
0x3e: {  	_ =	shalt  }
0x3f: {  	_ =	shalt  }
0x40: {  	_ =	shalt  }
0x41: {  	_ =	shalt  }
0x42: {  	_ =	shalt  }
0x43: {  	_ =	shalt  }
0x44: {  	_ =	shalt  }
0x45: {  	_ =	shalt  }
0x46: {  	_ =	shalt  }
0x47: {  	_ =	shalt  }
0x48: {  	_ =	shalt  }
0x49: {  	_ =	shalt  }
0x4a: {  	_ =	shalt  }
0x4b: {  	_ =	shalt  }
0x4c: {  	_ =	shalt  }
0x4d: {  	_ =	shalt  }
0x4e: {  	_ =	shalt  }
0x4f: {  	_ =	shalt  }
0x50: {  	_ =	shalt  }
0x51: {  	_ =	shalt  }
0x52: {  	_ =	shalt  }
0x53: {  	_ =	shalt  }
0x54: {  	_ =	shalt  }
0x55: {  	_ =	shalt  }
0x56: {  	_ =	shalt  }
0x57: {  	_ =	shalt  }
0x58: {  	_ =	shalt  }
0x59: {  	_ =	shalt  }
0x5a: {  	_ =	shalt  }
0x5b: {  	_ =	shalt  }
0x5c: {  	_ =	shalt  }
0x5d: {  	_ =	shalt  }
0x5e: {  	_ =	shalt  }
0x5f: {  	_ =	shalt  }
0x60: {  	_ =	shalt  }
0x61: {  	_ =	shalt  }
0x62: {  	_ =	shalt  }
0x63: {  	_ =	shalt  }
0x64: {  	_ =	shalt  }
0x65: {  	_ =	shalt  }
0x66: {  	_ =	shalt  }
0x67: {  	_ =	shalt  }
0x68: {  	_ =	shalt  }
0x69: {  	_ =	shalt  }
0x6a: {  	_ =	shalt  }
0x6b: {  	_ =	shalt  }
0x6c: {  	_ =	shalt  }
0x6d: {  	_ =	shalt  }
0x6e: {  	_ =	shalt  }
0x6f: {  	_ =	shalt  }
0x70: {  	_ =	shalt  }
0x71: {  	_ =	shalt  }
0x72: {  	_ =	shalt  }
0x73: {  	_ =	shalt  }
0x74: {  	_ =	shalt  }
0x75: {  	_ =	shalt  }
0x76: {  	_ =	shalt  }
0x77: {  	_ =	shalt  }
0x78: {  	_ =	shalt  }
0x79: {  	_ =	shalt  }
0x7a: {  	_ =	shalt  }
0x7b: {  	_ =	shalt  }
0x7c: {  	_ =	shalt  }
0x7d: {  	_ =	shalt  }
0x7e: {  	_ =	shalt  }
0x7f: {  	_ =	shalt  }
0x80: {  	_ =	shalt  }
0x81: {  	_ =	shalt  }
0x82: {  	_ =	shalt  }
0x83: {  	_ =	shalt  }
0x84: {  	_ =	shalt  }
0x85: {  	_ =	shalt  }
0x86: {  	_ =	shalt  }
0x87: {  	_ =	shalt  }
.Lfunc_end0:
.L_simem_size_0:
called_computation.1_lowered:
.L_overlay_start_0:
0x88: {  	s2 =	sld [smem:$0x3FD9]  }
0x89: {  	s3 =	sld [smem:$0x3FFE];
	_ =	sdelay $0x1  }
0x8a: {  	s1 =	srdreg.scid  }
0x8b: {  	s0 =	sand.u32 $0x1, s1  }
0x8c: {  	s16 =	sshll.u32 s0, $0xA;
	s2 =	sadd.s32 s3, s2  }
0x8d: {  	s2 =	sadd.s32 s2, s16  }
0x8e: {  	[smem:$0x3F83] =	sst s2  }
0x8f: {  	_ = 	snop  }
0x90: {  	(tm) =	ssettm $0x1  }
0x91: {  	s17 =	sld [smem:$0x3FFB];
	_ =	sdelay $0x3  }
0x92: {  	_ =	strace s17  }
0x93: {  	s2 =	sld [smem:$0x3FFC];
	_ =	sdelay $0x3  }
0x94: {  	_ =	strace s2  }
0x95: {  	s2 =	sld [smem:$0x3FFD];
	_ =	sdelay $0x3  }
0x96: {  	_ =	strace s2  }
0x97: {  	_ =	strace $0x8FFFFFFF  }
0x98: {  	s18 =	sld [smem:$0x3FDB];
	_ =	sdelay $0x1  }
0x99: {  	s19 =	simm.s32 $_scs_section_size  }
0x9a: {  	s4 =	simm.s32 $_size__tile_overlayer_lowered;
	s5 =	simm.s32 $_tile_overlayer_lowered  }
0x9b: {  	s22 =	simm.s32 $0x1BFF;
	s21 =	sshll.u32 s5, $0x1;
	s2 =	sadd.s32 s19, s18  }
0x9c: {  	s6 =	simm.s32 $0x0;
	s20 =	sshll.u32 s4, $0x1;
	s4 =	sadd.s32 s21, s2  }
0x9d: {  	[timem:s6], [sflag:s22] =	dma.local [hbm:s4], s20  }
0x9e: {  	_ =	swait.ge [sflag:s22], s20  }
0x9f: {  	s3 =	ssub.s32 $0x0, s20;
	[sflag:s22] =	ssyncset.done $0x0  }
0xa0: {  	[sflag:s22] =	ssyncadd.s32 s3;
	_ =	sdelay $0x1  }
0xa1: {  	s23 =	simm.s32 $0x1B8B  }
0xa2: {  	_ =	swait.ge [sflag:s23], $0x1  }
0xa3: {  	[sflag:s23] =	ssyncset.done $0x0  }
0xa4: {  	s25 =	simm.s32 $0x1B8E;
	s24 =	sld [smem:$0x3FFE];
	[sflag:s23] =	ssyncadd.s32 $0xFFFFFFFF  }
0xa5: {  	s26 =	simm.s32 $execute0_lowered;
	[smem:$0x3FD2] =	sst s25  }
0xa6: {  	s4 =	sshll.u32 s26, $0x1;
	_ =	strace $0x80000049;
	[dreg:$0x1] =	wrdreg $0xFFFFFFFF  }
0xa7: {  	s28 =	simm.s32 $_size_execute0_lowered;
	s2 =	sadd.s32 s2, s4;
	[dreg:$0x0] =	wrdreg $0x0  }
0xa8: {  	s4 =	sshll.u32 s28, $0x1;
	[dreg:$0x2] =	wrdreg s2  }
0xa9: {  	[dreg:$0x3] =	wrdreg s4  }
0xaa: {  	[dreg:$0x4] =	wrdreg $0xC0  }
0xab: {  	_ =	task [dreg:s6], $0x5FFFF  }
0xac: {  	[dreg:$0x1] =	wrdreg $0xFFFFFFFF  }
0xad: {  	[dreg:$0x0] =	wrdreg $0x60  }
0xae: {  	[dreg:$0x2] =	wrdreg s24  }
0xaf: {  	[dreg:$0x3] =	wrdreg $0xA3000  }
0xb0: {  	[dreg:$0x4] =	wrdreg $0x9  }
0xb1: {  	_ =	task.clear_ibuf [dreg:s6], $0x5FFFF;
	_ =	strace $0x90000049  }
0xb2: {  	s29 =	simm.s32 $0x9;
	_ =	strace $0x8000004B  }
0xb3: {  	_ =	swait.ge [sflag:s29], $0x1  }
0xb4: {  	[sflag:s29] =	ssyncadd.s32 $0xFFFFFFFF  }
0xb5: {  	_ =	strace $0x9000004B  }
0xb6: {  	_ =	sfence  }
0xb7: {  	s30 =	sld [smem:$0x0];
	_ =	sdelay $0x2  }
0xb8: {  	s31 =	sshll.u32 s1, $0xD;
	s1 =	sshrl.u32 s1, $0x2  }
0xb9: {  	s3 =	sand.u32 $0x4000, s31;
	s1 =	sadd.s32 s1, s30  }
0xba: {  	s0 =	sor.u32 s3, s0;
	s1 =	sshll.u32 s1, $0x11  }
0xbb: {  	s0 =	sor.u32 s1, s0  }
0xbc: {  	s0 =	sadd.s32 $0x8F2B, s0  }
0xbd: {  	[sflag:s0] =	ssyncadd.remote.s32 $0x1  }
0xbe: {  	_ =	sfence.sel $0xFFFF  }
0xbf: {  	[dreg:$0x0] =	wrdreg $0xFFFFFFFF;
	(pc) =	sbr.abs _section_cstart, $3  }
0xc0: {  	[dreg:$0x1] =	wrdreg $0xFFFFFFFF  }
0xc1: {  	_ =	task.clear_ibuf [dreg:s6], $0x2FFFF;
	_ =	strace $0x9FFFFFFF  }
0xc2: {  	(tm) =	ssettm $0x7FFFFFFF  }
0xc3: {  	_ =	shalt  }
tec
execute0_lowered:
.L_overlay_start_1:
0x0: {  	(tag) =	ssettag $0x1  }
0x1: {  	s0 =	rddreg [dreg:$0x0]  }
0x2: {  	s1 =	rddreg [dreg:$0x1];
	s3 =	simm.s32 $0x0  }
0x3: {  	s2 =	srdreg.scid;
	s12 =	stileid.u32;
	s28 =	simm.s32 $0x200  }
0x4: {  	s29 =	simm.s32 $0x40;
	s30 =	simm.s32 $0x280;
	s31 =	simm.s32 $0x2300  }
0x5: {  	[smem:$0x7FF] =	sst s3;
	s4 =	sadd.s32 $0xA000, s0;
	s8 =	smul.u32 $0x50000, s12  }
0x6: {  	s2 =	sand.u32 $0x1, s2;
	s5 =	sadd.s32 $0xF400, s0;
	s6 =	sadd.s32 $0x14800, s0  }
0x7: {  	s7 =	sadd.s32 $0xB4800, s0;
	s26 =	smul.u32 $0x280, s12;
	s8 =	sshrl.u32 s8, $0x2  }
0x8: {  	s0 =	sadd.s32 $0x154800, s0;
	s20 =	smul.u32 $0x2A00, s12;
	s8 =	sadd.s32 s8, s1  }
0x9: {  	_ =	strace $0x8000004A;
	s9 =	ssub.s32 $0x2, s2;
	s11 =	sadd.s32 $0x6000, s8  }
0xa: {  	s10 =	sshrl.u32 s9, $0x1;
	s17 =	sadd.s32 $0x8000, s8;
	[dreg:$0x3] =	wrdreg s11  }
0xb: {  	s13 =	sshrl.u32 s20, $0x3;
	s18 =	sadd.s32 $0xA000, s8;
	[dreg:$0x4] =	wrdreg s17  }
0xc: {  	s9 =	ssub.s32 s9, s10;
	s19 =	sadd.s32 $0xC000, s8;
	[dreg:$0x5] =	wrdreg s18  }
0xd: {  	s15 =	sadd.s32 $0x2000, s8;
	s21 =	sadd.s32 $0xE000, s8;
	[dreg:$0x6] =	wrdreg s19  }
0xe: {  	s16 =	sadd.s32 $0x4000, s8;
	s22 =	sadd.s32 $0x10000, s8;
	[dreg:$0x7] =	wrdreg s21  }
0xf: {  	s24 =	sadd.s32 $0x12000, s8;
	s11 =	smul.u32 $0x5000, s2;
	[dreg:$0x8] =	wrdreg s22  }
0x10: {  	s17 =	sadd.s32 s4, s13;
	s13 =	sadd.s32 s5, s13;
	s21 =	sor.u32 $0x40, s20  }
0x11: {  	s22 =	sor.u32 $0x80, s20;
	s2 =	simm.s32 $0x80;
	s19 =	simm.s32 $0x6300  }
0x12: {  	s20 =	simm.s32 $0x1;
	[dreg:$0x9] =	wrdreg s17;
	s23 =	sadd.s32 $0x2800, s11  }
0x13: {  	[dreg:$0xa] =	wrdreg s13;
	s14 =	sadd.s32 s26, s11;
	s10 =	sadd.s32 s26, s23  }
0x14: {  	s14 =	sshll.u32 s14, $0x4;
	s26 =	smax.u32 s9, $0x1;
	v1 =	vmov s23;
	s23 =	simm.s32 $0x2  }
0x15: {  	s10 =	sshll.u32 s10, $0x4;
	s25 =	sadd.s32 s0, s14;
	[dreg:$0xd] =	wrdreg s26  }
0x16: {  	s26 =	simm.s32 $0x3;
	[dreg:$0xb] =	wrdreg s25;
	s0 =	sadd.s32 s0, s10  }
0x17: {  	v2 =	vimm.f32 $0.0e+00;
	v0 =	vmov s11;
	s25 =	simm.s32 $0x8300;
	[dreg:$0xc] =	wrdreg s0;
	s0 =	simm.s32 $0x180  }
.LBB2_1:
0x18: {  	s9 =	simm.s32 $0x0;
	s10 =	simm.s32 $0x200  }
.LBB2_2:
0x19: {  	p0 =	sne.s32 s10, $0x7E00;
	[tilespmem:s9+$0x8370] =	vst v2  }
0x1a: {  	[tilespmem:s9+$0x8300] =	vst v2  }
0x1b: {  	[tilespmem:s9+$0x8310] =	vst v2  }
.Ltmp0:
0x1c: {  	[tilespmem:s9+$0x8320] =	vst v2;
	(pc) =	sbr.rel @p0 .LBB2_2-.Ltmp0, $4  }
0x1d: {  	[tilespmem:s9+$0x8330] =	vst v2  }
0x1e: {  	[tilespmem:s9+$0x8340] =	vst v2  }
0x1f: {  	[tilespmem:s9+$0x8350] =	vst v2  }
0x20: {  	[tilespmem:s9+$0x8360] =	vst v2;
	s9 =	sshra.s32 s10, $0x2;
	s10 =	sadd.s32 $0x200, s10  }
0x21: {  	[tilespmem:s9+$0x8370] =	vst v2  }
0x22: {  	[tilespmem:s9+$0x8300] =	vst v2  }
0x23: {  	[tilespmem:s9+$0x8310] =	vst v2  }
0x24: {  	[tilespmem:s9+$0x8320] =	vst v2  }
0x25: {  	[tilespmem:s9+$0x8330] =	vst v2  }
0x26: {  	[tilespmem:s9+$0x8340] =	vst v2  }
0x27: {  	[tilespmem:s9+$0x8350] =	vst v2  }
0x28: {  	[tilespmem:s9+$0x8360] =	vst v2  }
0x29: {  	[spmem:s8] =	stream.linear.scatter [tilespmem:s25], [sflag:$0x3], $0x2000, $0x38;
	[tilespmem:$0x1E300] =	vst v63  }
0x2a: {  	_ =	swait.ge [sflag:s26], $0x2000  }
0x2b: {  	[sflag:s26] =	ssyncset.done $0x0  }
0x2c: {  	[sflag:s26] =	ssyncadd.s32 $0xFFFFE000  }
0x2d: {  	[spmem:s15] =	stream.linear.scatter [tilespmem:s25], [sflag:$0x3], $0x2000, $0x38;
	[tilespmem:$0x1E300] =	vst v63  }
0x2e: {  	_ =	swait.ge [sflag:s26], $0x2000  }
0x2f: {  	[sflag:s26] =	ssyncset.done $0x0  }
0x30: {  	[sflag:s26] =	ssyncadd.s32 $0xFFFFE000  }
0x31: {  	[spmem:s16] =	stream.linear.scatter [tilespmem:s25], [sflag:$0x3], $0x2000, $0x38;
	[tilespmem:$0x1E300] =	vst v63  }
0x32: {  	_ =	swait.ge [sflag:s26], $0x2000  }
0x33: {  	[sflag:s26] =	ssyncset.done $0x0  }
0x34: {  	s17 =	rddreg [dreg:$0x3];
	[sflag:s26] =	ssyncadd.s32 $0xFFFFE000  }
0x35: {  	[spmem:s17] =	stream.linear.scatter [tilespmem:s25], [sflag:$0x3], $0x2000, $0x38;
	[tilespmem:$0x1E300] =	vst v63  }
0x36: {  	_ =	swait.ge [sflag:s26], $0x2000  }
0x37: {  	[sflag:s26] =	ssyncset.done $0x0  }
0x38: {  	s18 =	rddreg [dreg:$0x4];
	[sflag:s26] =	ssyncadd.s32 $0xFFFFE000  }
0x39: {  	[spmem:s18] =	stream.linear.scatter [tilespmem:s25], [sflag:$0x3], $0x2000, $0x38;
	[tilespmem:$0x1E300] =	vst v63  }
0x3a: {  	_ =	swait.ge [sflag:s26], $0x2000  }
0x3b: {  	[sflag:s26] =	ssyncset.done $0x0  }
0x3c: {  	s10 =	rddreg [dreg:$0x5];
	[sflag:s26] =	ssyncadd.s32 $0xFFFFE000  }
0x3d: {  	[spmem:s10] =	stream.linear.scatter [tilespmem:s25], [sflag:$0x3], $0x2000, $0x38;
	[tilespmem:$0x1E300] =	vst v63  }
0x3e: {  	_ =	swait.ge [sflag:s26], $0x2000  }
0x3f: {  	[sflag:s26] =	ssyncset.done $0x0  }
0x40: {  	s11 =	rddreg [dreg:$0x6];
	[sflag:s26] =	ssyncadd.s32 $0xFFFFE000  }
0x41: {  	[spmem:s11] =	stream.linear.scatter [tilespmem:s25], [sflag:$0x3], $0x2000, $0x38;
	[tilespmem:$0x1E300] =	vst v63  }
0x42: {  	_ =	swait.ge [sflag:s26], $0x2000  }
0x43: {  	[sflag:s26] =	ssyncset.done $0x0  }
0x44: {  	s12 =	rddreg [dreg:$0x7];
	[sflag:s26] =	ssyncadd.s32 $0xFFFFE000  }
0x45: {  	[spmem:s12] =	stream.linear.scatter [tilespmem:s25], [sflag:$0x3], $0x2000, $0x38;
	[tilespmem:$0x1E300] =	vst v63  }
0x46: {  	_ =	swait.ge [sflag:s26], $0x2000  }
0x47: {  	[sflag:s26] =	ssyncset.done $0x0  }
0x48: {  	s13 =	rddreg [dreg:$0x8];
	[sflag:s26] =	ssyncadd.s32 $0xFFFFE000  }
0x49: {  	[spmem:s13] =	stream.linear.scatter [tilespmem:s25], [sflag:$0x3], $0x2000, $0x38;
	[tilespmem:$0x1E300] =	vst v63  }
0x4a: {  	_ =	swait.ge [sflag:s26], $0x2000  }
0x4b: {  	[sflag:s26] =	ssyncset.done $0x0  }
0x4c: {  	[sflag:s26] =	ssyncadd.s32 $0xFFFFE000  }
0x4d: {  	[spmem:s24] =	stream.linear.scatter [tilespmem:s25], [sflag:$0x3], $0x2000, $0x38;
	[tilespmem:$0x1E300] =	vst v63  }
0x4e: {  	_ =	swait.ge [sflag:s26], $0x2000  }
0x4f: {  	[sflag:s26] =	ssyncset.done $0x0  }
0x50: {  	[sflag:s26] =	ssyncadd.s32 $0xFFFFE000  }
0x51: {  	[bflag:$0x0] =	sbarrier.arrive $0xFFFF  }
0x52: {  	s9 =	simm.s32 $0x0;
	s10 =	rddreg [dreg:$0x9]  }
0x53: {  	[tilespmem:s9], [sflag:$0x3] =	stream.linear.gather [hbm4b:s10+s9], $0x40, $0x38;
	[tilespmem:$0x1E300] =	vst v63  }
0x54: {  	_ =	swait.ge [sflag:s26], $0x40  }
0x55: {  	[sflag:s26] =	ssyncset.done $0x0  }
0x56: {  	s14 =	rddreg [dreg:$0xa];
	[sflag:s26] =	ssyncadd.s32 $0xFFFFFFC0  }
0x57: {  	[tilespmem:s28], [sflag:$0x3] =	stream.linear.gather [hbm4b:s14+s9], $0x40, $0x38;
	[tilespmem:$0x1E300] =	vst v63  }
0x58: {  	_ =	swait.ge [sflag:s26], $0x40  }
0x59: {  	[sflag:s26] =	ssyncset.done $0x0  }
0x5a: {  	[sflag:s26] =	ssyncadd.s32 $0xFFFFFFC0  }
0x5b: {  	v3 =	vld [tilespmem:$0x0]  }
0x5c: {  	v4 =	vld [tilespmem:$0x200]  }
0x5d: {  	v5 =	vld [tilespmem:$0x10]  }
0x5e: {  	v6 =	vld [tilespmem:$0x210]  }
0x5f: {  	v7 =	vld [tilespmem:$0x20]  }
0x60: {  	v8 =	vld [tilespmem:$0x220];
	v3 =	vadd.s32 v0, v3  }
0x61: {  	v62 =	vld [tilespmem:$0x30];
	[tilespmem:$0x0] =	vst v3;
	v3 =	vadd.s32 v0, v4  }
0x62: {  	v63 =	vld [tilespmem:$0x230];
	[tilespmem:$0x100] =	vst v3;
	v3 =	vadd.s32 v0, v5  }
0x63: {  	[tilespmem:$0x10] =	vst v3;
	v3 =	vadd.s32 v0, v6  }
0x64: {  	[tilespmem:$0x110] =	vst v3;
	v3 =	vadd.s32 v0, v7  }
0x65: {  	[tilespmem:$0x20] =	vst v3;
	v3 =	vadd.s32 v0, v8  }
0x66: {  	[tilespmem:$0x120] =	vst v3;
	v3 =	vadd.s32 v0, v62  }
0x67: {  	[tilespmem:$0x30] =	vst v3;
	v3 =	vadd.s32 v0, v63  }
0x68: {  	s17 =	simm.s32 $0x300;
	[tilespmem:$0x130] =	vst v3  }
0x69: {  	[tilespmem:s17], [sflag:$0x1] =	stream.indirect.gather [hbm4b:s6+s29], $0x80, s9, s29, $0xb8;
	[tilespmem:$0x1E300] =	vst v63  }
0x6a: {  	s18 =	simm.s32 $0x100;
	s11 =	simm.s32 $0x4300;
	s10 =	simm.s32 $0x0  }
0x6b: {  	[tilespmem:s11], [sflag:$0x1] =	stream.indirect.gather [hbm4b:s7+s29], $0x80, s18, s29, $0xb8;
	[tilespmem:$0x1E300] =	vst v63  }
.LBB2_4:
0x6c: {  	s11 =	sshll.u32 s10, $0x7  }
0x6d: {  	s12 =	sadd.s32 s11, s21  }
0x6e: {  	s12 =	sshrl.u32 s12, $0x3  }
0x6f: {  	s13 =	sadd.s32 s4, s12  }
0x70: {  	[tilespmem:s2], [sflag:$0x3] =	stream.linear.gather [hbm4b:s13+s9], $0x40, $0x38;
	[tilespmem:$0x1E300] =	vst v63  }
0x71: {  	_ =	swait.ge [sflag:s26], $0x40  }
0x72: {  	[sflag:s26] =	ssyncset.done $0x0  }
0x73: {  	s12 =	sadd.s32 s5, s12;
	[sflag:s26] =	ssyncadd.s32 $0xFFFFFFC0  }
0x74: {  	[tilespmem:s30], [sflag:$0x3] =	stream.linear.gather [hbm4b:s12+s9], $0x40, $0x38;
	[tilespmem:$0x1E300] =	vst v63  }
0x75: {  	_ =	swait.ge [sflag:s26], $0x40  }
0x76: {  	[sflag:s26] =	ssyncset.done $0x0  }
0x77: {  	[sflag:s26] =	ssyncadd.s32 $0xFFFFFFC0  }
0x78: {  	v3 =	vld [tilespmem:$0x80]  }
0x79: {  	v4 =	vld [tilespmem:$0x280]  }
0x7a: {  	v5 =	vld [tilespmem:$0x90]  }
0x7b: {  	v6 =	vld [tilespmem:$0x290]  }
0x7c: {  	v7 =	vld [tilespmem:$0xA0]  }
0x7d: {  	v8 =	vld [tilespmem:$0x2A0];
	v3 =	vadd.s32 v0, v3  }
0x7e: {  	[tilespmem:$0x80] =	vst v3;
	v3 =	vadd.s32 v0, v4;
	v4 =	vld [tilespmem:$0xB0]  }
0x7f: {  	[tilespmem:$0x180] =	vst v3;
	v3 =	vadd.s32 v0, v5;
	v5 =	vld [tilespmem:$0x2B0]  }
0x80: {  	[tilespmem:$0x90] =	vst v3;
	v3 =	vadd.s32 v0, v6  }
0x81: {  	[tilespmem:$0x190] =	vst v3;
	v3 =	vadd.s32 v0, v7  }
0x82: {  	[tilespmem:$0xA0] =	vst v3;
	v3 =	vadd.s32 v0, v8  }
0x83: {  	[tilespmem:$0x1A0] =	vst v3;
	v3 =	vadd.s32 v0, v4  }
0x84: {  	[tilespmem:$0xB0] =	vst v3;
	v3 =	vadd.s32 v0, v5  }
0x85: {  	[tilespmem:$0x1B0] =	vst v3  }
0x86: {  	[tilespmem:s31], [sflag:$0x2] =	stream.indirect.gather [hbm4b:s6+s29], $0x80, s2, s29, $0xb8;
	[tilespmem:$0x1E300] =	vst v63  }
0x87: {  	_ = 	snop  }
0x88: {  	[tilespmem:s19], [sflag:$0x2] =	stream.indirect.gather [hbm4b:s7+s29], $0x80, s0, s29, $0xb8;
	[tilespmem:$0x1E300] =	vst v63  }
0x89: {  	_ =	swait.ge [sflag:s20], $0x2000  }
0x8a: {  	[sflag:s20] =	ssyncset.done $0x0  }
0x8b: {  	[sflag:s20] =	ssyncadd.s32 $0xFFFFE000  }
0x8c: {  	_ =	swait.ge [sflag:s20], $0x2000  }
0x8d: {  	[sflag:s20] =	ssyncset.done $0x0  }
0x8e: {  	s12 =	simm.s32 $0x0;
	[sflag:s20] =	ssyncadd.s32 $0xFFFFE000  }
0x8f: {  	v3 =	vld [tilespmem:s12+$0x330]  }
0x90: {  	v4 =	vld [tilespmem:s12+$0x4330]  }
0x91: {  	v5 =	vld [tilespmem:s12+$0x300]  }
0x92: {  	v6 =	vld [tilespmem:s12+$0x4300]  }
0x93: {  	v7 =	vld [tilespmem:s12+$0x310]  }
0x94: {  	v8 =	vld [tilespmem:s12+$0x4310]  }
0x95: {  	v9 =	vld [tilespmem:s12+$0x320];
	v3 =	vadd.f32 v4, v3  }
0x96: {  	v10 =	vld [tilespmem:s12+$0x4320]  }
0x97: {  	v11 =	vld [tilespmem:s12+$0x340];
	v4 =	vadd.f32 v6, v5;
	v3 =	vmul.f32 $1.442695020e+00, v3  }
0x98: {  	v12 =	vld [tilespmem:s12+$0x4340]  }
0x99: {  	v13 =	vld [tilespmem:s12+$0x4350];
	v6 =	vadd.f32 v8, v7;
	v4 =	vmul.f32 $1.442695020e+00, v4;
	(erf) = vpow2.f32 v3  }
0x9a: {  	v5 =	vld [tilespmem:s12+$0x350]  }
0x9b: {  	v7 =	vadd.f32 v10, v9;
	v8 =	vld [tilespmem:s12+$0x370];
	v6 =	vmul.f32 $1.442695020e+00, v6;
	(erf) = vpow2.f32 v4  }
0x9c: {  	v9 =	vld [tilespmem:s12+$0x4370]  }
0x9d: {  	v10 =	vmul.f32 $1.442695020e+00, v7;
	v3 =	vld [tilespmem:s12+$0x360];
	(erf) = vpow2.f32 v6  }
0x9e: {  	s13 =	simm.s32 $0x80;
	v4 =	vld [tilespmem:s12+$0x4360]  }
0x9f: {  	s14 =	simm.s32 $0x400;
	v7 =	vld [tilespmem:s13+$0x330];
	v5 =	vadd.f32 v13, v5;
	v6 =	vadd.f32 v12, v11;
	(erf) = vpow2.f32 v10  }
.LBB2_5:
0xa0: {  	p0 =	sne.s32 s14, $0x7E00;
	v10 =	vld [tilespmem:s13+$0x4330]  }
0xa1: {  	v11 =	vld [tilespmem:s13+$0x300];
	v8 =	vadd.f32 v9, v8  }
0xa2: {  	v9 =	vld [tilespmem:s13+$0x4300];
	v12 =	vpop (erf)  }
0xa3: {  	v13 =	vld [tilespmem:s13+$0x310];
	v3 =	vadd.f32 v4, v3;
	[tilespmem:s12+$0x8330] =	vst v12;
	v4 =	vmul.f32 v8, v12  }
0xa4: {  	v8 =	vld [tilespmem:s13+$0x4310];
	v12 =	vpop (erf)  }
0xa5: {  	v14 =	vld [tilespmem:s13+$0x320];
	v7 =	vadd.f32 v10, v7;
	v6 =	vmul.f32 v6, v12;
	[tilespmem:s12+$0x8370] =	vst v4  }
0xa6: {  	v4 =	vld [tilespmem:s13+$0x4320];
	[tilespmem:s12+$0x8300] =	vst v12;
	v10 =	vpop (erf)  }
0xa7: {  	v9 =	vadd.f32 v9, v11;
	v11 =	vld [tilespmem:s13+$0x340];
	v7 =	vmul.f32 $1.442695020e+00, v7;
	[tilespmem:s12+$0x8340] =	vst v6;
	v5 =	vmul.f32 v5, v10  }
0xa8: {  	v6 =	vld [tilespmem:s13+$0x4340];
	[tilespmem:s12+$0x8310] =	vst v10;
	v10 =	vpop (erf)  }
0xa9: {  	v9 =	vmul.f32 $1.442695020e+00, v9;
	v8 =	vadd.f32 v8, v13;
	v12 =	vld [tilespmem:s13+$0x350];
	(erf) = vpow2.f32 v7;
	[tilespmem:s12+$0x8350] =	vst v5  }
0xaa: {  	v3 =	vmul.f32 v3, v10;
	v5 =	vld [tilespmem:s13+$0x4350];
	[tilespmem:s12+$0x8320] =	vst v10  }
.Ltmp1:
0xab: {  	v7 =	vmul.f32 $1.442695020e+00, v8;
	v4 =	vadd.f32 v4, v14;
	v8 =	vld [tilespmem:s13+$0x370];
	(erf) = vpow2.f32 v9;
	(pc) =	sbr.rel @p0 .LBB2_5-.Ltmp1, $4  }
0xac: {  	v9 =	vld [tilespmem:s13+$0x4370];
	[tilespmem:s12+$0x8360] =	vst v3;
	s12 =	smov.u32 s13  }
0xad: {  	v6 =	vadd.f32 v6, v11;
	v10 =	vmul.f32 $1.442695020e+00, v4;
	v3 =	vld [tilespmem:s12+$0x360];
	(erf) = vpow2.f32 v7  }
0xae: {  	s13 =	sshra.s32 s14, $0x2;
	v4 =	vld [tilespmem:s12+$0x4360]  }
0xaf: {  	s14 =	sadd.s32 $0x200, s14;
	v7 =	vld [tilespmem:s13+$0x330];
	v5 =	vadd.f32 v5, v12;
	(erf) = vpow2.f32 v10  }
0xb0: {  	_ = 	snop  }
0xb1: {  	v8 =	vadd.f32 v9, v8  }
0xb2: {  	v10 =	vld [tilespmem:s13+$0x4330];
	v9 =	vpop (erf)  }
0xb3: {  	v11 =	vld [tilespmem:s13+$0x300];
	v8 =	vmul.f32 v8, v9  }
0xb4: {  	v12 =	vld [tilespmem:s13+$0x4300]  }
0xb5: {  	v13 =	vld [tilespmem:s13+$0x310];
	[tilespmem:s12+$0x8330] =	vst v9  }
0xb6: {  	v9 =	vld [tilespmem:s13+$0x4310]  }
0xb7: {  	v14 =	vld [tilespmem:s13+$0x320];
	[tilespmem:s12+$0x8370] =	vst v8;
	v8 =	vpop (erf)  }
0xb8: {  	v6 =	vmul.f32 v6, v8  }
0xb9: {  	v15 =	vld [tilespmem:s13+$0x4320];
	[tilespmem:s12+$0x8300] =	vst v8  }
0xba: {  	v8 =	vld [tilespmem:s13+$0x340];
	[tilespmem:s12+$0x8340] =	vst v6;
	v6 =	vadd.f32 v10, v7;
	v7 =	vpop (erf)  }
0xbb: {  	v5 =	vmul.f32 v5, v7;
	_ =	sdelay $0x1  }
0xbc: {  	v10 =	vld [tilespmem:s13+$0x4340];
	[tilespmem:s12+$0x8310] =	vst v7;
	v7 =	vadd.f32 v12, v11;
	v6 =	vmul.f32 $1.442695020e+00, v6;
	_ =	sdelay $0x1  }
0xbd: {  	v11 =	vld [tilespmem:s13+$0x350];
	[tilespmem:s12+$0x8350] =	vst v5;
	v7 =	vmul.f32 $1.442695020e+00, v7;
	v5 =	vpop (erf);
	(erf) = vpow2.f32 v6  }
0xbe: {  	v9 =	vadd.f32 v9, v13;
	v6 =	vld [tilespmem:s13+$0x4350];
	[tilespmem:s12+$0x8320] =	vst v5  }
0xbf: {  	v60 =	vadd.f32 v15, v14;
	(erf) = vpow2.f32 v7;
	v61 =	vld [tilespmem:s13+$0x370]  }
0xc0: {  	v3 =	vadd.f32 v4, v3;
	v9 =	vmul.f32 $1.442695020e+00, v9;
	v4 =	vld [tilespmem:s13+$0x4370]  }
0xc1: {  	v7 =	vmul.f32 $1.442695020e+00, v60  }
0xc2: {  	v3 =	vmul.f32 v3, v5;
	(erf) = vpow2.f32 v9  }
0xc3: {  	(erf) = vpow2.f32 v7  }
0xc4: {  	[tilespmem:s12+$0x8360] =	vst v3  }
0xc5: {  	v3 =	vld [tilespmem:s13+$0x360];
	v4 =	vadd.f32 v4, v61  }
0xc6: {  	v5 =	vld [tilespmem:s13+$0x4360];
	v7 =	vpop (erf)  }
0xc7: {  	v8 =	vadd.f32 v10, v8;
	v4 =	vmul.f32 v4, v7  }
0xc8: {  	[tilespmem:s13+$0x8330] =	vst v7;
	v7 =	vpop (erf)  }
0xc9: {  	v8 =	vmul.f32 v8, v7;
	[tilespmem:s13+$0x8300] =	vst v7  }
0xca: {  	v6 =	vadd.f32 v6, v11;
	[tilespmem:s13+$0x8370] =	vst v4  }
0xcb: {  	v3 =	vadd.f32 v5, v3;
	[tilespmem:s13+$0x8340] =	vst v8;
	v4 =	vpop (erf)  }
0xcc: {  	v5 =	vmul.f32 v6, v4;
	[tilespmem:s13+$0x8310] =	vst v4;
	v4 =	vpop (erf)  }
0xcd: {  	v3 =	vmul.f32 v3, v4;
	[tilespmem:s13+$0x8320] =	vst v4  }
0xce: {  	[tilespmem:s13+$0x8350] =	vst v5  }
0xcf: {  	p0 =	seq.s32 s10, $0x53;
	[tilespmem:s13+$0x8360] =	vst v3  }
0xd0: {  	[spmem:s1] =	stream.indirect.scatter.add.f32 [tilespmem:s25], [sflag:$0x3], $0x80, s28, s29, $0xb8;
	[tilespmem:$0x1E300] =	vst v63  }
0xd1: {  	s11 =	sadd.s32 @!p0 s11, s22;
	_ =	swait.ge [sflag:s26], $0x2000  }
0xd2: {  	s11 =	sshrl.u32 @!p0 s11, $0x3;
	[sflag:s26] =	ssyncset.done $0x0  }
0xd3: {  	s12 =	sadd.s32 @!p0 s4, s11;
	s13 =	simm.s32 @!p0 $0x0;
	[sflag:s26] =	ssyncadd.s32 $0xFFFFE000  }
0xd4: {  	[tilespmem:s13], [sflag:$0x3] =	stream.linear.gather @!p0 [hbm4b:s12+s13], $0x40, $0x38;
	[tilespmem:$0x1E300] =	vst v63  }
0xd5: {  	s12 =	simm.s32 @!p0 $0x3  }
0xd6: {  	_ =	swait.ge @!p0 [sflag:s12], $0x40  }
0xd7: {  	[sflag:s12] =	ssyncset.done @!p0 $0x0  }
0xd8: {  	s14 =	simm.s32 @!p0 $0x200;
	s11 =	sadd.s32 @!p0 s5, s11;
	[sflag:s12] =	ssyncadd.s32 @!p0 $0xFFFFFFC0  }
0xd9: {  	[tilespmem:s14], [sflag:$0x3] =	stream.linear.gather @!p0 [hbm4b:s11+s13], $0x40, $0x38;
	[tilespmem:$0x1E300] =	vst v63  }
0xda: {  	_ =	swait.ge @!p0 [sflag:s12], $0x40  }
0xdb: {  	[sflag:s12] =	ssyncset.done @!p0 $0x0  }
0xdc: {  	[sflag:s12] =	ssyncadd.s32 @!p0 $0xFFFFFFC0  }
0xdd: {  	v3 =	vld @!p0 [tilespmem:$0x0]  }
0xde: {  	v4 =	vld @!p0 [tilespmem:$0x200]  }
0xdf: {  	v5 =	vld @!p0 [tilespmem:$0x10]  }
0xe0: {  	v6 =	vld @!p0 [tilespmem:$0x210]  }
0xe1: {  	v7 =	vld @!p0 [tilespmem:$0x20]  }
0xe2: {  	v8 =	vld @!p0 [tilespmem:$0x220];
	v3 =	vadd.s32 @!p0 v0, v3  }
0xe3: {  	[tilespmem:$0x0] =	vst @!p0 v3;
	v3 =	vadd.s32 @!p0 v0, v4;
	v4 =	vld @!p0 [tilespmem:$0x30]  }
0xe4: {  	[tilespmem:$0x100] =	vst @!p0 v3;
	v3 =	vadd.s32 @!p0 v0, v5;
	v5 =	vld @!p0 [tilespmem:$0x230]  }
0xe5: {  	[tilespmem:$0x10] =	vst @!p0 v3;
	v3 =	vadd.s32 @!p0 v0, v6  }
0xe6: {  	[tilespmem:$0x110] =	vst @!p0 v3;
	v3 =	vadd.s32 @!p0 v0, v7  }
0xe7: {  	[tilespmem:$0x20] =	vst @!p0 v3;
	v3 =	vadd.s32 @!p0 v0, v8  }
0xe8: {  	[tilespmem:$0x120] =	vst @!p0 v3;
	v3 =	vadd.s32 @!p0 v0, v4  }
0xe9: {  	[tilespmem:$0x30] =	vst @!p0 v3;
	v3 =	vadd.s32 @!p0 v0, v5  }
0xea: {  	s11 =	simm.s32 @!p0 $0x40;
	s12 =	simm.s32 @!p0 $0x300;
	[tilespmem:$0x130] =	vst @!p0 v3  }
0xeb: {  	[tilespmem:s12], [sflag:$0x1] =	stream.indirect.gather @!p0 [hbm4b:s6+s11], $0x80, s13, s11, $0xb8;
	[tilespmem:$0x1E300] =	vst v63  }
0xec: {  	s12 =	simm.s32 @!p0 $0x100;
	s13 =	simm.s32 @!p0 $0x4300  }
0xed: {  	[tilespmem:s13], [sflag:$0x1] =	stream.indirect.gather @!p0 [hbm4b:s7+s11], $0x80, s12, s11, $0xb8;
	[tilespmem:$0x1E300] =	vst v63  }
0xee: {  	_ =	swait.ge [sflag:s23], $0x2000  }
0xef: {  	[sflag:s23] =	ssyncset.done $0x0  }
0xf0: {  	[sflag:s23] =	ssyncadd.s32 $0xFFFFE000  }
0xf1: {  	_ =	swait.ge [sflag:s23], $0x2000  }
0xf2: {  	[sflag:s23] =	ssyncset.done $0x0  }
0xf3: {  	s11 =	simm.s32 $0x0;
	[sflag:s23] =	ssyncadd.s32 $0xFFFFE000  }
0xf4: {  	v3 =	vld [tilespmem:s11+$0x2330]  }
0xf5: {  	v4 =	vld [tilespmem:s11+$0x6330]  }
0xf6: {  	v5 =	vld [tilespmem:s11+$0x2300]  }
0xf7: {  	v6 =	vld [tilespmem:s11+$0x6300]  }
0xf8: {  	v7 =	vld [tilespmem:s11+$0x2310]  }
0xf9: {  	v8 =	vld [tilespmem:s11+$0x6310]  }
0xfa: {  	v9 =	vld [tilespmem:s11+$0x2320];
	v3 =	vadd.f32 v4, v3  }
0xfb: {  	v10 =	vld [tilespmem:s11+$0x6320]  }
0xfc: {  	v11 =	vld [tilespmem:s11+$0x2340];
	v4 =	vadd.f32 v6, v5;
	v3 =	vmul.f32 $1.442695020e+00, v3  }
0xfd: {  	v62 =	vld [tilespmem:s11+$0x6340]  }
0xfe: {  	v63 =	vld [tilespmem:s11+$0x6350];
	v6 =	vadd.f32 v8, v7;
	v4 =	vmul.f32 $1.442695020e+00, v4;
	(erf) = vpow2.f32 v3  }
0xff: {  	v5 =	vld [tilespmem:s11+$0x2350]  }
0x100: {  	v7 =	vadd.f32 v10, v9;
	v8 =	vld [tilespmem:s11+$0x2370];
	v6 =	vmul.f32 $1.442695020e+00, v6;
	(erf) = vpow2.f32 v4  }
0x101: {  	v9 =	vld [tilespmem:s11+$0x6370]  }
0x102: {  	v10 =	vmul.f32 $1.442695020e+00, v7;
	v3 =	vld [tilespmem:s11+$0x2360];
	(erf) = vpow2.f32 v6  }
0x103: {  	s12 =	simm.s32 $0x80;
	v4 =	vld [tilespmem:s11+$0x6360]  }
0x104: {  	s13 =	simm.s32 $0x400;
	v7 =	vld [tilespmem:s12+$0x2330];
	v5 =	vadd.f32 v63, v5;
	v6 =	vadd.f32 v62, v11;
	(erf) = vpow2.f32 v10  }
.LBB2_7:
0x105: {  	p0 =	sne.s32 s13, $0x7E00;
	v10 =	vld [tilespmem:s12+$0x6330]  }
0x106: {  	v11 =	vld [tilespmem:s12+$0x2300];
	v8 =	vadd.f32 v9, v8  }
0x107: {  	v9 =	vld [tilespmem:s12+$0x6300];
	v12 =	vpop (erf)  }
0x108: {  	v13 =	vld [tilespmem:s12+$0x2310];
	v3 =	vadd.f32 v4, v3;
	[tilespmem:s11+$0x8330] =	vst v12;
	v4 =	vmul.f32 v8, v12  }
0x109: {  	v8 =	vld [tilespmem:s12+$0x6310];
	v12 =	vpop (erf)  }
0x10a: {  	v14 =	vld [tilespmem:s12+$0x2320];
	v7 =	vadd.f32 v10, v7;
	v6 =	vmul.f32 v6, v12;
	[tilespmem:s11+$0x8370] =	vst v4  }
0x10b: {  	v4 =	vld [tilespmem:s12+$0x6320];
	[tilespmem:s11+$0x8300] =	vst v12;
	v10 =	vpop (erf)  }
0x10c: {  	v9 =	vadd.f32 v9, v11;
	v11 =	vld [tilespmem:s12+$0x2340];
	v7 =	vmul.f32 $1.442695020e+00, v7;
	[tilespmem:s11+$0x8340] =	vst v6;
	v5 =	vmul.f32 v5, v10  }
0x10d: {  	v6 =	vld [tilespmem:s12+$0x6340];
	[tilespmem:s11+$0x8310] =	vst v10;
	v10 =	vpop (erf)  }
0x10e: {  	v9 =	vmul.f32 $1.442695020e+00, v9;
	v8 =	vadd.f32 v8, v13;
	v12 =	vld [tilespmem:s12+$0x2350];
	(erf) = vpow2.f32 v7;
	[tilespmem:s11+$0x8350] =	vst v5  }
0x10f: {  	v3 =	vmul.f32 v3, v10;
	v5 =	vld [tilespmem:s12+$0x6350];
	[tilespmem:s11+$0x8320] =	vst v10  }
.Ltmp2:
0x110: {  	v7 =	vmul.f32 $1.442695020e+00, v8;
	v4 =	vadd.f32 v4, v14;
	v8 =	vld [tilespmem:s12+$0x2370];
	(erf) = vpow2.f32 v9;
	(pc) =	sbr.rel @p0 .LBB2_7-.Ltmp2, $4  }
0x111: {  	v9 =	vld [tilespmem:s12+$0x6370];
	[tilespmem:s11+$0x8360] =	vst v3;
	s11 =	smov.u32 s12  }
0x112: {  	v6 =	vadd.f32 v6, v11;
	v10 =	vmul.f32 $1.442695020e+00, v4;
	v3 =	vld [tilespmem:s11+$0x2360];
	(erf) = vpow2.f32 v7  }
0x113: {  	s12 =	sshra.s32 s13, $0x2;
	v4 =	vld [tilespmem:s11+$0x6360]  }
0x114: {  	s13 =	sadd.s32 $0x200, s13;
	v7 =	vld [tilespmem:s12+$0x2330];
	v5 =	vadd.f32 v5, v12;
	(erf) = vpow2.f32 v10  }
0x115: {  	v10 =	vld [tilespmem:s12+$0x6330]  }
0x116: {  	v11 =	vld [tilespmem:s12+$0x2300];
	v8 =	vadd.f32 v9, v8  }
0x117: {  	v12 =	vld [tilespmem:s12+$0x6300];
	v44 =	vpop (erf)  }
0x118: {  	v13 =	vld [tilespmem:s12+$0x2310];
	[tilespmem:s11+$0x8330] =	vst v44;
	v8 =	vmul.f32 v8, v44  }
0x119: {  	v45 =	vld [tilespmem:s12+$0x6310]  }
0x11a: {  	v14 =	vld [tilespmem:s12+$0x2320];
	v46 =	vpop (erf);
	[tilespmem:s11+$0x8370] =	vst v8  }
0x11b: {  	v6 =	vmul.f32 v6, v46;
	v47 =	vadd.f32 v10, v7;
	v15 =	vld [tilespmem:s12+$0x6320]  }
0x11c: {  	v50 =	vadd.f32 v12, v11;
	[tilespmem:s11+$0x8300] =	vst v46;
	v48 =	vpop (erf)  }
0x11d: {  	v8 =	vld [tilespmem:s12+$0x2340];
	[tilespmem:s11+$0x8340] =	vst v6;
	v5 =	vmul.f32 v5, v48;
	v6 =	vmul.f32 $1.442695020e+00, v47  }
0x11e: {  	v7 =	vmul.f32 $1.442695020e+00, v50;
	v49 =	vld [tilespmem:s12+$0x6340];
	[tilespmem:s11+$0x8310] =	vst v48;
	v9 =	vadd.f32 v45, v13  }
0x11f: {  	v52 =	vpop (erf);
	v51 =	vld [tilespmem:s12+$0x2350];
	[tilespmem:s11+$0x8350] =	vst v5;
	(erf) = vpow2.f32 v6  }
0x120: {  	v53 =	vld [tilespmem:s12+$0x6350];
	[tilespmem:s11+$0x8320] =	vst v52;
	(erf) = vpow2.f32 v7;
	v9 =	vmul.f32 $1.442695020e+00, v9;
	v54 =	vadd.f32 v15, v14  }
0x121: {  	v3 =	vadd.f32 v4, v3;
	v55 =	vld [tilespmem:s12+$0x2370]  }
0x122: {  	v56 =	vld [tilespmem:s12+$0x6370];
	v57 =	vmul.f32 $1.442695020e+00, v54;
	(erf) = vpow2.f32 v9  }
0x123: {  	v3 =	vmul.f32 v3, v52  }
0x124: {  	(erf) = vpow2.f32 v57  }
0x125: {  	[tilespmem:s11+$0x8360] =	vst v3  }
0x126: {  	v3 =	vld [tilespmem:s12+$0x2360]  }
0x127: {  	v58 =	vld [tilespmem:s12+$0x6360];
	v4 =	vadd.f32 v56, v55  }
0x128: {  	v8 =	vadd.f32 v49, v8;
	v59 =	vpop (erf)  }
0x129: {  	v4 =	vmul.f32 v4, v59;
	[tilespmem:s12+$0x8330] =	vst v59;
	v60 =	vpop (erf)  }
0x12a: {  	v6 =	vadd.f32 v53, v51;
	v8 =	vmul.f32 v8, v60;
	[tilespmem:s12+$0x8300] =	vst v60  }
0x12b: {  	[tilespmem:s12+$0x8370] =	vst v4;
	v61 =	vpop (erf)  }
0x12c: {  	v3 =	vadd.f32 v58, v3;
	[tilespmem:s12+$0x8340] =	vst v8;
	v62 =	vmul.f32 v6, v61  }
0x12d: {  	[tilespmem:s12+$0x8310] =	vst v61;
	v63 =	vpop (erf)  }
0x12e: {  	s10 =	sadd.s32 $0x1, s10;
	[tilespmem:s12+$0x8350] =	vst v62;
	v3 =	vmul.f32 v3, v63  }
0x12f: {  	p0 =	sne.s32 s10, $0x54;
	[tilespmem:s12+$0x8320] =	vst v63  }
.Ltmp3:
0x130: {  	[tilespmem:s12+$0x8360] =	vst v3;
	(pc) =	sbr.rel @p0 .LBB2_4-.Ltmp3, $4  }
0x131: {  	[spmem:s1] =	stream.indirect.scatter.add.f32 [tilespmem:s25], [sflag:$0x3], $0x80, s30, s29, $0xb8;
	[tilespmem:$0x1E300] =	vst v63  }
0x132: {  	_ =	swait.ge [sflag:s26], $0x2000  }
0x133: {  	[sflag:s26] =	ssyncset.done $0x0  }
0x134: {  	[sflag:s26] =	ssyncadd.s32 $0xFFFFE000  }
0x135: {  	s9 =	stileid.u32  }
0x136: {  	[bflag:$0x0] =	sbarrier.arrive $0xFFFF;
	s9 =	sshll.u32 s9, $0x6  }
0x137: {  	s10 =	sshrl.u32 s8, $0x3;
	s11 =	rddreg [dreg:$0xb];
	s9 =	sor.u32 $0x1C03, s9  }
0x138: {  	[hbm:s11], [sflag:s9] =	dma.local [spmem:s10], $0x2800  }
0x139: {  	_ =	swait.ge [sflag:s26], $0x2800  }
0x13a: {  	[sflag:s26] =	ssyncset.done $0x0  }
0x13b: {  	s12 =	simm.s32 $0x200;
	s11 =	simm.s32 $0x0;
	[sflag:s26] =	ssyncadd.s32 $0xFFFFD800  }
.LBB2_10:
0x13c: {  	p0 =	sne.s32 s12, $0x7E00;
	[tilespmem:s11+$0x8370] =	vst v2  }
0x13d: {  	[tilespmem:s11+$0x8300] =	vst v2  }
0x13e: {  	[tilespmem:s11+$0x8310] =	vst v2  }
.Ltmp4:
0x13f: {  	[tilespmem:s11+$0x8320] =	vst v2;
	(pc) =	sbr.rel @p0 .LBB2_10-.Ltmp4, $4  }
0x140: {  	[tilespmem:s11+$0x8330] =	vst v2  }
0x141: {  	[tilespmem:s11+$0x8340] =	vst v2  }
0x142: {  	[tilespmem:s11+$0x8350] =	vst v2  }
0x143: {  	[tilespmem:s11+$0x8360] =	vst v2;
	s11 =	sshra.s32 s12, $0x2;
	s12 =	sadd.s32 $0x200, s12  }
0x144: {  	[tilespmem:s11+$0x8370] =	vst v2  }
0x145: {  	[tilespmem:s11+$0x8300] =	vst v2  }
0x146: {  	[tilespmem:s11+$0x8310] =	vst v2  }
0x147: {  	[tilespmem:s11+$0x8320] =	vst v2  }
0x148: {  	[tilespmem:s11+$0x8330] =	vst v2  }
0x149: {  	[tilespmem:s11+$0x8340] =	vst v2  }
0x14a: {  	[tilespmem:s11+$0x8350] =	vst v2  }
0x14b: {  	[tilespmem:s11+$0x8360] =	vst v2  }
0x14c: {  	[spmem:s8] =	stream.linear.scatter [tilespmem:s25], [sflag:$0x3], $0x2000, $0x38;
	[tilespmem:$0x1E300] =	vst v63  }
0x14d: {  	_ =	swait.ge [sflag:s26], $0x2000  }
0x14e: {  	[sflag:s26] =	ssyncset.done $0x0  }
0x14f: {  	[sflag:s26] =	ssyncadd.s32 $0xFFFFE000  }
0x150: {  	[spmem:s15] =	stream.linear.scatter [tilespmem:s25], [sflag:$0x3], $0x2000, $0x38;
	[tilespmem:$0x1E300] =	vst v63  }
0x151: {  	_ =	swait.ge [sflag:s26], $0x2000  }
0x152: {  	[sflag:s26] =	ssyncset.done $0x0  }
0x153: {  	[sflag:s26] =	ssyncadd.s32 $0xFFFFE000  }
0x154: {  	[spmem:s16] =	stream.linear.scatter [tilespmem:s25], [sflag:$0x3], $0x2000, $0x38;
	[tilespmem:$0x1E300] =	vst v63  }
0x155: {  	_ =	swait.ge [sflag:s26], $0x2000  }
0x156: {  	[sflag:s26] =	ssyncset.done $0x0  }
0x157: {  	s13 =	rddreg [dreg:$0x3];
	[sflag:s26] =	ssyncadd.s32 $0xFFFFE000  }
0x158: {  	[spmem:s13] =	stream.linear.scatter [tilespmem:s25], [sflag:$0x3], $0x2000, $0x38;
	[tilespmem:$0x1E300] =	vst v63  }
0x159: {  	_ =	swait.ge [sflag:s26], $0x2000  }
0x15a: {  	[sflag:s26] =	ssyncset.done $0x0  }
0x15b: {  	s14 =	rddreg [dreg:$0x4];
	[sflag:s26] =	ssyncadd.s32 $0xFFFFE000  }
0x15c: {  	[spmem:s14] =	stream.linear.scatter [tilespmem:s25], [sflag:$0x3], $0x2000, $0x38;
	[tilespmem:$0x1E300] =	vst v63  }
0x15d: {  	_ =	swait.ge [sflag:s26], $0x2000  }
0x15e: {  	[sflag:s26] =	ssyncset.done $0x0  }
0x15f: {  	s17 =	smov.u32 s15;
	s15 =	rddreg [dreg:$0x5];
	[sflag:s26] =	ssyncadd.s32 $0xFFFFE000  }
0x160: {  	[spmem:s15] =	stream.linear.scatter [tilespmem:s25], [sflag:$0x3], $0x2000, $0x38;
	[tilespmem:$0x1E300] =	vst v63  }
0x161: {  	_ =	swait.ge [sflag:s26], $0x2000  }
0x162: {  	[sflag:s26] =	ssyncset.done $0x0  }
0x163: {  	s18 =	smov.u32 s16;
	s16 =	rddreg [dreg:$0x6];
	[sflag:s26] =	ssyncadd.s32 $0xFFFFE000  }
0x164: {  	[spmem:s16] =	stream.linear.scatter [tilespmem:s25], [sflag:$0x3], $0x2000, $0x38;
	[tilespmem:$0x1E300] =	vst v63  }
0x165: {  	_ =	swait.ge [sflag:s26], $0x2000  }
0x166: {  	[sflag:s26] =	ssyncset.done $0x0  }
0x167: {  	s12 =	rddreg [dreg:$0x7];
	[sflag:s26] =	ssyncadd.s32 $0xFFFFE000  }
0x168: {  	[spmem:s12] =	stream.linear.scatter [tilespmem:s25], [sflag:$0x3], $0x2000, $0x38;
	[tilespmem:$0x1E300] =	vst v63  }
0x169: {  	_ =	swait.ge [sflag:s26], $0x2000  }
0x16a: {  	[sflag:s26] =	ssyncset.done $0x0  }
0x16b: {  	s13 =	rddreg [dreg:$0x8];
	[sflag:s26] =	ssyncadd.s32 $0xFFFFE000  }
0x16c: {  	[spmem:s13] =	stream.linear.scatter [tilespmem:s25], [sflag:$0x3], $0x2000, $0x38;
	[tilespmem:$0x1E300] =	vst v63  }
0x16d: {  	_ =	swait.ge [sflag:s26], $0x2000  }
0x16e: {  	[sflag:s26] =	ssyncset.done $0x0  }
0x16f: {  	[sflag:s26] =	ssyncadd.s32 $0xFFFFE000  }
0x170: {  	[spmem:s24] =	stream.linear.scatter [tilespmem:s25], [sflag:$0x3], $0x2000, $0x38;
	[tilespmem:$0x1E300] =	vst v63  }
0x171: {  	_ =	swait.ge [sflag:s26], $0x2000  }
0x172: {  	[sflag:s26] =	ssyncset.done $0x0  }
0x173: {  	[sflag:s26] =	ssyncadd.s32 $0xFFFFE000  }
0x174: {  	[bflag:$0x0] =	sbarrier.arrive $0xFFFF  }
0x175: {  	s11 =	simm.s32 $0x0;
	s12 =	rddreg [dreg:$0x9]  }
0x176: {  	[tilespmem:s11], [sflag:$0x3] =	stream.linear.gather [hbm4b:s12+s11], $0x40, $0x38;
	[tilespmem:$0x1E300] =	vst v63  }
0x177: {  	_ =	swait.ge [sflag:s26], $0x40  }
0x178: {  	[sflag:s26] =	ssyncset.done $0x0  }
0x179: {  	s14 =	rddreg [dreg:$0xa];
	[sflag:s26] =	ssyncadd.s32 $0xFFFFFFC0  }
0x17a: {  	[tilespmem:s28], [sflag:$0x3] =	stream.linear.gather [hbm4b:s14+s11], $0x40, $0x38;
	[tilespmem:$0x1E300] =	vst v63  }
0x17b: {  	_ =	swait.ge [sflag:s26], $0x40  }
0x17c: {  	[sflag:s26] =	ssyncset.done $0x0  }
0x17d: {  	[sflag:s26] =	ssyncadd.s32 $0xFFFFFFC0  }
0x17e: {  	v3 =	vld [tilespmem:$0x0]  }
0x17f: {  	v4 =	vld [tilespmem:$0x200]  }
0x180: {  	v5 =	vld [tilespmem:$0x10]  }
0x181: {  	v6 =	vld [tilespmem:$0x210]  }
0x182: {  	v7 =	vld [tilespmem:$0x20]  }
0x183: {  	v8 =	vld [tilespmem:$0x220];
	v3 =	vadd.s32 v1, v3  }
0x184: {  	v62 =	vld [tilespmem:$0x30];
	[tilespmem:$0x0] =	vst v3;
	v3 =	vadd.s32 v1, v4  }
0x185: {  	v63 =	vld [tilespmem:$0x230];
	[tilespmem:$0x100] =	vst v3;
	v3 =	vadd.s32 v1, v5  }
0x186: {  	[tilespmem:$0x10] =	vst v3;
	v3 =	vadd.s32 v1, v6  }
0x187: {  	[tilespmem:$0x110] =	vst v3;
	v3 =	vadd.s32 v1, v7  }
0x188: {  	[tilespmem:$0x20] =	vst v3;
	v3 =	vadd.s32 v1, v8  }
0x189: {  	[tilespmem:$0x120] =	vst v3;
	v3 =	vadd.s32 v1, v62  }
0x18a: {  	[tilespmem:$0x30] =	vst v3;
	v3 =	vadd.s32 v1, v63  }
0x18b: {  	s15 =	simm.s32 $0x300;
	[tilespmem:$0x130] =	vst v3  }
0x18c: {  	[tilespmem:s15], [sflag:$0x1] =	stream.indirect.gather [hbm4b:s6+s29], $0x80, s11, s29, $0xb8;
	[tilespmem:$0x1E300] =	vst v63  }
0x18d: {  	s16 =	simm.s32 $0x100;
	s13 =	simm.s32 $0x4300;
	s12 =	simm.s32 $0x0  }
0x18e: {  	[tilespmem:s13], [sflag:$0x1] =	stream.indirect.gather [hbm4b:s7+s29], $0x80, s16, s29, $0xb8;
	[tilespmem:$0x1E300] =	vst v63  }
.LBB2_12:
0x18f: {  	s13 =	sshll.u32 s12, $0x7  }
0x190: {  	s14 =	sadd.s32 s13, s21  }
0x191: {  	s14 =	sshrl.u32 s14, $0x3  }
0x192: {  	s15 =	sadd.s32 s4, s14  }
0x193: {  	[tilespmem:s2], [sflag:$0x3] =	stream.linear.gather [hbm4b:s15+s11], $0x40, $0x38;
	[tilespmem:$0x1E300] =	vst v63  }
0x194: {  	_ =	swait.ge [sflag:s26], $0x40  }
0x195: {  	[sflag:s26] =	ssyncset.done $0x0  }
0x196: {  	s14 =	sadd.s32 s5, s14;
	[sflag:s26] =	ssyncadd.s32 $0xFFFFFFC0  }
0x197: {  	[tilespmem:s30], [sflag:$0x3] =	stream.linear.gather [hbm4b:s14+s11], $0x40, $0x38;
	[tilespmem:$0x1E300] =	vst v63  }
0x198: {  	_ =	swait.ge [sflag:s26], $0x40  }
0x199: {  	[sflag:s26] =	ssyncset.done $0x0  }
0x19a: {  	[sflag:s26] =	ssyncadd.s32 $0xFFFFFFC0  }
0x19b: {  	v3 =	vld [tilespmem:$0x80]  }
0x19c: {  	v4 =	vld [tilespmem:$0x280]  }
0x19d: {  	v5 =	vld [tilespmem:$0x90]  }
0x19e: {  	v6 =	vld [tilespmem:$0x290]  }
0x19f: {  	v7 =	vld [tilespmem:$0xA0]  }
0x1a0: {  	v8 =	vld [tilespmem:$0x2A0];
	v3 =	vadd.s32 v1, v3  }
0x1a1: {  	[tilespmem:$0x80] =	vst v3;
	v3 =	vadd.s32 v1, v4;
	v4 =	vld [tilespmem:$0xB0]  }
0x1a2: {  	[tilespmem:$0x180] =	vst v3;
	v3 =	vadd.s32 v1, v5;
	v5 =	vld [tilespmem:$0x2B0]  }
0x1a3: {  	[tilespmem:$0x90] =	vst v3;
	v3 =	vadd.s32 v1, v6  }
0x1a4: {  	[tilespmem:$0x190] =	vst v3;
	v3 =	vadd.s32 v1, v7  }
0x1a5: {  	[tilespmem:$0xA0] =	vst v3;
	v3 =	vadd.s32 v1, v8  }
0x1a6: {  	[tilespmem:$0x1A0] =	vst v3;
	v3 =	vadd.s32 v1, v4  }
0x1a7: {  	[tilespmem:$0xB0] =	vst v3;
	v3 =	vadd.s32 v1, v5  }
0x1a8: {  	[tilespmem:$0x1B0] =	vst v3  }
0x1a9: {  	[tilespmem:s31], [sflag:$0x2] =	stream.indirect.gather [hbm4b:s6+s29], $0x80, s2, s29, $0xb8;
	[tilespmem:$0x1E300] =	vst v63  }
0x1aa: {  	_ = 	snop  }
0x1ab: {  	[tilespmem:s19], [sflag:$0x2] =	stream.indirect.gather [hbm4b:s7+s29], $0x80, s0, s29, $0xb8;
	[tilespmem:$0x1E300] =	vst v63  }
0x1ac: {  	_ =	swait.ge [sflag:s20], $0x2000  }
0x1ad: {  	[sflag:s20] =	ssyncset.done $0x0  }
0x1ae: {  	[sflag:s20] =	ssyncadd.s32 $0xFFFFE000  }
0x1af: {  	_ =	swait.ge [sflag:s20], $0x2000  }
0x1b0: {  	[sflag:s20] =	ssyncset.done $0x0  }
0x1b1: {  	s14 =	simm.s32 $0x0;
	[sflag:s20] =	ssyncadd.s32 $0xFFFFE000  }
0x1b2: {  	v3 =	vld [tilespmem:s14+$0x330]  }
0x1b3: {  	v4 =	vld [tilespmem:s14+$0x4330]  }
0x1b4: {  	v5 =	vld [tilespmem:s14+$0x300]  }
0x1b5: {  	v6 =	vld [tilespmem:s14+$0x4300]  }
0x1b6: {  	v7 =	vld [tilespmem:s14+$0x310]  }
0x1b7: {  	v8 =	vld [tilespmem:s14+$0x4310]  }
0x1b8: {  	v9 =	vld [tilespmem:s14+$0x320];
	v3 =	vadd.f32 v4, v3  }
0x1b9: {  	v10 =	vld [tilespmem:s14+$0x4320]  }
0x1ba: {  	v11 =	vld [tilespmem:s14+$0x340];
	v4 =	vadd.f32 v6, v5;
	v3 =	vmul.f32 $1.442695020e+00, v3  }
0x1bb: {  	v12 =	vld [tilespmem:s14+$0x4340]  }
0x1bc: {  	v13 =	vld [tilespmem:s14+$0x4350];
	v6 =	vadd.f32 v8, v7;
	v4 =	vmul.f32 $1.442695020e+00, v4;
	(erf) = vpow2.f32 v3  }
0x1bd: {  	v5 =	vld [tilespmem:s14+$0x350]  }
0x1be: {  	v7 =	vadd.f32 v10, v9;
	v8 =	vld [tilespmem:s14+$0x370];
	v6 =	vmul.f32 $1.442695020e+00, v6;
	(erf) = vpow2.f32 v4  }
0x1bf: {  	v9 =	vld [tilespmem:s14+$0x4370]  }
0x1c0: {  	v10 =	vmul.f32 $1.442695020e+00, v7;
	v3 =	vld [tilespmem:s14+$0x360];
	(erf) = vpow2.f32 v6  }
0x1c1: {  	s15 =	simm.s32 $0x80;
	v4 =	vld [tilespmem:s14+$0x4360]  }
0x1c2: {  	s16 =	simm.s32 $0x400;
	v7 =	vld [tilespmem:s15+$0x330];
	v5 =	vadd.f32 v13, v5;
	v6 =	vadd.f32 v12, v11;
	(erf) = vpow2.f32 v10  }
.LBB2_13:
0x1c3: {  	p0 =	sne.s32 s16, $0x7E00;
	v10 =	vld [tilespmem:s15+$0x4330]  }
0x1c4: {  	v11 =	vld [tilespmem:s15+$0x300];
	v8 =	vadd.f32 v9, v8  }
0x1c5: {  	v9 =	vld [tilespmem:s15+$0x4300];
	v12 =	vpop (erf)  }
0x1c6: {  	v13 =	vld [tilespmem:s15+$0x310];
	v3 =	vadd.f32 v4, v3;
	[tilespmem:s14+$0x8330] =	vst v12;
	v4 =	vmul.f32 v8, v12  }
0x1c7: {  	v8 =	vld [tilespmem:s15+$0x4310];
	v12 =	vpop (erf)  }
0x1c8: {  	v14 =	vld [tilespmem:s15+$0x320];
	v7 =	vadd.f32 v10, v7;
	v6 =	vmul.f32 v6, v12;
	[tilespmem:s14+$0x8370] =	vst v4  }
0x1c9: {  	v4 =	vld [tilespmem:s15+$0x4320];
	[tilespmem:s14+$0x8300] =	vst v12;
	v10 =	vpop (erf)  }
0x1ca: {  	v9 =	vadd.f32 v9, v11;
	v11 =	vld [tilespmem:s15+$0x340];
	v7 =	vmul.f32 $1.442695020e+00, v7;
	[tilespmem:s14+$0x8340] =	vst v6;
	v5 =	vmul.f32 v5, v10  }
0x1cb: {  	v6 =	vld [tilespmem:s15+$0x4340];
	[tilespmem:s14+$0x8310] =	vst v10;
	v10 =	vpop (erf)  }
0x1cc: {  	v9 =	vmul.f32 $1.442695020e+00, v9;
	v8 =	vadd.f32 v8, v13;
	v12 =	vld [tilespmem:s15+$0x350];
	(erf) = vpow2.f32 v7;
	[tilespmem:s14+$0x8350] =	vst v5  }
0x1cd: {  	v3 =	vmul.f32 v3, v10;
	v5 =	vld [tilespmem:s15+$0x4350];
	[tilespmem:s14+$0x8320] =	vst v10  }
.Ltmp5:
0x1ce: {  	v7 =	vmul.f32 $1.442695020e+00, v8;
	v4 =	vadd.f32 v4, v14;
	v8 =	vld [tilespmem:s15+$0x370];
	(erf) = vpow2.f32 v9;
	(pc) =	sbr.rel @p0 .LBB2_13-.Ltmp5, $4  }
0x1cf: {  	v9 =	vld [tilespmem:s15+$0x4370];
	[tilespmem:s14+$0x8360] =	vst v3;
	s14 =	smov.u32 s15  }
0x1d0: {  	v6 =	vadd.f32 v6, v11;
	v10 =	vmul.f32 $1.442695020e+00, v4;
	v3 =	vld [tilespmem:s14+$0x360];
	(erf) = vpow2.f32 v7  }
0x1d1: {  	s15 =	sshra.s32 s16, $0x2;
	v4 =	vld [tilespmem:s14+$0x4360]  }
0x1d2: {  	s16 =	sadd.s32 $0x200, s16;
	v7 =	vld [tilespmem:s15+$0x330];
	v5 =	vadd.f32 v5, v12;
	(erf) = vpow2.f32 v10  }
0x1d3: {  	_ = 	snop  }
0x1d4: {  	v8 =	vadd.f32 v9, v8  }
0x1d5: {  	v10 =	vld [tilespmem:s15+$0x4330];
	v9 =	vpop (erf)  }
0x1d6: {  	v11 =	vld [tilespmem:s15+$0x300];
	v8 =	vmul.f32 v8, v9  }
0x1d7: {  	v12 =	vld [tilespmem:s15+$0x4300]  }
0x1d8: {  	v13 =	vld [tilespmem:s15+$0x310];
	[tilespmem:s14+$0x8330] =	vst v9  }
0x1d9: {  	v9 =	vld [tilespmem:s15+$0x4310]  }
0x1da: {  	v14 =	vld [tilespmem:s15+$0x320];
	[tilespmem:s14+$0x8370] =	vst v8;
	v8 =	vpop (erf)  }
0x1db: {  	v6 =	vmul.f32 v6, v8  }
0x1dc: {  	v15 =	vld [tilespmem:s15+$0x4320];
	[tilespmem:s14+$0x8300] =	vst v8  }
0x1dd: {  	v8 =	vld [tilespmem:s15+$0x340];
	[tilespmem:s14+$0x8340] =	vst v6;
	v6 =	vadd.f32 v10, v7;
	v7 =	vpop (erf)  }
0x1de: {  	v5 =	vmul.f32 v5, v7;
	_ =	sdelay $0x1  }
0x1df: {  	v10 =	vld [tilespmem:s15+$0x4340];
	[tilespmem:s14+$0x8310] =	vst v7;
	v7 =	vadd.f32 v12, v11;
	v6 =	vmul.f32 $1.442695020e+00, v6;
	_ =	sdelay $0x1  }
0x1e0: {  	v11 =	vld [tilespmem:s15+$0x350];
	[tilespmem:s14+$0x8350] =	vst v5;
	v7 =	vmul.f32 $1.442695020e+00, v7;
	v5 =	vpop (erf);
	(erf) = vpow2.f32 v6  }
0x1e1: {  	v9 =	vadd.f32 v9, v13;
	v6 =	vld [tilespmem:s15+$0x4350];
	[tilespmem:s14+$0x8320] =	vst v5  }
0x1e2: {  	v60 =	vadd.f32 v15, v14;
	(erf) = vpow2.f32 v7;
	v61 =	vld [tilespmem:s15+$0x370]  }
0x1e3: {  	v3 =	vadd.f32 v4, v3;
	v9 =	vmul.f32 $1.442695020e+00, v9;
	v4 =	vld [tilespmem:s15+$0x4370]  }
0x1e4: {  	v7 =	vmul.f32 $1.442695020e+00, v60  }
0x1e5: {  	v3 =	vmul.f32 v3, v5;
	(erf) = vpow2.f32 v9  }
0x1e6: {  	(erf) = vpow2.f32 v7  }
0x1e7: {  	[tilespmem:s14+$0x8360] =	vst v3  }
0x1e8: {  	v3 =	vld [tilespmem:s15+$0x360];
	v4 =	vadd.f32 v4, v61  }
0x1e9: {  	v5 =	vld [tilespmem:s15+$0x4360];
	v7 =	vpop (erf)  }
0x1ea: {  	v8 =	vadd.f32 v10, v8;
	v4 =	vmul.f32 v4, v7  }
0x1eb: {  	[tilespmem:s15+$0x8330] =	vst v7;
	v7 =	vpop (erf)  }
0x1ec: {  	v8 =	vmul.f32 v8, v7;
	[tilespmem:s15+$0x8300] =	vst v7  }
0x1ed: {  	v6 =	vadd.f32 v6, v11;
	[tilespmem:s15+$0x8370] =	vst v4  }
0x1ee: {  	v3 =	vadd.f32 v5, v3;
	[tilespmem:s15+$0x8340] =	vst v8;
	v4 =	vpop (erf)  }
0x1ef: {  	v5 =	vmul.f32 v6, v4;
	[tilespmem:s15+$0x8310] =	vst v4;
	v4 =	vpop (erf)  }
0x1f0: {  	v3 =	vmul.f32 v3, v4;
	[tilespmem:s15+$0x8320] =	vst v4  }
0x1f1: {  	[tilespmem:s15+$0x8350] =	vst v5  }
0x1f2: {  	p0 =	seq.s32 s12, $0x53;
	[tilespmem:s15+$0x8360] =	vst v3  }
0x1f3: {  	[spmem:s1] =	stream.indirect.scatter.add.f32 [tilespmem:s25], [sflag:$0x3], $0x80, s28, s29, $0xb8;
	[tilespmem:$0x1E300] =	vst v63  }
0x1f4: {  	s13 =	sadd.s32 @!p0 s13, s22;
	_ =	swait.ge [sflag:s26], $0x2000  }
0x1f5: {  	s13 =	sshrl.u32 @!p0 s13, $0x3;
	[sflag:s26] =	ssyncset.done $0x0  }
0x1f6: {  	s14 =	sadd.s32 @!p0 s4, s13;
	s15 =	simm.s32 @!p0 $0x0;
	[sflag:s26] =	ssyncadd.s32 $0xFFFFE000  }
0x1f7: {  	[tilespmem:s15], [sflag:$0x3] =	stream.linear.gather @!p0 [hbm4b:s14+s15], $0x40, $0x38;
	[tilespmem:$0x1E300] =	vst v63  }
0x1f8: {  	s14 =	simm.s32 @!p0 $0x3  }
0x1f9: {  	_ =	swait.ge @!p0 [sflag:s14], $0x40  }
0x1fa: {  	[sflag:s14] =	ssyncset.done @!p0 $0x0  }
0x1fb: {  	s16 =	simm.s32 @!p0 $0x200;
	s13 =	sadd.s32 @!p0 s5, s13;
	[sflag:s14] =	ssyncadd.s32 @!p0 $0xFFFFFFC0  }
0x1fc: {  	[tilespmem:s16], [sflag:$0x3] =	stream.linear.gather @!p0 [hbm4b:s13+s15], $0x40, $0x38;
	[tilespmem:$0x1E300] =	vst v63  }
0x1fd: {  	_ =	swait.ge @!p0 [sflag:s14], $0x40  }
0x1fe: {  	[sflag:s14] =	ssyncset.done @!p0 $0x0  }
0x1ff: {  	[sflag:s14] =	ssyncadd.s32 @!p0 $0xFFFFFFC0  }
0x200: {  	v3 =	vld @!p0 [tilespmem:$0x0]  }
0x201: {  	v4 =	vld @!p0 [tilespmem:$0x200]  }
0x202: {  	v5 =	vld @!p0 [tilespmem:$0x10]  }
0x203: {  	v6 =	vld @!p0 [tilespmem:$0x210]  }
0x204: {  	v7 =	vld @!p0 [tilespmem:$0x20]  }
0x205: {  	v8 =	vld @!p0 [tilespmem:$0x220];
	v3 =	vadd.s32 @!p0 v1, v3  }
0x206: {  	[tilespmem:$0x0] =	vst @!p0 v3;
	v3 =	vadd.s32 @!p0 v1, v4;
	v4 =	vld @!p0 [tilespmem:$0x30]  }
0x207: {  	[tilespmem:$0x100] =	vst @!p0 v3;
	v3 =	vadd.s32 @!p0 v1, v5;
	v5 =	vld @!p0 [tilespmem:$0x230]  }
0x208: {  	[tilespmem:$0x10] =	vst @!p0 v3;
	v3 =	vadd.s32 @!p0 v1, v6  }
0x209: {  	[tilespmem:$0x110] =	vst @!p0 v3;
	v3 =	vadd.s32 @!p0 v1, v7  }
0x20a: {  	[tilespmem:$0x20] =	vst @!p0 v3;
	v3 =	vadd.s32 @!p0 v1, v8  }
0x20b: {  	[tilespmem:$0x120] =	vst @!p0 v3;
	v3 =	vadd.s32 @!p0 v1, v4  }
0x20c: {  	[tilespmem:$0x30] =	vst @!p0 v3;
	v3 =	vadd.s32 @!p0 v1, v5  }
0x20d: {  	s13 =	simm.s32 @!p0 $0x40;
	s14 =	simm.s32 @!p0 $0x300;
	[tilespmem:$0x130] =	vst @!p0 v3  }
0x20e: {  	[tilespmem:s14], [sflag:$0x1] =	stream.indirect.gather @!p0 [hbm4b:s6+s13], $0x80, s15, s13, $0xb8;
	[tilespmem:$0x1E300] =	vst v63  }
0x20f: {  	s14 =	simm.s32 @!p0 $0x100;
	s15 =	simm.s32 @!p0 $0x4300  }
0x210: {  	[tilespmem:s15], [sflag:$0x1] =	stream.indirect.gather @!p0 [hbm4b:s7+s13], $0x80, s14, s13, $0xb8;
	[tilespmem:$0x1E300] =	vst v63  }
0x211: {  	_ =	swait.ge [sflag:s23], $0x2000  }
0x212: {  	[sflag:s23] =	ssyncset.done $0x0  }
0x213: {  	[sflag:s23] =	ssyncadd.s32 $0xFFFFE000  }
0x214: {  	_ =	swait.ge [sflag:s23], $0x2000  }
0x215: {  	[sflag:s23] =	ssyncset.done $0x0  }
0x216: {  	s13 =	simm.s32 $0x0;
	[sflag:s23] =	ssyncadd.s32 $0xFFFFE000  }
0x217: {  	v3 =	vld [tilespmem:s13+$0x2330]  }
0x218: {  	v4 =	vld [tilespmem:s13+$0x6330]  }
0x219: {  	v5 =	vld [tilespmem:s13+$0x2300]  }
0x21a: {  	v6 =	vld [tilespmem:s13+$0x6300]  }
0x21b: {  	v7 =	vld [tilespmem:s13+$0x2310]  }
0x21c: {  	v8 =	vld [tilespmem:s13+$0x6310]  }
0x21d: {  	v9 =	vld [tilespmem:s13+$0x2320];
	v3 =	vadd.f32 v4, v3  }
0x21e: {  	v10 =	vld [tilespmem:s13+$0x6320]  }
0x21f: {  	v11 =	vld [tilespmem:s13+$0x2340];
	v4 =	vadd.f32 v6, v5;
	v3 =	vmul.f32 $1.442695020e+00, v3  }
0x220: {  	v62 =	vld [tilespmem:s13+$0x6340]  }
0x221: {  	v63 =	vld [tilespmem:s13+$0x6350];
	v6 =	vadd.f32 v8, v7;
	v4 =	vmul.f32 $1.442695020e+00, v4;
	(erf) = vpow2.f32 v3  }
0x222: {  	v5 =	vld [tilespmem:s13+$0x2350]  }
0x223: {  	v7 =	vadd.f32 v10, v9;
	v8 =	vld [tilespmem:s13+$0x2370];
	v6 =	vmul.f32 $1.442695020e+00, v6;
	(erf) = vpow2.f32 v4  }
0x224: {  	v9 =	vld [tilespmem:s13+$0x6370]  }
0x225: {  	v10 =	vmul.f32 $1.442695020e+00, v7;
	v3 =	vld [tilespmem:s13+$0x2360];
	(erf) = vpow2.f32 v6  }
0x226: {  	s14 =	simm.s32 $0x80;
	v4 =	vld [tilespmem:s13+$0x6360]  }
0x227: {  	s15 =	simm.s32 $0x400;
	v7 =	vld [tilespmem:s14+$0x2330];
	v5 =	vadd.f32 v63, v5;
	v6 =	vadd.f32 v62, v11;
	(erf) = vpow2.f32 v10  }
.LBB2_15:
0x228: {  	p0 =	sne.s32 s15, $0x7E00;
	v10 =	vld [tilespmem:s14+$0x6330]  }
0x229: {  	v11 =	vld [tilespmem:s14+$0x2300];
	v8 =	vadd.f32 v9, v8  }
0x22a: {  	v9 =	vld [tilespmem:s14+$0x6300];
	v12 =	vpop (erf)  }
0x22b: {  	v13 =	vld [tilespmem:s14+$0x2310];
	v3 =	vadd.f32 v4, v3;
	[tilespmem:s13+$0x8330] =	vst v12;
	v4 =	vmul.f32 v8, v12  }
0x22c: {  	v8 =	vld [tilespmem:s14+$0x6310];
	v12 =	vpop (erf)  }
0x22d: {  	v14 =	vld [tilespmem:s14+$0x2320];
	v7 =	vadd.f32 v10, v7;
	v6 =	vmul.f32 v6, v12;
	[tilespmem:s13+$0x8370] =	vst v4  }
0x22e: {  	v4 =	vld [tilespmem:s14+$0x6320];
	[tilespmem:s13+$0x8300] =	vst v12;
	v10 =	vpop (erf)  }
0x22f: {  	v9 =	vadd.f32 v9, v11;
	v11 =	vld [tilespmem:s14+$0x2340];
	v7 =	vmul.f32 $1.442695020e+00, v7;
	[tilespmem:s13+$0x8340] =	vst v6;
	v5 =	vmul.f32 v5, v10  }
0x230: {  	v6 =	vld [tilespmem:s14+$0x6340];
	[tilespmem:s13+$0x8310] =	vst v10;
	v10 =	vpop (erf)  }
0x231: {  	v9 =	vmul.f32 $1.442695020e+00, v9;
	v8 =	vadd.f32 v8, v13;
	v12 =	vld [tilespmem:s14+$0x2350];
	(erf) = vpow2.f32 v7;
	[tilespmem:s13+$0x8350] =	vst v5  }
0x232: {  	v3 =	vmul.f32 v3, v10;
	v5 =	vld [tilespmem:s14+$0x6350];
	[tilespmem:s13+$0x8320] =	vst v10  }
.Ltmp6:
0x233: {  	v7 =	vmul.f32 $1.442695020e+00, v8;
	v4 =	vadd.f32 v4, v14;
	v8 =	vld [tilespmem:s14+$0x2370];
	(erf) = vpow2.f32 v9;
	(pc) =	sbr.rel @p0 .LBB2_15-.Ltmp6, $4  }
0x234: {  	v9 =	vld [tilespmem:s14+$0x6370];
	[tilespmem:s13+$0x8360] =	vst v3;
	s13 =	smov.u32 s14  }
0x235: {  	v6 =	vadd.f32 v6, v11;
	v10 =	vmul.f32 $1.442695020e+00, v4;
	v3 =	vld [tilespmem:s13+$0x2360];
	(erf) = vpow2.f32 v7  }
0x236: {  	s14 =	sshra.s32 s15, $0x2;
	v4 =	vld [tilespmem:s13+$0x6360]  }
0x237: {  	s15 =	sadd.s32 $0x200, s15;
	v7 =	vld [tilespmem:s14+$0x2330];
	v5 =	vadd.f32 v5, v12;
	(erf) = vpow2.f32 v10  }
0x238: {  	v10 =	vld [tilespmem:s14+$0x6330]  }
0x239: {  	v11 =	vld [tilespmem:s14+$0x2300];
	v8 =	vadd.f32 v9, v8  }
0x23a: {  	v12 =	vld [tilespmem:s14+$0x6300];
	v44 =	vpop (erf)  }
0x23b: {  	v13 =	vld [tilespmem:s14+$0x2310];
	[tilespmem:s13+$0x8330] =	vst v44;
	v8 =	vmul.f32 v8, v44  }
0x23c: {  	v45 =	vld [tilespmem:s14+$0x6310]  }
0x23d: {  	v14 =	vld [tilespmem:s14+$0x2320];
	v46 =	vpop (erf);
	[tilespmem:s13+$0x8370] =	vst v8  }
0x23e: {  	v6 =	vmul.f32 v6, v46;
	v47 =	vadd.f32 v10, v7;
	v15 =	vld [tilespmem:s14+$0x6320]  }
0x23f: {  	v50 =	vadd.f32 v12, v11;
	[tilespmem:s13+$0x8300] =	vst v46;
	v48 =	vpop (erf)  }
0x240: {  	v8 =	vld [tilespmem:s14+$0x2340];
	[tilespmem:s13+$0x8340] =	vst v6;
	v5 =	vmul.f32 v5, v48;
	v6 =	vmul.f32 $1.442695020e+00, v47  }
0x241: {  	v7 =	vmul.f32 $1.442695020e+00, v50;
	v49 =	vld [tilespmem:s14+$0x6340];
	[tilespmem:s13+$0x8310] =	vst v48;
	v9 =	vadd.f32 v45, v13  }
0x242: {  	v52 =	vpop (erf);
	v51 =	vld [tilespmem:s14+$0x2350];
	[tilespmem:s13+$0x8350] =	vst v5;
	(erf) = vpow2.f32 v6  }
0x243: {  	v53 =	vld [tilespmem:s14+$0x6350];
	[tilespmem:s13+$0x8320] =	vst v52;
	(erf) = vpow2.f32 v7;
	v9 =	vmul.f32 $1.442695020e+00, v9;
	v54 =	vadd.f32 v15, v14  }
0x244: {  	v3 =	vadd.f32 v4, v3;
	v55 =	vld [tilespmem:s14+$0x2370]  }
0x245: {  	v56 =	vld [tilespmem:s14+$0x6370];
	v57 =	vmul.f32 $1.442695020e+00, v54;
	(erf) = vpow2.f32 v9  }
0x246: {  	v3 =	vmul.f32 v3, v52  }
0x247: {  	(erf) = vpow2.f32 v57  }
0x248: {  	[tilespmem:s13+$0x8360] =	vst v3  }
0x249: {  	v3 =	vld [tilespmem:s14+$0x2360]  }
0x24a: {  	v58 =	vld [tilespmem:s14+$0x6360];
	v4 =	vadd.f32 v56, v55  }
0x24b: {  	v8 =	vadd.f32 v49, v8;
	v59 =	vpop (erf)  }
0x24c: {  	v4 =	vmul.f32 v4, v59;
	[tilespmem:s14+$0x8330] =	vst v59;
	v60 =	vpop (erf)  }
0x24d: {  	v6 =	vadd.f32 v53, v51;
	v8 =	vmul.f32 v8, v60;
	[tilespmem:s14+$0x8300] =	vst v60  }
0x24e: {  	[tilespmem:s14+$0x8370] =	vst v4;
	v61 =	vpop (erf)  }
0x24f: {  	v3 =	vadd.f32 v58, v3;
	[tilespmem:s14+$0x8340] =	vst v8;
	v62 =	vmul.f32 v6, v61  }
0x250: {  	[tilespmem:s14+$0x8310] =	vst v61;
	v63 =	vpop (erf)  }
0x251: {  	s12 =	sadd.s32 $0x1, s12;
	[tilespmem:s14+$0x8350] =	vst v62;
	v3 =	vmul.f32 v3, v63  }
0x252: {  	p0 =	sne.s32 s12, $0x54;
	[tilespmem:s14+$0x8320] =	vst v63  }
.Ltmp7:
0x253: {  	[tilespmem:s14+$0x8360] =	vst v3;
	(pc) =	sbr.rel @p0 .LBB2_12-.Ltmp7, $4  }
0x254: {  	[spmem:s1] =	stream.indirect.scatter.add.f32 [tilespmem:s25], [sflag:$0x3], $0x80, s30, s29, $0xb8;
	[tilespmem:$0x1E300] =	vst v63  }
0x255: {  	_ =	swait.ge [sflag:s26], $0x2000  }
0x256: {  	[sflag:s26] =	ssyncset.done $0x0  }
0x257: {  	[sflag:s26] =	ssyncadd.s32 $0xFFFFE000  }
0x258: {  	[bflag:$0x0] =	sbarrier.arrive $0xFFFF  }
0x259: {  	s11 =	rddreg [dreg:$0xc]  }
0x25a: {  	[hbm:s11], [sflag:s9] =	dma.local [spmem:s10], $0x2800  }
0x25b: {  	_ =	swait.ge [sflag:s26], $0x2800  }
0x25c: {  	s3 =	sadd.s32 $0x1, s3;
	s16 =	rddreg [dreg:$0xd]  }
0x25d: {  	p0 =	sne.s32 s3, s16  }
.Ltmp8:
0x25e: {  	_ = 	snop;
	(pc) =	sbr.rel @p0 .LBB2_1-.Ltmp8, $3  }
0x25f: {  	_ =	sdelay $0x1  }
0x260: {  	[sflag:s26] =	ssyncset.done $0x0  }
0x261: {  	s15 =	smov.u32 s17;
	[sflag:s26] =	ssyncadd.s32 $0xFFFFD800;
	s16 =	smov.u32 s18  }
0x262: {  	_ =	sfence.sel $0x180000  }
0x263: {  	[bflag:$0x0] =	sbarrier.arrive $0xFFFF  }
0x264: {  	_ =	strace $0x9000004A  }
0x265: {  	s0 =	stileid.u32;
	[bflag:$0x2] =	sbarrier.arrive $0xFFFF  }
0x266: {  	p0 =	sne.s32 s0, $0x0;
	s0 =	rddreg [dreg:$0x2]  }
0x267: {  	s0 =	sadd.s32 @!p0 $0x100000, s0  }
0x268: {  	[sflag:s0] =	ssyncadd.tile.s32 @!p0 $0x1;
	_ =	shalt  }
.Lfunc_end2:
_tile_overlayer_lowered:
.L_overlay_start_2:
0x269: {  	(tag) =	ssettag $0x2  }
0x26a: {  	s0 =	rddreg [dreg:$0x0];
	s2 =	stileid.u32  }
0x26b: {  	s1 =	rddreg [dreg:$0x1];
	p0 =	sne.s32 s2, $0x0  }
0x26c: {  	s3 =	rddreg [dreg:$0x2];
	[bflag:$0x3] =	sbarrier.arrive $0xFFFF;
	s2 =	simm.s32 @!p0 $0x1C03  }
0x26d: {  	[timem:s3], [sflag:s2] =	dma.local @!p0 [hbm:s0], s1  }
0x26e: {  	s0 =	simm.s32 @!p0 $0x3  }
0x26f: {  	_ =	swait.ge @!p0 [sflag:s0], s1  }
0x270: {  	s1 =	ssub.s32 @!p0 $0x0, s1;
	[sflag:s0] =	ssyncset.done @!p0 $0x0  }
0x271: {  	[sflag:s0] =	ssyncadd.s32 @!p0 s1  }
0x272: {  	[bflag:$0x3] =	sbarrier.arrive $0xFFFF  }
0x273: {  	_ =	shalt  }

</sc_bundles>
